<compile_context>
chip_gen: v7x
topology: tpu7x:2x2x1
jax: 0.10.2.dev20260603
libtpu: 0.0.44.dev20260713+nightly
codegen_flags: <defaults>
</compile_context>

<pallas_src>
import functools

import jax
import jax.numpy as jnp
from jax import lax
from jax.experimental import pallas as pl
from jax.experimental.pallas import tpu as pltpu
from jax.experimental.pallas import tpu_sc as plsc

N = 10000
E = 320000
D = 128
G = 128
EPS = 1e-15
BN_EPS = 1e-5

NC, NS = 2, 16
NW = NC * NS
CHUNK = 128
CPT = 157
EPT = CPT * CHUNK
E_SC = NS * EPT
ZPT = 632
ACC_ROWS = NS * ZPT
OPT = 624

NPAD = 10240
RPT = NPAD // NW
PCH = 80
ACC_G = 144

BR = 1000



def _seg_body(ep, h2, zrows, out, epv, rows_a, rows_b,
              gs_a, gs_b, ss_a, ss_b, acc):
  c = lax.axis_index("c")
  s = lax.axis_index("s")
  wid = c * NS + s
  pltpu.sync_copy(zrows.at[pl.ds(0, ZPT)], acc.at[pl.ds(s * ZPT, ZPT)])
  plsc.subcore_barrier()

  def pair(p, carry):
    @pl.when(p > 0)
    def _():
      pltpu.make_async_copy(rows_a, acc.at[epv.at[2 * p, 1]], ss_a).wait()
    pltpu.async_copy(h2.at[epv.at[2 * p, 0]], rows_a, gs_a)

    @pl.when(p > 0)
    def _():
      pltpu.make_async_copy(rows_b, acc.at[epv.at[2 * p, 1]], ss_b).wait()
    pltpu.async_copy(h2.at[epv.at[2 * p + 1, 0]], rows_b, gs_b)
    pltpu.make_async_copy(h2.at[epv.at[2 * p, 0]], rows_a, gs_a).wait()
    pltpu.async_copy(rows_a, acc.at[epv.at[2 * p, 1]], ss_a, add=True)
    pltpu.make_async_copy(h2.at[epv.at[2 * p + 1, 0]], rows_b, gs_b).wait()
    pltpu.async_copy(rows_b, acc.at[epv.at[2 * p + 1, 1]], ss_b, add=True)
    return carry

  def drain():
    pltpu.make_async_copy(rows_a, acc.at[epv.at[0, 1]], ss_a).wait()
    pltpu.make_async_copy(rows_b, acc.at[epv.at[0, 1]], ss_b).wait()

  def body(j, carry):
    pltpu.sync_copy(h2.at[epv.at[j, 0]], rows_a)
    pltpu.sync_copy(rows_a, acc.at[epv.at[j, 1]], add=True)
    return carry

  pltpu.sync_copy(ep.at[pl.ds(wid * CPT, 64)], epv)
  lax.fori_loop(0, 32, pair, 0)
  drain()
  pltpu.sync_copy(ep.at[pl.ds(wid * CPT + 64, 64)], epv)
  lax.fori_loop(0, 32, pair, 0)
  drain()
  pltpu.sync_copy(ep.at[pl.ds(wid * CPT + 128, CPT - 128)],
                  epv.at[pl.ds(0, CPT - 128)])
  lax.fori_loop(0, 14, pair, 0)
  drain()
  lax.fori_loop(28, CPT - 128, body, 0)
  plsc.subcore_barrier()
  pltpu.sync_copy(acc.at[pl.ds(s * OPT, OPT)],
                  out.at[pl.ds(c * N + s * OPT, OPT)])

  @pl.when(s == NS - 1)
  def _():
    pltpu.sync_copy(acc.at[pl.ds(NS * OPT, N - NS * OPT)],
                    out.at[pl.ds(c * N + NS * OPT, N - NS * OPT)])


@functools.cache
def _get_seg_call():
  return pl.kernel(
      _seg_body,
      out_type=jax.ShapeDtypeStruct((2 * N, D), jnp.float32),
      mesh=plsc.VectorSubcoreMesh(core_axis_name="c", subcore_axis_name="s"),
      scratch_types=[
          pltpu.VMEM((64, 2, CHUNK), jnp.int32),
          pltpu.VMEM((CHUNK, D), jnp.float32),
          pltpu.VMEM((CHUNK, D), jnp.float32),
          pltpu.SemaphoreType.DMA,
          pltpu.SemaphoreType.DMA,
          pltpu.SemaphoreType.DMA,
          pltpu.SemaphoreType.DMA,
          pltpu.VMEM_SHARED((ACC_ROWS, D), jnp.float32),
      ],
  )


def _pool_body(totp, batchp, ones_hbm, zrows, out_s, out_c,
               idxb, rows, ones_v, acc_s, acc_c):
  c = lax.axis_index("c")
  s = lax.axis_index("s")
  pltpu.sync_copy(ones_hbm, ones_v)

  @pl.when(s < ACC_G // 16)
  def _():
    pltpu.sync_copy(zrows.at[pl.ds(0, 16)], acc_s.at[pl.ds(s * 16, 16)])
    pltpu.sync_copy(zrows.at[pl.ds(0, 16)], acc_c.at[pl.ds(s * 16, 16)])
  plsc.subcore_barrier()
  wid = c * NS + s

  def body(j, carry):
    base = (wid * 4 + j) * PCH
    pltpu.sync_copy(batchp.at[pl.ds(base, PCH)], idxb.at[0])
    pltpu.sync_copy(totp.at[pl.ds(base, PCH)], rows)
    pltpu.sync_copy(rows, acc_s.at[idxb.at[0]], add=True)
    pltpu.sync_copy(ones_v, acc_c.at[idxb.at[0]], add=True)
    return carry

  lax.fori_loop(0, 4, body, 0)
  plsc.subcore_barrier()

  @pl.when(s == 0)
  def _():
    pltpu.sync_copy(acc_s, out_s.at[c])
    pltpu.sync_copy(acc_c, out_c.at[c])


@functools.cache
def _get_pool_call():
  return pl.kernel(
      _pool_body,
      out_type=(jax.ShapeDtypeStruct((NC, ACC_G, D), jnp.float32),
                jax.ShapeDtypeStruct((NC, ACC_G, D), jnp.float32)),
      mesh=plsc.VectorSubcoreMesh(core_axis_name="c", subcore_axis_name="s"),
      scratch_types=[
          pltpu.VMEM((1, PCH), jnp.int32),
          pltpu.VMEM((PCH, D), jnp.float32),
          pltpu.VMEM((PCH, D), jnp.float32),
          pltpu.VMEM_SHARED((ACC_G, D), jnp.float32),
          pltpu.VMEM_SHARED((ACC_G, D), jnp.float32),
      ],
  )



def _layer0_body(h_ref, agg_ref, wr_ref, wroot_ref, p3_ref, out_ref):
  pre = (jnp.dot(agg_ref[...], wr_ref[...], preferred_element_type=jnp.float32)
         + jnp.dot(h_ref[...], wroot_ref[...],
                   preferred_element_type=jnp.float32)
         + p3_ref[0:1, :])
  out_ref[...] = jnp.maximum(pre * p3_ref[1:2, :] + p3_ref[2:3, :], 0.0)


def _layer_body(h_ref, agg_ref, wr_ref, wroot_ref, p3_ref, tin_ref,
                hout_ref, tout_ref):
  pre = (jnp.dot(agg_ref[...], wr_ref[...], preferred_element_type=jnp.float32)
         + jnp.dot(h_ref[...], wroot_ref[...],
                   preferred_element_type=jnp.float32)
         + p3_ref[0:1, :])
  h = jnp.maximum(pre * p3_ref[1:2, :] + p3_ref[2:3, :], 0.0)
  hout_ref[...] = h
  tout_ref[...] = tin_ref[...] + h


_row_spec = pl.BlockSpec((BR, D), lambda i: (i, 0))
_full_spec = pl.BlockSpec((D, D), lambda i: (0, 0))
_p3_spec = pl.BlockSpec((8, D), lambda i: (0, 0))

_layer0_call = pl.pallas_call(
    _layer0_body,
    grid=(2 * N // BR,),
    in_specs=[_row_spec, _row_spec, _full_spec, _full_spec, _p3_spec],
    out_specs=_row_spec,
    out_shape=jax.ShapeDtypeStruct((2 * N, D), jnp.float32),
)

_layer_call = pl.pallas_call(
    _layer_body,
    grid=(2 * N // BR,),
    in_specs=[_row_spec, _row_spec, _full_spec, _full_spec, _p3_spec,
              _row_spec],
    out_specs=[_row_spec, _row_spec],
    out_shape=[jax.ShapeDtypeStruct((2 * N, D), jnp.float32),
               jax.ShapeDtypeStruct((2 * N, D), jnp.float32)],
)


def _ws_body(ps_ref, pc_ref, ow_ref, p3_ref, dw_ref, ge_ref, ws_ref):
  sums = ps_ref[0, :G, :] + ps_ref[1, :G, :]
  cnt = pc_ref[0, :G, 0:1] + pc_ref[1, :G, 0:1]
  summary = sums / jnp.maximum(cnt, 1.0)
  pre = (jnp.dot(summary, ow_ref[...], preferred_element_type=jnp.float32)
         + p3_ref[0:1, :])
  ge_ref[...] = jnp.maximum(pre * p3_ref[1:2, :] + p3_ref[2:3, :], 0.0)
  ws_ref[...] = jnp.dot(dw_ref[...], summary,
                        preferred_element_type=jnp.float32)


_ws_call = pl.pallas_call(
    _ws_body,
    in_specs=[pl.BlockSpec((NC, ACC_G, D), lambda: (0, 0, 0)),
              pl.BlockSpec((NC, ACC_G, D), lambda: (0, 0, 0)),
              pl.BlockSpec((D, D), lambda: (0, 0)),
              pl.BlockSpec((8, D), lambda: (0, 0)),
              pl.BlockSpec((D, D), lambda: (0, 0))],
    out_specs=[pl.BlockSpec((G, D), lambda: (0, 0)),
               pl.BlockSpec((D, D), lambda: (0, 0))],
    out_shape=[jax.ShapeDtypeStruct((G, D), jnp.float32),
               jax.ShapeDtypeStruct((D, D), jnp.float32)],
)


def _loss_body(tot_ref, ws_ref, out_ref, accp, accn):
  i = pl.program_id(0)

  @pl.when(i == 0)
  def _():
    accp[0] = 0.0
    accn[0] = 0.0

  v = jnp.dot(tot_ref[...], ws_ref[...], preferred_element_type=jnp.float32)
  sig = 1.0 / (1.0 + jnp.exp(-v))
  is_pos = i < (N // BR)
  term = jnp.where(is_pos, jnp.log(sig + EPS), jnp.log(1.0 - sig + EPS))
  ssum = jnp.sum(term)
  accp[0] += jnp.where(is_pos, ssum, 0.0)
  accn[0] += jnp.where(is_pos, 0.0, ssum)

  @pl.when(i == 2 * N // BR - 1)
  def _():
    scale = 1.0 / (N * D)
    out_ref[...] = jnp.full((1, 1), -(accp[0] * scale) - (accn[0] * scale),
                            jnp.float32)


_loss_call = pl.pallas_call(
    _loss_body,
    grid=(2 * N // BR,),
    in_specs=[_row_spec, pl.BlockSpec((D, D), lambda i: (0, 0))],
    out_specs=pl.BlockSpec((1, 1), lambda i: (0, 0)),
    out_shape=jax.ShapeDtypeStruct((1, 1), jnp.float32),
    scratch_shapes=[pltpu.SMEM((1,), jnp.float32),
                    pltpu.SMEM((1,), jnp.float32)],
)



def _pack_edges(src, dst):
  pad = E_SC - E
  srcp = jnp.concatenate([src, jnp.zeros((pad,), jnp.int32)])
  dstp = jnp.concatenate([dst, jnp.full((pad,), N, jnp.int32)])
  s0 = srcp.reshape(NS * CPT, CHUNK)
  d0 = dstp.reshape(NS * CPT, CHUNK)
  return jnp.concatenate([
      jnp.stack([s0, d0], axis=1),
      jnp.stack([s0 + N, d0], axis=1),
  ], axis=0)


def _p3(b, g, beta):
  gs = g * (1.0 / jnp.sqrt(1.0 + BN_EPS))
  return jnp.concatenate([
      jnp.stack([b, gs, beta]),
      jnp.zeros((5, D), jnp.float32),
  ], axis=0)


def kernel(x, edge_index, batch, neg_x, params):
  p = params
  src = edge_index[0].astype(jnp.int32)
  dst = edge_index[1].astype(jnp.int32)
  ep = _pack_edges(src, dst)
  z_acc = jnp.zeros((ZPT, D), jnp.float32)
  z_pool = jnp.zeros((16, D), jnp.float32)
  ones_p = jnp.ones((PCH, D), jnp.float32)

  seg = _get_seg_call()
  h = jnp.concatenate([x, neg_x], axis=0)
  agg = seg(ep, h, z_acc)
  h = _layer0_call(h, agg, p['ingc_Wr'], p['ingc_Wroot'],
                   _p3(p['ingc_b'], p['inbn_g'], p['inbn_b']))
  tot = h
  for l in range(2):
    agg = seg(ep, h, z_acc)
    h, tot = _layer_call(h, agg, p[f'mid{l}_Wr'], p[f'mid{l}_Wroot'],
                         _p3(p[f'mid{l}_b'], p[f'bn{l}_g'], p[f'bn{l}_b']),
                         tot)

  totp = jnp.concatenate([tot[:N], jnp.zeros((NPAD - N, D), jnp.float32)],
                         axis=0)
  batchp = jnp.concatenate([batch.astype(jnp.int32),
                            jnp.full((NPAD - N,), G, jnp.int32)])
  pool_s, pool_c = _get_pool_call()(totp, batchp, ones_p, z_pool)
  graph_emb, ws = _ws_call(pool_s, pool_c, p['out_W'],
                           _p3(p['out_b'], p['dbn_g'], p['dbn_b']),
                           p['disc_W'])
  loss = _loss_call(tot, ws)[0, 0]
  return graph_emb, loss

# --- scband reference (transcript-rebuilt; emitter-appended) ---
"""Pipeline reference for scband-gcn-19963007992112 (READ-ONLY COPY).

The authoritative reference and input builder live on the scoring server;
editing this copy changes nothing except your own understanding.
"""

import jax, jax.numpy as jnp
import numpy as np

N = 10000
E = 320000
D = 128
G = 128  # num graphs == embedding_dim so that torch.matmul(W, summary) is shape-valid
NUM_LAYERS = 2
EPS = 1e-15
BN_EPS = 1e-5


def setup_inputs(seed: int = 0) -> dict:
    key = jax.random.key(seed)
    ks = jax.random.split(key, 32)
    x = jax.random.normal(ks[0], (N, D), dtype=jnp.float32)
    neg_x = jax.random.normal(ks[1], (N, D), dtype=jnp.float32)
    edge_index = jax.random.randint(ks[2], (2, E), 0, N)
    batch = jnp.sort(jax.random.randint(ks[3], (N,), 0, G))
    params = {}
    i = 4
    def w(shape):
        nonlocal i
        arr = jax.random.normal(ks[i], shape, dtype=jnp.float32) * (1.0 / np.sqrt(shape[0]))
        i += 1
        return arr
    # input GraphConv (PyG GraphConv: out = lin_rel(sum_j x_j) + lin_root(x))
    params['ingc_Wr'] = w((D, D)); params['ingc_Wroot'] = w((D, D)); params['ingc_b'] = jnp.zeros((D,), jnp.float32)
    params['inbn_g'] = jnp.ones((D,), jnp.float32); params['inbn_b'] = jnp.zeros((D,), jnp.float32)
    for l in range(NUM_LAYERS):
        params[f'mid{l}_Wr'] = w((D, D)); params[f'mid{l}_Wroot'] = w((D, D)); params[f'mid{l}_b'] = jnp.zeros((D,), jnp.float32)
        params[f'bn{l}_g'] = jnp.ones((D,), jnp.float32); params[f'bn{l}_b'] = jnp.zeros((D,), jnp.float32)
    # Dense outgc (with its internal BatchNorm1d)
    params['out_W'] = w((D, D)); params['out_b'] = jnp.zeros((D,), jnp.float32)
    params['dbn_g'] = jnp.ones((D,), jnp.float32); params['dbn_b'] = jnp.zeros((D,), jnp.float32)
    # DGI discriminator weight
    params['disc_W'] = w((D, D))
    return {'x': x, 'edge_index': edge_index, 'batch': batch, 'neg_x': neg_x, 'params': params}


def _bn_eval(h, g, b):
    # BatchNorm1d in eval mode with running_mean=0, running_var=1
    return h / jnp.sqrt(1.0 + BN_EPS) * g + b


def _graph_conv(h, src, dst, Wr, Wroot, b):
    agg = jax.ops.segment_sum(h[src], dst, num_segments=N)
    return agg @ Wr + b + h @ Wroot


def _encoder(h, src, dst, p):
    h = _graph_conv(h, src, dst, p['ingc_Wr'], p['ingc_Wroot'], p['ingc_b'])
    h = jax.nn.relu(_bn_eval(h, p['inbn_g'], p['inbn_b']))
    tot = h  # dropout p=0.0 / eval mode -> identity
    for l in range(NUM_LAYERS):
        h = _graph_conv(h, src, dst, p[f'mid{l}_Wr'], p[f'mid{l}_Wroot'], p[f'mid{l}_b'])
        h = jax.nn.relu(_bn_eval(h, p[f'bn{l}_g'], p[f'bn{l}_b']))
        tot = tot + h
    return tot


def reference(x, edge_index, batch, neg_x, params):
    src = edge_index[0]
    dst = edge_index[1]
    p = params
    pos_z = _encoder(x, src, dst, p)
    neg_z = _encoder(neg_x, src, dst, p)
    # global_mean_pool
    counts = jnp.clip(jax.ops.segment_sum(jnp.ones((N,), jnp.float32), batch, num_segments=G), 1.0)
    summary = jax.ops.segment_sum(pos_z, batch, num_segments=G) / counts[:, None]
    # Dense outgc: mm + bias + BN + relu
    graph_emb = jax.nn.relu(_bn_eval(summary @ p['out_W'] + p['out_b'], p['dbn_g'], p['dbn_b']))
    # DGI loss: discriminate(z, summary) = sigmoid(z @ (W @ summary))
    ws = p['disc_W'] @ summary  # (D,D) @ (G=D, D) -> (D, D)
    pos_val = jax.nn.sigmoid(pos_z @ ws)
    neg_val = jax.nn.sigmoid(neg_z @ ws)
    pos_loss = -jnp.mean(jnp.log(pos_val + EPS))
    neg_loss = -jnp.mean(jnp.log(1.0 - neg_val + EPS))
    loss_val = pos_loss + neg_loss
    return (graph_emb, loss_val)

if __name__ == "__main__":
    import jax
    _d = setup_inputs()
    print(jax.jit(kernel)(*tuple(_d.values())))

</pallas_src>

<mosaic_0001>
#map = affine_map<(d0, d1) -> (0, 0, 0)>
#map1 = affine_map<(d0, d1) -> (0, 0)>
module attributes {stable_mosaic.version = 14 : i64} {
  func.func @_seg_body(%arg0: i32, %arg1: i32, %arg2: memref<5024x2x128xi32, #tpu.memory_space<hbm>>, %arg3: memref<20000x128xf32, #tpu.memory_space<hbm>>, %arg4: memref<632x128xf32, #tpu.memory_space<hbm>>, %arg5: memref<20000x128xf32, #tpu.memory_space<hbm>>, %arg6: memref<64x2x128xi32, #tpu.memory_space<vmem>>, %arg7: memref<128x128xf32, #tpu.memory_space<vmem>>, %arg8: memref<128x128xf32, #tpu.memory_space<vmem>>, %arg9: memref<!tpu.dma_semaphore, #tpu.memory_space<semaphore_mem>>, %arg10: memref<!tpu.dma_semaphore, #tpu.memory_space<semaphore_mem>>, %arg11: memref<!tpu.dma_semaphore, #tpu.memory_space<semaphore_mem>>, %arg12: memref<!tpu.dma_semaphore, #tpu.memory_space<semaphore_mem>>, %arg13: memref<10112x128xf32, #tpu.memory_space<vmem_shared>>) attributes {dimension_semantics = [#tpu.dimension_semantics<core_parallel>, #tpu.dimension_semantics<subcore_parallel>], iteration_bounds = array<i64: 2, 16>, scalar_prefetch = 0 : i64, scratch_operands = 8 : i64, tpu.core_type = #tpu.core_type<sc_vector_subcore>, window_params = [{transform_indices = #map}, {transform_indices = #map1}, {transform_indices = #map1}, {transform_indices = #map1}]} {
    %mul3A = arith.constant 16 : i32
    %mul3A_0 = arith.muli %arg0, %mul3A : i32
    %add3A = arith.addi %mul3A_0, %arg1 : i32
    %mul3A_1 = arith.constant 632 : i32
    %mul3A_2 = arith.muli %arg1, %mul3A_1 : i32
    "tpu.region"() ({
      %run_scoped3A_91 = tpu.sem_alloc : memref<!tpu.dma_semaphore, #tpu.memory_space<semaphore_mem>>
      %dma_start3A = arith.constant 0 : i32
      %dma_start3A_92 = tpu.memref_slice %arg13[%mul3A_2, %dma_start3A] : memref<10112x128xf32, #tpu.memory_space<vmem_shared>> -> memref<632x128xf32, #tpu.memory_space<vmem_shared>>
      %dma_start3A_93 = arith.constant 0 : i32
      %dma_start3A_94 = arith.constant 0 : i32
      %dma_start3A_95 = tpu.memref_slice %arg4[%dma_start3A_93, %dma_start3A_94] : memref<632x128xf32, #tpu.memory_space<hbm>> -> memref<632x128xf32, #tpu.memory_space<hbm>>
      tpu.enqueue_dma source(%dma_start3A_95 : memref<632x128xf32, #tpu.memory_space<hbm>>) target(%dma_start3A_92 : memref<632x128xf32, #tpu.memory_space<vmem_shared>>) target_semaphore(%run_scoped3A_91 : memref<!tpu.dma_semaphore, #tpu.memory_space<semaphore_mem>>)
      %dma_wait3A_96 = arith.constant 0 : i32
      %dma_wait3A_97 = tpu.memref_slice %arg13[%mul3A_2, %dma_wait3A_96] : memref<10112x128xf32, #tpu.memory_space<vmem_shared>> -> memref<632x128xf32, #tpu.memory_space<vmem_shared>>
      %dma_wait3A_98 = arith.constant 0 : i32
      %dma_wait3A_99 = arith.constant 0 : i32
      %dma_wait3A_100 = tpu.memref_slice %arg4[%dma_wait3A_98, %dma_wait3A_99] : memref<632x128xf32, #tpu.memory_space<hbm>> -> memref<632x128xf32, #tpu.memory_space<hbm>>
      tpu.wait_dma2 semaphore(%run_scoped3A_91 : memref<!tpu.dma_semaphore, #tpu.memory_space<semaphore_mem>>) src(%dma_wait3A_100 : memref<632x128xf32, #tpu.memory_space<hbm>>) dst(%dma_wait3A_97 : memref<632x128xf32, #tpu.memory_space<vmem_shared>>)
      tpu.yield
    }) : () -> ()
    %barrier3A = arith.constant 0 : index
    tpu.barrier barrier_id(%barrier3A)
    %mul3A_3 = arith.constant 157 : i32
    %mul3A_4 = arith.muli %add3A, %mul3A_3 : i32
    "tpu.region"() ({
      %run_scoped3A_91 = tpu.sem_alloc : memref<!tpu.dma_semaphore, #tpu.memory_space<semaphore_mem>>
      %dma_start3A = arith.constant 0 : i32
      %dma_start3A_92 = arith.constant 0 : i32
      %dma_start3A_93 = tpu.memref_slice %arg2[%mul3A_4, %dma_start3A, %dma_start3A_92] : memref<5024x2x128xi32, #tpu.memory_space<hbm>> -> memref<64x2x128xi32, #tpu.memory_space<hbm>>
      %dma_start3A_94 = arith.constant 0 : i32
      %dma_start3A_95 = arith.constant 0 : i32
      %dma_start3A_96 = tpu.memref_slice %arg2[%mul3A_4, %dma_start3A_94, %dma_start3A_95] : memref<5024x2x128xi32, #tpu.memory_space<hbm>> -> memref<64x2x128xi32, #tpu.memory_space<hbm>>
      tpu.enqueue_dma source(%dma_start3A_96 : memref<64x2x128xi32, #tpu.memory_space<hbm>>) target(%arg6 : memref<64x2x128xi32, #tpu.memory_space<vmem>>) target_semaphore(%run_scoped3A_91 : memref<!tpu.dma_semaphore, #tpu.memory_space<semaphore_mem>>)
      %dma_wait3A_97 = arith.constant 0 : i32
      %dma_wait3A_98 = arith.constant 0 : i32
      %dma_wait3A_99 = tpu.memref_slice %arg2[%mul3A_4, %dma_wait3A_97, %dma_wait3A_98] : memref<5024x2x128xi32, #tpu.memory_space<hbm>> -> memref<64x2x128xi32, #tpu.memory_space<hbm>>
      %dma_wait3A_100 = arith.constant 0 : i32
      %dma_wait3A_101 = arith.constant 0 : i32
      %dma_wait3A_102 = tpu.memref_slice %arg2[%mul3A_4, %dma_wait3A_100, %dma_wait3A_101] : memref<5024x2x128xi32, #tpu.memory_space<hbm>> -> memref<64x2x128xi32, #tpu.memory_space<hbm>>
      tpu.wait_dma2 semaphore(%run_scoped3A_91 : memref<!tpu.dma_semaphore, #tpu.memory_space<semaphore_mem>>) src(%dma_wait3A_102 : memref<64x2x128xi32, #tpu.memory_space<hbm>>) dst(%arg6 : memref<64x2x128xi32, #tpu.memory_space<vmem>>)
      tpu.yield
    }) : () -> ()
    %scan3A = arith.constant 0 : i32
    %scan3A_5 = arith.constant 0 : i32
    %scan3A_6 = arith.constant 32 : i32
    %scan3A_7 = arith.addi %scan3A_5, %scan3A_6 : i32
    %scan3A_8 = arith.constant 1 : i32
    scf.for %scan3A_91 = %scan3A_5 to %scan3A_7 step %scan3A_8  : i32 {
      %gt3A = arith.constant 0 : i32
      %gt3A_92 = arith.cmpi sgt, %scan3A_91, %gt3A : i32
      %convert_element_type3A_93 = arith.extui %gt3A_92 : i1 to i32
      %cond3A_94 = arith.constant 0 : i32
      %cond3A_95 = arith.cmpi ne, %convert_element_type3A_93, %cond3A_94 : i32
      scf.if %cond3A_95 {
        %mul3A_160 = arith.constant 2 : i32
        %mul3A_161 = arith.muli %mul3A_160, %scan3A_91 : i32
        %dma_wait3A_162 = arith.constant 1 : i32
        %dma_wait3A_163 = arith.constant 0 : i32
        %dma_wait3A_164 = tpu.memref_slice %arg6[%mul3A_161, %dma_wait3A_162, %dma_wait3A_163] : memref<64x2x128xi32, #tpu.memory_space<vmem>> -> memref<1x1x128xi32, #tpu.memory_space<vmem>>
        %dma_wait3A_165 = tpu.memref_squeeze %dma_wait3A_164 : memref<1x1x128xi32, #tpu.memory_space<vmem>> -> memref<128xi32, #tpu.memory_space<vmem>>
        %dma_wait3A_166 = arith.constant 0 : i32
        %dma_wait3A_167 = arith.constant 0 : i32
        %dma_wait3A_168 = tpu.memref_slice %arg13[%dma_wait3A_166, %dma_wait3A_167] : memref<10112x128xf32, #tpu.memory_space<vmem_shared>> -> memref<10112x128xf32, #tpu.memory_space<vmem_shared>>
        tpu.wait_indirect_dma semaphore(%arg11 : memref<!tpu.dma_semaphore, #tpu.memory_space<semaphore_mem>>) src(%arg7 : memref<128x128xf32, #tpu.memory_space<vmem>>) dst(%dma_wait3A_168 : memref<10112x128xf32, #tpu.memory_space<vmem_shared>>)
      } else {
      }
      %mul3A_96 = arith.constant 2 : i32
      %mul3A_97 = arith.muli %mul3A_96, %scan3A_91 : i32
      %dma_start3A = arith.constant 0 : i32
      %dma_start3A_98 = arith.constant 0 : i32
      %dma_start3A_99 = tpu.memref_slice %arg6[%mul3A_97, %dma_start3A, %dma_start3A_98] : memref<64x2x128xi32, #tpu.memory_space<vmem>> -> memref<1x1x128xi32, #tpu.memory_space<vmem>>
      %dma_start3A_100 = tpu.memref_squeeze %dma_start3A_99 : memref<1x1x128xi32, #tpu.memory_space<vmem>> -> memref<128xi32, #tpu.memory_space<vmem>>
      %dma_start3A_101 = arith.constant 0 : i32
      %dma_start3A_102 = arith.constant 0 : i32
      %dma_start3A_103 = tpu.memref_slice %arg3[%dma_start3A_101, %dma_start3A_102] : memref<20000x128xf32, #tpu.memory_space<hbm>> -> memref<20000x128xf32, #tpu.memory_space<hbm>>
      tpu.enqueue_indirect_dma source(%dma_start3A_103 : memref<20000x128xf32, #tpu.memory_space<hbm>>) target(%arg7 : memref<128x128xf32, #tpu.memory_space<vmem>>) offsets(%dma_start3A_100 : memref<128xi32, #tpu.memory_space<vmem>>) semaphore(%arg9 : memref<!tpu.dma_semaphore, #tpu.memory_space<semaphore_mem>>)
      %gt3A_104 = arith.constant 0 : i32
      %gt3A_105 = arith.cmpi sgt, %scan3A_91, %gt3A_104 : i32
      %convert_element_type3A_106 = arith.extui %gt3A_105 : i1 to i32
      %cond3A_107 = arith.constant 0 : i32
      %cond3A_108 = arith.cmpi ne, %convert_element_type3A_106, %cond3A_107 : i32
      scf.if %cond3A_108 {
        %mul3A_160 = arith.constant 2 : i32
        %mul3A_161 = arith.muli %mul3A_160, %scan3A_91 : i32
        %dma_wait3A_162 = arith.constant 1 : i32
        %dma_wait3A_163 = arith.constant 0 : i32
        %dma_wait3A_164 = tpu.memref_slice %arg6[%mul3A_161, %dma_wait3A_162, %dma_wait3A_163] : memref<64x2x128xi32, #tpu.memory_space<vmem>> -> memref<1x1x128xi32, #tpu.memory_space<vmem>>
        %dma_wait3A_165 = tpu.memref_squeeze %dma_wait3A_164 : memref<1x1x128xi32, #tpu.memory_space<vmem>> -> memref<128xi32, #tpu.memory_space<vmem>>
        %dma_wait3A_166 = arith.constant 0 : i32
        %dma_wait3A_167 = arith.constant 0 : i32
        %dma_wait3A_168 = tpu.memref_slice %arg13[%dma_wait3A_166, %dma_wait3A_167] : memref<10112x128xf32, #tpu.memory_space<vmem_shared>> -> memref<10112x128xf32, #tpu.memory_space<vmem_shared>>
        tpu.wait_indirect_dma semaphore(%arg12 : memref<!tpu.dma_semaphore, #tpu.memory_space<semaphore_mem>>) src(%arg8 : memref<128x128xf32, #tpu.memory_space<vmem>>) dst(%dma_wait3A_168 : memref<10112x128xf32, #tpu.memory_space<vmem_shared>>)
      } else {
      }
      %mul3A_109 = arith.constant 2 : i32
      %mul3A_110 = arith.muli %mul3A_109, %scan3A_91 : i32
      %add3A_111 = arith.constant 1 : i32
      %add3A_112 = arith.addi %mul3A_110, %add3A_111 : i32
      %dma_start3A_113 = arith.constant 0 : i32
      %dma_start3A_114 = arith.constant 0 : i32
      %dma_start3A_115 = tpu.memref_slice %arg6[%add3A_112, %dma_start3A_113, %dma_start3A_114] : memref<64x2x128xi32, #tpu.memory_space<vmem>> -> memref<1x1x128xi32, #tpu.memory_space<vmem>>
      %dma_start3A_116 = tpu.memref_squeeze %dma_start3A_115 : memref<1x1x128xi32, #tpu.memory_space<vmem>> -> memref<128xi32, #tpu.memory_space<vmem>>
      %dma_start3A_117 = arith.constant 0 : i32
      %dma_start3A_118 = arith.constant 0 : i32
      %dma_start3A_119 = tpu.memref_slice %arg3[%dma_start3A_117, %dma_start3A_118] : memref<20000x128xf32, #tpu.memory_space<hbm>> -> memref<20000x128xf32, #tpu.memory_space<hbm>>
      tpu.enqueue_indirect_dma source(%dma_start3A_119 : memref<20000x128xf32, #tpu.memory_space<hbm>>) target(%arg8 : memref<128x128xf32, #tpu.memory_space<vmem>>) offsets(%dma_start3A_116 : memref<128xi32, #tpu.memory_space<vmem>>) semaphore(%arg10 : memref<!tpu.dma_semaphore, #tpu.memory_space<semaphore_mem>>)
      %mul3A_120 = arith.constant 2 : i32
      %mul3A_121 = arith.muli %mul3A_120, %scan3A_91 : i32
      %dma_wait3A_122 = arith.constant 0 : i32
      %dma_wait3A_123 = arith.constant 0 : i32
      %dma_wait3A_124 = tpu.memref_slice %arg6[%mul3A_121, %dma_wait3A_122, %dma_wait3A_123] : memref<64x2x128xi32, #tpu.memory_space<vmem>> -> memref<1x1x128xi32, #tpu.memory_space<vmem>>
      %dma_wait3A_125 = tpu.memref_squeeze %dma_wait3A_124 : memref<1x1x128xi32, #tpu.memory_space<vmem>> -> memref<128xi32, #tpu.memory_space<vmem>>
      %dma_wait3A_126 = arith.constant 0 : i32
      %dma_wait3A_127 = arith.constant 0 : i32
      %dma_wait3A_128 = tpu.memref_slice %arg3[%dma_wait3A_126, %dma_wait3A_127] : memref<20000x128xf32, #tpu.memory_space<hbm>> -> memref<20000x128xf32, #tpu.memory_space<hbm>>
      tpu.wait_indirect_dma semaphore(%arg9 : memref<!tpu.dma_semaphore, #tpu.memory_space<semaphore_mem>>) src(%dma_wait3A_128 : memref<20000x128xf32, #tpu.memory_space<hbm>>) dst(%arg7 : memref<128x128xf32, #tpu.memory_space<vmem>>)
      %mul3A_129 = arith.constant 2 : i32
      %mul3A_130 = arith.muli %mul3A_129, %scan3A_91 : i32
      %dma_start3A_131 = arith.constant 1 : i32
      %dma_start3A_132 = arith.constant 0 : i32
      %dma_start3A_133 = tpu.memref_slice %arg6[%mul3A_130, %dma_start3A_131, %dma_start3A_132] : memref<64x2x128xi32, #tpu.memory_space<vmem>> -> memref<1x1x128xi32, #tpu.memory_space<vmem>>
      %dma_start3A_134 = tpu.memref_squeeze %dma_start3A_133 : memref<1x1x128xi32, #tpu.memory_space<vmem>> -> memref<128xi32, #tpu.memory_space<vmem>>
      %dma_start3A_135 = arith.constant 0 : i32
      %dma_start3A_136 = arith.constant 0 : i32
      %dma_start3A_137 = tpu.memref_slice %arg13[%dma_start3A_135, %dma_start3A_136] : memref<10112x128xf32, #tpu.memory_space<vmem_shared>> -> memref<10112x128xf32, #tpu.memory_space<vmem_shared>>
      tpu.enqueue_indirect_dma source(%arg7 : memref<128x128xf32, #tpu.memory_space<vmem>>) target(%dma_start3A_137 : memref<10112x128xf32, #tpu.memory_space<vmem_shared>>) offsets(%dma_start3A_134 : memref<128xi32, #tpu.memory_space<vmem>>) semaphore(%arg11 : memref<!tpu.dma_semaphore, #tpu.memory_space<semaphore_mem>>) {add = true}
      %mul3A_138 = arith.constant 2 : i32
      %mul3A_139 = arith.muli %mul3A_138, %scan3A_91 : i32
      %add3A_140 = arith.constant 1 : i32
      %add3A_141 = arith.addi %mul3A_139, %add3A_140 : i32
      %dma_wait3A_142 = arith.constant 0 : i32
      %dma_wait3A_143 = arith.constant 0 : i32
      %dma_wait3A_144 = tpu.memref_slice %arg6[%add3A_141, %dma_wait3A_142, %dma_wait3A_143] : memref<64x2x128xi32, #tpu.memory_space<vmem>> -> memref<1x1x128xi32, #tpu.memory_space<vmem>>
      %dma_wait3A_145 = tpu.memref_squeeze %dma_wait3A_144 : memref<1x1x128xi32, #tpu.memory_space<vmem>> -> memref<128xi32, #tpu.memory_space<vmem>>
      %dma_wait3A_146 = arith.constant 0 : i32
      %dma_wait3A_147 = arith.constant 0 : i32
      %dma_wait3A_148 = tpu.memref_slice %arg3[%dma_wait3A_146, %dma_wait3A_147] : memref<20000x128xf32, #tpu.memory_space<hbm>> -> memref<20000x128xf32, #tpu.memory_space<hbm>>
      tpu.wait_indirect_dma semaphore(%arg10 : memref<!tpu.dma_semaphore, #tpu.memory_space<semaphore_mem>>) src(%dma_wait3A_148 : memref<20000x128xf32, #tpu.memory_space<hbm>>) dst(%arg8 : memref<128x128xf32, #tpu.memory_space<vmem>>)
      %mul3A_149 = arith.constant 2 : i32
      %mul3A_150 = arith.muli %mul3A_149, %scan3A_91 : i32
      %add3A_151 = arith.constant 1 : i32
      %add3A_152 = arith.addi %mul3A_150, %add3A_151 : i32
      %dma_start3A_153 = arith.constant 1 : i32
      %dma_start3A_154 = arith.constant 0 : i32
      %dma_start3A_155 = tpu.memref_slice %arg6[%add3A_152, %dma_start3A_153, %dma_start3A_154] : memref<64x2x128xi32, #tpu.memory_space<vmem>> -> memref<1x1x128xi32, #tpu.memory_space<vmem>>
      %dma_start3A_156 = tpu.memref_squeeze %dma_start3A_155 : memref<1x1x128xi32, #tpu.memory_space<vmem>> -> memref<128xi32, #tpu.memory_space<vmem>>
      %dma_start3A_157 = arith.constant 0 : i32
      %dma_start3A_158 = arith.constant 0 : i32
      %dma_start3A_159 = tpu.memref_slice %arg13[%dma_start3A_157, %dma_start3A_158] : memref<10112x128xf32, #tpu.memory_space<vmem_shared>> -> memref<10112x128xf32, #tpu.memory_space<vmem_shared>>
      tpu.enqueue_indirect_dma source(%arg8 : memref<128x128xf32, #tpu.memory_space<vmem>>) target(%dma_start3A_159 : memref<10112x128xf32, #tpu.memory_space<vmem_shared>>) offsets(%dma_start3A_156 : memref<128xi32, #tpu.memory_space<vmem>>) semaphore(%arg12 : memref<!tpu.dma_semaphore, #tpu.memory_space<semaphore_mem>>) {add = true}
    }
    %scan3A_9 = arith.constant 32 : i32
    %dma_wait3A = arith.constant 0 : i32
    %dma_wait3A_10 = arith.constant 1 : i32
    %dma_wait3A_11 = arith.constant 0 : i32
    %dma_wait3A_12 = tpu.memref_slice %arg6[%dma_wait3A, %dma_wait3A_10, %dma_wait3A_11] : memref<64x2x128xi32, #tpu.memory_space<vmem>> -> memref<1x1x128xi32, #tpu.memory_space<vmem>>
    %dma_wait3A_13 = tpu.memref_squeeze %dma_wait3A_12 : memref<1x1x128xi32, #tpu.memory_space<vmem>> -> memref<128xi32, #tpu.memory_space<vmem>>
    %dma_wait3A_14 = arith.constant 0 : i32
    %dma_wait3A_15 = arith.constant 0 : i32
    %dma_wait3A_16 = tpu.memref_slice %arg13[%dma_wait3A_14, %dma_wait3A_15] : memref<10112x128xf32, #tpu.memory_space<vmem_shared>> -> memref<10112x128xf32, #tpu.memory_space<vmem_shared>>
    tpu.wait_indirect_dma semaphore(%arg11 : memref<!tpu.dma_semaphore, #tpu.memory_space<semaphore_mem>>) src(%arg7 : memref<128x128xf32, #tpu.memory_space<vmem>>) dst(%dma_wait3A_16 : memref<10112x128xf32, #tpu.memory_space<vmem_shared>>)
    %dma_wait3A_17 = arith.constant 0 : i32
    %dma_wait3A_18 = arith.constant 1 : i32
    %dma_wait3A_19 = arith.constant 0 : i32
    %dma_wait3A_20 = tpu.memref_slice %arg6[%dma_wait3A_17, %dma_wait3A_18, %dma_wait3A_19] : memref<64x2x128xi32, #tpu.memory_space<vmem>> -> memref<1x1x128xi32, #tpu.memory_space<vmem>>
    %dma_wait3A_21 = tpu.memref_squeeze %dma_wait3A_20 : memref<1x1x128xi32, #tpu.memory_space<vmem>> -> memref<128xi32, #tpu.memory_space<vmem>>
    %dma_wait3A_22 = arith.constant 0 : i32
    %dma_wait3A_23 = arith.constant 0 : i32
    %dma_wait3A_24 = tpu.memref_slice %arg13[%dma_wait3A_22, %dma_wait3A_23] : memref<10112x128xf32, #tpu.memory_space<vmem_shared>> -> memref<10112x128xf32, #tpu.memory_space<vmem_shared>>
    tpu.wait_indirect_dma semaphore(%arg12 : memref<!tpu.dma_semaphore, #tpu.memory_space<semaphore_mem>>) src(%arg8 : memref<128x128xf32, #tpu.memory_space<vmem>>) dst(%dma_wait3A_24 : memref<10112x128xf32, #tpu.memory_space<vmem_shared>>)
    %mul3A_25 = arith.constant 157 : i32
    %mul3A_26 = arith.muli %add3A, %mul3A_25 : i32
    %add3A_27 = arith.constant 64 : i32
    %add3A_28 = arith.addi %mul3A_26, %add3A_27 : i32
    "tpu.region"() ({
      %run_scoped3A_91 = tpu.sem_alloc : memref<!tpu.dma_semaphore, #tpu.memory_space<semaphore_mem>>
      %dma_start3A = arith.constant 0 : i32
      %dma_start3A_92 = arith.constant 0 : i32
      %dma_start3A_93 = tpu.memref_slice %arg2[%add3A_28, %dma_start3A, %dma_start3A_92] : memref<5024x2x128xi32, #tpu.memory_space<hbm>> -> memref<64x2x128xi32, #tpu.memory_space<hbm>>
      %dma_start3A_94 = arith.constant 0 : i32
      %dma_start3A_95 = arith.constant 0 : i32
      %dma_start3A_96 = tpu.memref_slice %arg2[%add3A_28, %dma_start3A_94, %dma_start3A_95] : memref<5024x2x128xi32, #tpu.memory_space<hbm>> -> memref<64x2x128xi32, #tpu.memory_space<hbm>>
      tpu.enqueue_dma source(%dma_start3A_96 : memref<64x2x128xi32, #tpu.memory_space<hbm>>) target(%arg6 : memref<64x2x128xi32, #tpu.memory_space<vmem>>) target_semaphore(%run_scoped3A_91 : memref<!tpu.dma_semaphore, #tpu.memory_space<semaphore_mem>>)
      %dma_wait3A_97 = arith.constant 0 : i32
      %dma_wait3A_98 = arith.constant 0 : i32
      %dma_wait3A_99 = tpu.memref_slice %arg2[%add3A_28, %dma_wait3A_97, %dma_wait3A_98] : memref<5024x2x128xi32, #tpu.memory_space<hbm>> -> memref<64x2x128xi32, #tpu.memory_space<hbm>>
      %dma_wait3A_100 = arith.constant 0 : i32
      %dma_wait3A_101 = arith.constant 0 : i32
      %dma_wait3A_102 = tpu.memref_slice %arg2[%add3A_28, %dma_wait3A_100, %dma_wait3A_101] : memref<5024x2x128xi32, #tpu.memory_space<hbm>> -> memref<64x2x128xi32, #tpu.memory_space<hbm>>
      tpu.wait_dma2 semaphore(%run_scoped3A_91 : memref<!tpu.dma_semaphore, #tpu.memory_space<semaphore_mem>>) src(%dma_wait3A_102 : memref<64x2x128xi32, #tpu.memory_space<hbm>>) dst(%arg6 : memref<64x2x128xi32, #tpu.memory_space<vmem>>)
      tpu.yield
    }) : () -> ()
    %scan3A_29 = arith.constant 0 : i32
    %scan3A_30 = arith.constant 0 : i32
    %scan3A_31 = arith.constant 32 : i32
    %scan3A_32 = arith.addi %scan3A_30, %scan3A_31 : i32
    %scan3A_33 = arith.constant 1 : i32
    scf.for %scan3A_91 = %scan3A_30 to %scan3A_32 step %scan3A_33  : i32 {
      %gt3A = arith.constant 0 : i32
      %gt3A_92 = arith.cmpi sgt, %scan3A_91, %gt3A : i32
      %convert_element_type3A_93 = arith.extui %gt3A_92 : i1 to i32
      %cond3A_94 = arith.constant 0 : i32
      %cond3A_95 = arith.cmpi ne, %convert_element_type3A_93, %cond3A_94 : i32
      scf.if %cond3A_95 {
        %mul3A_160 = arith.constant 2 : i32
        %mul3A_161 = arith.muli %mul3A_160, %scan3A_91 : i32
        %dma_wait3A_162 = arith.constant 1 : i32
        %dma_wait3A_163 = arith.constant 0 : i32
        %dma_wait3A_164 = tpu.memref_slice %arg6[%mul3A_161, %dma_wait3A_162, %dma_wait3A_163] : memref<64x2x128xi32, #tpu.memory_space<vmem>> -> memref<1x1x128xi32, #tpu.memory_space<vmem>>
        %dma_wait3A_165 = tpu.memref_squeeze %dma_wait3A_164 : memref<1x1x128xi32, #tpu.memory_space<vmem>> -> memref<128xi32, #tpu.memory_space<vmem>>
        %dma_wait3A_166 = arith.constant 0 : i32
        %dma_wait3A_167 = arith.constant 0 : i32
        %dma_wait3A_168 = tpu.memref_slice %arg13[%dma_wait3A_166, %dma_wait3A_167] : memref<10112x128xf32, #tpu.memory_space<vmem_shared>> -> memref<10112x128xf32, #tpu.memory_space<vmem_shared>>
        tpu.wait_indirect_dma semaphore(%arg11 : memref<!tpu.dma_semaphore, #tpu.memory_space<semaphore_mem>>) src(%arg7 : memref<128x128xf32, #tpu.memory_space<vmem>>) dst(%dma_wait3A_168 : memref<10112x128xf32, #tpu.memory_space<vmem_shared>>)
      } else {
      }
      %mul3A_96 = arith.constant 2 : i32
      %mul3A_97 = arith.muli %mul3A_96, %scan3A_91 : i32
      %dma_start3A = arith.constant 0 : i32
      %dma_start3A_98 = arith.constant 0 : i32
      %dma_start3A_99 = tpu.memref_slice %arg6[%mul3A_97, %dma_start3A, %dma_start3A_98] : memref<64x2x128xi32, #tpu.memory_space<vmem>> -> memref<1x1x128xi32, #tpu.memory_space<vmem>>
      %dma_start3A_100 = tpu.memref_squeeze %dma_start3A_99 : memref<1x1x128xi32, #tpu.memory_space<vmem>> -> memref<128xi32, #tpu.memory_space<vmem>>
      %dma_start3A_101 = arith.constant 0 : i32
      %dma_start3A_102 = arith.constant 0 : i32
      %dma_start3A_103 = tpu.memref_slice %arg3[%dma_start3A_101, %dma_start3A_102] : memref<20000x128xf32, #tpu.memory_space<hbm>> -> memref<20000x128xf32, #tpu.memory_space<hbm>>
      tpu.enqueue_indirect_dma source(%dma_start3A_103 : memref<20000x128xf32, #tpu.memory_space<hbm>>) target(%arg7 : memref<128x128xf32, #tpu.memory_space<vmem>>) offsets(%dma_start3A_100 : memref<128xi32, #tpu.memory_space<vmem>>) semaphore(%arg9 : memref<!tpu.dma_semaphore, #tpu.memory_space<semaphore_mem>>)
      %gt3A_104 = arith.constant 0 : i32
      %gt3A_105 = arith.cmpi sgt, %scan3A_91, %gt3A_104 : i32
      %convert_element_type3A_106 = arith.extui %gt3A_105 : i1 to i32
      %cond3A_107 = arith.constant 0 : i32
      %cond3A_108 = arith.cmpi ne, %convert_element_type3A_106, %cond3A_107 : i32
      scf.if %cond3A_108 {
        %mul3A_160 = arith.constant 2 : i32
        %mul3A_161 = arith.muli %mul3A_160, %scan3A_91 : i32
        %dma_wait3A_162 = arith.constant 1 : i32
        %dma_wait3A_163 = arith.constant 0 : i32
        %dma_wait3A_164 = tpu.memref_slice %arg6[%mul3A_161, %dma_wait3A_162, %dma_wait3A_163] : memref<64x2x128xi32, #tpu.memory_space<vmem>> -> memref<1x1x128xi32, #tpu.memory_space<vmem>>
        %dma_wait3A_165 = tpu.memref_squeeze %dma_wait3A_164 : memref<1x1x128xi32, #tpu.memory_space<vmem>> -> memref<128xi32, #tpu.memory_space<vmem>>
        %dma_wait3A_166 = arith.constant 0 : i32
        %dma_wait3A_167 = arith.constant 0 : i32
        %dma_wait3A_168 = tpu.memref_slice %arg13[%dma_wait3A_166, %dma_wait3A_167] : memref<10112x128xf32, #tpu.memory_space<vmem_shared>> -> memref<10112x128xf32, #tpu.memory_space<vmem_shared>>
        tpu.wait_indirect_dma semaphore(%arg12 : memref<!tpu.dma_semaphore, #tpu.memory_space<semaphore_mem>>) src(%arg8 : memref<128x128xf32, #tpu.memory_space<vmem>>) dst(%dma_wait3A_168 : memref<10112x128xf32, #tpu.memory_space<vmem_shared>>)
      } else {
      }
      %mul3A_109 = arith.constant 2 : i32
      %mul3A_110 = arith.muli %mul3A_109, %scan3A_91 : i32
      %add3A_111 = arith.constant 1 : i32
      %add3A_112 = arith.addi %mul3A_110, %add3A_111 : i32
      %dma_start3A_113 = arith.constant 0 : i32
      %dma_start3A_114 = arith.constant 0 : i32
      %dma_start3A_115 = tpu.memref_slice %arg6[%add3A_112, %dma_start3A_113, %dma_start3A_114] : memref<64x2x128xi32, #tpu.memory_space<vmem>> -> memref<1x1x128xi32, #tpu.memory_space<vmem>>
      %dma_start3A_116 = tpu.memref_squeeze %dma_start3A_115 : memref<1x1x128xi32, #tpu.memory_space<vmem>> -> memref<128xi32, #tpu.memory_space<vmem>>
      %dma_start3A_117 = arith.constant 0 : i32
      %dma_start3A_118 = arith.constant 0 : i32
      %dma_start3A_119 = tpu.memref_slice %arg3[%dma_start3A_117, %dma_start3A_118] : memref<20000x128xf32, #tpu.memory_space<hbm>> -> memref<20000x128xf32, #tpu.memory_space<hbm>>
      tpu.enqueue_indirect_dma source(%dma_start3A_119 : memref<20000x128xf32, #tpu.memory_space<hbm>>) target(%arg8 : memref<128x128xf32, #tpu.memory_space<vmem>>) offsets(%dma_start3A_116 : memref<128xi32, #tpu.memory_space<vmem>>) semaphore(%arg10 : memref<!tpu.dma_semaphore, #tpu.memory_space<semaphore_mem>>)
      %mul3A_120 = arith.constant 2 : i32
      %mul3A_121 = arith.muli %mul3A_120, %scan3A_91 : i32
      %dma_wait3A_122 = arith.constant 0 : i32
      %dma_wait3A_123 = arith.constant 0 : i32
      %dma_wait3A_124 = tpu.memref_slice %arg6[%mul3A_121, %dma_wait3A_122, %dma_wait3A_123] : memref<64x2x128xi32, #tpu.memory_space<vmem>> -> memref<1x1x128xi32, #tpu.memory_space<vmem>>
      %dma_wait3A_125 = tpu.memref_squeeze %dma_wait3A_124 : memref<1x1x128xi32, #tpu.memory_space<vmem>> -> memref<128xi32, #tpu.memory_space<vmem>>
      %dma_wait3A_126 = arith.constant 0 : i32
      %dma_wait3A_127 = arith.constant 0 : i32
      %dma_wait3A_128 = tpu.memref_slice %arg3[%dma_wait3A_126, %dma_wait3A_127] : memref<20000x128xf32, #tpu.memory_space<hbm>> -> memref<20000x128xf32, #tpu.memory_space<hbm>>
      tpu.wait_indirect_dma semaphore(%arg9 : memref<!tpu.dma_semaphore, #tpu.memory_space<semaphore_mem>>) src(%dma_wait3A_128 : memref<20000x128xf32, #tpu.memory_space<hbm>>) dst(%arg7 : memref<128x128xf32, #tpu.memory_space<vmem>>)
      %mul3A_129 = arith.constant 2 : i32
      %mul3A_130 = arith.muli %mul3A_129, %scan3A_91 : i32
      %dma_start3A_131 = arith.constant 1 : i32
      %dma_start3A_132 = arith.constant 0 : i32
      %dma_start3A_133 = tpu.memref_slice %arg6[%mul3A_130, %dma_start3A_131, %dma_start3A_132] : memref<64x2x128xi32, #tpu.memory_space<vmem>> -> memref<1x1x128xi32, #tpu.memory_space<vmem>>
      %dma_start3A_134 = tpu.memref_squeeze %dma_start3A_133 : memref<1x1x128xi32, #tpu.memory_space<vmem>> -> memref<128xi32, #tpu.memory_space<vmem>>
      %dma_start3A_135 = arith.constant 0 : i32
      %dma_start3A_136 = arith.constant 0 : i32
      %dma_start3A_137 = tpu.memref_slice %arg13[%dma_start3A_135, %dma_start3A_136] : memref<10112x128xf32, #tpu.memory_space<vmem_shared>> -> memref<10112x128xf32, #tpu.memory_space<vmem_shared>>
      tpu.enqueue_indirect_dma source(%arg7 : memref<128x128xf32, #tpu.memory_space<vmem>>) target(%dma_start3A_137 : memref<10112x128xf32, #tpu.memory_space<vmem_shared>>) offsets(%dma_start3A_134 : memref<128xi32, #tpu.memory_space<vmem>>) semaphore(%arg11 : memref<!tpu.dma_semaphore, #tpu.memory_space<semaphore_mem>>) {add = true}
      %mul3A_138 = arith.constant 2 : i32
      %mul3A_139 = arith.muli %mul3A_138, %scan3A_91 : i32
      %add3A_140 = arith.constant 1 : i32
      %add3A_141 = arith.addi %mul3A_139, %add3A_140 : i32
      %dma_wait3A_142 = arith.constant 0 : i32
      %dma_wait3A_143 = arith.constant 0 : i32
      %dma_wait3A_144 = tpu.memref_slice %arg6[%add3A_141, %dma_wait3A_142, %dma_wait3A_143] : memref<64x2x128xi32, #tpu.memory_space<vmem>> -> memref<1x1x128xi32, #tpu.memory_space<vmem>>
      %dma_wait3A_145 = tpu.memref_squeeze %dma_wait3A_144 : memref<1x1x128xi32, #tpu.memory_space<vmem>> -> memref<128xi32, #tpu.memory_space<vmem>>
      %dma_wait3A_146 = arith.constant 0 : i32
      %dma_wait3A_147 = arith.constant 0 : i32
      %dma_wait3A_148 = tpu.memref_slice %arg3[%dma_wait3A_146, %dma_wait3A_147] : memref<20000x128xf32, #tpu.memory_space<hbm>> -> memref<20000x128xf32, #tpu.memory_space<hbm>>
      tpu.wait_indirect_dma semaphore(%arg10 : memref<!tpu.dma_semaphore, #tpu.memory_space<semaphore_mem>>) src(%dma_wait3A_148 : memref<20000x128xf32, #tpu.memory_space<hbm>>) dst(%arg8 : memref<128x128xf32, #tpu.memory_space<vmem>>)
      %mul3A_149 = arith.constant 2 : i32
      %mul3A_150 = arith.muli %mul3A_149, %scan3A_91 : i32
      %add3A_151 = arith.constant 1 : i32
      %add3A_152 = arith.addi %mul3A_150, %add3A_151 : i32
      %dma_start3A_153 = arith.constant 1 : i32
      %dma_start3A_154 = arith.constant 0 : i32
      %dma_start3A_155 = tpu.memref_slice %arg6[%add3A_152, %dma_start3A_153, %dma_start3A_154] : memref<64x2x128xi32, #tpu.memory_space<vmem>> -> memref<1x1x128xi32, #tpu.memory_space<vmem>>
      %dma_start3A_156 = tpu.memref_squeeze %dma_start3A_155 : memref<1x1x128xi32, #tpu.memory_space<vmem>> -> memref<128xi32, #tpu.memory_space<vmem>>
      %dma_start3A_157 = arith.constant 0 : i32
      %dma_start3A_158 = arith.constant 0 : i32
      %dma_start3A_159 = tpu.memref_slice %arg13[%dma_start3A_157, %dma_start3A_158] : memref<10112x128xf32, #tpu.memory_space<vmem_shared>> -> memref<10112x128xf32, #tpu.memory_space<vmem_shared>>
      tpu.enqueue_indirect_dma source(%arg8 : memref<128x128xf32, #tpu.memory_space<vmem>>) target(%dma_start3A_159 : memref<10112x128xf32, #tpu.memory_space<vmem_shared>>) offsets(%dma_start3A_156 : memref<128xi32, #tpu.memory_space<vmem>>) semaphore(%arg12 : memref<!tpu.dma_semaphore, #tpu.memory_space<semaphore_mem>>) {add = true}
    }
    %scan3A_34 = arith.constant 32 : i32
    %dma_wait3A_35 = arith.constant 0 : i32
    %dma_wait3A_36 = arith.constant 1 : i32
    %dma_wait3A_37 = arith.constant 0 : i32
    %dma_wait3A_38 = tpu.memref_slice %arg6[%dma_wait3A_35, %dma_wait3A_36, %dma_wait3A_37] : memref<64x2x128xi32, #tpu.memory_space<vmem>> -> memref<1x1x128xi32, #tpu.memory_space<vmem>>
    %dma_wait3A_39 = tpu.memref_squeeze %dma_wait3A_38 : memref<1x1x128xi32, #tpu.memory_space<vmem>> -> memref<128xi32, #tpu.memory_space<vmem>>
    %dma_wait3A_40 = arith.constant 0 : i32
    %dma_wait3A_41 = arith.constant 0 : i32
    %dma_wait3A_42 = tpu.memref_slice %arg13[%dma_wait3A_40, %dma_wait3A_41] : memref<10112x128xf32, #tpu.memory_space<vmem_shared>> -> memref<10112x128xf32, #tpu.memory_space<vmem_shared>>
    tpu.wait_indirect_dma semaphore(%arg11 : memref<!tpu.dma_semaphore, #tpu.memory_space<semaphore_mem>>) src(%arg7 : memref<128x128xf32, #tpu.memory_space<vmem>>) dst(%dma_wait3A_42 : memref<10112x128xf32, #tpu.memory_space<vmem_shared>>)
    %dma_wait3A_43 = arith.constant 0 : i32
    %dma_wait3A_44 = arith.constant 1 : i32
    %dma_wait3A_45 = arith.constant 0 : i32
    %dma_wait3A_46 = tpu.memref_slice %arg6[%dma_wait3A_43, %dma_wait3A_44, %dma_wait3A_45] : memref<64x2x128xi32, #tpu.memory_space<vmem>> -> memref<1x1x128xi32, #tpu.memory_space<vmem>>
    %dma_wait3A_47 = tpu.memref_squeeze %dma_wait3A_46 : memref<1x1x128xi32, #tpu.memory_space<vmem>> -> memref<128xi32, #tpu.memory_space<vmem>>
    %dma_wait3A_48 = arith.constant 0 : i32
    %dma_wait3A_49 = arith.constant 0 : i32
    %dma_wait3A_50 = tpu.memref_slice %arg13[%dma_wait3A_48, %dma_wait3A_49] : memref<10112x128xf32, #tpu.memory_space<vmem_shared>> -> memref<10112x128xf32, #tpu.memory_space<vmem_shared>>
    tpu.wait_indirect_dma semaphore(%arg12 : memref<!tpu.dma_semaphore, #tpu.memory_space<semaphore_mem>>) src(%arg8 : memref<128x128xf32, #tpu.memory_space<vmem>>) dst(%dma_wait3A_50 : memref<10112x128xf32, #tpu.memory_space<vmem_shared>>)
    %mul3A_51 = arith.constant 157 : i32
    %mul3A_52 = arith.muli %add3A, %mul3A_51 : i32
    %add3A_53 = arith.constant 128 : i32
    %add3A_54 = arith.addi %mul3A_52, %add3A_53 : i32
    "tpu.region"() ({
      %run_scoped3A_91 = tpu.sem_alloc : memref<!tpu.dma_semaphore, #tpu.memory_space<semaphore_mem>>
      %dma_start3A = arith.constant 0 : i32
      %dma_start3A_92 = arith.constant 0 : i32
      %dma_start3A_93 = arith.constant 0 : i32
      %dma_start3A_94 = tpu.memref_slice %arg6[%dma_start3A, %dma_start3A_92, %dma_start3A_93] : memref<64x2x128xi32, #tpu.memory_space<vmem>> -> memref<29x2x128xi32, #tpu.memory_space<vmem>>
      %dma_start3A_95 = arith.constant 0 : i32
      %dma_start3A_96 = arith.constant 0 : i32
      %dma_start3A_97 = tpu.memref_slice %arg2[%add3A_54, %dma_start3A_95, %dma_start3A_96] : memref<5024x2x128xi32, #tpu.memory_space<hbm>> -> memref<29x2x128xi32, #tpu.memory_space<hbm>>
      %dma_start3A_98 = arith.constant 0 : i32
      %dma_start3A_99 = arith.constant 0 : i32
      %dma_start3A_100 = arith.constant 0 : i32
      %dma_start3A_101 = tpu.memref_slice %arg6[%dma_start3A_98, %dma_start3A_99, %dma_start3A_100] : memref<64x2x128xi32, #tpu.memory_space<vmem>> -> memref<29x2x128xi32, #tpu.memory_space<vmem>>
      %dma_start3A_102 = arith.constant 0 : i32
      %dma_start3A_103 = arith.constant 0 : i32
      %dma_start3A_104 = tpu.memref_slice %arg2[%add3A_54, %dma_start3A_102, %dma_start3A_103] : memref<5024x2x128xi32, #tpu.memory_space<hbm>> -> memref<29x2x128xi32, #tpu.memory_space<hbm>>
      tpu.enqueue_dma source(%dma_start3A_104 : memref<29x2x128xi32, #tpu.memory_space<hbm>>) target(%dma_start3A_101 : memref<29x2x128xi32, #tpu.memory_space<vmem>>) target_semaphore(%run_scoped3A_91 : memref<!tpu.dma_semaphore, #tpu.memory_space<semaphore_mem>>)
      %dma_wait3A_105 = arith.constant 0 : i32
      %dma_wait3A_106 = arith.constant 0 : i32
      %dma_wait3A_107 = arith.constant 0 : i32
      %dma_wait3A_108 = tpu.memref_slice %arg6[%dma_wait3A_105, %dma_wait3A_106, %dma_wait3A_107] : memref<64x2x128xi32, #tpu.memory_space<vmem>> -> memref<29x2x128xi32, #tpu.memory_space<vmem>>
      %dma_wait3A_109 = arith.constant 0 : i32
      %dma_wait3A_110 = arith.constant 0 : i32
      %dma_wait3A_111 = tpu.memref_slice %arg2[%add3A_54, %dma_wait3A_109, %dma_wait3A_110] : memref<5024x2x128xi32, #tpu.memory_space<hbm>> -> memref<29x2x128xi32, #tpu.memory_space<hbm>>
      %dma_wait3A_112 = arith.constant 0 : i32
      %dma_wait3A_113 = arith.constant 0 : i32
      %dma_wait3A_114 = arith.constant 0 : i32
      %dma_wait3A_115 = tpu.memref_slice %arg6[%dma_wait3A_112, %dma_wait3A_113, %dma_wait3A_114] : memref<64x2x128xi32, #tpu.memory_space<vmem>> -> memref<29x2x128xi32, #tpu.memory_space<vmem>>
      %dma_wait3A_116 = arith.constant 0 : i32
      %dma_wait3A_117 = arith.constant 0 : i32
      %dma_wait3A_118 = tpu.memref_slice %arg2[%add3A_54, %dma_wait3A_116, %dma_wait3A_117] : memref<5024x2x128xi32, #tpu.memory_space<hbm>> -> memref<29x2x128xi32, #tpu.memory_space<hbm>>
      tpu.wait_dma2 semaphore(%run_scoped3A_91 : memref<!tpu.dma_semaphore, #tpu.memory_space<semaphore_mem>>) src(%dma_wait3A_118 : memref<29x2x128xi32, #tpu.memory_space<hbm>>) dst(%dma_wait3A_115 : memref<29x2x128xi32, #tpu.memory_space<vmem>>)
      tpu.yield
    }) : () -> ()
    %scan3A_55 = arith.constant 0 : i32
    %scan3A_56 = arith.constant 0 : i32
    %scan3A_57 = arith.constant 14 : i32
    %scan3A_58 = arith.addi %scan3A_56, %scan3A_57 : i32
    %scan3A_59 = arith.constant 1 : i32
    scf.for %scan3A_91 = %scan3A_56 to %scan3A_58 step %scan3A_59  : i32 {
      %gt3A = arith.constant 0 : i32
      %gt3A_92 = arith.cmpi sgt, %scan3A_91, %gt3A : i32
      %convert_element_type3A_93 = arith.extui %gt3A_92 : i1 to i32
      %cond3A_94 = arith.constant 0 : i32
      %cond3A_95 = arith.cmpi ne, %convert_element_type3A_93, %cond3A_94 : i32
      scf.if %cond3A_95 {
        %mul3A_160 = arith.constant 2 : i32
        %mul3A_161 = arith.muli %mul3A_160, %scan3A_91 : i32
        %dma_wait3A_162 = arith.constant 1 : i32
        %dma_wait3A_163 = arith.constant 0 : i32
        %dma_wait3A_164 = tpu.memref_slice %arg6[%mul3A_161, %dma_wait3A_162, %dma_wait3A_163] : memref<64x2x128xi32, #tpu.memory_space<vmem>> -> memref<1x1x128xi32, #tpu.memory_space<vmem>>
        %dma_wait3A_165 = tpu.memref_squeeze %dma_wait3A_164 : memref<1x1x128xi32, #tpu.memory_space<vmem>> -> memref<128xi32, #tpu.memory_space<vmem>>
        %dma_wait3A_166 = arith.constant 0 : i32
        %dma_wait3A_167 = arith.constant 0 : i32
        %dma_wait3A_168 = tpu.memref_slice %arg13[%dma_wait3A_166, %dma_wait3A_167] : memref<10112x128xf32, #tpu.memory_space<vmem_shared>> -> memref<10112x128xf32, #tpu.memory_space<vmem_shared>>
        tpu.wait_indirect_dma semaphore(%arg11 : memref<!tpu.dma_semaphore, #tpu.memory_space<semaphore_mem>>) src(%arg7 : memref<128x128xf32, #tpu.memory_space<vmem>>) dst(%dma_wait3A_168 : memref<10112x128xf32, #tpu.memory_space<vmem_shared>>)
      } else {
      }
      %mul3A_96 = arith.constant 2 : i32
      %mul3A_97 = arith.muli %mul3A_96, %scan3A_91 : i32
      %dma_start3A = arith.constant 0 : i32
      %dma_start3A_98 = arith.constant 0 : i32
      %dma_start3A_99 = tpu.memref_slice %arg6[%mul3A_97, %dma_start3A, %dma_start3A_98] : memref<64x2x128xi32, #tpu.memory_space<vmem>> -> memref<1x1x128xi32, #tpu.memory_space<vmem>>
      %dma_start3A_100 = tpu.memref_squeeze %dma_start3A_99 : memref<1x1x128xi32, #tpu.memory_space<vmem>> -> memref<128xi32, #tpu.memory_space<vmem>>
      %dma_start3A_101 = arith.constant 0 : i32
      %dma_start3A_102 = arith.constant 0 : i32
      %dma_start3A_103 = tpu.memref_slice %arg3[%dma_start3A_101, %dma_start3A_102] : memref<20000x128xf32, #tpu.memory_space<hbm>> -> memref<20000x128xf32, #tpu.memory_space<hbm>>
      tpu.enqueue_indirect_dma source(%dma_start3A_103 : memref<20000x128xf32, #tpu.memory_space<hbm>>) target(%arg7 : memref<128x128xf32, #tpu.memory_space<vmem>>) offsets(%dma_start3A_100 : memref<128xi32, #tpu.memory_space<vmem>>) semaphore(%arg9 : memref<!tpu.dma_semaphore, #tpu.memory_space<semaphore_mem>>)
      %gt3A_104 = arith.constant 0 : i32
      %gt3A_105 = arith.cmpi sgt, %scan3A_91, %gt3A_104 : i32
      %convert_element_type3A_106 = arith.extui %gt3A_105 : i1 to i32
      %cond3A_107 = arith.constant 0 : i32
      %cond3A_108 = arith.cmpi ne, %convert_element_type3A_106, %cond3A_107 : i32
      scf.if %cond3A_108 {
        %mul3A_160 = arith.constant 2 : i32
        %mul3A_161 = arith.muli %mul3A_160, %scan3A_91 : i32
        %dma_wait3A_162 = arith.constant 1 : i32
        %dma_wait3A_163 = arith.constant 0 : i32
        %dma_wait3A_164 = tpu.memref_slice %arg6[%mul3A_161, %dma_wait3A_162, %dma_wait3A_163] : memref<64x2x128xi32, #tpu.memory_space<vmem>> -> memref<1x1x128xi32, #tpu.memory_space<vmem>>
        %dma_wait3A_165 = tpu.memref_squeeze %dma_wait3A_164 : memref<1x1x128xi32, #tpu.memory_space<vmem>> -> memref<128xi32, #tpu.memory_space<vmem>>
        %dma_wait3A_166 = arith.constant 0 : i32
        %dma_wait3A_167 = arith.constant 0 : i32
        %dma_wait3A_168 = tpu.memref_slice %arg13[%dma_wait3A_166, %dma_wait3A_167] : memref<10112x128xf32, #tpu.memory_space<vmem_shared>> -> memref<10112x128xf32, #tpu.memory_space<vmem_shared>>
        tpu.wait_indirect_dma semaphore(%arg12 : memref<!tpu.dma_semaphore, #tpu.memory_space<semaphore_mem>>) src(%arg8 : memref<128x128xf32, #tpu.memory_space<vmem>>) dst(%dma_wait3A_168 : memref<10112x128xf32, #tpu.memory_space<vmem_shared>>)
      } else {
      }
      %mul3A_109 = arith.constant 2 : i32
      %mul3A_110 = arith.muli %mul3A_109, %scan3A_91 : i32
      %add3A_111 = arith.constant 1 : i32
      %add3A_112 = arith.addi %mul3A_110, %add3A_111 : i32
      %dma_start3A_113 = arith.constant 0 : i32
      %dma_start3A_114 = arith.constant 0 : i32
      %dma_start3A_115 = tpu.memref_slice %arg6[%add3A_112, %dma_start3A_113, %dma_start3A_114] : memref<64x2x128xi32, #tpu.memory_space<vmem>> -> memref<1x1x128xi32, #tpu.memory_space<vmem>>
      %dma_start3A_116 = tpu.memref_squeeze %dma_start3A_115 : memref<1x1x128xi32, #tpu.memory_space<vmem>> -> memref<128xi32, #tpu.memory_space<vmem>>
      %dma_start3A_117 = arith.constant 0 : i32
      %dma_start3A_118 = arith.constant 0 : i32
      %dma_start3A_119 = tpu.memref_slice %arg3[%dma_start3A_117, %dma_start3A_118] : memref<20000x128xf32, #tpu.memory_space<hbm>> -> memref<20000x128xf32, #tpu.memory_space<hbm>>
      tpu.enqueue_indirect_dma source(%dma_start3A_119 : memref<20000x128xf32, #tpu.memory_space<hbm>>) target(%arg8 : memref<128x128xf32, #tpu.memory_space<vmem>>) offsets(%dma_start3A_116 : memref<128xi32, #tpu.memory_space<vmem>>) semaphore(%arg10 : memref<!tpu.dma_semaphore, #tpu.memory_space<semaphore_mem>>)
      %mul3A_120 = arith.constant 2 : i32
      %mul3A_121 = arith.muli %mul3A_120, %scan3A_91 : i32
      %dma_wait3A_122 = arith.constant 0 : i32
      %dma_wait3A_123 = arith.constant 0 : i32
      %dma_wait3A_124 = tpu.memref_slice %arg6[%mul3A_121, %dma_wait3A_122, %dma_wait3A_123] : memref<64x2x128xi32, #tpu.memory_space<vmem>> -> memref<1x1x128xi32, #tpu.memory_space<vmem>>
      %dma_wait3A_125 = tpu.memref_squeeze %dma_wait3A_124 : memref<1x1x128xi32, #tpu.memory_space<vmem>> -> memref<128xi32, #tpu.memory_space<vmem>>
      %dma_wait3A_126 = arith.constant 0 : i32
      %dma_wait3A_127 = arith.constant 0 : i32
      %dma_wait3A_128 = tpu.memref_slice %arg3[%dma_wait3A_126, %dma_wait3A_127] : memref<20000x128xf32, #tpu.memory_space<hbm>> -> memref<20000x128xf32, #tpu.memory_space<hbm>>
      tpu.wait_indirect_dma semaphore(%arg9 : memref<!tpu.dma_semaphore, #tpu.memory_space<semaphore_mem>>) src(%dma_wait3A_128 : memref<20000x128xf32, #tpu.memory_space<hbm>>) dst(%arg7 : memref<128x128xf32, #tpu.memory_space<vmem>>)
      %mul3A_129 = arith.constant 2 : i32
      %mul3A_130 = arith.muli %mul3A_129, %scan3A_91 : i32
      %dma_start3A_131 = arith.constant 1 : i32
      %dma_start3A_132 = arith.constant 0 : i32
      %dma_start3A_133 = tpu.memref_slice %arg6[%mul3A_130, %dma_start3A_131, %dma_start3A_132] : memref<64x2x128xi32, #tpu.memory_space<vmem>> -> memref<1x1x128xi32, #tpu.memory_space<vmem>>
      %dma_start3A_134 = tpu.memref_squeeze %dma_start3A_133 : memref<1x1x128xi32, #tpu.memory_space<vmem>> -> memref<128xi32, #tpu.memory_space<vmem>>
      %dma_start3A_135 = arith.constant 0 : i32
      %dma_start3A_136 = arith.constant 0 : i32
      %dma_start3A_137 = tpu.memref_slice %arg13[%dma_start3A_135, %dma_start3A_136] : memref<10112x128xf32, #tpu.memory_space<vmem_shared>> -> memref<10112x128xf32, #tpu.memory_space<vmem_shared>>
      tpu.enqueue_indirect_dma source(%arg7 : memref<128x128xf32, #tpu.memory_space<vmem>>) target(%dma_start3A_137 : memref<10112x128xf32, #tpu.memory_space<vmem_shared>>) offsets(%dma_start3A_134 : memref<128xi32, #tpu.memory_space<vmem>>) semaphore(%arg11 : memref<!tpu.dma_semaphore, #tpu.memory_space<semaphore_mem>>) {add = true}
      %mul3A_138 = arith.constant 2 : i32
      %mul3A_139 = arith.muli %mul3A_138, %scan3A_91 : i32
      %add3A_140 = arith.constant 1 : i32
      %add3A_141 = arith.addi %mul3A_139, %add3A_140 : i32
      %dma_wait3A_142 = arith.constant 0 : i32
      %dma_wait3A_143 = arith.constant 0 : i32
      %dma_wait3A_144 = tpu.memref_slice %arg6[%add3A_141, %dma_wait3A_142, %dma_wait3A_143] : memref<64x2x128xi32, #tpu.memory_space<vmem>> -> memref<1x1x128xi32, #tpu.memory_space<vmem>>
      %dma_wait3A_145 = tpu.memref_squeeze %dma_wait3A_144 : memref<1x1x128xi32, #tpu.memory_space<vmem>> -> memref<128xi32, #tpu.memory_space<vmem>>
      %dma_wait3A_146 = arith.constant 0 : i32
      %dma_wait3A_147 = arith.constant 0 : i32
      %dma_wait3A_148 = tpu.memref_slice %arg3[%dma_wait3A_146, %dma_wait3A_147] : memref<20000x128xf32, #tpu.memory_space<hbm>> -> memref<20000x128xf32, #tpu.memory_space<hbm>>
      tpu.wait_indirect_dma semaphore(%arg10 : memref<!tpu.dma_semaphore, #tpu.memory_space<semaphore_mem>>) src(%dma_wait3A_148 : memref<20000x128xf32, #tpu.memory_space<hbm>>) dst(%arg8 : memref<128x128xf32, #tpu.memory_space<vmem>>)
      %mul3A_149 = arith.constant 2 : i32
      %mul3A_150 = arith.muli %mul3A_149, %scan3A_91 : i32
      %add3A_151 = arith.constant 1 : i32
      %add3A_152 = arith.addi %mul3A_150, %add3A_151 : i32
      %dma_start3A_153 = arith.constant 1 : i32
      %dma_start3A_154 = arith.constant 0 : i32
      %dma_start3A_155 = tpu.memref_slice %arg6[%add3A_152, %dma_start3A_153, %dma_start3A_154] : memref<64x2x128xi32, #tpu.memory_space<vmem>> -> memref<1x1x128xi32, #tpu.memory_space<vmem>>
      %dma_start3A_156 = tpu.memref_squeeze %dma_start3A_155 : memref<1x1x128xi32, #tpu.memory_space<vmem>> -> memref<128xi32, #tpu.memory_space<vmem>>
      %dma_start3A_157 = arith.constant 0 : i32
      %dma_start3A_158 = arith.constant 0 : i32
      %dma_start3A_159 = tpu.memref_slice %arg13[%dma_start3A_157, %dma_start3A_158] : memref<10112x128xf32, #tpu.memory_space<vmem_shared>> -> memref<10112x128xf32, #tpu.memory_space<vmem_shared>>
      tpu.enqueue_indirect_dma source(%arg8 : memref<128x128xf32, #tpu.memory_space<vmem>>) target(%dma_start3A_159 : memref<10112x128xf32, #tpu.memory_space<vmem_shared>>) offsets(%dma_start3A_156 : memref<128xi32, #tpu.memory_space<vmem>>) semaphore(%arg12 : memref<!tpu.dma_semaphore, #tpu.memory_space<semaphore_mem>>) {add = true}
    }
    %scan3A_60 = arith.constant 14 : i32
    %dma_wait3A_61 = arith.constant 0 : i32
    %dma_wait3A_62 = arith.constant 1 : i32
    %dma_wait3A_63 = arith.constant 0 : i32
    %dma_wait3A_64 = tpu.memref_slice %arg6[%dma_wait3A_61, %dma_wait3A_62, %dma_wait3A_63] : memref<64x2x128xi32, #tpu.memory_space<vmem>> -> memref<1x1x128xi32, #tpu.memory_space<vmem>>
    %dma_wait3A_65 = tpu.memref_squeeze %dma_wait3A_64 : memref<1x1x128xi32, #tpu.memory_space<vmem>> -> memref<128xi32, #tpu.memory_space<vmem>>
    %dma_wait3A_66 = arith.constant 0 : i32
    %dma_wait3A_67 = arith.constant 0 : i32
    %dma_wait3A_68 = tpu.memref_slice %arg13[%dma_wait3A_66, %dma_wait3A_67] : memref<10112x128xf32, #tpu.memory_space<vmem_shared>> -> memref<10112x128xf32, #tpu.memory_space<vmem_shared>>
    tpu.wait_indirect_dma semaphore(%arg11 : memref<!tpu.dma_semaphore, #tpu.memory_space<semaphore_mem>>) src(%arg7 : memref<128x128xf32, #tpu.memory_space<vmem>>) dst(%dma_wait3A_68 : memref<10112x128xf32, #tpu.memory_space<vmem_shared>>)
    %dma_wait3A_69 = arith.constant 0 : i32
    %dma_wait3A_70 = arith.constant 1 : i32
    %dma_wait3A_71 = arith.constant 0 : i32
    %dma_wait3A_72 = tpu.memref_slice %arg6[%dma_wait3A_69, %dma_wait3A_70, %dma_wait3A_71] : memref<64x2x128xi32, #tpu.memory_space<vmem>> -> memref<1x1x128xi32, #tpu.memory_space<vmem>>
    %dma_wait3A_73 = tpu.memref_squeeze %dma_wait3A_72 : memref<1x1x128xi32, #tpu.memory_space<vmem>> -> memref<128xi32, #tpu.memory_space<vmem>>
    %dma_wait3A_74 = arith.constant 0 : i32
    %dma_wait3A_75 = arith.constant 0 : i32
    %dma_wait3A_76 = tpu.memref_slice %arg13[%dma_wait3A_74, %dma_wait3A_75] : memref<10112x128xf32, #tpu.memory_space<vmem_shared>> -> memref<10112x128xf32, #tpu.memory_space<vmem_shared>>
    tpu.wait_indirect_dma semaphore(%arg12 : memref<!tpu.dma_semaphore, #tpu.memory_space<semaphore_mem>>) src(%arg8 : memref<128x128xf32, #tpu.memory_space<vmem>>) dst(%dma_wait3A_76 : memref<10112x128xf32, #tpu.memory_space<vmem_shared>>)
    %scan3A_77 = arith.constant 0 : i32
    %scan3A_78 = arith.constant 28 : i32
    %run_scoped3A = arith.constant 0 : i32
    "tpu.region"() ({
      %run_scoped3A_91 = tpu.sem_alloc : memref<!tpu.dma_semaphore, #tpu.memory_space<semaphore_mem>>
      %dma_start3A = arith.constant 0 : i32
      %dma_start3A_92 = tpu.memref_slice %arg6[%scan3A_78, %run_scoped3A, %dma_start3A] : memref<64x2x128xi32, #tpu.memory_space<vmem>> -> memref<1x1x128xi32, #tpu.memory_space<vmem>>
      %dma_start3A_93 = tpu.memref_squeeze %dma_start3A_92 : memref<1x1x128xi32, #tpu.memory_space<vmem>> -> memref<128xi32, #tpu.memory_space<vmem>>
      %dma_start3A_94 = arith.constant 0 : i32
      %dma_start3A_95 = arith.constant 0 : i32
      %dma_start3A_96 = tpu.memref_slice %arg3[%dma_start3A_94, %dma_start3A_95] : memref<20000x128xf32, #tpu.memory_space<hbm>> -> memref<20000x128xf32, #tpu.memory_space<hbm>>
      tpu.enqueue_indirect_dma source(%dma_start3A_96 : memref<20000x128xf32, #tpu.memory_space<hbm>>) target(%arg7 : memref<128x128xf32, #tpu.memory_space<vmem>>) offsets(%dma_start3A_93 : memref<128xi32, #tpu.memory_space<vmem>>) semaphore(%run_scoped3A_91 : memref<!tpu.dma_semaphore, #tpu.memory_space<semaphore_mem>>)
      %dma_wait3A_97 = arith.constant 0 : i32
      %dma_wait3A_98 = tpu.memref_slice %arg6[%scan3A_78, %run_scoped3A, %dma_wait3A_97] : memref<64x2x128xi32, #tpu.memory_space<vmem>> -> memref<1x1x128xi32, #tpu.memory_space<vmem>>
      %dma_wait3A_99 = tpu.memref_squeeze %dma_wait3A_98 : memref<1x1x128xi32, #tpu.memory_space<vmem>> -> memref<128xi32, #tpu.memory_space<vmem>>
      %dma_wait3A_100 = arith.constant 0 : i32
      %dma_wait3A_101 = arith.constant 0 : i32
      %dma_wait3A_102 = tpu.memref_slice %arg3[%dma_wait3A_100, %dma_wait3A_101] : memref<20000x128xf32, #tpu.memory_space<hbm>> -> memref<20000x128xf32, #tpu.memory_space<hbm>>
      tpu.wait_indirect_dma semaphore(%run_scoped3A_91 : memref<!tpu.dma_semaphore, #tpu.memory_space<semaphore_mem>>) src(%dma_wait3A_102 : memref<20000x128xf32, #tpu.memory_space<hbm>>) dst(%arg7 : memref<128x128xf32, #tpu.memory_space<vmem>>)
      tpu.yield
    }) : () -> ()
    %run_scoped3A_79 = arith.constant 1 : i32
    "tpu.region"() ({
      %run_scoped3A_91 = tpu.sem_alloc : memref<!tpu.dma_semaphore, #tpu.memory_space<semaphore_mem>>
      %dma_start3A = arith.constant 0 : i32
      %dma_start3A_92 = tpu.memref_slice %arg6[%scan3A_78, %run_scoped3A_79, %dma_start3A] : memref<64x2x128xi32, #tpu.memory_space<vmem>> -> memref<1x1x128xi32, #tpu.memory_space<vmem>>
      %dma_start3A_93 = tpu.memref_squeeze %dma_start3A_92 : memref<1x1x128xi32, #tpu.memory_space<vmem>> -> memref<128xi32, #tpu.memory_space<vmem>>
      %dma_start3A_94 = arith.constant 0 : i32
      %dma_start3A_95 = arith.constant 0 : i32
      %dma_start3A_96 = tpu.memref_slice %arg13[%dma_start3A_94, %dma_start3A_95] : memref<10112x128xf32, #tpu.memory_space<vmem_shared>> -> memref<10112x128xf32, #tpu.memory_space<vmem_shared>>
      tpu.enqueue_indirect_dma source(%arg7 : memref<128x128xf32, #tpu.memory_space<vmem>>) target(%dma_start3A_96 : memref<10112x128xf32, #tpu.memory_space<vmem_shared>>) offsets(%dma_start3A_93 : memref<128xi32, #tpu.memory_space<vmem>>) semaphore(%run_scoped3A_91 : memref<!tpu.dma_semaphore, #tpu.memory_space<semaphore_mem>>) {add = true}
      %dma_wait3A_97 = arith.constant 0 : i32
      %dma_wait3A_98 = tpu.memref_slice %arg6[%scan3A_78, %run_scoped3A_79, %dma_wait3A_97] : memref<64x2x128xi32, #tpu.memory_space<vmem>> -> memref<1x1x128xi32, #tpu.memory_space<vmem>>
      %dma_wait3A_99 = tpu.memref_squeeze %dma_wait3A_98 : memref<1x1x128xi32, #tpu.memory_space<vmem>> -> memref<128xi32, #tpu.memory_space<vmem>>
      %dma_wait3A_100 = arith.constant 0 : i32
      %dma_wait3A_101 = arith.constant 0 : i32
      %dma_wait3A_102 = tpu.memref_slice %arg13[%dma_wait3A_100, %dma_wait3A_101] : memref<10112x128xf32, #tpu.memory_space<vmem_shared>> -> memref<10112x128xf32, #tpu.memory_space<vmem_shared>>
      tpu.wait_indirect_dma semaphore(%run_scoped3A_91 : memref<!tpu.dma_semaphore, #tpu.memory_space<semaphore_mem>>) src(%arg7 : memref<128x128xf32, #tpu.memory_space<vmem>>) dst(%dma_wait3A_102 : memref<10112x128xf32, #tpu.memory_space<vmem_shared>>)
      tpu.yield
    }) : () -> ()
    %scan3A_80 = arith.constant 1 : i32
    %barrier3A_81 = arith.constant 0 : index
    tpu.barrier barrier_id(%barrier3A_81)
    %mul3A_82 = arith.constant 624 : i32
    %mul3A_83 = arith.muli %arg1, %mul3A_82 : i32
    %mul3A_84 = arith.constant 10000 : i32
    %mul3A_85 = arith.muli %arg0, %mul3A_84 : i32
    %mul3A_86 = arith.constant 624 : i32
    %mul3A_87 = arith.muli %arg1, %mul3A_86 : i32
    %add3A_88 = arith.addi %mul3A_85, %mul3A_87 : i32
    "tpu.region"() ({
      %run_scoped3A_91 = tpu.sem_alloc : memref<!tpu.dma_semaphore, #tpu.memory_space<semaphore_mem>>
      %dma_start3A = arith.constant 0 : i32
      %dma_start3A_92 = tpu.memref_slice %arg5[%add3A_88, %dma_start3A] : memref<20000x128xf32, #tpu.memory_space<hbm>> -> memref<624x128xf32, #tpu.memory_space<hbm>>
      %dma_start3A_93 = arith.constant 0 : i32
      %dma_start3A_94 = tpu.memref_slice %arg13[%mul3A_83, %dma_start3A_93] : memref<10112x128xf32, #tpu.memory_space<vmem_shared>> -> memref<624x128xf32, #tpu.memory_space<vmem_shared>>
      tpu.enqueue_dma source(%dma_start3A_94 : memref<624x128xf32, #tpu.memory_space<vmem_shared>>) target(%dma_start3A_92 : memref<624x128xf32, #tpu.memory_space<hbm>>) target_semaphore(%run_scoped3A_91 : memref<!tpu.dma_semaphore, #tpu.memory_space<semaphore_mem>>)
      %dma_wait3A_95 = arith.constant 0 : i32
      %dma_wait3A_96 = tpu.memref_slice %arg5[%add3A_88, %dma_wait3A_95] : memref<20000x128xf32, #tpu.memory_space<hbm>> -> memref<624x128xf32, #tpu.memory_space<hbm>>
      %dma_wait3A_97 = arith.constant 0 : i32
      %dma_wait3A_98 = tpu.memref_slice %arg13[%mul3A_83, %dma_wait3A_97] : memref<10112x128xf32, #tpu.memory_space<vmem_shared>> -> memref<624x128xf32, #tpu.memory_space<vmem_shared>>
      tpu.wait_dma2 semaphore(%run_scoped3A_91 : memref<!tpu.dma_semaphore, #tpu.memory_space<semaphore_mem>>) src(%dma_wait3A_98 : memref<624x128xf32, #tpu.memory_space<vmem_shared>>) dst(%dma_wait3A_96 : memref<624x128xf32, #tpu.memory_space<hbm>>)
      tpu.yield
    }) : () -> ()
    %eq3A = arith.constant 15 : i32
    %eq3A_89 = arith.cmpi eq, %arg1, %eq3A : i32
    %convert_element_type3A = arith.extui %eq3A_89 : i1 to i32
    %cond3A = arith.constant 0 : i32
    %cond3A_90 = arith.cmpi ne, %convert_element_type3A, %cond3A : i32
    scf.if %cond3A_90 {
      %mul3A_91 = arith.constant 10000 : i32
      %mul3A_92 = arith.muli %arg0, %mul3A_91 : i32
      %add3A_93 = arith.constant 9984 : i32
      %add3A_94 = arith.addi %mul3A_92, %add3A_93 : i32
      "tpu.region"() ({
        %run_scoped3A_95 = tpu.sem_alloc : memref<!tpu.dma_semaphore, #tpu.memory_space<semaphore_mem>>
        %dma_start3A = arith.constant 0 : i32
        %dma_start3A_96 = tpu.memref_slice %arg5[%add3A_94, %dma_start3A] : memref<20000x128xf32, #tpu.memory_space<hbm>> -> memref<16x128xf32, #tpu.memory_space<hbm>>
        %dma_start3A_97 = arith.constant 9984 : i32
        %dma_start3A_98 = arith.constant 0 : i32
        %dma_start3A_99 = tpu.memref_slice %arg13[%dma_start3A_97, %dma_start3A_98] : memref<10112x128xf32, #tpu.memory_space<vmem_shared>> -> memref<16x128xf32, #tpu.memory_space<vmem_shared>>
        tpu.enqueue_dma source(%dma_start3A_99 : memref<16x128xf32, #tpu.memory_space<vmem_shared>>) target(%dma_start3A_96 : memref<16x128xf32, #tpu.memory_space<hbm>>) target_semaphore(%run_scoped3A_95 : memref<!tpu.dma_semaphore, #tpu.memory_space<semaphore_mem>>)
        %dma_wait3A_100 = arith.constant 0 : i32
        %dma_wait3A_101 = tpu.memref_slice %arg5[%add3A_94, %dma_wait3A_100] : memref<20000x128xf32, #tpu.memory_space<hbm>> -> memref<16x128xf32, #tpu.memory_space<hbm>>
        %dma_wait3A_102 = arith.constant 9984 : i32
        %dma_wait3A_103 = arith.constant 0 : i32
        %dma_wait3A_104 = tpu.memref_slice %arg13[%dma_wait3A_102, %dma_wait3A_103] : memref<10112x128xf32, #tpu.memory_space<vmem_shared>> -> memref<16x128xf32, #tpu.memory_space<vmem_shared>>
        tpu.wait_dma2 semaphore(%run_scoped3A_95 : memref<!tpu.dma_semaphore, #tpu.memory_space<semaphore_mem>>) src(%dma_wait3A_104 : memref<16x128xf32, #tpu.memory_space<vmem_shared>>) dst(%dma_wait3A_101 : memref<16x128xf32, #tpu.memory_space<hbm>>)
        tpu.yield
      }) : () -> ()
    } else {
    }
    return
  }
}

#map = affine_map<(d0, d1) -> (0, 0, 0)>
#map1 = affine_map<(d0, d1) -> (0, 0)>
module attributes {stable_mosaic.version = 14 : i64} {
  func.func @_seg_body(%arg0: i32, %arg1: i32, %arg2: memref<5024x2x128xi32, #tpu.memory_space<hbm>>, %arg3: memref<20000x128xf32, #tpu.memory_space<hbm>>, %arg4: memref<632x128xf32, #tpu.memory_space<hbm>>, %arg5: memref<20000x128xf32, #tpu.memory_space<hbm>>, %arg6: memref<64x2x128xi32, #tpu.memory_space<vmem>>, %arg7: memref<128x128xf32, #tpu.memory_space<vmem>>, %arg8: memref<128x128xf32, #tpu.memory_space<vmem>>, %arg9: memref<!tpu.dma_semaphore, #tpu.memory_space<semaphore_mem>>, %arg10: memref<!tpu.dma_semaphore, #tpu.memory_space<semaphore_mem>>, %arg11: memref<!tpu.dma_semaphore, #tpu.memory_space<semaphore_mem>>, %arg12: memref<!tpu.dma_semaphore, #tpu.memory_space<semaphore_mem>>, %arg13: memref<10112x128xf32, #tpu.memory_space<vmem_shared>>) attributes {dimension_semantics = [#tpu.dimension_semantics<core_parallel>, #tpu.dimension_semantics<subcore_parallel>], iteration_bounds = array<i64: 2, 16>, scalar_prefetch = 0 : i64, scratch_operands = 8 : i64, tpu.core_type = #tpu.core_type<sc_vector_subcore>, window_params = [{transform_indices = #map}, {transform_indices = #map1}, {transform_indices = #map1}, {transform_indices = #map1}]} {
    %mul3A = arith.constant 16 : i32
    %mul3A_0 = arith.muli %arg0, %mul3A : i32
    %add3A = arith.addi %mul3A_0, %arg1 : i32
    %mul3A_1 = arith.constant 632 : i32
    %mul3A_2 = arith.muli %arg1, %mul3A_1 : i32
    "tpu.region"() ({
      %run_scoped3A_91 = tpu.sem_alloc : memref<!tpu.dma_semaphore, #tpu.memory_space<semaphore_mem>>
      %dma_start3A = arith.constant 0 : i32
      %dma_start3A_92 = tpu.memref_slice %arg13[%mul3A_2, %dma_start3A] : memref<10112x128xf32, #tpu.memory_space<vmem_shared>> -> memref<632x128xf32, #tpu.memory_space<vmem_shared>>
      %dma_start3A_93 = arith.constant 0 : i32
      %dma_start3A_94 = arith.constant 0 : i32
      %dma_start3A_95 = tpu.memref_slice %arg4[%dma_start3A_93, %dma_start3A_94] : memref<632x128xf32, #tpu.memory_space<hbm>> -> memref<632x128xf32, #tpu.memory_space<hbm>>
      tpu.enqueue_dma source(%dma_start3A_95 : memref<632x128xf32, #tpu.memory_space<hbm>>) target(%dma_start3A_92 : memref<632x128xf32, #tpu.memory_space<vmem_shared>>) target_semaphore(%run_scoped3A_91 : memref<!tpu.dma_semaphore, #tpu.memory_space<semaphore_mem>>)
      %dma_wait3A_96 = arith.constant 0 : i32
      %dma_wait3A_97 = tpu.memref_slice %arg13[%mul3A_2, %dma_wait3A_96] : memref<10112x128xf32, #tpu.memory_space<vmem_shared>> -> memref<632x128xf32, #tpu.memory_space<vmem_shared>>
      %dma_wait3A_98 = arith.constant 0 : i32
      %dma_wait3A_99 = arith.constant 0 : i32
      %dma_wait3A_100 = tpu.memref_slice %arg4[%dma_wait3A_98, %dma_wait3A_99] : memref<632x128xf32, #tpu.memory_space<hbm>> -> memref<632x128xf32, #tpu.memory_space<hbm>>
      tpu.wait_dma2 semaphore(%run_scoped3A_91 : memref<!tpu.dma_semaphore, #tpu.memory_space<semaphore_mem>>) src(%dma_wait3A_100 : memref<632x128xf32, #tpu.memory_space<hbm>>) dst(%dma_wait3A_97 : memref<632x128xf32, #tpu.memory_space<vmem_shared>>)
      tpu.yield
    }) : () -> ()
    %barrier3A = arith.constant 0 : index
    tpu.barrier barrier_id(%barrier3A)
    %mul3A_3 = arith.constant 157 : i32
    %mul3A_4 = arith.muli %add3A, %mul3A_3 : i32
    "tpu.region"() ({
      %run_scoped3A_91 = tpu.sem_alloc : memref<!tpu.dma_semaphore, #tpu.memory_space<semaphore_mem>>
      %dma_start3A = arith.constant 0 : i32
      %dma_start3A_92 = arith.constant 0 : i32
      %dma_start3A_93 = tpu.memref_slice %arg2[%mul3A_4, %dma_start3A, %dma_start3A_92] : memref<5024x2x128xi32, #tpu.memory_space<hbm>> -> memref<64x2x128xi32, #tpu.memory_space<hbm>>
      %dma_start3A_94 = arith.constant 0 : i32
      %dma_start3A_95 = arith.constant 0 : i32
      %dma_start3A_96 = tpu.memref_slice %arg2[%mul3A_4, %dma_start3A_94, %dma_start3A_95] : memref<5024x2x128xi32, #tpu.memory_space<hbm>> -> memref<64x2x128xi32, #tpu.memory_space<hbm>>
      tpu.enqueue_dma source(%dma_start3A_96 : memref<64x2x128xi32, #tpu.memory_space<hbm>>) target(%arg6 : memref<64x2x128xi32, #tpu.memory_space<vmem>>) target_semaphore(%run_scoped3A_91 : memref<!tpu.dma_semaphore, #tpu.memory_space<semaphore_mem>>)
      %dma_wait3A_97 = arith.constant 0 : i32
      %dma_wait3A_98 = arith.constant 0 : i32
      %dma_wait3A_99 = tpu.memref_slice %arg2[%mul3A_4, %dma_wait3A_97, %dma_wait3A_98] : memref<5024x2x128xi32, #tpu.memory_space<hbm>> -> memref<64x2x128xi32, #tpu.memory_space<hbm>>
      %dma_wait3A_100 = arith.constant 0 : i32
      %dma_wait3A_101 = arith.constant 0 : i32
      %dma_wait3A_102 = tpu.memref_slice %arg2[%mul3A_4, %dma_wait3A_100, %dma_wait3A_101] : memref<5024x2x128xi32, #tpu.memory_space<hbm>> -> memref<64x2x128xi32, #tpu.memory_space<hbm>>
      tpu.wait_dma2 semaphore(%run_scoped3A_91 : memref<!tpu.dma_semaphore, #tpu.memory_space<semaphore_mem>>) src(%dma_wait3A_102 : memref<64x2x128xi32, #tpu.memory_space<hbm>>) dst(%arg6 : memref<64x2x128xi32, #tpu.memory_space<vmem>>)
      tpu.yield
    }) : () -> ()
    %scan3A = arith.constant 0 : i32
    %scan3A_5 = arith.constant 0 : i32
    %scan3A_6 = arith.constant 32 : i32
    %scan3A_7 = arith.addi %scan3A_5, %scan3A_6 : i32
    %scan3A_8 = arith.constant 1 : i32
    scf.for %scan3A_91 = %scan3A_5 to %scan3A_7 step %scan3A_8  : i32 {
      %gt3A = arith.constant 0 : i32
      %gt3A_92 = arith.cmpi sgt, %scan3A_91, %gt3A : i32
      %convert_element_type3A_93 = arith.extui %gt3A_92 : i1 to i32
      %cond3A_94 = arith.constant 0 : i32
      %cond3A_95 = arith.cmpi ne, %convert_element_type3A_93, %cond3A_94 : i32
      scf.if %cond3A_95 {
        %mul3A_160 = arith.constant 2 : i32
        %mul3A_161 = arith.muli %mul3A_160, %scan3A_91 : i32
        %dma_wait3A_162 = arith.constant 1 : i32
        %dma_wait3A_163 = arith.constant 0 : i32
        %dma_wait3A_164 = tpu.memref_slice %arg6[%mul3A_161, %dma_wait3A_162, %dma_wait3A_163] : memref<64x2x128xi32, #tpu.memory_space<vmem>> -> memref<1x1x128xi32, #tpu.memory_space<vmem>>
        %dma_wait3A_165 = tpu.memref_squeeze %dma_wait3A_164 : memref<1x1x128xi32, #tpu.memory_space<vmem>> -> memref<128xi32, #tpu.memory_space<vmem>>
        %dma_wait3A_166 = arith.constant 0 : i32
        %dma_wait3A_167 = arith.constant 0 : i32
        %dma_wait3A_168 = tpu.memref_slice %arg13[%dma_wait3A_166, %dma_wait3A_167] : memref<10112x128xf32, #tpu.memory_space<vmem_shared>> -> memref<10112x128xf32, #tpu.memory_space<vmem_shared>>
        tpu.wait_indirect_dma semaphore(%arg11 : memref<!tpu.dma_semaphore, #tpu.memory_space<semaphore_mem>>) src(%arg7 : memref<128x128xf32, #tpu.memory_space<vmem>>) dst(%dma_wait3A_168 : memref<10112x128xf32, #tpu.memory_space<vmem_shared>>)
      } else {
      }
      %mul3A_96 = arith.constant 2 : i32
      %mul3A_97 = arith.muli %mul3A_96, %scan3A_91 : i32
      %dma_start3A = arith.constant 0 : i32
      %dma_start3A_98 = arith.constant 0 : i32
      %dma_start3A_99 = tpu.memref_slice %arg6[%mul3A_97, %dma_start3A, %dma_start3A_98] : memref<64x2x128xi32, #tpu.memory_space<vmem>> -> memref<1x1x128xi32, #tpu.memory_space<vmem>>
      %dma_start3A_100 = tpu.memref_squeeze %dma_start3A_99 : memref<1x1x128xi32, #tpu.memory_space<vmem>> -> memref<128xi32, #tpu.memory_space<vmem>>
      %dma_start3A_101 = arith.constant 0 : i32
      %dma_start3A_102 = arith.constant 0 : i32
      %dma_start3A_103 = tpu.memref_slice %arg3[%dma_start3A_101, %dma_start3A_102] : memref<20000x128xf32, #tpu.memory_space<hbm>> -> memref<20000x128xf32, #tpu.memory_space<hbm>>
      tpu.enqueue_indirect_dma source(%dma_start3A_103 : memref<20000x128xf32, #tpu.memory_space<hbm>>) target(%arg7 : memref<128x128xf32, #tpu.memory_space<vmem>>) offsets(%dma_start3A_100 : memref<128xi32, #tpu.memory_space<vmem>>) semaphore(%arg9 : memref<!tpu.dma_semaphore, #tpu.memory_space<semaphore_mem>>)
      %gt3A_104 = arith.constant 0 : i32
      %gt3A_105 = arith.cmpi sgt, %scan3A_91, %gt3A_104 : i32
      %convert_element_type3A_106 = arith.extui %gt3A_105 : i1 to i32
      %cond3A_107 = arith.constant 0 : i32
      %cond3A_108 = arith.cmpi ne, %convert_element_type3A_106, %cond3A_107 : i32
      scf.if %cond3A_108 {
        %mul3A_160 = arith.constant 2 : i32
        %mul3A_161 = arith.muli %mul3A_160, %scan3A_91 : i32
        %dma_wait3A_162 = arith.constant 1 : i32
        %dma_wait3A_163 = arith.constant 0 : i32
        %dma_wait3A_164 = tpu.memref_slice %arg6[%mul3A_161, %dma_wait3A_162, %dma_wait3A_163] : memref<64x2x128xi32, #tpu.memory_space<vmem>> -> memref<1x1x128xi32, #tpu.memory_space<vmem>>
        %dma_wait3A_165 = tpu.memref_squeeze %dma_wait3A_164 : memref<1x1x128xi32, #tpu.memory_space<vmem>> -> memref<128xi32, #tpu.memory_space<vmem>>
        %dma_wait3A_166 = arith.constant 0 : i32
        %dma_wait3A_167 = arith.constant 0 : i32
        %dma_wait3A_168 = tpu.memref_slice %arg13[%dma_wait3A_166, %dma_wait3A_167] : memref<10112x128xf32, #tpu.memory_space<vmem_shared>> -> memref<10112x128xf32, #tpu.memory_space<vmem_shared>>
        tpu.wait_indirect_dma semaphore(%arg12 : memref<!tpu.dma_semaphore, #tpu.memory_space<semaphore_mem>>) src(%arg8 : memref<128x128xf32, #tpu.memory_space<vmem>>) dst(%dma_wait3A_168 : memref<10112x128xf32, #tpu.memory_space<vmem_shared>>)
      } else {
      }
      %mul3A_109 = arith.constant 2 : i32
      %mul3A_110 = arith.muli %mul3A_109, %scan3A_91 : i32
      %add3A_111 = arith.constant 1 : i32
      %add3A_112 = arith.addi %mul3A_110, %add3A_111 : i32
      %dma_start3A_113 = arith.constant 0 : i32
      %dma_start3A_114 = arith.constant 0 : i32
      %dma_start3A_115 = tpu.memref_slice %arg6[%add3A_112, %dma_start3A_113, %dma_start3A_114] : memref<64x2x128xi32, #tpu.memory_space<vmem>> -> memref<1x1x128xi32, #tpu.memory_space<vmem>>
      %dma_start3A_116 = tpu.memref_squeeze %dma_start3A_115 : memref<1x1x128xi32, #tpu.memory_space<vmem>> -> memref<128xi32, #tpu.memory_space<vmem>>
      %dma_start3A_117 = arith.constant 0 : i32
      %dma_start3A_118 = arith.constant 0 : i32
      %dma_start3A_119 = tpu.memref_slice %arg3[%dma_start3A_117, %dma_start3A_118] : memref<20000x128xf32, #tpu.memory_space<hbm>> -> memref<20000x128xf32, #tpu.memory_space<hbm>>
      tpu.enqueue_indirect_dma source(%dma_start3A_119 : memref<20000x128xf32, #tpu.memory_space<hbm>>) target(%arg8 : memref<128x128xf32, #tpu.memory_space<vmem>>) offsets(%dma_start3A_116 : memref<128xi32, #tpu.memory_space<vmem>>) semaphore(%arg10 : memref<!tpu.dma_semaphore, #tpu.memory_space<semaphore_mem>>)
      %mul3A_120 = arith.constant 2 : i32
      %mul3A_121 = arith.muli %mul3A_120, %scan3A_91 : i32
      %dma_wait3A_122 = arith.constant 0 : i32
      %dma_wait3A_123 = arith.constant 0 : i32
      %dma_wait3A_124 = tpu.memref_slice %arg6[%mul3A_121, %dma_wait3A_122, %dma_wait3A_123] : memref<64x2x128xi32, #tpu.memory_space<vmem>> -> memref<1x1x128xi32, #tpu.memory_space<vmem>>
      %dma_wait3A_125 = tpu.memref_squeeze %dma_wait3A_124 : memref<1x1x128xi32, #tpu.memory_space<vmem>> -> memref<128xi32, #tpu.memory_space<vmem>>
      %dma_wait3A_126 = arith.constant 0 : i32
      %dma_wait3A_127 = arith.constant 0 : i32
      %dma_wait3A_128 = tpu.memref_slice %arg3[%dma_wait3A_126, %dma_wait3A_127] : memref<20000x128xf32, #tpu.memory_space<hbm>> -> memref<20000x128xf32, #tpu.memory_space<hbm>>
      tpu.wait_indirect_dma semaphore(%arg9 : memref<!tpu.dma_semaphore, #tpu.memory_space<semaphore_mem>>) src(%dma_wait3A_128 : memref<20000x128xf32, #tpu.memory_space<hbm>>) dst(%arg7 : memref<128x128xf32, #tpu.memory_space<vmem>>)
      %mul3A_129 = arith.constant 2 : i32
      %mul3A_130 = arith.muli %mul3A_129, %scan3A_91 : i32
      %dma_start3A_131 = arith.constant 1 : i32
      %dma_start3A_132 = arith.constant 0 : i32
      %dma_start3A_133 = tpu.memref_slice %arg6[%mul3A_130, %dma_start3A_131, %dma_start3A_132] : memref<64x2x128xi32, #tpu.memory_space<vmem>> -> memref<1x1x128xi32, #tpu.memory_space<vmem>>
      %dma_start3A_134 = tpu.memref_squeeze %dma_start3A_133 : memref<1x1x128xi32, #tpu.memory_space<vmem>> -> memref<128xi32, #tpu.memory_space<vmem>>
      %dma_start3A_135 = arith.constant 0 : i32
      %dma_start3A_136 = arith.constant 0 : i32
      %dma_start3A_137 = tpu.memref_slice %arg13[%dma_start3A_135, %dma_start3A_136] : memref<10112x128xf32, #tpu.memory_space<vmem_shared>> -> memref<10112x128xf32, #tpu.memory_space<vmem_shared>>
      tpu.enqueue_indirect_dma source(%arg7 : memref<128x128xf32, #tpu.memory_space<vmem>>) target(%dma_start3A_137 : memref<10112x128xf32, #tpu.memory_space<vmem_shared>>) offsets(%dma_start3A_134 : memref<128xi32, #tpu.memory_space<vmem>>) semaphore(%arg11 : memref<!tpu.dma_semaphore, #tpu.memory_space<semaphore_mem>>) {add = true}
      %mul3A_138 = arith.constant 2 : i32
      %mul3A_139 = arith.muli %mul3A_138, %scan3A_91 : i32
      %add3A_140 = arith.constant 1 : i32
      %add3A_141 = arith.addi %mul3A_139, %add3A_140 : i32
      %dma_wait3A_142 = arith.constant 0 : i32
      %dma_wait3A_143 = arith.constant 0 : i32
      %dma_wait3A_144 = tpu.memref_slice %arg6[%add3A_141, %dma_wait3A_142, %dma_wait3A_143] : memref<64x2x128xi32, #tpu.memory_space<vmem>> -> memref<1x1x128xi32, #tpu.memory_space<vmem>>
      %dma_wait3A_145 = tpu.memref_squeeze %dma_wait3A_144 : memref<1x1x128xi32, #tpu.memory_space<vmem>> -> memref<128xi32, #tpu.memory_space<vmem>>
      %dma_wait3A_146 = arith.constant 0 : i32
      %dma_wait3A_147 = arith.constant 0 : i32
      %dma_wait3A_148 = tpu.memref_slice %arg3[%dma_wait3A_146, %dma_wait3A_147] : memref<20000x128xf32, #tpu.memory_space<hbm>> -> memref<20000x128xf32, #tpu.memory_space<hbm>>
      tpu.wait_indirect_dma semaphore(%arg10 : memref<!tpu.dma_semaphore, #tpu.memory_space<semaphore_mem>>) src(%dma_wait3A_148 : memref<20000x128xf32, #tpu.memory_space<hbm>>) dst(%arg8 : memref<128x128xf32, #tpu.memory_space<vmem>>)
      %mul3A_149 = arith.constant 2 : i32
      %mul3A_150 = arith.muli %mul3A_149, %scan3A_91 : i32
      %add3A_151 = arith.constant 1 : i32
      %add3A_152 = arith.addi %mul3A_150, %add3A_151 : i32
      %dma_start3A_153 = arith.constant 1 : i32
      %dma_start3A_154 = arith.constant 0 : i32
      %dma_start3A_155 = tpu.memref_slice %arg6[%add3A_152, %dma_start3A_153, %dma_start3A_154] : memref<64x2x128xi32, #tpu.memory_space<vmem>> -> memref<1x1x128xi32, #tpu.memory_space<vmem>>
      %dma_start3A_156 = tpu.memref_squeeze %dma_start3A_155 : memref<1x1x128xi32, #tpu.memory_space<vmem>> -> memref<128xi32, #tpu.memory_space<vmem>>
      %dma_start3A_157 = arith.constant 0 : i32
      %dma_start3A_158 = arith.constant 0 : i32
      %dma_start3A_159 = tpu.memref_slice %arg13[%dma_start3A_157, %dma_start3A_158] : memref<10112x128xf32, #tpu.memory_space<vmem_shared>> -> memref<10112x128xf32, #tpu.memory_space<vmem_shared>>
      tpu.enqueue_indirect_dma source(%arg8 : memref<128x128xf32, #tpu.memory_space<vmem>>) target(%dma_start3A_159 : memref<10112x128xf32, #tpu.memory_space<vmem_shared>>) offsets(%dma_start3A_156 : memref<128xi32, #tpu.memory_space<vmem>>) semaphore(%arg12 : memref<!tpu.dma_semaphore, #tpu.memory_space<semaphore_mem>>) {add = true}
    }
    %scan3A_9 = arith.constant 32 : i32
    %dma_wait3A = arith.constant 0 : i32
    %dma_wait3A_10 = arith.constant 1 : i32
    %dma_wait3A_11 = arith.constant 0 : i32
    %dma_wait3A_12 = tpu.memref_slice %arg6[%dma_wait3A, %dma_wait3A_10, %dma_wait3A_11] : memref<64x2x128xi32, #tpu.memory_space<vmem>> -> memref<1x1x128xi32, #tpu.memory_space<vmem>>
    %dma_wait3A_13 = tpu.memref_squeeze %dma_wait3A_12 : memref<1x1x128xi32, #tpu.memory_space<vmem>> -> memref<128xi32, #tpu.memory_space<vmem>>
    %dma_wait3A_14 = arith.constant 0 : i32
    %dma_wait3A_15 = arith.constant 0 : i32
    %dma_wait3A_16 = tpu.memref_slice %arg13[%dma_wait3A_14, %dma_wait3A_15] : memref<10112x128xf32, #tpu.memory_space<vmem_shared>> -> memref<10112x128xf32, #tpu.memory_space<vmem_shared>>
    tpu.wait_indirect_dma semaphore(%arg11 : memref<!tpu.dma_semaphore, #tpu.memory_space<semaphore_mem>>) src(%arg7 : memref<128x128xf32, #tpu.memory_space<vmem>>) dst(%dma_wait3A_16 : memref<10112x128xf32, #tpu.memory_space<vmem_shared>>)
    %dma_wait3A_17 = arith.constant 0 : i32
    %dma_wait3A_18 = arith.constant 1 : i32
    %dma_wait3A_19 = arith.constant 0 : i32
    %dma_wait3A_20 = tpu.memref_slice %arg6[%dma_wait3A_17, %dma_wait3A_18, %dma_wait3A_19] : memref<64x2x128xi32, #tpu.memory_space<vmem>> -> memref<1x1x128xi32, #tpu.memory_space<vmem>>
    %dma_wait3A_21 = tpu.memref_squeeze %dma_wait3A_20 : memref<1x1x128xi32, #tpu.memory_space<vmem>> -> memref<128xi32, #tpu.memory_space<vmem>>
    %dma_wait3A_22 = arith.constant 0 : i32
    %dma_wait3A_23 = arith.constant 0 : i32
    %dma_wait3A_24 = tpu.memref_slice %arg13[%dma_wait3A_22, %dma_wait3A_23] : memref<10112x128xf32, #tpu.memory_space<vmem_shared>> -> memref<10112x128xf32, #tpu.memory_space<vmem_shared>>
    tpu.wait_indirect_dma semaphore(%arg12 : memref<!tpu.dma_semaphore, #tpu.memory_space<semaphore_mem>>) src(%arg8 : memref<128x128xf32, #tpu.memory_space<vmem>>) dst(%dma_wait3A_24 : memref<10112x128xf32, #tpu.memory_space<vmem_shared>>)
    %mul3A_25 = arith.constant 157 : i32
    %mul3A_26 = arith.muli %add3A, %mul3A_25 : i32
    %add3A_27 = arith.constant 64 : i32
    %add3A_28 = arith.addi %mul3A_26, %add3A_27 : i32
    "tpu.region"() ({
      %run_scoped3A_91 = tpu.sem_alloc : memref<!tpu.dma_semaphore, #tpu.memory_space<semaphore_mem>>
      %dma_start3A = arith.constant 0 : i32
      %dma_start3A_92 = arith.constant 0 : i32
      %dma_start3A_93 = tpu.memref_slice %arg2[%add3A_28, %dma_start3A, %dma_start3A_92] : memref<5024x2x128xi32, #tpu.memory_space<hbm>> -> memref<64x2x128xi32, #tpu.memory_space<hbm>>
      %dma_start3A_94 = arith.constant 0 : i32
      %dma_start3A_95 = arith.constant 0 : i32
      %dma_start3A_96 = tpu.memref_slice %arg2[%add3A_28, %dma_start3A_94, %dma_start3A_95] : memref<5024x2x128xi32, #tpu.memory_space<hbm>> -> memref<64x2x128xi32, #tpu.memory_space<hbm>>
      tpu.enqueue_dma source(%dma_start3A_96 : memref<64x2x128xi32, #tpu.memory_space<hbm>>) target(%arg6 : memref<64x2x128xi32, #tpu.memory_space<vmem>>) target_semaphore(%run_scoped3A_91 : memref<!tpu.dma_semaphore, #tpu.memory_space<semaphore_mem>>)
      %dma_wait3A_97 = arith.constant 0 : i32
      %dma_wait3A_98 = arith.constant 0 : i32
      %dma_wait3A_99 = tpu.memref_slice %arg2[%add3A_28, %dma_wait3A_97, %dma_wait3A_98] : memref<5024x2x128xi32, #tpu.memory_space<hbm>> -> memref<64x2x128xi32, #tpu.memory_space<hbm>>
      %dma_wait3A_100 = arith.constant 0 : i32
      %dma_wait3A_101 = arith.constant 0 : i32
      %dma_wait3A_102 = tpu.memref_slice %arg2[%add3A_28, %dma_wait3A_100, %dma_wait3A_101] : memref<5024x2x128xi32, #tpu.memory_space<hbm>> -> memref<64x2x128xi32, #tpu.memory_space<hbm>>
      tpu.wait_dma2 semaphore(%run_scoped3A_91 : memref<!tpu.dma_semaphore, #tpu.memory_space<semaphore_mem>>) src(%dma_wait3A_102 : memref<64x2x128xi32, #tpu.memory_space<hbm>>) dst(%arg6 : memref<64x2x128xi32, #tpu.memory_space<vmem>>)
      tpu.yield
    }) : () -> ()
    %scan3A_29 = arith.constant 0 : i32
    %scan3A_30 = arith.constant 0 : i32
    %scan3A_31 = arith.constant 32 : i32
    %scan3A_32 = arith.addi %scan3A_30, %scan3A_31 : i32
    %scan3A_33 = arith.constant 1 : i32
    scf.for %scan3A_91 = %scan3A_30 to %scan3A_32 step %scan3A_33  : i32 {
      %gt3A = arith.constant 0 : i32
      %gt3A_92 = arith.cmpi sgt, %scan3A_91, %gt3A : i32
      %convert_element_type3A_93 = arith.extui %gt3A_92 : i1 to i32
      %cond3A_94 = arith.constant 0 : i32
      %cond3A_95 = arith.cmpi ne, %convert_element_type3A_93, %cond3A_94 : i32
      scf.if %cond3A_95 {
        %mul3A_160 = arith.constant 2 : i32
        %mul3A_161 = arith.muli %mul3A_160, %scan3A_91 : i32
        %dma_wait3A_162 = arith.constant 1 : i32
        %dma_wait3A_163 = arith.constant 0 : i32
        %dma_wait3A_164 = tpu.memref_slice %arg6[%mul3A_161, %dma_wait3A_162, %dma_wait3A_163] : memref<64x2x128xi32, #tpu.memory_space<vmem>> -> memref<1x1x128xi32, #tpu.memory_space<vmem>>
        %dma_wait3A_165 = tpu.memref_squeeze %dma_wait3A_164 : memref<1x1x128xi32, #tpu.memory_space<vmem>> -> memref<128xi32, #tpu.memory_space<vmem>>
        %dma_wait3A_166 = arith.constant 0 : i32
        %dma_wait3A_167 = arith.constant 0 : i32
        %dma_wait3A_168 = tpu.memref_slice %arg13[%dma_wait3A_166, %dma_wait3A_167] : memref<10112x128xf32, #tpu.memory_space<vmem_shared>> -> memref<10112x128xf32, #tpu.memory_space<vmem_shared>>
        tpu.wait_indirect_dma semaphore(%arg11 : memref<!tpu.dma_semaphore, #tpu.memory_space<semaphore_mem>>) src(%arg7 : memref<128x128xf32, #tpu.memory_space<vmem>>) dst(%dma_wait3A_168 : memref<10112x128xf32, #tpu.memory_space<vmem_shared>>)
      } else {
      }
      %mul3A_96 = arith.constant 2 : i32
      %mul3A_97 = arith.muli %mul3A_96, %scan3A_91 : i32
      %dma_start3A = arith.constant 0 : i32
      %dma_start3A_98 = arith.constant 0 : i32
      %dma_start3A_99 = tpu.memref_slice %arg6[%mul3A_97, %dma_start3A, %dma_start3A_98] : memref<64x2x128xi32, #tpu.memory_space<vmem>> -> memref<1x1x128xi32, #tpu.memory_space<vmem>>
      %dma_start3A_100 = tpu.memref_squeeze %dma_start3A_99 : memref<1x1x128xi32, #tpu.memory_space<vmem>> -> memref<128xi32, #tpu.memory_space<vmem>>
      %dma_start3A_101 = arith.constant 0 : i32
      %dma_start3A_102 = arith.constant 0 : i32
      %dma_start3A_103 = tpu.memref_slice %arg3[%dma_start3A_101, %dma_start3A_102] : memref<20000x128xf32, #tpu.memory_space<hbm>> -> memref<20000x128xf32, #tpu.memory_space<hbm>>
      tpu.enqueue_indirect_dma source(%dma_start3A_103 : memref<20000x128xf32, #tpu.memory_space<hbm>>) target(%arg7 : memref<128x128xf32, #tpu.memory_space<vmem>>) offsets(%dma_start3A_100 : memref<128xi32, #tpu.memory_space<vmem>>) semaphore(%arg9 : memref<!tpu.dma_semaphore, #tpu.memory_space<semaphore_mem>>)
      %gt3A_104 = arith.constant 0 : i32
      %gt3A_105 = arith.cmpi sgt, %scan3A_91, %gt3A_104 : i32
      %convert_element_type3A_106 = arith.extui %gt3A_105 : i1 to i32
      %cond3A_107 = arith.constant 0 : i32
      %cond3A_108 = arith.cmpi ne, %convert_element_type3A_106, %cond3A_107 : i32
      scf.if %cond3A_108 {
        %mul3A_160 = arith.constant 2 : i32
        %mul3A_161 = arith.muli %mul3A_160, %scan3A_91 : i32
        %dma_wait3A_162 = arith.constant 1 : i32
        %dma_wait3A_163 = arith.constant 0 : i32
        %dma_wait3A_164 = tpu.memref_slice %arg6[%mul3A_161, %dma_wait3A_162, %dma_wait3A_163] : memref<64x2x128xi32, #tpu.memory_space<vmem>> -> memref<1x1x128xi32, #tpu.memory_space<vmem>>
        %dma_wait3A_165 = tpu.memref_squeeze %dma_wait3A_164 : memref<1x1x128xi32, #tpu.memory_space<vmem>> -> memref<128xi32, #tpu.memory_space<vmem>>
        %dma_wait3A_166 = arith.constant 0 : i32
        %dma_wait3A_167 = arith.constant 0 : i32
        %dma_wait3A_168 = tpu.memref_slice %arg13[%dma_wait3A_166, %dma_wait3A_167] : memref<10112x128xf32, #tpu.memory_space<vmem_shared>> -> memref<10112x128xf32, #tpu.memory_space<vmem_shared>>
        tpu.wait_indirect_dma semaphore(%arg12 : memref<!tpu.dma_semaphore, #tpu.memory_space<semaphore_mem>>) src(%arg8 : memref<128x128xf32, #tpu.memory_space<vmem>>) dst(%dma_wait3A_168 : memref<10112x128xf32, #tpu.memory_space<vmem_shared>>)
      } else {
      }
      %mul3A_109 = arith.constant 2 : i32
      %mul3A_110 = arith.muli %mul3A_109, %scan3A_91 : i32
      %add3A_111 = arith.constant 1 : i32
      %add3A_112 = arith.addi %mul3A_110, %add3A_111 : i32
      %dma_start3A_113 = arith.constant 0 : i32
      %dma_start3A_114 = arith.constant 0 : i32
      %dma_start3A_115 = tpu.memref_slice %arg6[%add3A_112, %dma_start3A_113, %dma_start3A_114] : memref<64x2x128xi32, #tpu.memory_space<vmem>> -> memref<1x1x128xi32, #tpu.memory_space<vmem>>
      %dma_start3A_116 = tpu.memref_squeeze %dma_start3A_115 : memref<1x1x128xi32, #tpu.memory_space<vmem>> -> memref<128xi32, #tpu.memory_space<vmem>>
      %dma_start3A_117 = arith.constant 0 : i32
      %dma_start3A_118 = arith.constant 0 : i32
      %dma_start3A_119 = tpu.memref_slice %arg3[%dma_start3A_117, %dma_start3A_118] : memref<20000x128xf32, #tpu.memory_space<hbm>> -> memref<20000x128xf32, #tpu.memory_space<hbm>>
      tpu.enqueue_indirect_dma source(%dma_start3A_119 : memref<20000x128xf32, #tpu.memory_space<hbm>>) target(%arg8 : memref<128x128xf32, #tpu.memory_space<vmem>>) offsets(%dma_start3A_116 : memref<128xi32, #tpu.memory_space<vmem>>) semaphore(%arg10 : memref<!tpu.dma_semaphore, #tpu.memory_space<semaphore_mem>>)
      %mul3A_120 = arith.constant 2 : i32
      %mul3A_121 = arith.muli %mul3A_120, %scan3A_91 : i32
      %dma_wait3A_122 = arith.constant 0 : i32
      %dma_wait3A_123 = arith.constant 0 : i32
      %dma_wait3A_124 = tpu.memref_slice %arg6[%mul3A_121, %dma_wait3A_122, %dma_wait3A_123] : memref<64x2x128xi32, #tpu.memory_space<vmem>> -> memref<1x1x128xi32, #tpu.memory_space<vmem>>
      %dma_wait3A_125 = tpu.memref_squeeze %dma_wait3A_124 : memref<1x1x128xi32, #tpu.memory_space<vmem>> -> memref<128xi32, #tpu.memory_space<vmem>>
      %dma_wait3A_126 = arith.constant 0 : i32
      %dma_wait3A_127 = arith.constant 0 : i32
      %dma_wait3A_128 = tpu.memref_slice %arg3[%dma_wait3A_126, %dma_wait3A_127] : memref<20000x128xf32, #tpu.memory_space<hbm>> -> memref<20000x128xf32, #tpu.memory_space<hbm>>
      tpu.wait_indirect_dma semaphore(%arg9 : memref<!tpu.dma_semaphore, #tpu.memory_space<semaphore_mem>>) src(%dma_wait3A_128 : memref<20000x128xf32, #tpu.memory_space<hbm>>) dst(%arg7 : memref<128x128xf32, #tpu.memory_space<vmem>>)
      %mul3A_129 = arith.constant 2 : i32
      %mul3A_130 = arith.muli %mul3A_129, %scan3A_91 : i32
      %dma_start3A_131 = arith.constant 1 : i32
      %dma_start3A_132 = arith.constant 0 : i32
      %dma_start3A_133 = tpu.memref_slice %arg6[%mul3A_130, %dma_start3A_131, %dma_start3A_132] : memref<64x2x128xi32, #tpu.memory_space<vmem>> -> memref<1x1x128xi32, #tpu.memory_space<vmem>>
      %dma_start3A_134 = tpu.memref_squeeze %dma_start3A_133 : memref<1x1x128xi32, #tpu.memory_space<vmem>> -> memref<128xi32, #tpu.memory_space<vmem>>
      %dma_start3A_135 = arith.constant 0 : i32
      %dma_start3A_136 = arith.constant 0 : i32
      %dma_start3A_137 = tpu.memref_slice %arg13[%dma_start3A_135, %dma_start3A_136] : memref<10112x128xf32, #tpu.memory_space<vmem_shared>> -> memref<10112x128xf32, #tpu.memory_space<vmem_shared>>
      tpu.enqueue_indirect_dma source(%arg7 : memref<128x128xf32, #tpu.memory_space<vmem>>) target(%dma_start3A_137 : memref<10112x128xf32, #tpu.memory_space<vmem_shared>>) offsets(%dma_start3A_134 : memref<128xi32, #tpu.memory_space<vmem>>) semaphore(%arg11 : memref<!tpu.dma_semaphore, #tpu.memory_space<semaphore_mem>>) {add = true}
      %mul3A_138 = arith.constant 2 : i32
      %mul3A_139 = arith.muli %mul3A_138, %scan3A_91 : i32
      %add3A_140 = arith.constant 1 : i32
      %add3A_141 = arith.addi %mul3A_139, %add3A_140 : i32
      %dma_wait3A_142 = arith.constant 0 : i32
      %dma_wait3A_143 = arith.constant 0 : i32
      %dma_wait3A_144 = tpu.memref_slice %arg6[%add3A_141, %dma_wait3A_142, %dma_wait3A_143] : memref<64x2x128xi32, #tpu.memory_space<vmem>> -> memref<1x1x128xi32, #tpu.memory_space<vmem>>
      %dma_wait3A_145 = tpu.memref_squeeze %dma_wait3A_144 : memref<1x1x128xi32, #tpu.memory_space<vmem>> -> memref<128xi32, #tpu.memory_space<vmem>>
      %dma_wait3A_146 = arith.constant 0 : i32
      %dma_wait3A_147 = arith.constant 0 : i32
      %dma_wait3A_148 = tpu.memref_slice %arg3[%dma_wait3A_146, %dma_wait3A_147] : memref<20000x128xf32, #tpu.memory_space<hbm>> -> memref<20000x128xf32, #tpu.memory_space<hbm>>
      tpu.wait_indirect_dma semaphore(%arg10 : memref<!tpu.dma_semaphore, #tpu.memory_space<semaphore_mem>>) src(%dma_wait3A_148 : memref<20000x128xf32, #tpu.memory_space<hbm>>) dst(%arg8 : memref<128x128xf32, #tpu.memory_space<vmem>>)
      %mul3A_149 = arith.constant 2 : i32
      %mul3A_150 = arith.muli %mul3A_149, %scan3A_91 : i32
      %add3A_151 = arith.constant 1 : i32
      %add3A_152 = arith.addi %mul3A_150, %add3A_151 : i32
      %dma_start3A_153 = arith.constant 1 : i32
      %dma_start3A_154 = arith.constant 0 : i32
      %dma_start3A_155 = tpu.memref_slice %arg6[%add3A_152, %dma_start3A_153, %dma_start3A_154] : memref<64x2x128xi32, #tpu.memory_space<vmem>> -> memref<1x1x128xi32, #tpu.memory_space<vmem>>
      %dma_start3A_156 = tpu.memref_squeeze %dma_start3A_155 : memref<1x1x128xi32, #tpu.memory_space<vmem>> -> memref<128xi32, #tpu.memory_space<vmem>>
      %dma_start3A_157 = arith.constant 0 : i32
      %dma_start3A_158 = arith.constant 0 : i32
      %dma_start3A_159 = tpu.memref_slice %arg13[%dma_start3A_157, %dma_start3A_158] : memref<10112x128xf32, #tpu.memory_space<vmem_shared>> -> memref<10112x128xf32, #tpu.memory_space<vmem_shared>>
      tpu.enqueue_indirect_dma source(%arg8 : memref<128x128xf32, #tpu.memory_space<vmem>>) target(%dma_start3A_159 : memref<10112x128xf32, #tpu.memory_space<vmem_shared>>) offsets(%dma_start3A_156 : memref<128xi32, #tpu.memory_space<vmem>>) semaphore(%arg12 : memref<!tpu.dma_semaphore, #tpu.memory_space<semaphore_mem>>) {add = true}
    }
    %scan3A_34 = arith.constant 32 : i32
    %dma_wait3A_35 = arith.constant 0 : i32
    %dma_wait3A_36 = arith.constant 1 : i32
    %dma_wait3A_37 = arith.constant 0 : i32
    %dma_wait3A_38 = tpu.memref_slice %arg6[%dma_wait3A_35, %dma_wait3A_36, %dma_wait3A_37] : memref<64x2x128xi32, #tpu.memory_space<vmem>> -> memref<1x1x128xi32, #tpu.memory_space<vmem>>
    %dma_wait3A_39 = tpu.memref_squeeze %dma_wait3A_38 : memref<1x1x128xi32, #tpu.memory_space<vmem>> -> memref<128xi32, #tpu.memory_space<vmem>>
    %dma_wait3A_40 = arith.constant 0 : i32
    %dma_wait3A_41 = arith.constant 0 : i32
    %dma_wait3A_42 = tpu.memref_slice %arg13[%dma_wait3A_40, %dma_wait3A_41] : memref<10112x128xf32, #tpu.memory_space<vmem_shared>> -> memref<10112x128xf32, #tpu.memory_space<vmem_shared>>
    tpu.wait_indirect_dma semaphore(%arg11 : memref<!tpu.dma_semaphore, #tpu.memory_space<semaphore_mem>>) src(%arg7 : memref<128x128xf32, #tpu.memory_space<vmem>>) dst(%dma_wait3A_42 : memref<10112x128xf32, #tpu.memory_space<vmem_shared>>)
    %dma_wait3A_43 = arith.constant 0 : i32
    %dma_wait3A_44 = arith.constant 1 : i32
    %dma_wait3A_45 = arith.constant 0 : i32
    %dma_wait3A_46 = tpu.memref_slice %arg6[%dma_wait3A_43, %dma_wait3A_44, %dma_wait3A_45] : memref<64x2x128xi32, #tpu.memory_space<vmem>> -> memref<1x1x128xi32, #tpu.memory_space<vmem>>
    %dma_wait3A_47 = tpu.memref_squeeze %dma_wait3A_46 : memref<1x1x128xi32, #tpu.memory_space<vmem>> -> memref<128xi32, #tpu.memory_space<vmem>>
    %dma_wait3A_48 = arith.constant 0 : i32
    %dma_wait3A_49 = arith.constant 0 : i32
    %dma_wait3A_50 = tpu.memref_slice %arg13[%dma_wait3A_48, %dma_wait3A_49] : memref<10112x128xf32, #tpu.memory_space<vmem_shared>> -> memref<10112x128xf32, #tpu.memory_space<vmem_shared>>
    tpu.wait_indirect_dma semaphore(%arg12 : memref<!tpu.dma_semaphore, #tpu.memory_space<semaphore_mem>>) src(%arg8 : memref<128x128xf32, #tpu.memory_space<vmem>>) dst(%dma_wait3A_50 : memref<10112x128xf32, #tpu.memory_space<vmem_shared>>)
    %mul3A_51 = arith.constant 157 : i32
    %mul3A_52 = arith.muli %add3A, %mul3A_51 : i32
    %add3A_53 = arith.constant 128 : i32
    %add3A_54 = arith.addi %mul3A_52, %add3A_53 : i32
    "tpu.region"() ({
      %run_scoped3A_91 = tpu.sem_alloc : memref<!tpu.dma_semaphore, #tpu.memory_space<semaphore_mem>>
      %dma_start3A = arith.constant 0 : i32
      %dma_start3A_92 = arith.constant 0 : i32
      %dma_start3A_93 = arith.constant 0 : i32
      %dma_start3A_94 = tpu.memref_slice %arg6[%dma_start3A, %dma_start3A_92, %dma_start3A_93] : memref<64x2x128xi32, #tpu.memory_space<vmem>> -> memref<29x2x128xi32, #tpu.memory_space<vmem>>
      %dma_start3A_95 = arith.constant 0 : i32
      %dma_start3A_96 = arith.constant 0 : i32
      %dma_start3A_97 = tpu.memref_slice %arg2[%add3A_54, %dma_start3A_95, %dma_start3A_96] : memref<5024x2x128xi32, #tpu.memory_space<hbm>> -> memref<29x2x128xi32, #tpu.memory_space<hbm>>
      %dma_start3A_98 = arith.constant 0 : i32
      %dma_start3A_99 = arith.constant 0 : i32
      %dma_start3A_100 = arith.constant 0 : i32
      %dma_start3A_101 = tpu.memref_slice %arg6[%dma_start3A_98, %dma_start3A_99, %dma_start3A_100] : memref<64x2x128xi32, #tpu.memory_space<vmem>> -> memref<29x2x128xi32, #tpu.memory_space<vmem>>
      %dma_start3A_102 = arith.constant 0 : i32
      %dma_start3A_103 = arith.constant 0 : i32
      %dma_start3A_104 = tpu.memref_slice %arg2[%add3A_54, %dma_start3A_102, %dma_start3A_103] : memref<5024x2x128xi32, #tpu.memory_space<hbm>> -> memref<29x2x128xi32, #tpu.memory_space<hbm>>
      tpu.enqueue_dma source(%dma_start3A_104 : memref<29x2x128xi32, #tpu.memory_space<hbm>>) target(%dma_start3A_101 : memref<29x2x128xi32, #tpu.memory_space<vmem>>) target_semaphore(%run_scoped3A_91 : memref<!tpu.dma_semaphore, #tpu.memory_space<semaphore_mem>>)
      %dma_wait3A_105 = arith.constant 0 : i32
      %dma_wait3A_106 = arith.constant 0 : i32
      %dma_wait3A_107 = arith.constant 0 : i32
      %dma_wait3A_108 = tpu.memref_slice %arg6[%dma_wait3A_105, %dma_wait3A_106, %dma_wait3A_107] : memref<64x2x128xi32, #tpu.memory_space<vmem>> -> memref<29x2x128xi32, #tpu.memory_space<vmem>>
      %dma_wait3A_109 = arith.constant 0 : i32
      %dma_wait3A_110 = arith.constant 0 : i32
      %dma_wait3A_111 = tpu.memref_slice %arg2[%add3A_54, %dma_wait3A_109, %dma_wait3A_110] : memref<5024x2x128xi32, #tpu.memory_space<hbm>> -> memref<29x2x128xi32, #tpu.memory_space<hbm>>
      %dma_wait3A_112 = arith.constant 0 : i32
      %dma_wait3A_113 = arith.constant 0 : i32
      %dma_wait3A_114 = arith.constant 0 : i32
      %dma_wait3A_115 = tpu.memref_slice %arg6[%dma_wait3A_112, %dma_wait3A_113, %dma_wait3A_114] : memref<64x2x128xi32, #tpu.memory_space<vmem>> -> memref<29x2x128xi32, #tpu.memory_space<vmem>>
      %dma_wait3A_116 = arith.constant 0 : i32
      %dma_wait3A_117 = arith.constant 0 : i32
      %dma_wait3A_118 = tpu.memref_slice %arg2[%add3A_54, %dma_wait3A_116, %dma_wait3A_117] : memref<5024x2x128xi32, #tpu.memory_space<hbm>> -> memref<29x2x128xi32, #tpu.memory_space<hbm>>
      tpu.wait_dma2 semaphore(%run_scoped3A_91 : memref<!tpu.dma_semaphore, #tpu.memory_space<semaphore_mem>>) src(%dma_wait3A_118 : memref<29x2x128xi32, #tpu.memory_space<hbm>>) dst(%dma_wait3A_115 : memref<29x2x128xi32, #tpu.memory_space<vmem>>)
      tpu.yield
    }) : () -> ()
    %scan3A_55 = arith.constant 0 : i32
    %scan3A_56 = arith.constant 0 : i32
    %scan3A_57 = arith.constant 14 : i32
    %scan3A_58 = arith.addi %scan3A_56, %scan3A_57 : i32
    %scan3A_59 = arith.constant 1 : i32
    scf.for %scan3A_91 = %scan3A_56 to %scan3A_58 step %scan3A_59  : i32 {
      %gt3A = arith.constant 0 : i32
      %gt3A_92 = arith.cmpi sgt, %scan3A_91, %gt3A : i32
      %convert_element_type3A_93 = arith.extui %gt3A_92 : i1 to i32
      %cond3A_94 = arith.constant 0 : i32
      %cond3A_95 = arith.cmpi ne, %convert_element_type3A_93, %cond3A_94 : i32
      scf.if %cond3A_95 {
        %mul3A_160 = arith.constant 2 : i32
        %mul3A_161 = arith.muli %mul3A_160, %scan3A_91 : i32
        %dma_wait3A_162 = arith.constant 1 : i32
        %dma_wait3A_163 = arith.constant 0 : i32
        %dma_wait3A_164 = tpu.memref_slice %arg6[%mul3A_161, %dma_wait3A_162, %dma_wait3A_163] : memref<64x2x128xi32, #tpu.memory_space<vmem>> -> memref<1x1x128xi32, #tpu.memory_space<vmem>>
        %dma_wait3A_165 = tpu.memref_squeeze %dma_wait3A_164 : memref<1x1x128xi32, #tpu.memory_space<vmem>> -> memref<128xi32, #tpu.memory_space<vmem>>
        %dma_wait3A_166 = arith.constant 0 : i32
        %dma_wait3A_167 = arith.constant 0 : i32
        %dma_wait3A_168 = tpu.memref_slice %arg13[%dma_wait3A_166, %dma_wait3A_167] : memref<10112x128xf32, #tpu.memory_space<vmem_shared>> -> memref<10112x128xf32, #tpu.memory_space<vmem_shared>>
        tpu.wait_indirect_dma semaphore(%arg11 : memref<!tpu.dma_semaphore, #tpu.memory_space<semaphore_mem>>) src(%arg7 : memref<128x128xf32, #tpu.memory_space<vmem>>) dst(%dma_wait3A_168 : memref<10112x128xf32, #tpu.memory_space<vmem_shared>>)
      } else {
      }
      %mul3A_96 = arith.constant 2 : i32
      %mul3A_97 = arith.muli %mul3A_96, %scan3A_91 : i32
      %dma_start3A = arith.constant 0 : i32
      %dma_start3A_98 = arith.constant 0 : i32
      %dma_start3A_99 = tpu.memref_slice %arg6[%mul3A_97, %dma_start3A, %dma_start3A_98] : memref<64x2x128xi32, #tpu.memory_space<vmem>> -> memref<1x1x128xi32, #tpu.memory_space<vmem>>
      %dma_start3A_100 = tpu.memref_squeeze %dma_start3A_99 : memref<1x1x128xi32, #tpu.memory_space<vmem>> -> memref<128xi32, #tpu.memory_space<vmem>>
      %dma_start3A_101 = arith.constant 0 : i32
      %dma_start3A_102 = arith.constant 0 : i32
      %dma_start3A_103 = tpu.memref_slice %arg3[%dma_start3A_101, %dma_start3A_102] : memref<20000x128xf32, #tpu.memory_space<hbm>> -> memref<20000x128xf32, #tpu.memory_space<hbm>>
      tpu.enqueue_indirect_dma source(%dma_start3A_103 : memref<20000x128xf32, #tpu.memory_space<hbm>>) target(%arg7 : memref<128x128xf32, #tpu.memory_space<vmem>>) offsets(%dma_start3A_100 : memref<128xi32, #tpu.memory_space<vmem>>) semaphore(%arg9 : memref<!tpu.dma_semaphore, #tpu.memory_space<semaphore_mem>>)
      %gt3A_104 = arith.constant 0 : i32
      %gt3A_105 = arith.cmpi sgt, %scan3A_91, %gt3A_104 : i32
      %convert_element_type3A_106 = arith.extui %gt3A_105 : i1 to i32
      %cond3A_107 = arith.constant 0 : i32
      %cond3A_108 = arith.cmpi ne, %convert_element_type3A_106, %cond3A_107 : i32
      scf.if %cond3A_108 {
        %mul3A_160 = arith.constant 2 : i32
        %mul3A_161 = arith.muli %mul3A_160, %scan3A_91 : i32
        %dma_wait3A_162 = arith.constant 1 : i32
        %dma_wait3A_163 = arith.constant 0 : i32
        %dma_wait3A_164 = tpu.memref_slice %arg6[%mul3A_161, %dma_wait3A_162, %dma_wait3A_163] : memref<64x2x128xi32, #tpu.memory_space<vmem>> -> memref<1x1x128xi32, #tpu.memory_space<vmem>>
        %dma_wait3A_165 = tpu.memref_squeeze %dma_wait3A_164 : memref<1x1x128xi32, #tpu.memory_space<vmem>> -> memref<128xi32, #tpu.memory_space<vmem>>
        %dma_wait3A_166 = arith.constant 0 : i32
        %dma_wait3A_167 = arith.constant 0 : i32
        %dma_wait3A_168 = tpu.memref_slice %arg13[%dma_wait3A_166, %dma_wait3A_167] : memref<10112x128xf32, #tpu.memory_space<vmem_shared>> -> memref<10112x128xf32, #tpu.memory_space<vmem_shared>>
        tpu.wait_indirect_dma semaphore(%arg12 : memref<!tpu.dma_semaphore, #tpu.memory_space<semaphore_mem>>) src(%arg8 : memref<128x128xf32, #tpu.memory_space<vmem>>) dst(%dma_wait3A_168 : memref<10112x128xf32, #tpu.memory_space<vmem_shared>>)
      } else {
      }
      %mul3A_109 = arith.constant 2 : i32
      %mul3A_110 = arith.muli %mul3A_109, %scan3A_91 : i32
      %add3A_111 = arith.constant 1 : i32
      %add3A_112 = arith.addi %mul3A_110, %add3A_111 : i32
      %dma_start3A_113 = arith.constant 0 : i32
      %dma_start3A_114 = arith.constant 0 : i32
      %dma_start3A_115 = tpu.memref_slice %arg6[%add3A_112, %dma_start3A_113, %dma_start3A_114] : memref<64x2x128xi32, #tpu.memory_space<vmem>> -> memref<1x1x128xi32, #tpu.memory_space<vmem>>
      %dma_start3A_116 = tpu.memref_squeeze %dma_start3A_115 : memref<1x1x128xi32, #tpu.memory_space<vmem>> -> memref<128xi32, #tpu.memory_space<vmem>>
      %dma_start3A_117 = arith.constant 0 : i32
      %dma_start3A_118 = arith.constant 0 : i32
      %dma_start3A_119 = tpu.memref_slice %arg3[%dma_start3A_117, %dma_start3A_118] : memref<20000x128xf32, #tpu.memory_space<hbm>> -> memref<20000x128xf32, #tpu.memory_space<hbm>>
      tpu.enqueue_indirect_dma source(%dma_start3A_119 : memref<20000x128xf32, #tpu.memory_space<hbm>>) target(%arg8 : memref<128x128xf32, #tpu.memory_space<vmem>>) offsets(%dma_start3A_116 : memref<128xi32, #tpu.memory_space<vmem>>) semaphore(%arg10 : memref<!tpu.dma_semaphore, #tpu.memory_space<semaphore_mem>>)
      %mul3A_120 = arith.constant 2 : i32
      %mul3A_121 = arith.muli %mul3A_120, %scan3A_91 : i32
      %dma_wait3A_122 = arith.constant 0 : i32
      %dma_wait3A_123 = arith.constant 0 : i32
      %dma_wait3A_124 = tpu.memref_slice %arg6[%mul3A_121, %dma_wait3A_122, %dma_wait3A_123] : memref<64x2x128xi32, #tpu.memory_space<vmem>> -> memref<1x1x128xi32, #tpu.memory_space<vmem>>
      %dma_wait3A_125 = tpu.memref_squeeze %dma_wait3A_124 : memref<1x1x128xi32, #tpu.memory_space<vmem>> -> memref<128xi32, #tpu.memory_space<vmem>>
      %dma_wait3A_126 = arith.constant 0 : i32
      %dma_wait3A_127 = arith.constant 0 : i32
      %dma_wait3A_128 = tpu.memref_slice %arg3[%dma_wait3A_126, %dma_wait3A_127] : memref<20000x128xf32, #tpu.memory_space<hbm>> -> memref<20000x128xf32, #tpu.memory_space<hbm>>
      tpu.wait_indirect_dma semaphore(%arg9 : memref<!tpu.dma_semaphore, #tpu.memory_space<semaphore_mem>>) src(%dma_wait3A_128 : memref<20000x128xf32, #tpu.memory_space<hbm>>) dst(%arg7 : memref<128x128xf32, #tpu.memory_space<vmem>>)
      %mul3A_129 = arith.constant 2 : i32
      %mul3A_130 = arith.muli %mul3A_129, %scan3A_91 : i32
      %dma_start3A_131 = arith.constant 1 : i32
      %dma_start3A_132 = arith.constant 0 : i32
      %dma_start3A_133 = tpu.memref_slice %arg6[%mul3A_130, %dma_start3A_131, %dma_start3A_132] : memref<64x2x128xi32, #tpu.memory_space<vmem>> -> memref<1x1x128xi32, #tpu.memory_space<vmem>>
      %dma_start3A_134 = tpu.memref_squeeze %dma_start3A_133 : memref<1x1x128xi32, #tpu.memory_space<vmem>> -> memref<128xi32, #tpu.memory_space<vmem>>
      %dma_start3A_135 = arith.constant 0 : i32
      %dma_start3A_136 = arith.constant 0 : i32
      %dma_start3A_137 = tpu.memref_slice %arg13[%dma_start3A_135, %dma_start3A_136] : memref<10112x128xf32, #tpu.memory_space<vmem_shared>> -> memref<10112x128xf32, #tpu.memory_space<vmem_shared>>
      tpu.enqueue_indirect_dma source(%arg7 : memref<128x128xf32, #tpu.memory_space<vmem>>) target(%dma_start3A_137 : memref<10112x128xf32, #tpu.memory_space<vmem_shared>>) offsets(%dma_start3A_134 : memref<128xi32, #tpu.memory_space<vmem>>) semaphore(%arg11 : memref<!tpu.dma_semaphore, #tpu.memory_space<semaphore_mem>>) {add = true}
      %mul3A_138 = arith.constant 2 : i32
      %mul3A_139 = arith.muli %mul3A_138, %scan3A_91 : i32
      %add3A_140 = arith.constant 1 : i32
      %add3A_141 = arith.addi %mul3A_139, %add3A_140 : i32
      %dma_wait3A_142 = arith.constant 0 : i32
      %dma_wait3A_143 = arith.constant 0 : i32
      %dma_wait3A_144 = tpu.memref_slice %arg6[%add3A_141, %dma_wait3A_142, %dma_wait3A_143] : memref<64x2x128xi32, #tpu.memory_space<vmem>> -> memref<1x1x128xi32, #tpu.memory_space<vmem>>
      %dma_wait3A_145 = tpu.memref_squeeze %dma_wait3A_144 : memref<1x1x128xi32, #tpu.memory_space<vmem>> -> memref<128xi32, #tpu.memory_space<vmem>>
      %dma_wait3A_146 = arith.constant 0 : i32
      %dma_wait3A_147 = arith.constant 0 : i32
      %dma_wait3A_148 = tpu.memref_slice %arg3[%dma_wait3A_146, %dma_wait3A_147] : memref<20000x128xf32, #tpu.memory_space<hbm>> -> memref<20000x128xf32, #tpu.memory_space<hbm>>
      tpu.wait_indirect_dma semaphore(%arg10 : memref<!tpu.dma_semaphore, #tpu.memory_space<semaphore_mem>>) src(%dma_wait3A_148 : memref<20000x128xf32, #tpu.memory_space<hbm>>) dst(%arg8 : memref<128x128xf32, #tpu.memory_space<vmem>>)
      %mul3A_149 = arith.constant 2 : i32
      %mul3A_150 = arith.muli %mul3A_149, %scan3A_91 : i32
      %add3A_151 = arith.constant 1 : i32
      %add3A_152 = arith.addi %mul3A_150, %add3A_151 : i32
      %dma_start3A_153 = arith.constant 1 : i32
      %dma_start3A_154 = arith.constant 0 : i32
      %dma_start3A_155 = tpu.memref_slice %arg6[%add3A_152, %dma_start3A_153, %dma_start3A_154] : memref<64x2x128xi32, #tpu.memory_space<vmem>> -> memref<1x1x128xi32, #tpu.memory_space<vmem>>
      %dma_start3A_156 = tpu.memref_squeeze %dma_start3A_155 : memref<1x1x128xi32, #tpu.memory_space<vmem>> -> memref<128xi32, #tpu.memory_space<vmem>>
      %dma_start3A_157 = arith.constant 0 : i32
      %dma_start3A_158 = arith.constant 0 : i32
      %dma_start3A_159 = tpu.memref_slice %arg13[%dma_start3A_157, %dma_start3A_158] : memref<10112x128xf32, #tpu.memory_space<vmem_shared>> -> memref<10112x128xf32, #tpu.memory_space<vmem_shared>>
      tpu.enqueue_indirect_dma source(%arg8 : memref<128x128xf32, #tpu.memory_space<vmem>>) target(%dma_start3A_159 : memref<10112x128xf32, #tpu.memory_space<vmem_shared>>) offsets(%dma_start3A_156 : memref<128xi32, #tpu.memory_space<vmem>>) semaphore(%arg12 : memref<!tpu.dma_semaphore, #tpu.memory_space<semaphore_mem>>) {add = true}
    }
    %scan3A_60 = arith.constant 14 : i32
    %dma_wait3A_61 = arith.constant 0 : i32
    %dma_wait3A_62 = arith.constant 1 : i32
    %dma_wait3A_63 = arith.constant 0 : i32
    %dma_wait3A_64 = tpu.memref_slice %arg6[%dma_wait3A_61, %dma_wait3A_62, %dma_wait3A_63] : memref<64x2x128xi32, #tpu.memory_space<vmem>> -> memref<1x1x128xi32, #tpu.memory_space<vmem>>
    %dma_wait3A_65 = tpu.memref_squeeze %dma_wait3A_64 : memref<1x1x128xi32, #tpu.memory_space<vmem>> -> memref<128xi32, #tpu.memory_space<vmem>>
    %dma_wait3A_66 = arith.constant 0 : i32
    %dma_wait3A_67 = arith.constant 0 : i32
    %dma_wait3A_68 = tpu.memref_slice %arg13[%dma_wait3A_66, %dma_wait3A_67] : memref<10112x128xf32, #tpu.memory_space<vmem_shared>> -> memref<10112x128xf32, #tpu.memory_space<vmem_shared>>
    tpu.wait_indirect_dma semaphore(%arg11 : memref<!tpu.dma_semaphore, #tpu.memory_space<semaphore_mem>>) src(%arg7 : memref<128x128xf32, #tpu.memory_space<vmem>>) dst(%dma_wait3A_68 : memref<10112x128xf32, #tpu.memory_space<vmem_shared>>)
    %dma_wait3A_69 = arith.constant 0 : i32
    %dma_wait3A_70 = arith.constant 1 : i32
    %dma_wait3A_71 = arith.constant 0 : i32
    %dma_wait3A_72 = tpu.memref_slice %arg6[%dma_wait3A_69, %dma_wait3A_70, %dma_wait3A_71] : memref<64x2x128xi32, #tpu.memory_space<vmem>> -> memref<1x1x128xi32, #tpu.memory_space<vmem>>
    %dma_wait3A_73 = tpu.memref_squeeze %dma_wait3A_72 : memref<1x1x128xi32, #tpu.memory_space<vmem>> -> memref<128xi32, #tpu.memory_space<vmem>>
    %dma_wait3A_74 = arith.constant 0 : i32
    %dma_wait3A_75 = arith.constant 0 : i32
    %dma_wait3A_76 = tpu.memref_slice %arg13[%dma_wait3A_74, %dma_wait3A_75] : memref<10112x128xf32, #tpu.memory_space<vmem_shared>> -> memref<10112x128xf32, #tpu.memory_space<vmem_shared>>
    tpu.wait_indirect_dma semaphore(%arg12 : memref<!tpu.dma_semaphore, #tpu.memory_space<semaphore_mem>>) src(%arg8 : memref<128x128xf32, #tpu.memory_space<vmem>>) dst(%dma_wait3A_76 : memref<10112x128xf32, #tpu.memory_space<vmem_shared>>)
    %scan3A_77 = arith.constant 0 : i32
    %scan3A_78 = arith.constant 28 : i32
    %run_scoped3A = arith.constant 0 : i32
    "tpu.region"() ({
      %run_scoped3A_91 = tpu.sem_alloc : memref<!tpu.dma_semaphore, #tpu.memory_space<semaphore_mem>>
      %dma_start3A = arith.constant 0 : i32
      %dma_start3A_92 = tpu.memref_slice %arg6[%scan3A_78, %run_scoped3A, %dma_start3A] : memref<64x2x128xi32, #tpu.memory_space<vmem>> -> memref<1x1x128xi32, #tpu.memory_space<vmem>>
      %dma_start3A_93 = tpu.memref_squeeze %dma_start3A_92 : memref<1x1x128xi32, #tpu.memory_space<vmem>> -> memref<128xi32, #tpu.memory_space<vmem>>
      %dma_start3A_94 = arith.constant 0 : i32
      %dma_start3A_95 = arith.constant 0 : i32
      %dma_start3A_96 = tpu.memref_slice %arg3[%dma_start3A_94, %dma_start3A_95] : memref<20000x128xf32, #tpu.memory_space<hbm>> -> memref<20000x128xf32, #tpu.memory_space<hbm>>
      tpu.enqueue_indirect_dma source(%dma_start3A_96 : memref<20000x128xf32, #tpu.memory_space<hbm>>) target(%arg7 : memref<128x128xf32, #tpu.memory_space<vmem>>) offsets(%dma_start3A_93 : memref<128xi32, #tpu.memory_space<vmem>>) semaphore(%run_scoped3A_91 : memref<!tpu.dma_semaphore, #tpu.memory_space<semaphore_mem>>)
      %dma_wait3A_97 = arith.constant 0 : i32
      %dma_wait3A_98 = tpu.memref_slice %arg6[%scan3A_78, %run_scoped3A, %dma_wait3A_97] : memref<64x2x128xi32, #tpu.memory_space<vmem>> -> memref<1x1x128xi32, #tpu.memory_space<vmem>>
      %dma_wait3A_99 = tpu.memref_squeeze %dma_wait3A_98 : memref<1x1x128xi32, #tpu.memory_space<vmem>> -> memref<128xi32, #tpu.memory_space<vmem>>
      %dma_wait3A_100 = arith.constant 0 : i32
      %dma_wait3A_101 = arith.constant 0 : i32
      %dma_wait3A_102 = tpu.memref_slice %arg3[%dma_wait3A_100, %dma_wait3A_101] : memref<20000x128xf32, #tpu.memory_space<hbm>> -> memref<20000x128xf32, #tpu.memory_space<hbm>>
      tpu.wait_indirect_dma semaphore(%run_scoped3A_91 : memref<!tpu.dma_semaphore, #tpu.memory_space<semaphore_mem>>) src(%dma_wait3A_102 : memref<20000x128xf32, #tpu.memory_space<hbm>>) dst(%arg7 : memref<128x128xf32, #tpu.memory_space<vmem>>)
      tpu.yield
    }) : () -> ()
    %run_scoped3A_79 = arith.constant 1 : i32
    "tpu.region"() ({
      %run_scoped3A_91 = tpu.sem_alloc : memref<!tpu.dma_semaphore, #tpu.memory_space<semaphore_mem>>
      %dma_start3A = arith.constant 0 : i32
      %dma_start3A_92 = tpu.memref_slice %arg6[%scan3A_78, %run_scoped3A_79, %dma_start3A] : memref<64x2x128xi32, #tpu.memory_space<vmem>> -> memref<1x1x128xi32, #tpu.memory_space<vmem>>
      %dma_start3A_93 = tpu.memref_squeeze %dma_start3A_92 : memref<1x1x128xi32, #tpu.memory_space<vmem>> -> memref<128xi32, #tpu.memory_space<vmem>>
      %dma_start3A_94 = arith.constant 0 : i32
      %dma_start3A_95 = arith.constant 0 : i32
      %dma_start3A_96 = tpu.memref_slice %arg13[%dma_start3A_94, %dma_start3A_95] : memref<10112x128xf32, #tpu.memory_space<vmem_shared>> -> memref<10112x128xf32, #tpu.memory_space<vmem_shared>>
      tpu.enqueue_indirect_dma source(%arg7 : memref<128x128xf32, #tpu.memory_space<vmem>>) target(%dma_start3A_96 : memref<10112x128xf32, #tpu.memory_space<vmem_shared>>) offsets(%dma_start3A_93 : memref<128xi32, #tpu.memory_space<vmem>>) semaphore(%run_scoped3A_91 : memref<!tpu.dma_semaphore, #tpu.memory_space<semaphore_mem>>) {add = true}
      %dma_wait3A_97 = arith.constant 0 : i32
      %dma_wait3A_98 = tpu.memref_slice %arg6[%scan3A_78, %run_scoped3A_79, %dma_wait3A_97] : memref<64x2x128xi32, #tpu.memory_space<vmem>> -> memref<1x1x128xi32, #tpu.memory_space<vmem>>
      %dma_wait3A_99 = tpu.memref_squeeze %dma_wait3A_98 : memref<1x1x128xi32, #tpu.memory_space<vmem>> -> memref<128xi32, #tpu.memory_space<vmem>>
      %dma_wait3A_100 = arith.constant 0 : i32
      %dma_wait3A_101 = arith.constant 0 : i32
      %dma_wait3A_102 = tpu.memref_slice %arg13[%dma_wait3A_100, %dma_wait3A_101] : memref<10112x128xf32, #tpu.memory_space<vmem_shared>> -> memref<10112x128xf32, #tpu.memory_space<vmem_shared>>
      tpu.wait_indirect_dma semaphore(%run_scoped3A_91 : memref<!tpu.dma_semaphore, #tpu.memory_space<semaphore_mem>>) src(%arg7 : memref<128x128xf32, #tpu.memory_space<vmem>>) dst(%dma_wait3A_102 : memref<10112x128xf32, #tpu.memory_space<vmem_shared>>)
      tpu.yield
    }) : () -> ()
    %scan3A_80 = arith.constant 1 : i32
    %barrier3A_81 = arith.constant 0 : index
    tpu.barrier barrier_id(%barrier3A_81)
    %mul3A_82 = arith.constant 624 : i32
    %mul3A_83 = arith.muli %arg1, %mul3A_82 : i32
    %mul3A_84 = arith.constant 10000 : i32
    %mul3A_85 = arith.muli %arg0, %mul3A_84 : i32
    %mul3A_86 = arith.constant 624 : i32
    %mul3A_87 = arith.muli %arg1, %mul3A_86 : i32
    %add3A_88 = arith.addi %mul3A_85, %mul3A_87 : i32
    "tpu.region"() ({
      %run_scoped3A_91 = tpu.sem_alloc : memref<!tpu.dma_semaphore, #tpu.memory_space<semaphore_mem>>
      %dma_start3A = arith.constant 0 : i32
      %dma_start3A_92 = tpu.memref_slice %arg5[%add3A_88, %dma_start3A] : memref<20000x128xf32, #tpu.memory_space<hbm>> -> memref<624x128xf32, #tpu.memory_space<hbm>>
      %dma_start3A_93 = arith.constant 0 : i32
      %dma_start3A_94 = tpu.memref_slice %arg13[%mul3A_83, %dma_start3A_93] : memref<10112x128xf32, #tpu.memory_space<vmem_shared>> -> memref<624x128xf32, #tpu.memory_space<vmem_shared>>
      tpu.enqueue_dma source(%dma_start3A_94 : memref<624x128xf32, #tpu.memory_space<vmem_shared>>) target(%dma_start3A_92 : memref<624x128xf32, #tpu.memory_space<hbm>>) target_semaphore(%run_scoped3A_91 : memref<!tpu.dma_semaphore, #tpu.memory_space<semaphore_mem>>)
      %dma_wait3A_95 = arith.constant 0 : i32
      %dma_wait3A_96 = tpu.memref_slice %arg5[%add3A_88, %dma_wait3A_95] : memref<20000x128xf32, #tpu.memory_space<hbm>> -> memref<624x128xf32, #tpu.memory_space<hbm>>
      %dma_wait3A_97 = arith.constant 0 : i32
      %dma_wait3A_98 = tpu.memref_slice %arg13[%mul3A_83, %dma_wait3A_97] : memref<10112x128xf32, #tpu.memory_space<vmem_shared>> -> memref<624x128xf32, #tpu.memory_space<vmem_shared>>
      tpu.wait_dma2 semaphore(%run_scoped3A_91 : memref<!tpu.dma_semaphore, #tpu.memory_space<semaphore_mem>>) src(%dma_wait3A_98 : memref<624x128xf32, #tpu.memory_space<vmem_shared>>) dst(%dma_wait3A_96 : memref<624x128xf32, #tpu.memory_space<hbm>>)
      tpu.yield
    }) : () -> ()
    %eq3A = arith.constant 15 : i32
    %eq3A_89 = arith.cmpi eq, %arg1, %eq3A : i32
    %convert_element_type3A = arith.extui %eq3A_89 : i1 to i32
    %cond3A = arith.constant 0 : i32
    %cond3A_90 = arith.cmpi ne, %convert_element_type3A, %cond3A : i32
    scf.if %cond3A_90 {
      %mul3A_91 = arith.constant 10000 : i32
      %mul3A_92 = arith.muli %arg0, %mul3A_91 : i32
      %add3A_93 = arith.constant 9984 : i32
      %add3A_94 = arith.addi %mul3A_92, %add3A_93 : i32
      "tpu.region"() ({
        %run_scoped3A_95 = tpu.sem_alloc : memref<!tpu.dma_semaphore, #tpu.memory_space<semaphore_mem>>
        %dma_start3A = arith.constant 0 : i32
        %dma_start3A_96 = tpu.memref_slice %arg5[%add3A_94, %dma_start3A] : memref<20000x128xf32, #tpu.memory_space<hbm>> -> memref<16x128xf32, #tpu.memory_space<hbm>>
        %dma_start3A_97 = arith.constant 9984 : i32
        %dma_start3A_98 = arith.constant 0 : i32
        %dma_start3A_99 = tpu.memref_slice %arg13[%dma_start3A_97, %dma_start3A_98] : memref<10112x128xf32, #tpu.memory_space<vmem_shared>> -> memref<16x128xf32, #tpu.memory_space<vmem_shared>>
        tpu.enqueue_dma source(%dma_start3A_99 : memref<16x128xf32, #tpu.memory_space<vmem_shared>>) target(%dma_start3A_96 : memref<16x128xf32, #tpu.memory_space<hbm>>) target_semaphore(%run_scoped3A_95 : memref<!tpu.dma_semaphore, #tpu.memory_space<semaphore_mem>>)
        %dma_wait3A_100 = arith.constant 0 : i32
        %dma_wait3A_101 = tpu.memref_slice %arg5[%add3A_94, %dma_wait3A_100] : memref<20000x128xf32, #tpu.memory_space<hbm>> -> memref<16x128xf32, #tpu.memory_space<hbm>>
        %dma_wait3A_102 = arith.constant 9984 : i32
        %dma_wait3A_103 = arith.constant 0 : i32
        %dma_wait3A_104 = tpu.memref_slice %arg13[%dma_wait3A_102, %dma_wait3A_103] : memref<10112x128xf32, #tpu.memory_space<vmem_shared>> -> memref<16x128xf32, #tpu.memory_space<vmem_shared>>
        tpu.wait_dma2 semaphore(%run_scoped3A_95 : memref<!tpu.dma_semaphore, #tpu.memory_space<semaphore_mem>>) src(%dma_wait3A_104 : memref<16x128xf32, #tpu.memory_space<vmem_shared>>) dst(%dma_wait3A_101 : memref<16x128xf32, #tpu.memory_space<hbm>>)
        tpu.yield
      }) : () -> ()
    } else {
    }
    return
  }
}

#map = affine_map<(d0, d1) -> (0, 0, 0)>
#map1 = affine_map<(d0, d1) -> (0, 0)>
module attributes {stable_mosaic.version = 14 : i64} {
  func.func @_seg_body(%arg0: i32, %arg1: i32, %arg2: memref<5024x2x128xi32, #tpu.memory_space<hbm>>, %arg3: memref<20000x128xf32, #tpu.memory_space<hbm>>, %arg4: memref<632x128xf32, #tpu.memory_space<hbm>>, %arg5: memref<20000x128xf32, #tpu.memory_space<hbm>>, %arg6: memref<64x2x128xi32, #tpu.memory_space<vmem>>, %arg7: memref<128x128xf32, #tpu.memory_space<vmem>>, %arg8: memref<128x128xf32, #tpu.memory_space<vmem>>, %arg9: memref<!tpu.dma_semaphore, #tpu.memory_space<semaphore_mem>>, %arg10: memref<!tpu.dma_semaphore, #tpu.memory_space<semaphore_mem>>, %arg11: memref<!tpu.dma_semaphore, #tpu.memory_space<semaphore_mem>>, %arg12: memref<!tpu.dma_semaphore, #tpu.memory_space<semaphore_mem>>, %arg13: memref<10112x128xf32, #tpu.memory_space<vmem_shared>>) attributes {dimension_semantics = [#tpu.dimension_semantics<core_parallel>, #tpu.dimension_semantics<subcore_parallel>], iteration_bounds = array<i64: 2, 16>, scalar_prefetch = 0 : i64, scratch_operands = 8 : i64, tpu.core_type = #tpu.core_type<sc_vector_subcore>, window_params = [{transform_indices = #map}, {transform_indices = #map1}, {transform_indices = #map1}, {transform_indices = #map1}]} {
    %mul3A = arith.constant 16 : i32
    %mul3A_0 = arith.muli %arg0, %mul3A : i32
    %add3A = arith.addi %mul3A_0, %arg1 : i32
    %mul3A_1 = arith.constant 632 : i32
    %mul3A_2 = arith.muli %arg1, %mul3A_1 : i32
    "tpu.region"() ({
      %run_scoped3A_91 = tpu.sem_alloc : memref<!tpu.dma_semaphore, #tpu.memory_space<semaphore_mem>>
      %dma_start3A = arith.constant 0 : i32
      %dma_start3A_92 = tpu.memref_slice %arg13[%mul3A_2, %dma_start3A] : memref<10112x128xf32, #tpu.memory_space<vmem_shared>> -> memref<632x128xf32, #tpu.memory_space<vmem_shared>>
      %dma_start3A_93 = arith.constant 0 : i32
      %dma_start3A_94 = arith.constant 0 : i32
      %dma_start3A_95 = tpu.memref_slice %arg4[%dma_start3A_93, %dma_start3A_94] : memref<632x128xf32, #tpu.memory_space<hbm>> -> memref<632x128xf32, #tpu.memory_space<hbm>>
      tpu.enqueue_dma source(%dma_start3A_95 : memref<632x128xf32, #tpu.memory_space<hbm>>) target(%dma_start3A_92 : memref<632x128xf32, #tpu.memory_space<vmem_shared>>) target_semaphore(%run_scoped3A_91 : memref<!tpu.dma_semaphore, #tpu.memory_space<semaphore_mem>>)
      %dma_wait3A_96 = arith.constant 0 : i32
      %dma_wait3A_97 = tpu.memref_slice %arg13[%mul3A_2, %dma_wait3A_96] : memref<10112x128xf32, #tpu.memory_space<vmem_shared>> -> memref<632x128xf32, #tpu.memory_space<vmem_shared>>
      %dma_wait3A_98 = arith.constant 0 : i32
      %dma_wait3A_99 = arith.constant 0 : i32
      %dma_wait3A_100 = tpu.memref_slice %arg4[%dma_wait3A_98, %dma_wait3A_99] : memref<632x128xf32, #tpu.memory_space<hbm>> -> memref<632x128xf32, #tpu.memory_space<hbm>>
      tpu.wait_dma2 semaphore(%run_scoped3A_91 : memref<!tpu.dma_semaphore, #tpu.memory_space<semaphore_mem>>) src(%dma_wait3A_100 : memref<632x128xf32, #tpu.memory_space<hbm>>) dst(%dma_wait3A_97 : memref<632x128xf32, #tpu.memory_space<vmem_shared>>)
      tpu.yield
    }) : () -> ()
    %barrier3A = arith.constant 0 : index
    tpu.barrier barrier_id(%barrier3A)
    %mul3A_3 = arith.constant 157 : i32
    %mul3A_4 = arith.muli %add3A, %mul3A_3 : i32
    "tpu.region"() ({
      %run_scoped3A_91 = tpu.sem_alloc : memref<!tpu.dma_semaphore, #tpu.memory_space<semaphore_mem>>
      %dma_start3A = arith.constant 0 : i32
      %dma_start3A_92 = arith.constant 0 : i32
      %dma_start3A_93 = tpu.memref_slice %arg2[%mul3A_4, %dma_start3A, %dma_start3A_92] : memref<5024x2x128xi32, #tpu.memory_space<hbm>> -> memref<64x2x128xi32, #tpu.memory_space<hbm>>
      %dma_start3A_94 = arith.constant 0 : i32
      %dma_start3A_95 = arith.constant 0 : i32
      %dma_start3A_96 = tpu.memref_slice %arg2[%mul3A_4, %dma_start3A_94, %dma_start3A_95] : memref<5024x2x128xi32, #tpu.memory_space<hbm>> -> memref<64x2x128xi32, #tpu.memory_space<hbm>>
      tpu.enqueue_dma source(%dma_start3A_96 : memref<64x2x128xi32, #tpu.memory_space<hbm>>) target(%arg6 : memref<64x2x128xi32, #tpu.memory_space<vmem>>) target_semaphore(%run_scoped3A_91 : memref<!tpu.dma_semaphore, #tpu.memory_space<semaphore_mem>>)
      %dma_wait3A_97 = arith.constant 0 : i32
      %dma_wait3A_98 = arith.constant 0 : i32
      %dma_wait3A_99 = tpu.memref_slice %arg2[%mul3A_4, %dma_wait3A_97, %dma_wait3A_98] : memref<5024x2x128xi32, #tpu.memory_space<hbm>> -> memref<64x2x128xi32, #tpu.memory_space<hbm>>
      %dma_wait3A_100 = arith.constant 0 : i32
      %dma_wait3A_101 = arith.constant 0 : i32
      %dma_wait3A_102 = tpu.memref_slice %arg2[%mul3A_4, %dma_wait3A_100, %dma_wait3A_101] : memref<5024x2x128xi32, #tpu.memory_space<hbm>> -> memref<64x2x128xi32, #tpu.memory_space<hbm>>
      tpu.wait_dma2 semaphore(%run_scoped3A_91 : memref<!tpu.dma_semaphore, #tpu.memory_space<semaphore_mem>>) src(%dma_wait3A_102 : memref<64x2x128xi32, #tpu.memory_space<hbm>>) dst(%arg6 : memref<64x2x128xi32, #tpu.memory_space<vmem>>)
      tpu.yield
    }) : () -> ()
    %scan3A = arith.constant 0 : i32
    %scan3A_5 = arith.constant 0 : i32
    %scan3A_6 = arith.constant 32 : i32
    %scan3A_7 = arith.addi %scan3A_5, %scan3A_6 : i32
    %scan3A_8 = arith.constant 1 : i32
    scf.for %scan3A_91 = %scan3A_5 to %scan3A_7 step %scan3A_8  : i32 {
      %gt3A = arith.constant 0 : i32
      %gt3A_92 = arith.cmpi sgt, %scan3A_91, %gt3A : i32
      %convert_element_type3A_93 = arith.extui %gt3A_92 : i1 to i32
      %cond3A_94 = arith.constant 0 : i32
      %cond3A_95 = arith.cmpi ne, %convert_element_type3A_93, %cond3A_94 : i32
      scf.if %cond3A_95 {
        %mul3A_160 = arith.constant 2 : i32
        %mul3A_161 = arith.muli %mul3A_160, %scan3A_91 : i32
        %dma_wait3A_162 = arith.constant 1 : i32
        %dma_wait3A_163 = arith.constant 0 : i32
        %dma_wait3A_164 = tpu.memref_slice %arg6[%mul3A_161, %dma_wait3A_162, %dma_wait3A_163] : memref<64x2x128xi32, #tpu.memory_space<vmem>> -> memref<1x1x128xi32, #tpu.memory_space<vmem>>
        %dma_wait3A_165 = tpu.memref_squeeze %dma_wait3A_164 : memref<1x1x128xi32, #tpu.memory_space<vmem>> -> memref<128xi32, #tpu.memory_space<vmem>>
        %dma_wait3A_166 = arith.constant 0 : i32
        %dma_wait3A_167 = arith.constant 0 : i32
        %dma_wait3A_168 = tpu.memref_slice %arg13[%dma_wait3A_166, %dma_wait3A_167] : memref<10112x128xf32, #tpu.memory_space<vmem_shared>> -> memref<10112x128xf32, #tpu.memory_space<vmem_shared>>
        tpu.wait_indirect_dma semaphore(%arg11 : memref<!tpu.dma_semaphore, #tpu.memory_space<semaphore_mem>>) src(%arg7 : memref<128x128xf32, #tpu.memory_space<vmem>>) dst(%dma_wait3A_168 : memref<10112x128xf32, #tpu.memory_space<vmem_shared>>)
      } else {
      }
      %mul3A_96 = arith.constant 2 : i32
      %mul3A_97 = arith.muli %mul3A_96, %scan3A_91 : i32
      %dma_start3A = arith.constant 0 : i32
      %dma_start3A_98 = arith.constant 0 : i32
      %dma_start3A_99 = tpu.memref_slice %arg6[%mul3A_97, %dma_start3A, %dma_start3A_98] : memref<64x2x128xi32, #tpu.memory_space<vmem>> -> memref<1x1x128xi32, #tpu.memory_space<vmem>>
      %dma_start3A_100 = tpu.memref_squeeze %dma_start3A_99 : memref<1x1x128xi32, #tpu.memory_space<vmem>> -> memref<128xi32, #tpu.memory_space<vmem>>
      %dma_start3A_101 = arith.constant 0 : i32
      %dma_start3A_102 = arith.constant 0 : i32
      %dma_start3A_103 = tpu.memref_slice %arg3[%dma_start3A_101, %dma_start3A_102] : memref<20000x128xf32, #tpu.memory_space<hbm>> -> memref<20000x128xf32, #tpu.memory_space<hbm>>
      tpu.enqueue_indirect_dma source(%dma_start3A_103 : memref<20000x128xf32, #tpu.memory_space<hbm>>) target(%arg7 : memref<128x128xf32, #tpu.memory_space<vmem>>) offsets(%dma_start3A_100 : memref<128xi32, #tpu.memory_space<vmem>>) semaphore(%arg9 : memref<!tpu.dma_semaphore, #tpu.memory_space<semaphore_mem>>)
      %gt3A_104 = arith.constant 0 : i32
      %gt3A_105 = arith.cmpi sgt, %scan3A_91, %gt3A_104 : i32
      %convert_element_type3A_106 = arith.extui %gt3A_105 : i1 to i32
      %cond3A_107 = arith.constant 0 : i32
      %cond3A_108 = arith.cmpi ne, %convert_element_type3A_106, %cond3A_107 : i32
      scf.if %cond3A_108 {
        %mul3A_160 = arith.constant 2 : i32
        %mul3A_161 = arith.muli %mul3A_160, %scan3A_91 : i32
        %dma_wait3A_162 = arith.constant 1 : i32
        %dma_wait3A_163 = arith.constant 0 : i32
        %dma_wait3A_164 = tpu.memref_slice %arg6[%mul3A_161, %dma_wait3A_162, %dma_wait3A_163] : memref<64x2x128xi32, #tpu.memory_space<vmem>> -> memref<1x1x128xi32, #tpu.memory_space<vmem>>
        %dma_wait3A_165 = tpu.memref_squeeze %dma_wait3A_164 : memref<1x1x128xi32, #tpu.memory_space<vmem>> -> memref<128xi32, #tpu.memory_space<vmem>>
        %dma_wait3A_166 = arith.constant 0 : i32
        %dma_wait3A_167 = arith.constant 0 : i32
        %dma_wait3A_168 = tpu.memref_slice %arg13[%dma_wait3A_166, %dma_wait3A_167] : memref<10112x128xf32, #tpu.memory_space<vmem_shared>> -> memref<10112x128xf32, #tpu.memory_space<vmem_shared>>
        tpu.wait_indirect_dma semaphore(%arg12 : memref<!tpu.dma_semaphore, #tpu.memory_space<semaphore_mem>>) src(%arg8 : memref<128x128xf32, #tpu.memory_space<vmem>>) dst(%dma_wait3A_168 : memref<10112x128xf32, #tpu.memory_space<vmem_shared>>)
      } else {
      }
      %mul3A_109 = arith.constant 2 : i32
      %mul3A_110 = arith.muli %mul3A_109, %scan3A_91 : i32
      %add3A_111 = arith.constant 1 : i32
      %add3A_112 = arith.addi %mul3A_110, %add3A_111 : i32
      %dma_start3A_113 = arith.constant 0 : i32
      %dma_start3A_114 = arith.constant 0 : i32
      %dma_start3A_115 = tpu.memref_slice %arg6[%add3A_112, %dma_start3A_113, %dma_start3A_114] : memref<64x2x128xi32, #tpu.memory_space<vmem>> -> memref<1x1x128xi32, #tpu.memory_space<vmem>>
      %dma_start3A_116 = tpu.memref_squeeze %dma_start3A_115 : memref<1x1x128xi32, #tpu.memory_space<vmem>> -> memref<128xi32, #tpu.memory_space<vmem>>
      %dma_start3A_117 = arith.constant 0 : i32
      %dma_start3A_118 = arith.constant 0 : i32
      %dma_start3A_119 = tpu.memref_slice %arg3[%dma_start3A_117, %dma_start3A_118] : memref<20000x128xf32, #tpu.memory_space<hbm>> -> memref<20000x128xf32, #tpu.memory_space<hbm>>
      tpu.enqueue_indirect_dma source(%dma_start3A_119 : memref<20000x128xf32, #tpu.memory_space<hbm>>) target(%arg8 : memref<128x128xf32, #tpu.memory_space<vmem>>) offsets(%dma_start3A_116 : memref<128xi32, #tpu.memory_space<vmem>>) semaphore(%arg10 : memref<!tpu.dma_semaphore, #tpu.memory_space<semaphore_mem>>)
      %mul3A_120 = arith.constant 2 : i32
      %mul3A_121 = arith.muli %mul3A_120, %scan3A_91 : i32
      %dma_wait3A_122 = arith.constant 0 : i32
      %dma_wait3A_123 = arith.constant 0 : i32
      %dma_wait3A_124 = tpu.memref_slice %arg6[%mul3A_121, %dma_wait3A_122, %dma_wait3A_123] : memref<64x2x128xi32, #tpu.memory_space<vmem>> -> memref<1x1x128xi32, #tpu.memory_space<vmem>>
      %dma_wait3A_125 = tpu.memref_squeeze %dma_wait3A_124 : memref<1x1x128xi32, #tpu.memory_space<vmem>> -> memref<128xi32, #tpu.memory_space<vmem>>
      %dma_wait3A_126 = arith.constant 0 : i32
      %dma_wait3A_127 = arith.constant 0 : i32
      %dma_wait3A_128 = tpu.memref_slice %arg3[%dma_wait3A_126, %dma_wait3A_127] : memref<20000x128xf32, #tpu.memory_space<hbm>> -> memref<20000x128xf32, #tpu.memory_space<hbm>>
      tpu.wait_indirect_dma semaphore(%arg9 : memref<!tpu.dma_semaphore, #tpu.memory_space<semaphore_mem>>) src(%dma_wait3A_128 : memref<20000x128xf32, #tpu.memory_space<hbm>>) dst(%arg7 : memref<128x128xf32, #tpu.memory_space<vmem>>)
      %mul3A_129 = arith.constant 2 : i32
      %mul3A_130 = arith.muli %mul3A_129, %scan3A_91 : i32
      %dma_start3A_131 = arith.constant 1 : i32
      %dma_start3A_132 = arith.constant 0 : i32
      %dma_start3A_133 = tpu.memref_slice %arg6[%mul3A_130, %dma_start3A_131, %dma_start3A_132] : memref<64x2x128xi32, #tpu.memory_space<vmem>> -> memref<1x1x128xi32, #tpu.memory_space<vmem>>
      %dma_start3A_134 = tpu.memref_squeeze %dma_start3A_133 : memref<1x1x128xi32, #tpu.memory_space<vmem>> -> memref<128xi32, #tpu.memory_space<vmem>>
      %dma_start3A_135 = arith.constant 0 : i32
      %dma_start3A_136 = arith.constant 0 : i32
      %dma_start3A_137 = tpu.memref_slice %arg13[%dma_start3A_135, %dma_start3A_136] : memref<10112x128xf32, #tpu.memory_space<vmem_shared>> -> memref<10112x128xf32, #tpu.memory_space<vmem_shared>>
      tpu.enqueue_indirect_dma source(%arg7 : memref<128x128xf32, #tpu.memory_space<vmem>>) target(%dma_start3A_137 : memref<10112x128xf32, #tpu.memory_space<vmem_shared>>) offsets(%dma_start3A_134 : memref<128xi32, #tpu.memory_space<vmem>>) semaphore(%arg11 : memref<!tpu.dma_semaphore, #tpu.memory_space<semaphore_mem>>) {add = true}
      %mul3A_138 = arith.constant 2 : i32
      %mul3A_139 = arith.muli %mul3A_138, %scan3A_91 : i32
      %add3A_140 = arith.constant 1 : i32
      %add3A_141 = arith.addi %mul3A_139, %add3A_140 : i32
      %dma_wait3A_142 = arith.constant 0 : i32
      %dma_wait3A_143 = arith.constant 0 : i32
      %dma_wait3A_144 = tpu.memref_slice %arg6[%add3A_141, %dma_wait3A_142, %dma_wait3A_143] : memref<64x2x128xi32, #tpu.memory_space<vmem>> -> memref<1x1x128xi32, #tpu.memory_space<vmem>>
      %dma_wait3A_145 = tpu.memref_squeeze %dma_wait3A_144 : memref<1x1x128xi32, #tpu.memory_space<vmem>> -> memref<128xi32, #tpu.memory_space<vmem>>
      %dma_wait3A_146 = arith.constant 0 : i32
      %dma_wait3A_147 = arith.constant 0 : i32
      %dma_wait3A_148 = tpu.memref_slice %arg3[%dma_wait3A_146, %dma_wait3A_147] : memref<20000x128xf32, #tpu.memory_space<hbm>> -> memref<20000x128xf32, #tpu.memory_space<hbm>>
      tpu.wait_indirect_dma semaphore(%arg10 : memref<!tpu.dma_semaphore, #tpu.memory_space<semaphore_mem>>) src(%dma_wait3A_148 : memref<20000x128xf32, #tpu.memory_space<hbm>>) dst(%arg8 : memref<128x128xf32, #tpu.memory_space<vmem>>)
      %mul3A_149 = arith.constant 2 : i32
      %mul3A_150 = arith.muli %mul3A_149, %scan3A_91 : i32
      %add3A_151 = arith.constant 1 : i32
      %add3A_152 = arith.addi %mul3A_150, %add3A_151 : i32
      %dma_start3A_153 = arith.constant 1 : i32
      %dma_start3A_154 = arith.constant 0 : i32
      %dma_start3A_155 = tpu.memref_slice %arg6[%add3A_152, %dma_start3A_153, %dma_start3A_154] : memref<64x2x128xi32, #tpu.memory_space<vmem>> -> memref<1x1x128xi32, #tpu.memory_space<vmem>>
      %dma_start3A_156 = tpu.memref_squeeze %dma_start3A_155 : memref<1x1x128xi32, #tpu.memory_space<vmem>> -> memref<128xi32, #tpu.memory_space<vmem>>
      %dma_start3A_157 = arith.constant 0 : i32
      %dma_start3A_158 = arith.constant 0 : i32
      %dma_start3A_159 = tpu.memref_slice %arg13[%dma_start3A_157, %dma_start3A_158] : memref<10112x128xf32, #tpu.memory_space<vmem_shared>> -> memref<10112x128xf32, #tpu.memory_space<vmem_shared>>
      tpu.enqueue_indirect_dma source(%arg8 : memref<128x128xf32, #tpu.memory_space<vmem>>) target(%dma_start3A_159 : memref<10112x128xf32, #tpu.memory_space<vmem_shared>>) offsets(%dma_start3A_156 : memref<128xi32, #tpu.memory_space<vmem>>) semaphore(%arg12 : memref<!tpu.dma_semaphore, #tpu.memory_space<semaphore_mem>>) {add = true}
    }
    %scan3A_9 = arith.constant 32 : i32
    %dma_wait3A = arith.constant 0 : i32
    %dma_wait3A_10 = arith.constant 1 : i32
    %dma_wait3A_11 = arith.constant 0 : i32
    %dma_wait3A_12 = tpu.memref_slice %arg6[%dma_wait3A, %dma_wait3A_10, %dma_wait3A_11] : memref<64x2x128xi32, #tpu.memory_space<vmem>> -> memref<1x1x128xi32, #tpu.memory_space<vmem>>
    %dma_wait3A_13 = tpu.memref_squeeze %dma_wait3A_12 : memref<1x1x128xi32, #tpu.memory_space<vmem>> -> memref<128xi32, #tpu.memory_space<vmem>>
    %dma_wait3A_14 = arith.constant 0 : i32
    %dma_wait3A_15 = arith.constant 0 : i32
    %dma_wait3A_16 = tpu.memref_slice %arg13[%dma_wait3A_14, %dma_wait3A_15] : memref<10112x128xf32, #tpu.memory_space<vmem_shared>> -> memref<10112x128xf32, #tpu.memory_space<vmem_shared>>
    tpu.wait_indirect_dma semaphore(%arg11 : memref<!tpu.dma_semaphore, #tpu.memory_space<semaphore_mem>>) src(%arg7 : memref<128x128xf32, #tpu.memory_space<vmem>>) dst(%dma_wait3A_16 : memref<10112x128xf32, #tpu.memory_space<vmem_shared>>)
    %dma_wait3A_17 = arith.constant 0 : i32
    %dma_wait3A_18 = arith.constant 1 : i32
    %dma_wait3A_19 = arith.constant 0 : i32
    %dma_wait3A_20 = tpu.memref_slice %arg6[%dma_wait3A_17, %dma_wait3A_18, %dma_wait3A_19] : memref<64x2x128xi32, #tpu.memory_space<vmem>> -> memref<1x1x128xi32, #tpu.memory_space<vmem>>
    %dma_wait3A_21 = tpu.memref_squeeze %dma_wait3A_20 : memref<1x1x128xi32, #tpu.memory_space<vmem>> -> memref<128xi32, #tpu.memory_space<vmem>>
    %dma_wait3A_22 = arith.constant 0 : i32
    %dma_wait3A_23 = arith.constant 0 : i32
    %dma_wait3A_24 = tpu.memref_slice %arg13[%dma_wait3A_22, %dma_wait3A_23] : memref<10112x128xf32, #tpu.memory_space<vmem_shared>> -> memref<10112x128xf32, #tpu.memory_space<vmem_shared>>
    tpu.wait_indirect_dma semaphore(%arg12 : memref<!tpu.dma_semaphore, #tpu.memory_space<semaphore_mem>>) src(%arg8 : memref<128x128xf32, #tpu.memory_space<vmem>>) dst(%dma_wait3A_24 : memref<10112x128xf32, #tpu.memory_space<vmem_shared>>)
    %mul3A_25 = arith.constant 157 : i32
    %mul3A_26 = arith.muli %add3A, %mul3A_25 : i32
    %add3A_27 = arith.constant 64 : i32
    %add3A_28 = arith.addi %mul3A_26, %add3A_27 : i32
    "tpu.region"() ({
      %run_scoped3A_91 = tpu.sem_alloc : memref<!tpu.dma_semaphore, #tpu.memory_space<semaphore_mem>>
      %dma_start3A = arith.constant 0 : i32
      %dma_start3A_92 = arith.constant 0 : i32
      %dma_start3A_93 = tpu.memref_slice %arg2[%add3A_28, %dma_start3A, %dma_start3A_92] : memref<5024x2x128xi32, #tpu.memory_space<hbm>> -> memref<64x2x128xi32, #tpu.memory_space<hbm>>
      %dma_start3A_94 = arith.constant 0 : i32
      %dma_start3A_95 = arith.constant 0 : i32
      %dma_start3A_96 = tpu.memref_slice %arg2[%add3A_28, %dma_start3A_94, %dma_start3A_95] : memref<5024x2x128xi32, #tpu.memory_space<hbm>> -> memref<64x2x128xi32, #tpu.memory_space<hbm>>
      tpu.enqueue_dma source(%dma_start3A_96 : memref<64x2x128xi32, #tpu.memory_space<hbm>>) target(%arg6 : memref<64x2x128xi32, #tpu.memory_space<vmem>>) target_semaphore(%run_scoped3A_91 : memref<!tpu.dma_semaphore, #tpu.memory_space<semaphore_mem>>)
      %dma_wait3A_97 = arith.constant 0 : i32
      %dma_wait3A_98 = arith.constant 0 : i32
      %dma_wait3A_99 = tpu.memref_slice %arg2[%add3A_28, %dma_wait3A_97, %dma_wait3A_98] : memref<5024x2x128xi32, #tpu.memory_space<hbm>> -> memref<64x2x128xi32, #tpu.memory_space<hbm>>
      %dma_wait3A_100 = arith.constant 0 : i32
      %dma_wait3A_101 = arith.constant 0 : i32
      %dma_wait3A_102 = tpu.memref_slice %arg2[%add3A_28, %dma_wait3A_100, %dma_wait3A_101] : memref<5024x2x128xi32, #tpu.memory_space<hbm>> -> memref<64x2x128xi32, #tpu.memory_space<hbm>>
      tpu.wait_dma2 semaphore(%run_scoped3A_91 : memref<!tpu.dma_semaphore, #tpu.memory_space<semaphore_mem>>) src(%dma_wait3A_102 : memref<64x2x128xi32, #tpu.memory_space<hbm>>) dst(%arg6 : memref<64x2x128xi32, #tpu.memory_space<vmem>>)
      tpu.yield
    }) : () -> ()
    %scan3A_29 = arith.constant 0 : i32
    %scan3A_30 = arith.constant 0 : i32
    %scan3A_31 = arith.constant 32 : i32
    %scan3A_32 = arith.addi %scan3A_30, %scan3A_31 : i32
    %scan3A_33 = arith.constant 1 : i32
    scf.for %scan3A_91 = %scan3A_30 to %scan3A_32 step %scan3A_33  : i32 {
      %gt3A = arith.constant 0 : i32
      %gt3A_92 = arith.cmpi sgt, %scan3A_91, %gt3A : i32
      %convert_element_type3A_93 = arith.extui %gt3A_92 : i1 to i32
      %cond3A_94 = arith.constant 0 : i32
      %cond3A_95 = arith.cmpi ne, %convert_element_type3A_93, %cond3A_94 : i32
      scf.if %cond3A_95 {
        %mul3A_160 = arith.constant 2 : i32
        %mul3A_161 = arith.muli %mul3A_160, %scan3A_91 : i32
        %dma_wait3A_162 = arith.constant 1 : i32
        %dma_wait3A_163 = arith.constant 0 : i32
        %dma_wait3A_164 = tpu.memref_slice %arg6[%mul3A_161, %dma_wait3A_162, %dma_wait3A_163] : memref<64x2x128xi32, #tpu.memory_space<vmem>> -> memref<1x1x128xi32, #tpu.memory_space<vmem>>
        %dma_wait3A_165 = tpu.memref_squeeze %dma_wait3A_164 : memref<1x1x128xi32, #tpu.memory_space<vmem>> -> memref<128xi32, #tpu.memory_space<vmem>>
        %dma_wait3A_166 = arith.constant 0 : i32
        %dma_wait3A_167 = arith.constant 0 : i32
        %dma_wait3A_168 = tpu.memref_slice %arg13[%dma_wait3A_166, %dma_wait3A_167] : memref<10112x128xf32, #tpu.memory_space<vmem_shared>> -> memref<10112x128xf32, #tpu.memory_space<vmem_shared>>
        tpu.wait_indirect_dma semaphore(%arg11 : memref<!tpu.dma_semaphore, #tpu.memory_space<semaphore_mem>>) src(%arg7 : memref<128x128xf32, #tpu.memory_space<vmem>>) dst(%dma_wait3A_168 : memref<10112x128xf32, #tpu.memory_space<vmem_shared>>)
      } else {
      }
      %mul3A_96 = arith.constant 2 : i32
      %mul3A_97 = arith.muli %mul3A_96, %scan3A_91 : i32
      %dma_start3A = arith.constant 0 : i32
      %dma_start3A_98 = arith.constant 0 : i32
      %dma_start3A_99 = tpu.memref_slice %arg6[%mul3A_97, %dma_start3A, %dma_start3A_98] : memref<64x2x128xi32, #tpu.memory_space<vmem>> -> memref<1x1x128xi32, #tpu.memory_space<vmem>>
      %dma_start3A_100 = tpu.memref_squeeze %dma_start3A_99 : memref<1x1x128xi32, #tpu.memory_space<vmem>> -> memref<128xi32, #tpu.memory_space<vmem>>
      %dma_start3A_101 = arith.constant 0 : i32
      %dma_start3A_102 = arith.constant 0 : i32
      %dma_start3A_103 = tpu.memref_slice %arg3[%dma_start3A_101, %dma_start3A_102] : memref<20000x128xf32, #tpu.memory_space<hbm>> -> memref<20000x128xf32, #tpu.memory_space<hbm>>
      tpu.enqueue_indirect_dma source(%dma_start3A_103 : memref<20000x128xf32, #tpu.memory_space<hbm>>) target(%arg7 : memref<128x128xf32, #tpu.memory_space<vmem>>) offsets(%dma_start3A_100 : memref<128xi32, #tpu.memory_space<vmem>>) semaphore(%arg9 : memref<!tpu.dma_semaphore, #tpu.memory_space<semaphore_mem>>)
      %gt3A_104 = arith.constant 0 : i32
      %gt3A_105 = arith.cmpi sgt, %scan3A_91, %gt3A_104 : i32
      %convert_element_type3A_106 = arith.extui %gt3A_105 : i1 to i32
      %cond3A_107 = arith.constant 0 : i32
      %cond3A_108 = arith.cmpi ne, %convert_element_type3A_106, %cond3A_107 : i32
      scf.if %cond3A_108 {
        %mul3A_160 = arith.constant 2 : i32
        %mul3A_161 = arith.muli %mul3A_160, %scan3A_91 : i32
        %dma_wait3A_162 = arith.constant 1 : i32
        %dma_wait3A_163 = arith.constant 0 : i32
        %dma_wait3A_164 = tpu.memref_slice %arg6[%mul3A_161, %dma_wait3A_162, %dma_wait3A_163] : memref<64x2x128xi32, #tpu.memory_space<vmem>> -> memref<1x1x128xi32, #tpu.memory_space<vmem>>
        %dma_wait3A_165 = tpu.memref_squeeze %dma_wait3A_164 : memref<1x1x128xi32, #tpu.memory_space<vmem>> -> memref<128xi32, #tpu.memory_space<vmem>>
        %dma_wait3A_166 = arith.constant 0 : i32
        %dma_wait3A_167 = arith.constant 0 : i32
        %dma_wait3A_168 = tpu.memref_slice %arg13[%dma_wait3A_166, %dma_wait3A_167] : memref<10112x128xf32, #tpu.memory_space<vmem_shared>> -> memref<10112x128xf32, #tpu.memory_space<vmem_shared>>
        tpu.wait_indirect_dma semaphore(%arg12 : memref<!tpu.dma_semaphore, #tpu.memory_space<semaphore_mem>>) src(%arg8 : memref<128x128xf32, #tpu.memory_space<vmem>>) dst(%dma_wait3A_168 : memref<10112x128xf32, #tpu.memory_space<vmem_shared>>)
      } else {
      }
      %mul3A_109 = arith.constant 2 : i32
      %mul3A_110 = arith.muli %mul3A_109, %scan3A_91 : i32
      %add3A_111 = arith.constant 1 : i32
      %add3A_112 = arith.addi %mul3A_110, %add3A_111 : i32
      %dma_start3A_113 = arith.constant 0 : i32
      %dma_start3A_114 = arith.constant 0 : i32
      %dma_start3A_115 = tpu.memref_slice %arg6[%add3A_112, %dma_start3A_113, %dma_start3A_114] : memref<64x2x128xi32, #tpu.memory_space<vmem>> -> memref<1x1x128xi32, #tpu.memory_space<vmem>>
      %dma_start3A_116 = tpu.memref_squeeze %dma_start3A_115 : memref<1x1x128xi32, #tpu.memory_space<vmem>> -> memref<128xi32, #tpu.memory_space<vmem>>
      %dma_start3A_117 = arith.constant 0 : i32
      %dma_start3A_118 = arith.constant 0 : i32
      %dma_start3A_119 = tpu.memref_slice %arg3[%dma_start3A_117, %dma_start3A_118] : memref<20000x128xf32, #tpu.memory_space<hbm>> -> memref<20000x128xf32, #tpu.memory_space<hbm>>
      tpu.enqueue_indirect_dma source(%dma_start3A_119 : memref<20000x128xf32, #tpu.memory_space<hbm>>) target(%arg8 : memref<128x128xf32, #tpu.memory_space<vmem>>) offsets(%dma_start3A_116 : memref<128xi32, #tpu.memory_space<vmem>>) semaphore(%arg10 : memref<!tpu.dma_semaphore, #tpu.memory_space<semaphore_mem>>)
      %mul3A_120 = arith.constant 2 : i32
      %mul3A_121 = arith.muli %mul3A_120, %scan3A_91 : i32
      %dma_wait3A_122 = arith.constant 0 : i32
      %dma_wait3A_123 = arith.constant 0 : i32
      %dma_wait3A_124 = tpu.memref_slice %arg6[%mul3A_121, %dma_wait3A_122, %dma_wait3A_123] : memref<64x2x128xi32, #tpu.memory_space<vmem>> -> memref<1x1x128xi32, #tpu.memory_space<vmem>>
      %dma_wait3A_125 = tpu.memref_squeeze %dma_wait3A_124 : memref<1x1x128xi32, #tpu.memory_space<vmem>> -> memref<128xi32, #tpu.memory_space<vmem>>
      %dma_wait3A_126 = arith.constant 0 : i32
      %dma_wait3A_127 = arith.constant 0 : i32
      %dma_wait3A_128 = tpu.memref_slice %arg3[%dma_wait3A_126, %dma_wait3A_127] : memref<20000x128xf32, #tpu.memory_space<hbm>> -> memref<20000x128xf32, #tpu.memory_space<hbm>>
      tpu.wait_indirect_dma semaphore(%arg9 : memref<!tpu.dma_semaphore, #tpu.memory_space<semaphore_mem>>) src(%dma_wait3A_128 : memref<20000x128xf32, #tpu.memory_space<hbm>>) dst(%arg7 : memref<128x128xf32, #tpu.memory_space<vmem>>)
      %mul3A_129 = arith.constant 2 : i32
      %mul3A_130 = arith.muli %mul3A_129, %scan3A_91 : i32
      %dma_start3A_131 = arith.constant 1 : i32
      %dma_start3A_132 = arith.constant 0 : i32
      %dma_start3A_133 = tpu.memref_slice %arg6[%mul3A_130, %dma_start3A_131, %dma_start3A_132] : memref<64x2x128xi32, #tpu.memory_space<vmem>> -> memref<1x1x128xi32, #tpu.memory_space<vmem>>
      %dma_start3A_134 = tpu.memref_squeeze %dma_start3A_133 : memref<1x1x128xi32, #tpu.memory_space<vmem>> -> memref<128xi32, #tpu.memory_space<vmem>>
      %dma_start3A_135 = arith.constant 0 : i32
      %dma_start3A_136 = arith.constant 0 : i32
      %dma_start3A_137 = tpu.memref_slice %arg13[%dma_start3A_135, %dma_start3A_136] : memref<10112x128xf32, #tpu.memory_space<vmem_shared>> -> memref<10112x128xf32, #tpu.memory_space<vmem_shared>>
      tpu.enqueue_indirect_dma source(%arg7 : memref<128x128xf32, #tpu.memory_space<vmem>>) target(%dma_start3A_137 : memref<10112x128xf32, #tpu.memory_space<vmem_shared>>) offsets(%dma_start3A_134 : memref<128xi32, #tpu.memory_space<vmem>>) semaphore(%arg11 : memref<!tpu.dma_semaphore, #tpu.memory_space<semaphore_mem>>) {add = true}
      %mul3A_138 = arith.constant 2 : i32
      %mul3A_139 = arith.muli %mul3A_138, %scan3A_91 : i32
      %add3A_140 = arith.constant 1 : i32
      %add3A_141 = arith.addi %mul3A_139, %add3A_140 : i32
      %dma_wait3A_142 = arith.constant 0 : i32
      %dma_wait3A_143 = arith.constant 0 : i32
      %dma_wait3A_144 = tpu.memref_slice %arg6[%add3A_141, %dma_wait3A_142, %dma_wait3A_143] : memref<64x2x128xi32, #tpu.memory_space<vmem>> -> memref<1x1x128xi32, #tpu.memory_space<vmem>>
      %dma_wait3A_145 = tpu.memref_squeeze %dma_wait3A_144 : memref<1x1x128xi32, #tpu.memory_space<vmem>> -> memref<128xi32, #tpu.memory_space<vmem>>
      %dma_wait3A_146 = arith.constant 0 : i32
      %dma_wait3A_147 = arith.constant 0 : i32
      %dma_wait3A_148 = tpu.memref_slice %arg3[%dma_wait3A_146, %dma_wait3A_147] : memref<20000x128xf32, #tpu.memory_space<hbm>> -> memref<20000x128xf32, #tpu.memory_space<hbm>>
      tpu.wait_indirect_dma semaphore(%arg10 : memref<!tpu.dma_semaphore, #tpu.memory_space<semaphore_mem>>) src(%dma_wait3A_148 : memref<20000x128xf32, #tpu.memory_space<hbm>>) dst(%arg8 : memref<128x128xf32, #tpu.memory_space<vmem>>)
      %mul3A_149 = arith.constant 2 : i32
      %mul3A_150 = arith.muli %mul3A_149, %scan3A_91 : i32
      %add3A_151 = arith.constant 1 : i32
      %add3A_152 = arith.addi %mul3A_150, %add3A_151 : i32
      %dma_start3A_153 = arith.constant 1 : i32
      %dma_start3A_154 = arith.constant 0 : i32
      %dma_start3A_155 = tpu.memref_slice %arg6[%add3A_152, %dma_start3A_153, %dma_start3A_154] : memref<64x2x128xi32, #tpu.memory_space<vmem>> -> memref<1x1x128xi32, #tpu.memory_space<vmem>>
      %dma_start3A_156 = tpu.memref_squeeze %dma_start3A_155 : memref<1x1x128xi32, #tpu.memory_space<vmem>> -> memref<128xi32, #tpu.memory_space<vmem>>
      %dma_start3A_157 = arith.constant 0 : i32
      %dma_start3A_158 = arith.constant 0 : i32
      %dma_start3A_159 = tpu.memref_slice %arg13[%dma_start3A_157, %dma_start3A_158] : memref<10112x128xf32, #tpu.memory_space<vmem_shared>> -> memref<10112x128xf32, #tpu.memory_space<vmem_shared>>
      tpu.enqueue_indirect_dma source(%arg8 : memref<128x128xf32, #tpu.memory_space<vmem>>) target(%dma_start3A_159 : memref<10112x128xf32, #tpu.memory_space<vmem_shared>>) offsets(%dma_start3A_156 : memref<128xi32, #tpu.memory_space<vmem>>) semaphore(%arg12 : memref<!tpu.dma_semaphore, #tpu.memory_space<semaphore_mem>>) {add = true}
    }
    %scan3A_34 = arith.constant 32 : i32
    %dma_wait3A_35 = arith.constant 0 : i32
    %dma_wait3A_36 = arith.constant 1 : i32
    %dma_wait3A_37 = arith.constant 0 : i32
    %dma_wait3A_38 = tpu.memref_slice %arg6[%dma_wait3A_35, %dma_wait3A_36, %dma_wait3A_37] : memref<64x2x128xi32, #tpu.memory_space<vmem>> -> memref<1x1x128xi32, #tpu.memory_space<vmem>>
    %dma_wait3A_39 = tpu.memref_squeeze %dma_wait3A_38 : memref<1x1x128xi32, #tpu.memory_space<vmem>> -> memref<128xi32, #tpu.memory_space<vmem>>
    %dma_wait3A_40 = arith.constant 0 : i32
    %dma_wait3A_41 = arith.constant 0 : i32
    %dma_wait3A_42 = tpu.memref_slice %arg13[%dma_wait3A_40, %dma_wait3A_41] : memref<10112x128xf32, #tpu.memory_space<vmem_shared>> -> memref<10112x128xf32, #tpu.memory_space<vmem_shared>>
    tpu.wait_indirect_dma semaphore(%arg11 : memref<!tpu.dma_semaphore, #tpu.memory_space<semaphore_mem>>) src(%arg7 : memref<128x128xf32, #tpu.memory_space<vmem>>) dst(%dma_wait3A_42 : memref<10112x128xf32, #tpu.memory_space<vmem_shared>>)
    %dma_wait3A_43 = arith.constant 0 : i32
    %dma_wait3A_44 = arith.constant 1 : i32
    %dma_wait3A_45 = arith.constant 0 : i32
    %dma_wait3A_46 = tpu.memref_slice %arg6[%dma_wait3A_43, %dma_wait3A_44, %dma_wait3A_45] : memref<64x2x128xi32, #tpu.memory_space<vmem>> -> memref<1x1x128xi32, #tpu.memory_space<vmem>>
    %dma_wait3A_47 = tpu.memref_squeeze %dma_wait3A_46 : memref<1x1x128xi32, #tpu.memory_space<vmem>> -> memref<128xi32, #tpu.memory_space<vmem>>
    %dma_wait3A_48 = arith.constant 0 : i32
    %dma_wait3A_49 = arith.constant 0 : i32
    %dma_wait3A_50 = tpu.memref_slice %arg13[%dma_wait3A_48, %dma_wait3A_49] : memref<10112x128xf32, #tpu.memory_space<vmem_shared>> -> memref<10112x128xf32, #tpu.memory_space<vmem_shared>>
    tpu.wait_indirect_dma semaphore(%arg12 : memref<!tpu.dma_semaphore, #tpu.memory_space<semaphore_mem>>) src(%arg8 : memref<128x128xf32, #tpu.memory_space<vmem>>) dst(%dma_wait3A_50 : memref<10112x128xf32, #tpu.memory_space<vmem_shared>>)
    %mul3A_51 = arith.constant 157 : i32
    %mul3A_52 = arith.muli %add3A, %mul3A_51 : i32
    %add3A_53 = arith.constant 128 : i32
    %add3A_54 = arith.addi %mul3A_52, %add3A_53 : i32
    "tpu.region"() ({
      %run_scoped3A_91 = tpu.sem_alloc : memref<!tpu.dma_semaphore, #tpu.memory_space<semaphore_mem>>
      %dma_start3A = arith.constant 0 : i32
      %dma_start3A_92 = arith.constant 0 : i32
      %dma_start3A_93 = arith.constant 0 : i32
      %dma_start3A_94 = tpu.memref_slice %arg6[%dma_start3A, %dma_start3A_92, %dma_start3A_93] : memref<64x2x128xi32, #tpu.memory_space<vmem>> -> memref<29x2x128xi32, #tpu.memory_space<vmem>>
      %dma_start3A_95 = arith.constant 0 : i32
      %dma_start3A_96 = arith.constant 0 : i32
      %dma_start3A_97 = tpu.memref_slice %arg2[%add3A_54, %dma_start3A_95, %dma_start3A_96] : memref<5024x2x128xi32, #tpu.memory_space<hbm>> -> memref<29x2x128xi32, #tpu.memory_space<hbm>>
      %dma_start3A_98 = arith.constant 0 : i32
      %dma_start3A_99 = arith.constant 0 : i32
      %dma_start3A_100 = arith.constant 0 : i32
      %dma_start3A_101 = tpu.memref_slice %arg6[%dma_start3A_98, %dma_start3A_99, %dma_start3A_100] : memref<64x2x128xi32, #tpu.memory_space<vmem>> -> memref<29x2x128xi32, #tpu.memory_space<vmem>>
      %dma_start3A_102 = arith.constant 0 : i32
      %dma_start3A_103 = arith.constant 0 : i32
      %dma_start3A_104 = tpu.memref_slice %arg2[%add3A_54, %dma_start3A_102, %dma_start3A_103] : memref<5024x2x128xi32, #tpu.memory_space<hbm>> -> memref<29x2x128xi32, #tpu.memory_space<hbm>>
      tpu.enqueue_dma source(%dma_start3A_104 : memref<29x2x128xi32, #tpu.memory_space<hbm>>) target(%dma_start3A_101 : memref<29x2x128xi32, #tpu.memory_space<vmem>>) target_semaphore(%run_scoped3A_91 : memref<!tpu.dma_semaphore, #tpu.memory_space<semaphore_mem>>)
      %dma_wait3A_105 = arith.constant 0 : i32
      %dma_wait3A_106 = arith.constant 0 : i32
      %dma_wait3A_107 = arith.constant 0 : i32
      %dma_wait3A_108 = tpu.memref_slice %arg6[%dma_wait3A_105, %dma_wait3A_106, %dma_wait3A_107] : memref<64x2x128xi32, #tpu.memory_space<vmem>> -> memref<29x2x128xi32, #tpu.memory_space<vmem>>
      %dma_wait3A_109 = arith.constant 0 : i32
      %dma_wait3A_110 = arith.constant 0 : i32
      %dma_wait3A_111 = tpu.memref_slice %arg2[%add3A_54, %dma_wait3A_109, %dma_wait3A_110] : memref<5024x2x128xi32, #tpu.memory_space<hbm>> -> memref<29x2x128xi32, #tpu.memory_space<hbm>>
      %dma_wait3A_112 = arith.constant 0 : i32
      %dma_wait3A_113 = arith.constant 0 : i32
      %dma_wait3A_114 = arith.constant 0 : i32
      %dma_wait3A_115 = tpu.memref_slice %arg6[%dma_wait3A_112, %dma_wait3A_113, %dma_wait3A_114] : memref<64x2x128xi32, #tpu.memory_space<vmem>> -> memref<29x2x128xi32, #tpu.memory_space<vmem>>
      %dma_wait3A_116 = arith.constant 0 : i32
      %dma_wait3A_117 = arith.constant 0 : i32
      %dma_wait3A_118 = tpu.memref_slice %arg2[%add3A_54, %dma_wait3A_116, %dma_wait3A_117] : memref<5024x2x128xi32, #tpu.memory_space<hbm>> -> memref<29x2x128xi32, #tpu.memory_space<hbm>>
      tpu.wait_dma2 semaphore(%run_scoped3A_91 : memref<!tpu.dma_semaphore, #tpu.memory_space<semaphore_mem>>) src(%dma_wait3A_118 : memref<29x2x128xi32, #tpu.memory_space<hbm>>) dst(%dma_wait3A_115 : memref<29x2x128xi32, #tpu.memory_space<vmem>>)
      tpu.yield
    }) : () -> ()
    %scan3A_55 = arith.constant 0 : i32
    %scan3A_56 = arith.constant 0 : i32
    %scan3A_57 = arith.constant 14 : i32
    %scan3A_58 = arith.addi %scan3A_56, %scan3A_57 : i32
    %scan3A_59 = arith.constant 1 : i32
    scf.for %scan3A_91 = %scan3A_56 to %scan3A_58 step %scan3A_59  : i32 {
      %gt3A = arith.constant 0 : i32
      %gt3A_92 = arith.cmpi sgt, %scan3A_91, %gt3A : i32
      %convert_element_type3A_93 = arith.extui %gt3A_92 : i1 to i32
      %cond3A_94 = arith.constant 0 : i32
      %cond3A_95 = arith.cmpi ne, %convert_element_type3A_93, %cond3A_94 : i32
      scf.if %cond3A_95 {
        %mul3A_160 = arith.constant 2 : i32
        %mul3A_161 = arith.muli %mul3A_160, %scan3A_91 : i32
        %dma_wait3A_162 = arith.constant 1 : i32
        %dma_wait3A_163 = arith.constant 0 : i32
        %dma_wait3A_164 = tpu.memref_slice %arg6[%mul3A_161, %dma_wait3A_162, %dma_wait3A_163] : memref<64x2x128xi32, #tpu.memory_space<vmem>> -> memref<1x1x128xi32, #tpu.memory_space<vmem>>
        %dma_wait3A_165 = tpu.memref_squeeze %dma_wait3A_164 : memref<1x1x128xi32, #tpu.memory_space<vmem>> -> memref<128xi32, #tpu.memory_space<vmem>>
        %dma_wait3A_166 = arith.constant 0 : i32
        %dma_wait3A_167 = arith.constant 0 : i32
        %dma_wait3A_168 = tpu.memref_slice %arg13[%dma_wait3A_166, %dma_wait3A_167] : memref<10112x128xf32, #tpu.memory_space<vmem_shared>> -> memref<10112x128xf32, #tpu.memory_space<vmem_shared>>
        tpu.wait_indirect_dma semaphore(%arg11 : memref<!tpu.dma_semaphore, #tpu.memory_space<semaphore_mem>>) src(%arg7 : memref<128x128xf32, #tpu.memory_space<vmem>>) dst(%dma_wait3A_168 : memref<10112x128xf32, #tpu.memory_space<vmem_shared>>)
      } else {
      }
      %mul3A_96 = arith.constant 2 : i32
      %mul3A_97 = arith.muli %mul3A_96, %scan3A_91 : i32
      %dma_start3A = arith.constant 0 : i32
      %dma_start3A_98 = arith.constant 0 : i32
      %dma_start3A_99 = tpu.memref_slice %arg6[%mul3A_97, %dma_start3A, %dma_start3A_98] : memref<64x2x128xi32, #tpu.memory_space<vmem>> -> memref<1x1x128xi32, #tpu.memory_space<vmem>>
      %dma_start3A_100 = tpu.memref_squeeze %dma_start3A_99 : memref<1x1x128xi32, #tpu.memory_space<vmem>> -> memref<128xi32, #tpu.memory_space<vmem>>
      %dma_start3A_101 = arith.constant 0 : i32
      %dma_start3A_102 = arith.constant 0 : i32
      %dma_start3A_103 = tpu.memref_slice %arg3[%dma_start3A_101, %dma_start3A_102] : memref<20000x128xf32, #tpu.memory_space<hbm>> -> memref<20000x128xf32, #tpu.memory_space<hbm>>
      tpu.enqueue_indirect_dma source(%dma_start3A_103 : memref<20000x128xf32, #tpu.memory_space<hbm>>) target(%arg7 : memref<128x128xf32, #tpu.memory_space<vmem>>) offsets(%dma_start3A_100 : memref<128xi32, #tpu.memory_space<vmem>>) semaphore(%arg9 : memref<!tpu.dma_semaphore, #tpu.memory_space<semaphore_mem>>)
      %gt3A_104 = arith.constant 0 : i32
      %gt3A_105 = arith.cmpi sgt, %scan3A_91, %gt3A_104 : i32
      %convert_element_type3A_106 = arith.extui %gt3A_105 : i1 to i32
      %cond3A_107 = arith.constant 0 : i32
      %cond3A_108 = arith.cmpi ne, %convert_element_type3A_106, %cond3A_107 : i32
      scf.if %cond3A_108 {
        %mul3A_160 = arith.constant 2 : i32
        %mul3A_161 = arith.muli %mul3A_160, %scan3A_91 : i32
        %dma_wait3A_162 = arith.constant 1 : i32
        %dma_wait3A_163 = arith.constant 0 : i32
        %dma_wait3A_164 = tpu.memref_slice %arg6[%mul3A_161, %dma_wait3A_162, %dma_wait3A_163] : memref<64x2x128xi32, #tpu.memory_space<vmem>> -> memref<1x1x128xi32, #tpu.memory_space<vmem>>
        %dma_wait3A_165 = tpu.memref_squeeze %dma_wait3A_164 : memref<1x1x128xi32, #tpu.memory_space<vmem>> -> memref<128xi32, #tpu.memory_space<vmem>>
        %dma_wait3A_166 = arith.constant 0 : i32
        %dma_wait3A_167 = arith.constant 0 : i32
        %dma_wait3A_168 = tpu.memref_slice %arg13[%dma_wait3A_166, %dma_wait3A_167] : memref<10112x128xf32, #tpu.memory_space<vmem_shared>> -> memref<10112x128xf32, #tpu.memory_space<vmem_shared>>
        tpu.wait_indirect_dma semaphore(%arg12 : memref<!tpu.dma_semaphore, #tpu.memory_space<semaphore_mem>>) src(%arg8 : memref<128x128xf32, #tpu.memory_space<vmem>>) dst(%dma_wait3A_168 : memref<10112x128xf32, #tpu.memory_space<vmem_shared>>)
      } else {
      }
      %mul3A_109 = arith.constant 2 : i32
      %mul3A_110 = arith.muli %mul3A_109, %scan3A_91 : i32
      %add3A_111 = arith.constant 1 : i32
      %add3A_112 = arith.addi %mul3A_110, %add3A_111 : i32
      %dma_start3A_113 = arith.constant 0 : i32
      %dma_start3A_114 = arith.constant 0 : i32
      %dma_start3A_115 = tpu.memref_slice %arg6[%add3A_112, %dma_start3A_113, %dma_start3A_114] : memref<64x2x128xi32, #tpu.memory_space<vmem>> -> memref<1x1x128xi32, #tpu.memory_space<vmem>>
      %dma_start3A_116 = tpu.memref_squeeze %dma_start3A_115 : memref<1x1x128xi32, #tpu.memory_space<vmem>> -> memref<128xi32, #tpu.memory_space<vmem>>
      %dma_start3A_117 = arith.constant 0 : i32
      %dma_start3A_118 = arith.constant 0 : i32
      %dma_start3A_119 = tpu.memref_slice %arg3[%dma_start3A_117, %dma_start3A_118] : memref<20000x128xf32, #tpu.memory_space<hbm>> -> memref<20000x128xf32, #tpu.memory_space<hbm>>
      tpu.enqueue_indirect_dma source(%dma_start3A_119 : memref<20000x128xf32, #tpu.memory_space<hbm>>) target(%arg8 : memref<128x128xf32, #tpu.memory_space<vmem>>) offsets(%dma_start3A_116 : memref<128xi32, #tpu.memory_space<vmem>>) semaphore(%arg10 : memref<!tpu.dma_semaphore, #tpu.memory_space<semaphore_mem>>)
      %mul3A_120 = arith.constant 2 : i32
      %mul3A_121 = arith.muli %mul3A_120, %scan3A_91 : i32
      %dma_wait3A_122 = arith.constant 0 : i32
      %dma_wait3A_123 = arith.constant 0 : i32
      %dma_wait3A_124 = tpu.memref_slice %arg6[%mul3A_121, %dma_wait3A_122, %dma_wait3A_123] : memref<64x2x128xi32, #tpu.memory_space<vmem>> -> memref<1x1x128xi32, #tpu.memory_space<vmem>>
      %dma_wait3A_125 = tpu.memref_squeeze %dma_wait3A_124 : memref<1x1x128xi32, #tpu.memory_space<vmem>> -> memref<128xi32, #tpu.memory_space<vmem>>
      %dma_wait3A_126 = arith.constant 0 : i32
      %dma_wait3A_127 = arith.constant 0 : i32
      %dma_wait3A_128 = tpu.memref_slice %arg3[%dma_wait3A_126, %dma_wait3A_127] : memref<20000x128xf32, #tpu.memory_space<hbm>> -> memref<20000x128xf32, #tpu.memory_space<hbm>>
      tpu.wait_indirect_dma semaphore(%arg9 : memref<!tpu.dma_semaphore, #tpu.memory_space<semaphore_mem>>) src(%dma_wait3A_128 : memref<20000x128xf32, #tpu.memory_space<hbm>>) dst(%arg7 : memref<128x128xf32, #tpu.memory_space<vmem>>)
      %mul3A_129 = arith.constant 2 : i32
      %mul3A_130 = arith.muli %mul3A_129, %scan3A_91 : i32
      %dma_start3A_131 = arith.constant 1 : i32
      %dma_start3A_132 = arith.constant 0 : i32
      %dma_start3A_133 = tpu.memref_slice %arg6[%mul3A_130, %dma_start3A_131, %dma_start3A_132] : memref<64x2x128xi32, #tpu.memory_space<vmem>> -> memref<1x1x128xi32, #tpu.memory_space<vmem>>
      %dma_start3A_134 = tpu.memref_squeeze %dma_start3A_133 : memref<1x1x128xi32, #tpu.memory_space<vmem>> -> memref<128xi32, #tpu.memory_space<vmem>>
      %dma_start3A_135 = arith.constant 0 : i32
      %dma_start3A_136 = arith.constant 0 : i32
      %dma_start3A_137 = tpu.memref_slice %arg13[%dma_start3A_135, %dma_start3A_136] : memref<10112x128xf32, #tpu.memory_space<vmem_shared>> -> memref<10112x128xf32, #tpu.memory_space<vmem_shared>>
      tpu.enqueue_indirect_dma source(%arg7 : memref<128x128xf32, #tpu.memory_space<vmem>>) target(%dma_start3A_137 : memref<10112x128xf32, #tpu.memory_space<vmem_shared>>) offsets(%dma_start3A_134 : memref<128xi32, #tpu.memory_space<vmem>>) semaphore(%arg11 : memref<!tpu.dma_semaphore, #tpu.memory_space<semaphore_mem>>) {add = true}
      %mul3A_138 = arith.constant 2 : i32
      %mul3A_139 = arith.muli %mul3A_138, %scan3A_91 : i32
      %add3A_140 = arith.constant 1 : i32
      %add3A_141 = arith.addi %mul3A_139, %add3A_140 : i32
      %dma_wait3A_142 = arith.constant 0 : i32
      %dma_wait3A_143 = arith.constant 0 : i32
      %dma_wait3A_144 = tpu.memref_slice %arg6[%add3A_141, %dma_wait3A_142, %dma_wait3A_143] : memref<64x2x128xi32, #tpu.memory_space<vmem>> -> memref<1x1x128xi32, #tpu.memory_space<vmem>>
      %dma_wait3A_145 = tpu.memref_squeeze %dma_wait3A_144 : memref<1x1x128xi32, #tpu.memory_space<vmem>> -> memref<128xi32, #tpu.memory_space<vmem>>
      %dma_wait3A_146 = arith.constant 0 : i32
      %dma_wait3A_147 = arith.constant 0 : i32
      %dma_wait3A_148 = tpu.memref_slice %arg3[%dma_wait3A_146, %dma_wait3A_147] : memref<20000x128xf32, #tpu.memory_space<hbm>> -> memref<20000x128xf32, #tpu.memory_space<hbm>>
      tpu.wait_indirect_dma semaphore(%arg10 : memref<!tpu.dma_semaphore, #tpu.memory_space<semaphore_mem>>) src(%dma_wait3A_148 : memref<20000x128xf32, #tpu.memory_space<hbm>>) dst(%arg8 : memref<128x128xf32, #tpu.memory_space<vmem>>)
      %mul3A_149 = arith.constant 2 : i32
      %mul3A_150 = arith.muli %mul3A_149, %scan3A_91 : i32
      %add3A_151 = arith.constant 1 : i32
      %add3A_152 = arith.addi %mul3A_150, %add3A_151 : i32
      %dma_start3A_153 = arith.constant 1 : i32
      %dma_start3A_154 = arith.constant 0 : i32
      %dma_start3A_155 = tpu.memref_slice %arg6[%add3A_152, %dma_start3A_153, %dma_start3A_154] : memref<64x2x128xi32, #tpu.memory_space<vmem>> -> memref<1x1x128xi32, #tpu.memory_space<vmem>>
      %dma_start3A_156 = tpu.memref_squeeze %dma_start3A_155 : memref<1x1x128xi32, #tpu.memory_space<vmem>> -> memref<128xi32, #tpu.memory_space<vmem>>
      %dma_start3A_157 = arith.constant 0 : i32
      %dma_start3A_158 = arith.constant 0 : i32
      %dma_start3A_159 = tpu.memref_slice %arg13[%dma_start3A_157, %dma_start3A_158] : memref<10112x128xf32, #tpu.memory_space<vmem_shared>> -> memref<10112x128xf32, #tpu.memory_space<vmem_shared>>
      tpu.enqueue_indirect_dma source(%arg8 : memref<128x128xf32, #tpu.memory_space<vmem>>) target(%dma_start3A_159 : memref<10112x128xf32, #tpu.memory_space<vmem_shared>>) offsets(%dma_start3A_156 : memref<128xi32, #tpu.memory_space<vmem>>) semaphore(%arg12 : memref<!tpu.dma_semaphore, #tpu.memory_space<semaphore_mem>>) {add = true}
    }
    %scan3A_60 = arith.constant 14 : i32
    %dma_wait3A_61 = arith.constant 0 : i32
    %dma_wait3A_62 = arith.constant 1 : i32
    %dma_wait3A_63 = arith.constant 0 : i32
    %dma_wait3A_64 = tpu.memref_slice %arg6[%dma_wait3A_61, %dma_wait3A_62, %dma_wait3A_63] : memref<64x2x128xi32, #tpu.memory_space<vmem>> -> memref<1x1x128xi32, #tpu.memory_space<vmem>>
    %dma_wait3A_65 = tpu.memref_squeeze %dma_wait3A_64 : memref<1x1x128xi32, #tpu.memory_space<vmem>> -> memref<128xi32, #tpu.memory_space<vmem>>
    %dma_wait3A_66 = arith.constant 0 : i32
    %dma_wait3A_67 = arith.constant 0 : i32
    %dma_wait3A_68 = tpu.memref_slice %arg13[%dma_wait3A_66, %dma_wait3A_67] : memref<10112x128xf32, #tpu.memory_space<vmem_shared>> -> memref<10112x128xf32, #tpu.memory_space<vmem_shared>>
    tpu.wait_indirect_dma semaphore(%arg11 : memref<!tpu.dma_semaphore, #tpu.memory_space<semaphore_mem>>) src(%arg7 : memref<128x128xf32, #tpu.memory_space<vmem>>) dst(%dma_wait3A_68 : memref<10112x128xf32, #tpu.memory_space<vmem_shared>>)
    %dma_wait3A_69 = arith.constant 0 : i32
    %dma_wait3A_70 = arith.constant 1 : i32
    %dma_wait3A_71 = arith.constant 0 : i32
    %dma_wait3A_72 = tpu.memref_slice %arg6[%dma_wait3A_69, %dma_wait3A_70, %dma_wait3A_71] : memref<64x2x128xi32, #tpu.memory_space<vmem>> -> memref<1x1x128xi32, #tpu.memory_space<vmem>>
    %dma_wait3A_73 = tpu.memref_squeeze %dma_wait3A_72 : memref<1x1x128xi32, #tpu.memory_space<vmem>> -> memref<128xi32, #tpu.memory_space<vmem>>
    %dma_wait3A_74 = arith.constant 0 : i32
    %dma_wait3A_75 = arith.constant 0 : i32
    %dma_wait3A_76 = tpu.memref_slice %arg13[%dma_wait3A_74, %dma_wait3A_75] : memref<10112x128xf32, #tpu.memory_space<vmem_shared>> -> memref<10112x128xf32, #tpu.memory_space<vmem_shared>>
    tpu.wait_indirect_dma semaphore(%arg12 : memref<!tpu.dma_semaphore, #tpu.memory_space<semaphore_mem>>) src(%arg8 : memref<128x128xf32, #tpu.memory_space<vmem>>) dst(%dma_wait3A_76 : memref<10112x128xf32, #tpu.memory_space<vmem_shared>>)
    %scan3A_77 = arith.constant 0 : i32
    %scan3A_78 = arith.constant 28 : i32
    %run_scoped3A = arith.constant 0 : i32
    "tpu.region"() ({
      %run_scoped3A_91 = tpu.sem_alloc : memref<!tpu.dma_semaphore, #tpu.memory_space<semaphore_mem>>
      %dma_start3A = arith.constant 0 : i32
      %dma_start3A_92 = tpu.memref_slice %arg6[%scan3A_78, %run_scoped3A, %dma_start3A] : memref<64x2x128xi32, #tpu.memory_space<vmem>> -> memref<1x1x128xi32, #tpu.memory_space<vmem>>
      %dma_start3A_93 = tpu.memref_squeeze %dma_start3A_92 : memref<1x1x128xi32, #tpu.memory_space<vmem>> -> memref<128xi32, #tpu.memory_space<vmem>>
      %dma_start3A_94 = arith.constant 0 : i32
      %dma_start3A_95 = arith.constant 0 : i32
      %dma_start3A_96 = tpu.memref_slice %arg3[%dma_start3A_94, %dma_start3A_95] : memref<20000x128xf32, #tpu.memory_space<hbm>> -> memref<20000x128xf32, #tpu.memory_space<hbm>>
      tpu.enqueue_indirect_dma source(%dma_start3A_96 : memref<20000x128xf32, #tpu.memory_space<hbm>>) target(%arg7 : memref<128x128xf32, #tpu.memory_space<vmem>>) offsets(%dma_start3A_93 : memref<128xi32, #tpu.memory_space<vmem>>) semaphore(%run_scoped3A_91 : memref<!tpu.dma_semaphore, #tpu.memory_space<semaphore_mem>>)
      %dma_wait3A_97 = arith.constant 0 : i32
      %dma_wait3A_98 = tpu.memref_slice %arg6[%scan3A_78, %run_scoped3A, %dma_wait3A_97] : memref<64x2x128xi32, #tpu.memory_space<vmem>> -> memref<1x1x128xi32, #tpu.memory_space<vmem>>
      %dma_wait3A_99 = tpu.memref_squeeze %dma_wait3A_98 : memref<1x1x128xi32, #tpu.memory_space<vmem>> -> memref<128xi32, #tpu.memory_space<vmem>>
      %dma_wait3A_100 = arith.constant 0 : i32
      %dma_wait3A_101 = arith.constant 0 : i32
      %dma_wait3A_102 = tpu.memref_slice %arg3[%dma_wait3A_100, %dma_wait3A_101] : memref<20000x128xf32, #tpu.memory_space<hbm>> -> memref<20000x128xf32, #tpu.memory_space<hbm>>
      tpu.wait_indirect_dma semaphore(%run_scoped3A_91 : memref<!tpu.dma_semaphore, #tpu.memory_space<semaphore_mem>>) src(%dma_wait3A_102 : memref<20000x128xf32, #tpu.memory_space<hbm>>) dst(%arg7 : memref<128x128xf32, #tpu.memory_space<vmem>>)
      tpu.yield
    }) : () -> ()
    %run_scoped3A_79 = arith.constant 1 : i32
    "tpu.region"() ({
      %run_scoped3A_91 = tpu.sem_alloc : memref<!tpu.dma_semaphore, #tpu.memory_space<semaphore_mem>>
      %dma_start3A = arith.constant 0 : i32
      %dma_start3A_92 = tpu.memref_slice %arg6[%scan3A_78, %run_scoped3A_79, %dma_start3A] : memref<64x2x128xi32, #tpu.memory_space<vmem>> -> memref<1x1x128xi32, #tpu.memory_space<vmem>>
      %dma_start3A_93 = tpu.memref_squeeze %dma_start3A_92 : memref<1x1x128xi32, #tpu.memory_space<vmem>> -> memref<128xi32, #tpu.memory_space<vmem>>
      %dma_start3A_94 = arith.constant 0 : i32
      %dma_start3A_95 = arith.constant 0 : i32
      %dma_start3A_96 = tpu.memref_slice %arg13[%dma_start3A_94, %dma_start3A_95] : memref<10112x128xf32, #tpu.memory_space<vmem_shared>> -> memref<10112x128xf32, #tpu.memory_space<vmem_shared>>
      tpu.enqueue_indirect_dma source(%arg7 : memref<128x128xf32, #tpu.memory_space<vmem>>) target(%dma_start3A_96 : memref<10112x128xf32, #tpu.memory_space<vmem_shared>>) offsets(%dma_start3A_93 : memref<128xi32, #tpu.memory_space<vmem>>) semaphore(%run_scoped3A_91 : memref<!tpu.dma_semaphore, #tpu.memory_space<semaphore_mem>>) {add = true}
      %dma_wait3A_97 = arith.constant 0 : i32
      %dma_wait3A_98 = tpu.memref_slice %arg6[%scan3A_78, %run_scoped3A_79, %dma_wait3A_97] : memref<64x2x128xi32, #tpu.memory_space<vmem>> -> memref<1x1x128xi32, #tpu.memory_space<vmem>>
      %dma_wait3A_99 = tpu.memref_squeeze %dma_wait3A_98 : memref<1x1x128xi32, #tpu.memory_space<vmem>> -> memref<128xi32, #tpu.memory_space<vmem>>
      %dma_wait3A_100 = arith.constant 0 : i32
      %dma_wait3A_101 = arith.constant 0 : i32
      %dma_wait3A_102 = tpu.memref_slice %arg13[%dma_wait3A_100, %dma_wait3A_101] : memref<10112x128xf32, #tpu.memory_space<vmem_shared>> -> memref<10112x128xf32, #tpu.memory_space<vmem_shared>>
      tpu.wait_indirect_dma semaphore(%run_scoped3A_91 : memref<!tpu.dma_semaphore, #tpu.memory_space<semaphore_mem>>) src(%arg7 : memref<128x128xf32, #tpu.memory_space<vmem>>) dst(%dma_wait3A_102 : memref<10112x128xf32, #tpu.memory_space<vmem_shared>>)
      tpu.yield
    }) : () -> ()
    %scan3A_80 = arith.constant 1 : i32
    %barrier3A_81 = arith.constant 0 : index
    tpu.barrier barrier_id(%barrier3A_81)
    %mul3A_82 = arith.constant 624 : i32
    %mul3A_83 = arith.muli %arg1, %mul3A_82 : i32
    %mul3A_84 = arith.constant 10000 : i32
    %mul3A_85 = arith.muli %arg0, %mul3A_84 : i32
    %mul3A_86 = arith.constant 624 : i32
    %mul3A_87 = arith.muli %arg1, %mul3A_86 : i32
    %add3A_88 = arith.addi %mul3A_85, %mul3A_87 : i32
    "tpu.region"() ({
      %run_scoped3A_91 = tpu.sem_alloc : memref<!tpu.dma_semaphore, #tpu.memory_space<semaphore_mem>>
      %dma_start3A = arith.constant 0 : i32
      %dma_start3A_92 = tpu.memref_slice %arg5[%add3A_88, %dma_start3A] : memref<20000x128xf32, #tpu.memory_space<hbm>> -> memref<624x128xf32, #tpu.memory_space<hbm>>
      %dma_start3A_93 = arith.constant 0 : i32
      %dma_start3A_94 = tpu.memref_slice %arg13[%mul3A_83, %dma_start3A_93] : memref<10112x128xf32, #tpu.memory_space<vmem_shared>> -> memref<624x128xf32, #tpu.memory_space<vmem_shared>>
      tpu.enqueue_dma source(%dma_start3A_94 : memref<624x128xf32, #tpu.memory_space<vmem_shared>>) target(%dma_start3A_92 : memref<624x128xf32, #tpu.memory_space<hbm>>) target_semaphore(%run_scoped3A_91 : memref<!tpu.dma_semaphore, #tpu.memory_space<semaphore_mem>>)
      %dma_wait3A_95 = arith.constant 0 : i32
      %dma_wait3A_96 = tpu.memref_slice %arg5[%add3A_88, %dma_wait3A_95] : memref<20000x128xf32, #tpu.memory_space<hbm>> -> memref<624x128xf32, #tpu.memory_space<hbm>>
      %dma_wait3A_97 = arith.constant 0 : i32
      %dma_wait3A_98 = tpu.memref_slice %arg13[%mul3A_83, %dma_wait3A_97] : memref<10112x128xf32, #tpu.memory_space<vmem_shared>> -> memref<624x128xf32, #tpu.memory_space<vmem_shared>>
      tpu.wait_dma2 semaphore(%run_scoped3A_91 : memref<!tpu.dma_semaphore, #tpu.memory_space<semaphore_mem>>) src(%dma_wait3A_98 : memref<624x128xf32, #tpu.memory_space<vmem_shared>>) dst(%dma_wait3A_96 : memref<624x128xf32, #tpu.memory_space<hbm>>)
      tpu.yield
    }) : () -> ()
    %eq3A = arith.constant 15 : i32
    %eq3A_89 = arith.cmpi eq, %arg1, %eq3A : i32
    %convert_element_type3A = arith.extui %eq3A_89 : i1 to i32
    %cond3A = arith.constant 0 : i32
    %cond3A_90 = arith.cmpi ne, %convert_element_type3A, %cond3A : i32
    scf.if %cond3A_90 {
      %mul3A_91 = arith.constant 10000 : i32
      %mul3A_92 = arith.muli %arg0, %mul3A_91 : i32
      %add3A_93 = arith.constant 9984 : i32
      %add3A_94 = arith.addi %mul3A_92, %add3A_93 : i32
      "tpu.region"() ({
        %run_scoped3A_95 = tpu.sem_alloc : memref<!tpu.dma_semaphore, #tpu.memory_space<semaphore_mem>>
        %dma_start3A = arith.constant 0 : i32
        %dma_start3A_96 = tpu.memref_slice %arg5[%add3A_94, %dma_start3A] : memref<20000x128xf32, #tpu.memory_space<hbm>> -> memref<16x128xf32, #tpu.memory_space<hbm>>
        %dma_start3A_97 = arith.constant 9984 : i32
        %dma_start3A_98 = arith.constant 0 : i32
        %dma_start3A_99 = tpu.memref_slice %arg13[%dma_start3A_97, %dma_start3A_98] : memref<10112x128xf32, #tpu.memory_space<vmem_shared>> -> memref<16x128xf32, #tpu.memory_space<vmem_shared>>
        tpu.enqueue_dma source(%dma_start3A_99 : memref<16x128xf32, #tpu.memory_space<vmem_shared>>) target(%dma_start3A_96 : memref<16x128xf32, #tpu.memory_space<hbm>>) target_semaphore(%run_scoped3A_95 : memref<!tpu.dma_semaphore, #tpu.memory_space<semaphore_mem>>)
        %dma_wait3A_100 = arith.constant 0 : i32
        %dma_wait3A_101 = tpu.memref_slice %arg5[%add3A_94, %dma_wait3A_100] : memref<20000x128xf32, #tpu.memory_space<hbm>> -> memref<16x128xf32, #tpu.memory_space<hbm>>
        %dma_wait3A_102 = arith.constant 9984 : i32
        %dma_wait3A_103 = arith.constant 0 : i32
        %dma_wait3A_104 = tpu.memref_slice %arg13[%dma_wait3A_102, %dma_wait3A_103] : memref<10112x128xf32, #tpu.memory_space<vmem_shared>> -> memref<16x128xf32, #tpu.memory_space<vmem_shared>>
        tpu.wait_dma2 semaphore(%run_scoped3A_95 : memref<!tpu.dma_semaphore, #tpu.memory_space<semaphore_mem>>) src(%dma_wait3A_104 : memref<16x128xf32, #tpu.memory_space<vmem_shared>>) dst(%dma_wait3A_101 : memref<16x128xf32, #tpu.memory_space<hbm>>)
        tpu.yield
      }) : () -> ()
    } else {
    }
    return
  }
}

#map = affine_map<(d0, d1) -> (0, 0)>
#map1 = affine_map<(d0, d1) -> (0)>
#map2 = affine_map<(d0, d1) -> (0, 0, 0)>
module attributes {stable_mosaic.version = 14 : i64} {
  func.func @_pool_body(%arg0: i32, %arg1: i32, %arg2: memref<10240x128xf32, #tpu.memory_space<hbm>>, %arg3: memref<10240xi32, #tpu.memory_space<hbm>>, %arg4: memref<80x128xf32, #tpu.memory_space<hbm>>, %arg5: memref<16x128xf32, #tpu.memory_space<hbm>>, %arg6: memref<2x144x128xf32, #tpu.memory_space<hbm>>, %arg7: memref<2x144x128xf32, #tpu.memory_space<hbm>>, %arg8: memref<1x80xi32, #tpu.memory_space<vmem>>, %arg9: memref<80x128xf32, #tpu.memory_space<vmem>>, %arg10: memref<80x128xf32, #tpu.memory_space<vmem>>, %arg11: memref<144x128xf32, #tpu.memory_space<vmem_shared>>, %arg12: memref<144x128xf32, #tpu.memory_space<vmem_shared>>) attributes {dimension_semantics = [#tpu.dimension_semantics<core_parallel>, #tpu.dimension_semantics<subcore_parallel>], iteration_bounds = array<i64: 2, 16>, scalar_prefetch = 0 : i64, scratch_operands = 5 : i64, tpu.core_type = #tpu.core_type<sc_vector_subcore>, window_params = [{transform_indices = #map}, {transform_indices = #map1}, {transform_indices = #map}, {transform_indices = #map}, {transform_indices = #map2}, {transform_indices = #map2}]} {
    "tpu.region"() ({
      %run_scoped3A = tpu.sem_alloc : memref<!tpu.dma_semaphore, #tpu.memory_space<semaphore_mem>>
      tpu.enqueue_dma source(%arg4 : memref<80x128xf32, #tpu.memory_space<hbm>>) target(%arg10 : memref<80x128xf32, #tpu.memory_space<vmem>>) target_semaphore(%run_scoped3A : memref<!tpu.dma_semaphore, #tpu.memory_space<semaphore_mem>>)
      tpu.wait_dma2 semaphore(%run_scoped3A : memref<!tpu.dma_semaphore, #tpu.memory_space<semaphore_mem>>) src(%arg4 : memref<80x128xf32, #tpu.memory_space<hbm>>) dst(%arg10 : memref<80x128xf32, #tpu.memory_space<vmem>>)
      tpu.yield
    }) : () -> ()
    %lt3A = arith.constant 9 : i32
    %lt3A_0 = arith.cmpi slt, %arg1, %lt3A : i32
    %convert_element_type3A = arith.extui %lt3A_0 : i1 to i32
    %cond3A = arith.constant 0 : i32
    %cond3A_1 = arith.cmpi ne, %convert_element_type3A, %cond3A : i32
    scf.if %cond3A_1 {
      %mul3A_13 = arith.constant 16 : i32
      %mul3A_14 = arith.muli %arg1, %mul3A_13 : i32
      "tpu.region"() ({
        %run_scoped3A = tpu.sem_alloc : memref<!tpu.dma_semaphore, #tpu.memory_space<semaphore_mem>>
        %dma_start3A = arith.constant 0 : i32
        %dma_start3A_17 = tpu.memref_slice %arg11[%mul3A_14, %dma_start3A] : memref<144x128xf32, #tpu.memory_space<vmem_shared>> -> memref<16x128xf32, #tpu.memory_space<vmem_shared>>
        %dma_start3A_18 = arith.constant 0 : i32
        %dma_start3A_19 = arith.constant 0 : i32
        %dma_start3A_20 = tpu.memref_slice %arg5[%dma_start3A_18, %dma_start3A_19] : memref<16x128xf32, #tpu.memory_space<hbm>> -> memref<16x128xf32, #tpu.memory_space<hbm>>
        tpu.enqueue_dma source(%dma_start3A_20 : memref<16x128xf32, #tpu.memory_space<hbm>>) target(%dma_start3A_17 : memref<16x128xf32, #tpu.memory_space<vmem_shared>>) target_semaphore(%run_scoped3A : memref<!tpu.dma_semaphore, #tpu.memory_space<semaphore_mem>>)
        %dma_wait3A = arith.constant 0 : i32
        %dma_wait3A_21 = tpu.memref_slice %arg11[%mul3A_14, %dma_wait3A] : memref<144x128xf32, #tpu.memory_space<vmem_shared>> -> memref<16x128xf32, #tpu.memory_space<vmem_shared>>
        %dma_wait3A_22 = arith.constant 0 : i32
        %dma_wait3A_23 = arith.constant 0 : i32
        %dma_wait3A_24 = tpu.memref_slice %arg5[%dma_wait3A_22, %dma_wait3A_23] : memref<16x128xf32, #tpu.memory_space<hbm>> -> memref<16x128xf32, #tpu.memory_space<hbm>>
        tpu.wait_dma2 semaphore(%run_scoped3A : memref<!tpu.dma_semaphore, #tpu.memory_space<semaphore_mem>>) src(%dma_wait3A_24 : memref<16x128xf32, #tpu.memory_space<hbm>>) dst(%dma_wait3A_21 : memref<16x128xf32, #tpu.memory_space<vmem_shared>>)
        tpu.yield
      }) : () -> ()
      %mul3A_15 = arith.constant 16 : i32
      %mul3A_16 = arith.muli %arg1, %mul3A_15 : i32
      "tpu.region"() ({
        %run_scoped3A = tpu.sem_alloc : memref<!tpu.dma_semaphore, #tpu.memory_space<semaphore_mem>>
        %dma_start3A = arith.constant 0 : i32
        %dma_start3A_17 = tpu.memref_slice %arg12[%mul3A_16, %dma_start3A] : memref<144x128xf32, #tpu.memory_space<vmem_shared>> -> memref<16x128xf32, #tpu.memory_space<vmem_shared>>
        %dma_start3A_18 = arith.constant 0 : i32
        %dma_start3A_19 = arith.constant 0 : i32
        %dma_start3A_20 = tpu.memref_slice %arg5[%dma_start3A_18, %dma_start3A_19] : memref<16x128xf32, #tpu.memory_space<hbm>> -> memref<16x128xf32, #tpu.memory_space<hbm>>
        tpu.enqueue_dma source(%dma_start3A_20 : memref<16x128xf32, #tpu.memory_space<hbm>>) target(%dma_start3A_17 : memref<16x128xf32, #tpu.memory_space<vmem_shared>>) target_semaphore(%run_scoped3A : memref<!tpu.dma_semaphore, #tpu.memory_space<semaphore_mem>>)
        %dma_wait3A = arith.constant 0 : i32
        %dma_wait3A_21 = tpu.memref_slice %arg12[%mul3A_16, %dma_wait3A] : memref<144x128xf32, #tpu.memory_space<vmem_shared>> -> memref<16x128xf32, #tpu.memory_space<vmem_shared>>
        %dma_wait3A_22 = arith.constant 0 : i32
        %dma_wait3A_23 = arith.constant 0 : i32
        %dma_wait3A_24 = tpu.memref_slice %arg5[%dma_wait3A_22, %dma_wait3A_23] : memref<16x128xf32, #tpu.memory_space<hbm>> -> memref<16x128xf32, #tpu.memory_space<hbm>>
        tpu.wait_dma2 semaphore(%run_scoped3A : memref<!tpu.dma_semaphore, #tpu.memory_space<semaphore_mem>>) src(%dma_wait3A_24 : memref<16x128xf32, #tpu.memory_space<hbm>>) dst(%dma_wait3A_21 : memref<16x128xf32, #tpu.memory_space<vmem_shared>>)
        tpu.yield
      }) : () -> ()
    } else {
    }
    %barrier3A = arith.constant 0 : index
    tpu.barrier barrier_id(%barrier3A)
    %mul3A = arith.constant 16 : i32
    %mul3A_2 = arith.muli %arg0, %mul3A : i32
    %add3A = arith.addi %mul3A_2, %arg1 : i32
    %scan3A = arith.constant 0 : i32
    %scan3A_3 = arith.constant 0 : i32
    %scan3A_4 = arith.constant 4 : i32
    %scan3A_5 = arith.addi %scan3A_3, %scan3A_4 : i32
    %scan3A_6 = arith.constant 1 : i32
    scf.for %scan3A_13 = %scan3A_3 to %scan3A_5 step %scan3A_6  : i32 {
      %mul3A_14 = arith.constant 4 : i32
      %mul3A_15 = arith.muli %add3A, %mul3A_14 : i32
      %add3A_16 = arith.addi %mul3A_15, %scan3A_13 : i32
      %mul3A_17 = arith.constant 80 : i32
      %mul3A_18 = arith.muli %add3A_16, %mul3A_17 : i32
      %run_scoped3A = arith.constant 0 : i32
      "tpu.region"() ({
        %run_scoped3A_21 = tpu.sem_alloc : memref<!tpu.dma_semaphore, #tpu.memory_space<semaphore_mem>>
        %dma_start3A = arith.constant 0 : i32
        %dma_start3A_22 = tpu.memref_slice %arg8[%run_scoped3A, %dma_start3A] : memref<1x80xi32, #tpu.memory_space<vmem>> -> memref<1x80xi32, #tpu.memory_space<vmem>>
        %dma_start3A_23 = tpu.memref_squeeze %dma_start3A_22 : memref<1x80xi32, #tpu.memory_space<vmem>> -> memref<80xi32, #tpu.memory_space<vmem>>
        %dma_start3A_24 = tpu.memref_slice %arg3[%mul3A_18] : memref<10240xi32, #tpu.memory_space<hbm>> -> memref<80xi32, #tpu.memory_space<hbm>>
        %dma_start3A_25 = arith.constant 0 : i32
        %dma_start3A_26 = tpu.memref_slice %arg8[%run_scoped3A, %dma_start3A_25] : memref<1x80xi32, #tpu.memory_space<vmem>> -> memref<1x80xi32, #tpu.memory_space<vmem>>
        %dma_start3A_27 = tpu.memref_squeeze %dma_start3A_26 : memref<1x80xi32, #tpu.memory_space<vmem>> -> memref<80xi32, #tpu.memory_space<vmem>>
        %dma_start3A_28 = tpu.memref_slice %arg3[%mul3A_18] : memref<10240xi32, #tpu.memory_space<hbm>> -> memref<80xi32, #tpu.memory_space<hbm>>
        tpu.enqueue_dma source(%dma_start3A_28 : memref<80xi32, #tpu.memory_space<hbm>>) target(%dma_start3A_27 : memref<80xi32, #tpu.memory_space<vmem>>) target_semaphore(%run_scoped3A_21 : memref<!tpu.dma_semaphore, #tpu.memory_space<semaphore_mem>>)
        %dma_wait3A = arith.constant 0 : i32
        %dma_wait3A_29 = tpu.memref_slice %arg8[%run_scoped3A, %dma_wait3A] : memref<1x80xi32, #tpu.memory_space<vmem>> -> memref<1x80xi32, #tpu.memory_space<vmem>>
        %dma_wait3A_30 = tpu.memref_squeeze %dma_wait3A_29 : memref<1x80xi32, #tpu.memory_space<vmem>> -> memref<80xi32, #tpu.memory_space<vmem>>
        %dma_wait3A_31 = tpu.memref_slice %arg3[%mul3A_18] : memref<10240xi32, #tpu.memory_space<hbm>> -> memref<80xi32, #tpu.memory_space<hbm>>
        %dma_wait3A_32 = arith.constant 0 : i32
        %dma_wait3A_33 = tpu.memref_slice %arg8[%run_scoped3A, %dma_wait3A_32] : memref<1x80xi32, #tpu.memory_space<vmem>> -> memref<1x80xi32, #tpu.memory_space<vmem>>
        %dma_wait3A_34 = tpu.memref_squeeze %dma_wait3A_33 : memref<1x80xi32, #tpu.memory_space<vmem>> -> memref<80xi32, #tpu.memory_space<vmem>>
        %dma_wait3A_35 = tpu.memref_slice %arg3[%mul3A_18] : memref<10240xi32, #tpu.memory_space<hbm>> -> memref<80xi32, #tpu.memory_space<hbm>>
        tpu.wait_dma2 semaphore(%run_scoped3A_21 : memref<!tpu.dma_semaphore, #tpu.memory_space<semaphore_mem>>) src(%dma_wait3A_35 : memref<80xi32, #tpu.memory_space<hbm>>) dst(%dma_wait3A_34 : memref<80xi32, #tpu.memory_space<vmem>>)
        tpu.yield
      }) : () -> ()
      "tpu.region"() ({
        %run_scoped3A_21 = tpu.sem_alloc : memref<!tpu.dma_semaphore, #tpu.memory_space<semaphore_mem>>
        %dma_start3A = arith.constant 0 : i32
        %dma_start3A_22 = tpu.memref_slice %arg2[%mul3A_18, %dma_start3A] : memref<10240x128xf32, #tpu.memory_space<hbm>> -> memref<80x128xf32, #tpu.memory_space<hbm>>
        %dma_start3A_23 = arith.constant 0 : i32
        %dma_start3A_24 = tpu.memref_slice %arg2[%mul3A_18, %dma_start3A_23] : memref<10240x128xf32, #tpu.memory_space<hbm>> -> memref<80x128xf32, #tpu.memory_space<hbm>>
        tpu.enqueue_dma source(%dma_start3A_24 : memref<80x128xf32, #tpu.memory_space<hbm>>) target(%arg9 : memref<80x128xf32, #tpu.memory_space<vmem>>) target_semaphore(%run_scoped3A_21 : memref<!tpu.dma_semaphore, #tpu.memory_space<semaphore_mem>>)
        %dma_wait3A = arith.constant 0 : i32
        %dma_wait3A_25 = tpu.memref_slice %arg2[%mul3A_18, %dma_wait3A] : memref<10240x128xf32, #tpu.memory_space<hbm>> -> memref<80x128xf32, #tpu.memory_space<hbm>>
        %dma_wait3A_26 = arith.constant 0 : i32
        %dma_wait3A_27 = tpu.memref_slice %arg2[%mul3A_18, %dma_wait3A_26] : memref<10240x128xf32, #tpu.memory_space<hbm>> -> memref<80x128xf32, #tpu.memory_space<hbm>>
        tpu.wait_dma2 semaphore(%run_scoped3A_21 : memref<!tpu.dma_semaphore, #tpu.memory_space<semaphore_mem>>) src(%dma_wait3A_27 : memref<80x128xf32, #tpu.memory_space<hbm>>) dst(%arg9 : memref<80x128xf32, #tpu.memory_space<vmem>>)
        tpu.yield
      }) : () -> ()
      %run_scoped3A_19 = arith.constant 0 : i32
      "tpu.region"() ({
        %run_scoped3A_21 = tpu.sem_alloc : memref<!tpu.dma_semaphore, #tpu.memory_space<semaphore_mem>>
        %dma_start3A = arith.constant 0 : i32
        %dma_start3A_22 = tpu.memref_slice %arg8[%run_scoped3A_19, %dma_start3A] : memref<1x80xi32, #tpu.memory_space<vmem>> -> memref<1x80xi32, #tpu.memory_space<vmem>>
        %dma_start3A_23 = tpu.memref_squeeze %dma_start3A_22 : memref<1x80xi32, #tpu.memory_space<vmem>> -> memref<80xi32, #tpu.memory_space<vmem>>
        %dma_start3A_24 = arith.constant 0 : i32
        %dma_start3A_25 = arith.constant 0 : i32
        %dma_start3A_26 = tpu.memref_slice %arg11[%dma_start3A_24, %dma_start3A_25] : memref<144x128xf32, #tpu.memory_space<vmem_shared>> -> memref<144x128xf32, #tpu.memory_space<vmem_shared>>
        tpu.enqueue_indirect_dma source(%arg9 : memref<80x128xf32, #tpu.memory_space<vmem>>) target(%dma_start3A_26 : memref<144x128xf32, #tpu.memory_space<vmem_shared>>) offsets(%dma_start3A_23 : memref<80xi32, #tpu.memory_space<vmem>>) semaphore(%run_scoped3A_21 : memref<!tpu.dma_semaphore, #tpu.memory_space<semaphore_mem>>) {add = true}
        %dma_wait3A = arith.constant 0 : i32
        %dma_wait3A_27 = tpu.memref_slice %arg8[%run_scoped3A_19, %dma_wait3A] : memref<1x80xi32, #tpu.memory_space<vmem>> -> memref<1x80xi32, #tpu.memory_space<vmem>>
        %dma_wait3A_28 = tpu.memref_squeeze %dma_wait3A_27 : memref<1x80xi32, #tpu.memory_space<vmem>> -> memref<80xi32, #tpu.memory_space<vmem>>
        %dma_wait3A_29 = arith.constant 0 : i32
        %dma_wait3A_30 = arith.constant 0 : i32
        %dma_wait3A_31 = tpu.memref_slice %arg11[%dma_wait3A_29, %dma_wait3A_30] : memref<144x128xf32, #tpu.memory_space<vmem_shared>> -> memref<144x128xf32, #tpu.memory_space<vmem_shared>>
        tpu.wait_indirect_dma semaphore(%run_scoped3A_21 : memref<!tpu.dma_semaphore, #tpu.memory_space<semaphore_mem>>) src(%arg9 : memref<80x128xf32, #tpu.memory_space<vmem>>) dst(%dma_wait3A_31 : memref<144x128xf32, #tpu.memory_space<vmem_shared>>)
        tpu.yield
      }) : () -> ()
      %run_scoped3A_20 = arith.constant 0 : i32
      "tpu.region"() ({
        %run_scoped3A_21 = tpu.sem_alloc : memref<!tpu.dma_semaphore, #tpu.memory_space<semaphore_mem>>
        %dma_start3A = arith.constant 0 : i32
        %dma_start3A_22 = tpu.memref_slice %arg8[%run_scoped3A_20, %dma_start3A] : memref<1x80xi32, #tpu.memory_space<vmem>> -> memref<1x80xi32, #tpu.memory_space<vmem>>
        %dma_start3A_23 = tpu.memref_squeeze %dma_start3A_22 : memref<1x80xi32, #tpu.memory_space<vmem>> -> memref<80xi32, #tpu.memory_space<vmem>>
        %dma_start3A_24 = arith.constant 0 : i32
        %dma_start3A_25 = arith.constant 0 : i32
        %dma_start3A_26 = tpu.memref_slice %arg12[%dma_start3A_24, %dma_start3A_25] : memref<144x128xf32, #tpu.memory_space<vmem_shared>> -> memref<144x128xf32, #tpu.memory_space<vmem_shared>>
        tpu.enqueue_indirect_dma source(%arg10 : memref<80x128xf32, #tpu.memory_space<vmem>>) target(%dma_start3A_26 : memref<144x128xf32, #tpu.memory_space<vmem_shared>>) offsets(%dma_start3A_23 : memref<80xi32, #tpu.memory_space<vmem>>) semaphore(%run_scoped3A_21 : memref<!tpu.dma_semaphore, #tpu.memory_space<semaphore_mem>>) {add = true}
        %dma_wait3A = arith.constant 0 : i32
        %dma_wait3A_27 = tpu.memref_slice %arg8[%run_scoped3A_20, %dma_wait3A] : memref<1x80xi32, #tpu.memory_space<vmem>> -> memref<1x80xi32, #tpu.memory_space<vmem>>
        %dma_wait3A_28 = tpu.memref_squeeze %dma_wait3A_27 : memref<1x80xi32, #tpu.memory_space<vmem>> -> memref<80xi32, #tpu.memory_space<vmem>>
        %dma_wait3A_29 = arith.constant 0 : i32
        %dma_wait3A_30 = arith.constant 0 : i32
        %dma_wait3A_31 = tpu.memref_slice %arg12[%dma_wait3A_29, %dma_wait3A_30] : memref<144x128xf32, #tpu.memory_space<vmem_shared>> -> memref<144x128xf32, #tpu.memory_space<vmem_shared>>
        tpu.wait_indirect_dma semaphore(%run_scoped3A_21 : memref<!tpu.dma_semaphore, #tpu.memory_space<semaphore_mem>>) src(%arg10 : memref<80x128xf32, #tpu.memory_space<vmem>>) dst(%dma_wait3A_31 : memref<144x128xf32, #tpu.memory_space<vmem_shared>>)
        tpu.yield
      }) : () -> ()
    }
    %scan3A_7 = arith.constant 4 : i32
    %barrier3A_8 = arith.constant 0 : index
    tpu.barrier barrier_id(%barrier3A_8)
    %eq3A = arith.constant 0 : i32
    %eq3A_9 = arith.cmpi eq, %arg1, %eq3A : i32
    %convert_element_type3A_10 = arith.extui %eq3A_9 : i1 to i32
    %cond3A_11 = arith.constant 0 : i32
    %cond3A_12 = arith.cmpi ne, %convert_element_type3A_10, %cond3A_11 : i32
    scf.if %cond3A_12 {
      "tpu.region"() ({
        %run_scoped3A = tpu.sem_alloc : memref<!tpu.dma_semaphore, #tpu.memory_space<semaphore_mem>>
        %dma_start3A = arith.constant 0 : i32
        %dma_start3A_13 = arith.constant 0 : i32
        %dma_start3A_14 = tpu.memref_slice %arg6[%arg0, %dma_start3A, %dma_start3A_13] : memref<2x144x128xf32, #tpu.memory_space<hbm>> -> memref<1x144x128xf32, #tpu.memory_space<hbm>>
        %dma_start3A_15 = tpu.memref_squeeze %dma_start3A_14 : memref<1x144x128xf32, #tpu.memory_space<hbm>> -> memref<144x128xf32, #tpu.memory_space<hbm>>
        tpu.enqueue_dma source(%arg11 : memref<144x128xf32, #tpu.memory_space<vmem_shared>>) target(%dma_start3A_15 : memref<144x128xf32, #tpu.memory_space<hbm>>) target_semaphore(%run_scoped3A : memref<!tpu.dma_semaphore, #tpu.memory_space<semaphore_mem>>)
        %dma_wait3A = arith.constant 0 : i32
        %dma_wait3A_16 = arith.constant 0 : i32
        %dma_wait3A_17 = tpu.memref_slice %arg6[%arg0, %dma_wait3A, %dma_wait3A_16] : memref<2x144x128xf32, #tpu.memory_space<hbm>> -> memref<1x144x128xf32, #tpu.memory_space<hbm>>
        %dma_wait3A_18 = tpu.memref_squeeze %dma_wait3A_17 : memref<1x144x128xf32, #tpu.memory_space<hbm>> -> memref<144x128xf32, #tpu.memory_space<hbm>>
        tpu.wait_dma2 semaphore(%run_scoped3A : memref<!tpu.dma_semaphore, #tpu.memory_space<semaphore_mem>>) src(%arg11 : memref<144x128xf32, #tpu.memory_space<vmem_shared>>) dst(%dma_wait3A_18 : memref<144x128xf32, #tpu.memory_space<hbm>>)
        tpu.yield
      }) : () -> ()
      "tpu.region"() ({
        %run_scoped3A = tpu.sem_alloc : memref<!tpu.dma_semaphore, #tpu.memory_space<semaphore_mem>>
        %dma_start3A = arith.constant 0 : i32
        %dma_start3A_13 = arith.constant 0 : i32
        %dma_start3A_14 = tpu.memref_slice %arg7[%arg0, %dma_start3A, %dma_start3A_13] : memref<2x144x128xf32, #tpu.memory_space<hbm>> -> memref<1x144x128xf32, #tpu.memory_space<hbm>>
        %dma_start3A_15 = tpu.memref_squeeze %dma_start3A_14 : memref<1x144x128xf32, #tpu.memory_space<hbm>> -> memref<144x128xf32, #tpu.memory_space<hbm>>
        tpu.enqueue_dma source(%arg12 : memref<144x128xf32, #tpu.memory_space<vmem_shared>>) target(%dma_start3A_15 : memref<144x128xf32, #tpu.memory_space<hbm>>) target_semaphore(%run_scoped3A : memref<!tpu.dma_semaphore, #tpu.memory_space<semaphore_mem>>)
        %dma_wait3A = arith.constant 0 : i32
        %dma_wait3A_16 = arith.constant 0 : i32
        %dma_wait3A_17 = tpu.memref_slice %arg7[%arg0, %dma_wait3A, %dma_wait3A_16] : memref<2x144x128xf32, #tpu.memory_space<hbm>> -> memref<1x144x128xf32, #tpu.memory_space<hbm>>
        %dma_wait3A_18 = tpu.memref_squeeze %dma_wait3A_17 : memref<1x144x128xf32, #tpu.memory_space<hbm>> -> memref<144x128xf32, #tpu.memory_space<hbm>>
        tpu.wait_dma2 semaphore(%run_scoped3A : memref<!tpu.dma_semaphore, #tpu.memory_space<semaphore_mem>>) src(%arg12 : memref<144x128xf32, #tpu.memory_space<vmem_shared>>) dst(%dma_wait3A_18 : memref<144x128xf32, #tpu.memory_space<hbm>>)
        tpu.yield
      }) : () -> ()
    } else {
    }
    return
  }
}

module attributes {stable_mosaic.version = 14 : i64} {
  func.func @_layer0_body(%arg0: i32, %arg1: memref<1000x128xf32, #tpu.memory_space<vmem>>, %arg2: memref<1000x128xf32, #tpu.memory_space<vmem>>, %arg3: memref<128x128xf32, #tpu.memory_space<vmem>>, %arg4: memref<128x128xf32, #tpu.memory_space<vmem>>, %arg5: memref<8x128xf32, #tpu.memory_space<vmem>>, %arg6: memref<1000x128xf32, #tpu.memory_space<vmem>>) attributes {dimension_semantics = [#tpu.dimension_semantics<arbitrary>], iteration_bounds = array<i64: 20>, scalar_prefetch = 0 : i64, scratch_operands = 0 : i64, tpu.core_type = #tpu.core_type<tc>, window_params = [{transform_indices = @transform_0, window_bounds = array<i64: 1000, 128>}, {transform_indices = @transform_1, window_bounds = array<i64: 1000, 128>}, {pipeline_mode = #tpu.pipeline_mode<synchronous>, transform_indices = @transform_2, window_bounds = array<i64: 128, 128>}, {pipeline_mode = #tpu.pipeline_mode<synchronous>, transform_indices = @transform_3, window_bounds = array<i64: 128, 128>}, {pipeline_mode = #tpu.pipeline_mode<synchronous>, transform_indices = @transform_4, window_bounds = array<i64: 8, 128>}, {transform_indices = @transform_5, window_bounds = array<i64: 1000, 128>}]} {
    %get3A = arith.constant 0 : index
    %get3A_0 = arith.constant 0 : index
    %get3A_1 = vector.load %arg2[%get3A, %get3A_0] : memref<1000x128xf32, #tpu.memory_space<vmem>>, vector<1000x128xf32>
    %get3A_2 = arith.constant 0 : index
    %get3A_3 = arith.constant 0 : index
    %get3A_4 = vector.load %arg3[%get3A_2, %get3A_3] : memref<128x128xf32, #tpu.memory_space<vmem>>, vector<128x128xf32>
    %dot_general3A = arith.constant dense<0.000000e+00> : vector<1000x128xf32>
    %dot_general3A_5 = tpu.matmul %get3A_1, %get3A_4, %dot_general3A {dimension_numbers = #tpu.dot_dimension_numbers<[1], [0], [0], [1], [0, 0, 1, 1], [], []>, transpose_lhs_hint = false} : vector<1000x128xf32>, vector<128x128xf32>, vector<1000x128xf32> -> vector<1000x128xf32>
    %get3A_6 = arith.constant 0 : index
    %get3A_7 = arith.constant 0 : index
    %get3A_8 = vector.load %arg1[%get3A_6, %get3A_7] : memref<1000x128xf32, #tpu.memory_space<vmem>>, vector<1000x128xf32>
    %get3A_9 = arith.constant 0 : index
    %get3A_10 = arith.constant 0 : index
    %get3A_11 = vector.load %arg4[%get3A_9, %get3A_10] : memref<128x128xf32, #tpu.memory_space<vmem>>, vector<128x128xf32>
    %dot_general3A_12 = arith.constant dense<0.000000e+00> : vector<1000x128xf32>
    %dot_general3A_13 = tpu.matmul %get3A_8, %get3A_11, %dot_general3A_12 {dimension_numbers = #tpu.dot_dimension_numbers<[1], [0], [0], [1], [0, 0, 1, 1], [], []>, transpose_lhs_hint = false} : vector<1000x128xf32>, vector<128x128xf32>, vector<1000x128xf32> -> vector<1000x128xf32>
    %add3A = arith.addf %dot_general3A_5, %dot_general3A_13 : vector<1000x128xf32>
    %get3A_14 = arith.constant 0 : index
    %get3A_15 = arith.constant 0 : index
    %get3A_16 = vector.load %arg5[%get3A_14, %get3A_15] : memref<8x128xf32, #tpu.memory_space<vmem>>, vector<1x128xf32>
    %add3A_17 = vector.broadcast %get3A_16 : vector<1x128xf32> to vector<1000x128xf32>
    %add3A_18 = arith.addf %add3A, %add3A_17 : vector<1000x128xf32>
    %get3A_19 = arith.constant 1 : index
    %get3A_20 = arith.constant 0 : index
    %get3A_21 = vector.load %arg5[%get3A_19, %get3A_20] : memref<8x128xf32, #tpu.memory_space<vmem>>, vector<1x128xf32>
    %mul3A = vector.broadcast %get3A_21 : vector<1x128xf32> to vector<1000x128xf32>
    %mul3A_22 = arith.mulf %add3A_18, %mul3A : vector<1000x128xf32>
    %get3A_23 = arith.constant 2 : index
    %get3A_24 = arith.constant 0 : index
    %get3A_25 = vector.load %arg5[%get3A_23, %get3A_24] : memref<8x128xf32, #tpu.memory_space<vmem>>, vector<1x128xf32>
    %add3A_26 = vector.broadcast %get3A_25 : vector<1x128xf32> to vector<1000x128xf32>
    %add3A_27 = arith.addf %mul3A_22, %add3A_26 : vector<1000x128xf32>
    %max3A = arith.constant 0.000000e+00 : f32
    %max3A_28 = vector.broadcast %max3A : f32 to vector<1000x128xf32>
    %max3A_29 = arith.maximumf %add3A_27, %max3A_28 : vector<1000x128xf32>
    %swap3A = arith.constant 0 : index
    %swap3A_30 = arith.constant 0 : index
    %swap3A_31 = vector.load %arg6[%swap3A, %swap3A_30] : memref<1000x128xf32, #tpu.memory_space<vmem>>, vector<1000x128xf32>
    tpu.vector_store %arg6[%swap3A, %swap3A_30], %max3A_29 {strides = array<i32>} : memref<1000x128xf32, #tpu.memory_space<vmem>>, vector<1000x128xf32>,
    return
  }
  func.func @transform_0(%arg0: i32) -> (i32, i32) {
    %c0_i32 = arith.constant 0 : i32
    %c0_i32_0 = arith.constant 0 : i32
    return %arg0, %c0_i32 : i32, i32
  }
  func.func @transform_1(%arg0: i32) -> (i32, i32) {
    %c0_i32 = arith.constant 0 : i32
    %c0_i32_0 = arith.constant 0 : i32
    return %arg0, %c0_i32 : i32, i32
  }
  func.func @transform_2(%arg0: i32) -> (i32, i32) {
    %c0_i32 = arith.constant 0 : i32
    %c0_i32_0 = arith.constant 0 : i32
    %c0_i32_1 = arith.constant 0 : i32
    return %c0_i32, %c0_i32_0 : i32, i32
  }
  func.func @transform_3(%arg0: i32) -> (i32, i32) {
    %c0_i32 = arith.constant 0 : i32
    %c0_i32_0 = arith.constant 0 : i32
    %c0_i32_1 = arith.constant 0 : i32
    return %c0_i32, %c0_i32_0 : i32, i32
  }
  func.func @transform_4(%arg0: i32) -> (i32, i32) {
    %c0_i32 = arith.constant 0 : i32
    %c0_i32_0 = arith.constant 0 : i32
    %c0_i32_1 = arith.constant 0 : i32
    return %c0_i32, %c0_i32_0 : i32, i32
  }
  func.func @transform_5(%arg0: i32) -> (i32, i32) {
    %c0_i32 = arith.constant 0 : i32
    %c0_i32_0 = arith.constant 0 : i32
    return %arg0, %c0_i32 : i32, i32
  }
}

module attributes {stable_mosaic.version = 14 : i64} {
  func.func @_layer_body(%arg0: i32, %arg1: memref<1000x128xf32, #tpu.memory_space<vmem>>, %arg2: memref<1000x128xf32, #tpu.memory_space<vmem>>, %arg3: memref<128x128xf32, #tpu.memory_space<vmem>>, %arg4: memref<128x128xf32, #tpu.memory_space<vmem>>, %arg5: memref<8x128xf32, #tpu.memory_space<vmem>>, %arg6: memref<1000x128xf32, #tpu.memory_space<vmem>>, %arg7: memref<1000x128xf32, #tpu.memory_space<vmem>>, %arg8: memref<1000x128xf32, #tpu.memory_space<vmem>>) attributes {dimension_semantics = [#tpu.dimension_semantics<arbitrary>], iteration_bounds = array<i64: 20>, scalar_prefetch = 0 : i64, scratch_operands = 0 : i64, tpu.core_type = #tpu.core_type<tc>, window_params = [{transform_indices = @transform_0, window_bounds = array<i64: 1000, 128>}, {transform_indices = @transform_1, window_bounds = array<i64: 1000, 128>}, {pipeline_mode = #tpu.pipeline_mode<synchronous>, transform_indices = @transform_2, window_bounds = array<i64: 128, 128>}, {pipeline_mode = #tpu.pipeline_mode<synchronous>, transform_indices = @transform_3, window_bounds = array<i64: 128, 128>}, {pipeline_mode = #tpu.pipeline_mode<synchronous>, transform_indices = @transform_4, window_bounds = array<i64: 8, 128>}, {transform_indices = @transform_5, window_bounds = array<i64: 1000, 128>}, {transform_indices = @transform_6, window_bounds = array<i64: 1000, 128>}, {transform_indices = @transform_7, window_bounds = array<i64: 1000, 128>}]} {
    %get3A = arith.constant 0 : index
    %get3A_0 = arith.constant 0 : index
    %get3A_1 = vector.load %arg2[%get3A, %get3A_0] : memref<1000x128xf32, #tpu.memory_space<vmem>>, vector<1000x128xf32>
    %get3A_2 = arith.constant 0 : index
    %get3A_3 = arith.constant 0 : index
    %get3A_4 = vector.load %arg3[%get3A_2, %get3A_3] : memref<128x128xf32, #tpu.memory_space<vmem>>, vector<128x128xf32>
    %dot_general3A = arith.constant dense<0.000000e+00> : vector<1000x128xf32>
    %dot_general3A_5 = tpu.matmul %get3A_1, %get3A_4, %dot_general3A {dimension_numbers = #tpu.dot_dimension_numbers<[1], [0], [0], [1], [0, 0, 1, 1], [], []>, transpose_lhs_hint = false} : vector<1000x128xf32>, vector<128x128xf32>, vector<1000x128xf32> -> vector<1000x128xf32>
    %get3A_6 = arith.constant 0 : index
    %get3A_7 = arith.constant 0 : index
    %get3A_8 = vector.load %arg1[%get3A_6, %get3A_7] : memref<1000x128xf32, #tpu.memory_space<vmem>>, vector<1000x128xf32>
    %get3A_9 = arith.constant 0 : index
    %get3A_10 = arith.constant 0 : index
    %get3A_11 = vector.load %arg4[%get3A_9, %get3A_10] : memref<128x128xf32, #tpu.memory_space<vmem>>, vector<128x128xf32>
    %dot_general3A_12 = arith.constant dense<0.000000e+00> : vector<1000x128xf32>
    %dot_general3A_13 = tpu.matmul %get3A_8, %get3A_11, %dot_general3A_12 {dimension_numbers = #tpu.dot_dimension_numbers<[1], [0], [0], [1], [0, 0, 1, 1], [], []>, transpose_lhs_hint = false} : vector<1000x128xf32>, vector<128x128xf32>, vector<1000x128xf32> -> vector<1000x128xf32>
    %add3A = arith.addf %dot_general3A_5, %dot_general3A_13 : vector<1000x128xf32>
    %get3A_14 = arith.constant 0 : index
    %get3A_15 = arith.constant 0 : index
    %get3A_16 = vector.load %arg5[%get3A_14, %get3A_15] : memref<8x128xf32, #tpu.memory_space<vmem>>, vector<1x128xf32>
    %add3A_17 = vector.broadcast %get3A_16 : vector<1x128xf32> to vector<1000x128xf32>
    %add3A_18 = arith.addf %add3A, %add3A_17 : vector<1000x128xf32>
    %get3A_19 = arith.constant 1 : index
    %get3A_20 = arith.constant 0 : index
    %get3A_21 = vector.load %arg5[%get3A_19, %get3A_20] : memref<8x128xf32, #tpu.memory_space<vmem>>, vector<1x128xf32>
    %mul3A = vector.broadcast %get3A_21 : vector<1x128xf32> to vector<1000x128xf32>
    %mul3A_22 = arith.mulf %add3A_18, %mul3A : vector<1000x128xf32>
    %get3A_23 = arith.constant 2 : index
    %get3A_24 = arith.constant 0 : index
    %get3A_25 = vector.load %arg5[%get3A_23, %get3A_24] : memref<8x128xf32, #tpu.memory_space<vmem>>, vector<1x128xf32>
    %add3A_26 = vector.broadcast %get3A_25 : vector<1x128xf32> to vector<1000x128xf32>
    %add3A_27 = arith.addf %mul3A_22, %add3A_26 : vector<1000x128xf32>
    %max3A = arith.constant 0.000000e+00 : f32
    %max3A_28 = vector.broadcast %max3A : f32 to vector<1000x128xf32>
    %max3A_29 = arith.maximumf %add3A_27, %max3A_28 : vector<1000x128xf32>
    %swap3A = arith.constant 0 : index
    %swap3A_30 = arith.constant 0 : index
    %swap3A_31 = vector.load %arg7[%swap3A, %swap3A_30] : memref<1000x128xf32, #tpu.memory_space<vmem>>, vector<1000x128xf32>
    tpu.vector_store %arg7[%swap3A, %swap3A_30], %max3A_29 {strides = array<i32>} : memref<1000x128xf32, #tpu.memory_space<vmem>>, vector<1000x128xf32>,
    %get3A_32 = arith.constant 0 : index
    %get3A_33 = arith.constant 0 : index
    %get3A_34 = vector.load %arg6[%get3A_32, %get3A_33] : memref<1000x128xf32, #tpu.memory_space<vmem>>, vector<1000x128xf32>
    %add3A_35 = arith.addf %get3A_34, %max3A_29 : vector<1000x128xf32>
    %swap3A_36 = arith.constant 0 : index
    %swap3A_37 = arith.constant 0 : index
    %swap3A_38 = vector.load %arg8[%swap3A_36, %swap3A_37] : memref<1000x128xf32, #tpu.memory_space<vmem>>, vector<1000x128xf32>
    tpu.vector_store %arg8[%swap3A_36, %swap3A_37], %add3A_35 {strides = array<i32>} : memref<1000x128xf32, #tpu.memory_space<vmem>>, vector<1000x128xf32>,
    return
  }
  func.func @transform_0(%arg0: i32) -> (i32, i32) {
    %c0_i32 = arith.constant 0 : i32
    %c0_i32_0 = arith.constant 0 : i32
    return %arg0, %c0_i32 : i32, i32
  }
  func.func @transform_1(%arg0: i32) -> (i32, i32) {
    %c0_i32 = arith.constant 0 : i32
    %c0_i32_0 = arith.constant 0 : i32
    return %arg0, %c0_i32 : i32, i32
  }
  func.func @transform_2(%arg0: i32) -> (i32, i32) {
    %c0_i32 = arith.constant 0 : i32
    %c0_i32_0 = arith.constant 0 : i32
    %c0_i32_1 = arith.constant 0 : i32
    return %c0_i32, %c0_i32_0 : i32, i32
  }
  func.func @transform_3(%arg0: i32) -> (i32, i32) {
    %c0_i32 = arith.constant 0 : i32
    %c0_i32_0 = arith.constant 0 : i32
    %c0_i32_1 = arith.constant 0 : i32
    return %c0_i32, %c0_i32_0 : i32, i32
  }
  func.func @transform_4(%arg0: i32) -> (i32, i32) {
    %c0_i32 = arith.constant 0 : i32
    %c0_i32_0 = arith.constant 0 : i32
    %c0_i32_1 = arith.constant 0 : i32
    return %c0_i32, %c0_i32_0 : i32, i32
  }
  func.func @transform_5(%arg0: i32) -> (i32, i32) {
    %c0_i32 = arith.constant 0 : i32
    %c0_i32_0 = arith.constant 0 : i32
    return %arg0, %c0_i32 : i32, i32
  }
  func.func @transform_6(%arg0: i32) -> (i32, i32) {
    %c0_i32 = arith.constant 0 : i32
    %c0_i32_0 = arith.constant 0 : i32
    return %arg0, %c0_i32 : i32, i32
  }
  func.func @transform_7(%arg0: i32) -> (i32, i32) {
    %c0_i32 = arith.constant 0 : i32
    %c0_i32_0 = arith.constant 0 : i32
    return %arg0, %c0_i32 : i32, i32
  }
}

module attributes {stable_mosaic.version = 14 : i64} {
  func.func @_layer_body(%arg0: i32, %arg1: memref<1000x128xf32, #tpu.memory_space<vmem>>, %arg2: memref<1000x128xf32, #tpu.memory_space<vmem>>, %arg3: memref<128x128xf32, #tpu.memory_space<vmem>>, %arg4: memref<128x128xf32, #tpu.memory_space<vmem>>, %arg5: memref<8x128xf32, #tpu.memory_space<vmem>>, %arg6: memref<1000x128xf32, #tpu.memory_space<vmem>>, %arg7: memref<1000x128xf32, #tpu.memory_space<vmem>>, %arg8: memref<1000x128xf32, #tpu.memory_space<vmem>>) attributes {dimension_semantics = [#tpu.dimension_semantics<arbitrary>], iteration_bounds = array<i64: 20>, scalar_prefetch = 0 : i64, scratch_operands = 0 : i64, tpu.core_type = #tpu.core_type<tc>, window_params = [{transform_indices = @transform_0, window_bounds = array<i64: 1000, 128>}, {transform_indices = @transform_1, window_bounds = array<i64: 1000, 128>}, {pipeline_mode = #tpu.pipeline_mode<synchronous>, transform_indices = @transform_2, window_bounds = array<i64: 128, 128>}, {pipeline_mode = #tpu.pipeline_mode<synchronous>, transform_indices = @transform_3, window_bounds = array<i64: 128, 128>}, {pipeline_mode = #tpu.pipeline_mode<synchronous>, transform_indices = @transform_4, window_bounds = array<i64: 8, 128>}, {transform_indices = @transform_5, window_bounds = array<i64: 1000, 128>}, {transform_indices = @transform_6, window_bounds = array<i64: 1000, 128>}, {transform_indices = @transform_7, window_bounds = array<i64: 1000, 128>}]} {
    %get3A = arith.constant 0 : index
    %get3A_0 = arith.constant 0 : index
    %get3A_1 = vector.load %arg2[%get3A, %get3A_0] : memref<1000x128xf32, #tpu.memory_space<vmem>>, vector<1000x128xf32>
    %get3A_2 = arith.constant 0 : index
    %get3A_3 = arith.constant 0 : index
    %get3A_4 = vector.load %arg3[%get3A_2, %get3A_3] : memref<128x128xf32, #tpu.memory_space<vmem>>, vector<128x128xf32>
    %dot_general3A = arith.constant dense<0.000000e+00> : vector<1000x128xf32>
    %dot_general3A_5 = tpu.matmul %get3A_1, %get3A_4, %dot_general3A {dimension_numbers = #tpu.dot_dimension_numbers<[1], [0], [0], [1], [0, 0, 1, 1], [], []>, transpose_lhs_hint = false} : vector<1000x128xf32>, vector<128x128xf32>, vector<1000x128xf32> -> vector<1000x128xf32>
    %get3A_6 = arith.constant 0 : index
    %get3A_7 = arith.constant 0 : index
    %get3A_8 = vector.load %arg1[%get3A_6, %get3A_7] : memref<1000x128xf32, #tpu.memory_space<vmem>>, vector<1000x128xf32>
    %get3A_9 = arith.constant 0 : index
    %get3A_10 = arith.constant 0 : index
    %get3A_11 = vector.load %arg4[%get3A_9, %get3A_10] : memref<128x128xf32, #tpu.memory_space<vmem>>, vector<128x128xf32>
    %dot_general3A_12 = arith.constant dense<0.000000e+00> : vector<1000x128xf32>
    %dot_general3A_13 = tpu.matmul %get3A_8, %get3A_11, %dot_general3A_12 {dimension_numbers = #tpu.dot_dimension_numbers<[1], [0], [0], [1], [0, 0, 1, 1], [], []>, transpose_lhs_hint = false} : vector<1000x128xf32>, vector<128x128xf32>, vector<1000x128xf32> -> vector<1000x128xf32>
    %add3A = arith.addf %dot_general3A_5, %dot_general3A_13 : vector<1000x128xf32>
    %get3A_14 = arith.constant 0 : index
    %get3A_15 = arith.constant 0 : index
    %get3A_16 = vector.load %arg5[%get3A_14, %get3A_15] : memref<8x128xf32, #tpu.memory_space<vmem>>, vector<1x128xf32>
    %add3A_17 = vector.broadcast %get3A_16 : vector<1x128xf32> to vector<1000x128xf32>
    %add3A_18 = arith.addf %add3A, %add3A_17 : vector<1000x128xf32>
    %get3A_19 = arith.constant 1 : index
    %get3A_20 = arith.constant 0 : index
    %get3A_21 = vector.load %arg5[%get3A_19, %get3A_20] : memref<8x128xf32, #tpu.memory_space<vmem>>, vector<1x128xf32>
    %mul3A = vector.broadcast %get3A_21 : vector<1x128xf32> to vector<1000x128xf32>
    %mul3A_22 = arith.mulf %add3A_18, %mul3A : vector<1000x128xf32>
    %get3A_23 = arith.constant 2 : index
    %get3A_24 = arith.constant 0 : index
    %get3A_25 = vector.load %arg5[%get3A_23, %get3A_24] : memref<8x128xf32, #tpu.memory_space<vmem>>, vector<1x128xf32>
    %add3A_26 = vector.broadcast %get3A_25 : vector<1x128xf32> to vector<1000x128xf32>
    %add3A_27 = arith.addf %mul3A_22, %add3A_26 : vector<1000x128xf32>
    %max3A = arith.constant 0.000000e+00 : f32
    %max3A_28 = vector.broadcast %max3A : f32 to vector<1000x128xf32>
    %max3A_29 = arith.maximumf %add3A_27, %max3A_28 : vector<1000x128xf32>
    %swap3A = arith.constant 0 : index
    %swap3A_30 = arith.constant 0 : index
    %swap3A_31 = vector.load %arg7[%swap3A, %swap3A_30] : memref<1000x128xf32, #tpu.memory_space<vmem>>, vector<1000x128xf32>
    tpu.vector_store %arg7[%swap3A, %swap3A_30], %max3A_29 {strides = array<i32>} : memref<1000x128xf32, #tpu.memory_space<vmem>>, vector<1000x128xf32>,
    %get3A_32 = arith.constant 0 : index
    %get3A_33 = arith.constant 0 : index
    %get3A_34 = vector.load %arg6[%get3A_32, %get3A_33] : memref<1000x128xf32, #tpu.memory_space<vmem>>, vector<1000x128xf32>
    %add3A_35 = arith.addf %get3A_34, %max3A_29 : vector<1000x128xf32>
    %swap3A_36 = arith.constant 0 : index
    %swap3A_37 = arith.constant 0 : index
    %swap3A_38 = vector.load %arg8[%swap3A_36, %swap3A_37] : memref<1000x128xf32, #tpu.memory_space<vmem>>, vector<1000x128xf32>
    tpu.vector_store %arg8[%swap3A_36, %swap3A_37], %add3A_35 {strides = array<i32>} : memref<1000x128xf32, #tpu.memory_space<vmem>>, vector<1000x128xf32>,
    return
  }
  func.func @transform_0(%arg0: i32) -> (i32, i32) {
    %c0_i32 = arith.constant 0 : i32
    %c0_i32_0 = arith.constant 0 : i32
    return %arg0, %c0_i32 : i32, i32
  }
  func.func @transform_1(%arg0: i32) -> (i32, i32) {
    %c0_i32 = arith.constant 0 : i32
    %c0_i32_0 = arith.constant 0 : i32
    return %arg0, %c0_i32 : i32, i32
  }
  func.func @transform_2(%arg0: i32) -> (i32, i32) {
    %c0_i32 = arith.constant 0 : i32
    %c0_i32_0 = arith.constant 0 : i32
    %c0_i32_1 = arith.constant 0 : i32
    return %c0_i32, %c0_i32_0 : i32, i32
  }
  func.func @transform_3(%arg0: i32) -> (i32, i32) {
    %c0_i32 = arith.constant 0 : i32
    %c0_i32_0 = arith.constant 0 : i32
    %c0_i32_1 = arith.constant 0 : i32
    return %c0_i32, %c0_i32_0 : i32, i32
  }
  func.func @transform_4(%arg0: i32) -> (i32, i32) {
    %c0_i32 = arith.constant 0 : i32
    %c0_i32_0 = arith.constant 0 : i32
    %c0_i32_1 = arith.constant 0 : i32
    return %c0_i32, %c0_i32_0 : i32, i32
  }
  func.func @transform_5(%arg0: i32) -> (i32, i32) {
    %c0_i32 = arith.constant 0 : i32
    %c0_i32_0 = arith.constant 0 : i32
    return %arg0, %c0_i32 : i32, i32
  }
  func.func @transform_6(%arg0: i32) -> (i32, i32) {
    %c0_i32 = arith.constant 0 : i32
    %c0_i32_0 = arith.constant 0 : i32
    return %arg0, %c0_i32 : i32, i32
  }
  func.func @transform_7(%arg0: i32) -> (i32, i32) {
    %c0_i32 = arith.constant 0 : i32
    %c0_i32_0 = arith.constant 0 : i32
    return %arg0, %c0_i32 : i32, i32
  }
}

module attributes {stable_mosaic.version = 14 : i64} {
  func.func @_ws_body(%arg0: memref<2x144x128xf32, #tpu.memory_space<vmem>>, %arg1: memref<2x144x128xf32, #tpu.memory_space<vmem>>, %arg2: memref<128x128xf32, #tpu.memory_space<vmem>>, %arg3: memref<8x128xf32, #tpu.memory_space<vmem>>, %arg4: memref<128x128xf32, #tpu.memory_space<vmem>>, %arg5: memref<128x128xf32, #tpu.memory_space<vmem>>, %arg6: memref<128x128xf32, #tpu.memory_space<vmem>>) attributes {dimension_semantics = [], scalar_prefetch = 0 : i64, scratch_operands = 0 : i64, tpu.core_type = #tpu.core_type<tc>} {
    %get3A = arith.constant 0 : index
    %get3A_0 = arith.constant 0 : index
    %get3A_1 = arith.constant 0 : index
    %get3A_2 = vector.load %arg0[%get3A, %get3A_0, %get3A_1] : memref<2x144x128xf32, #tpu.memory_space<vmem>>, vector<1x128x128xf32>
    %get3A_3 = vector.shape_cast %get3A_2 : vector<1x128x128xf32> to vector<128x128xf32>
    %get3A_4 = arith.constant 1 : index
    %get3A_5 = arith.constant 0 : index
    %get3A_6 = arith.constant 0 : index
    %get3A_7 = vector.load %arg0[%get3A_4, %get3A_5, %get3A_6] : memref<2x144x128xf32, #tpu.memory_space<vmem>>, vector<1x128x128xf32>
    %get3A_8 = vector.shape_cast %get3A_7 : vector<1x128x128xf32> to vector<128x128xf32>
    %add3A = arith.addf %get3A_3, %get3A_8 : vector<128x128xf32>
    %get3A_9 = arith.constant 0 : index
    %get3A_10 = arith.constant 0 : index
    %get3A_11 = arith.constant 0 : index
    %get3A_12 = vector.load %arg1[%get3A_9, %get3A_10, %get3A_11] : memref<2x144x128xf32, #tpu.memory_space<vmem>>, vector<1x128x1xf32>
    %get3A_13 = vector.shape_cast %get3A_12 : vector<1x128x1xf32> to vector<128x1xf32>
    %get3A_14 = arith.constant 1 : index
    %get3A_15 = arith.constant 0 : index
    %get3A_16 = arith.constant 0 : index
    %get3A_17 = vector.load %arg1[%get3A_14, %get3A_15, %get3A_16] : memref<2x144x128xf32, #tpu.memory_space<vmem>>, vector<1x128x1xf32>
    %get3A_18 = vector.shape_cast %get3A_17 : vector<1x128x1xf32> to vector<128x1xf32>
    %add3A_19 = arith.addf %get3A_13, %get3A_18 : vector<128x1xf32>
    %max3A = arith.constant 1.000000e+00 : f32
    %max3A_20 = vector.broadcast %max3A : f32 to vector<128x1xf32>
    %max3A_21 = arith.maximumf %add3A_19, %max3A_20 : vector<128x1xf32>
    %div3A = vector.broadcast %max3A_21 : vector<128x1xf32> to vector<128x128xf32>
    %div3A_22 = arith.divf %add3A, %div3A : vector<128x128xf32>
    %get3A_23 = arith.constant 0 : index
    %get3A_24 = arith.constant 0 : index
    %get3A_25 = vector.load %arg2[%get3A_23, %get3A_24] : memref<128x128xf32, #tpu.memory_space<vmem>>, vector<128x128xf32>
    %dot_general3A = arith.constant dense<0.000000e+00> : vector<128x128xf32>
    %dot_general3A_26 = tpu.matmul %div3A_22, %get3A_25, %dot_general3A {dimension_numbers = #tpu.dot_dimension_numbers<[1], [0], [0], [1], [0, 0, 1, 1], [], []>, transpose_lhs_hint = false} : vector<128x128xf32>, vector<128x128xf32>, vector<128x128xf32> -> vector<128x128xf32>
    %get3A_27 = arith.constant 0 : index
    %get3A_28 = arith.constant 0 : index
    %get3A_29 = vector.load %arg3[%get3A_27, %get3A_28] : memref<8x128xf32, #tpu.memory_space<vmem>>, vector<1x128xf32>
    %add3A_30 = vector.broadcast %get3A_29 : vector<1x128xf32> to vector<128x128xf32>
    %add3A_31 = arith.addf %dot_general3A_26, %add3A_30 : vector<128x128xf32>
    %get3A_32 = arith.constant 1 : index
    %get3A_33 = arith.constant 0 : index
    %get3A_34 = vector.load %arg3[%get3A_32, %get3A_33] : memref<8x128xf32, #tpu.memory_space<vmem>>, vector<1x128xf32>
    %mul3A = vector.broadcast %get3A_34 : vector<1x128xf32> to vector<128x128xf32>
    %mul3A_35 = arith.mulf %add3A_31, %mul3A : vector<128x128xf32>
    %get3A_36 = arith.constant 2 : index
    %get3A_37 = arith.constant 0 : index
    %get3A_38 = vector.load %arg3[%get3A_36, %get3A_37] : memref<8x128xf32, #tpu.memory_space<vmem>>, vector<1x128xf32>
    %add3A_39 = vector.broadcast %get3A_38 : vector<1x128xf32> to vector<128x128xf32>
    %add3A_40 = arith.addf %mul3A_35, %add3A_39 : vector<128x128xf32>
    %max3A_41 = arith.constant 0.000000e+00 : f32
    %max3A_42 = vector.broadcast %max3A_41 : f32 to vector<128x128xf32>
    %max3A_43 = arith.maximumf %add3A_40, %max3A_42 : vector<128x128xf32>
    %swap3A = arith.constant 0 : index
    %swap3A_44 = arith.constant 0 : index
    %swap3A_45 = vector.load %arg5[%swap3A, %swap3A_44] : memref<128x128xf32, #tpu.memory_space<vmem>>, vector<128x128xf32>
    tpu.vector_store %arg5[%swap3A, %swap3A_44], %max3A_43 {strides = array<i32>} : memref<128x128xf32, #tpu.memory_space<vmem>>, vector<128x128xf32>,
    %get3A_46 = arith.constant 0 : index
    %get3A_47 = arith.constant 0 : index
    %get3A_48 = vector.load %arg4[%get3A_46, %get3A_47] : memref<128x128xf32, #tpu.memory_space<vmem>>, vector<128x128xf32>
    %dot_general3A_49 = arith.constant dense<0.000000e+00> : vector<128x128xf32>
    %dot_general3A_50 = tpu.matmul %get3A_48, %div3A_22, %dot_general3A_49 {dimension_numbers = #tpu.dot_dimension_numbers<[1], [0], [0], [1], [0, 0, 1, 1], [], []>, transpose_lhs_hint = false} : vector<128x128xf32>, vector<128x128xf32>, vector<128x128xf32> -> vector<128x128xf32>
    %swap3A_51 = arith.constant 0 : index
    %swap3A_52 = arith.constant 0 : index
    %swap3A_53 = vector.load %arg6[%swap3A_51, %swap3A_52] : memref<128x128xf32, #tpu.memory_space<vmem>>, vector<128x128xf32>
    tpu.vector_store %arg6[%swap3A_51, %swap3A_52], %dot_general3A_50 {strides = array<i32>} : memref<128x128xf32, #tpu.memory_space<vmem>>, vector<128x128xf32>,
    return
  }
}

module attributes {stable_mosaic.version = 14 : i64} {
  func.func @_loss_body(%arg0: i32, %arg1: memref<1000x128xf32, #tpu.memory_space<vmem>>, %arg2: memref<128x128xf32, #tpu.memory_space<vmem>>, %arg3: memref<1x1xf32, #tpu.memory_space<vmem>>, %arg4: memref<1xf32, #tpu.memory_space<smem>>, %arg5: memref<1xf32, #tpu.memory_space<smem>>) attributes {dimension_semantics = [#tpu.dimension_semantics<arbitrary>], iteration_bounds = array<i64: 20>, scalar_prefetch = 0 : i64, scratch_operands = 2 : i64, tpu.core_type = #tpu.core_type<tc>, window_params = [{transform_indices = @transform_0, window_bounds = array<i64: 1000, 128>}, {pipeline_mode = #tpu.pipeline_mode<synchronous>, transform_indices = @transform_1, window_bounds = array<i64: 128, 128>}, {pipeline_mode = #tpu.pipeline_mode<synchronous>, transform_indices = @transform_2, window_bounds = array<i64: 1, 1>}]} {
    %eq3A = arith.constant 0 : i32
    %eq3A_0 = arith.cmpi eq, %arg0, %eq3A : i32
    %convert_element_type3A = arith.extui %eq3A_0 : i1 to i32
    %cond3A = arith.constant 0 : i32
    %cond3A_1 = arith.cmpi ne, %convert_element_type3A, %cond3A : i32
    scf.if %cond3A_1 {
      %swap3A_45 = arith.constant 0.000000e+00 : f32
      %swap3A_46 = arith.constant 0 : index
      %swap3A_47 = memref.load %arg4[%swap3A_46] : memref<1xf32, #tpu.memory_space<smem>>
      memref.store %swap3A_45, %arg4[%swap3A_46] : memref<1xf32, #tpu.memory_space<smem>>
      %swap3A_48 = arith.constant 0.000000e+00 : f32
      %swap3A_49 = arith.constant 0 : index
      %swap3A_50 = memref.load %arg5[%swap3A_49] : memref<1xf32, #tpu.memory_space<smem>>
      memref.store %swap3A_48, %arg5[%swap3A_49] : memref<1xf32, #tpu.memory_space<smem>>
    } else {
    }
    %get3A = arith.constant 0 : index
    %get3A_2 = arith.constant 0 : index
    %get3A_3 = vector.load %arg1[%get3A, %get3A_2] : memref<1000x128xf32, #tpu.memory_space<vmem>>, vector<1000x128xf32>
    %get3A_4 = arith.constant 0 : index
    %get3A_5 = arith.constant 0 : index
    %get3A_6 = vector.load %arg2[%get3A_4, %get3A_5] : memref<128x128xf32, #tpu.memory_space<vmem>>, vector<128x128xf32>
    %dot_general3A = arith.constant dense<0.000000e+00> : vector<1000x128xf32>
    %dot_general3A_7 = tpu.matmul %get3A_3, %get3A_6, %dot_general3A {dimension_numbers = #tpu.dot_dimension_numbers<[1], [0], [0], [1], [0, 0, 1, 1], [], []>, transpose_lhs_hint = false} : vector<1000x128xf32>, vector<128x128xf32>, vector<1000x128xf32> -> vector<1000x128xf32>
    %neg3A = arith.constant 0.000000e+00 : f32
    %neg3A_8 = vector.broadcast %neg3A : f32 to vector<1000x128xf32>
    %neg3A_9 = arith.subf %neg3A_8, %dot_general3A_7 : vector<1000x128xf32>
    %exp3A = math.exp %neg3A_9 : vector<1000x128xf32>
    %add3A = arith.constant 1.000000e+00 : f32
    %add3A_10 = vector.broadcast %add3A : f32 to vector<1000x128xf32>
    %add3A_11 = arith.addf %add3A_10, %exp3A : vector<1000x128xf32>
    %div3A = arith.constant 1.000000e+00 : f32
    %div3A_12 = vector.broadcast %div3A : f32 to vector<1000x128xf32>
    %div3A_13 = arith.divf %div3A_12, %add3A_11 : vector<1000x128xf32>
    %lt3A = arith.constant 10 : i32
    %lt3A_14 = arith.cmpi slt, %arg0, %lt3A : i32
    %add3A_15 = arith.constant 1.000000e-15 : f32
    %add3A_16 = vector.broadcast %add3A_15 : f32 to vector<1000x128xf32>
    %add3A_17 = arith.addf %div3A_13, %add3A_16 : vector<1000x128xf32>
    %log3A = math.log %add3A_17 : vector<1000x128xf32>
    %sub3A = arith.constant 1.000000e+00 : f32
    %sub3A_18 = vector.broadcast %sub3A : f32 to vector<1000x128xf32>
    %sub3A_19 = arith.subf %sub3A_18, %div3A_13 : vector<1000x128xf32>
    %add3A_20 = arith.constant 1.000000e-15 : f32
    %add3A_21 = vector.broadcast %add3A_20 : f32 to vector<1000x128xf32>
    %add3A_22 = arith.addf %sub3A_19, %add3A_21 : vector<1000x128xf32>
    %log3A_23 = math.log %add3A_22 : vector<1000x128xf32>
    %select_n3A = arith.select %lt3A_14, %log3A, %log3A_23 : vector<1000x128xf32>
    %reduce_sum3A = vector.shape_cast %select_n3A : vector<1000x128xf32> to vector<1x1000x128xf32>
    %reduce_sum3A_24 = arith.constant dense<0.000000e+00> : vector<1xf32>
    %reduce_sum3A_25 = vector.multi_reduction <add>, %reduce_sum3A, %reduce_sum3A_24 [1, 2] : vector<1x1000x128xf32> to vector<1xf32>
    %reduce_sum3A_26 = vector.shape_cast %reduce_sum3A_25 : vector<1xf32> to vector<1x1x1xf32>
    %reduce_sum3A_27 = vector.extract %reduce_sum3A_26[0, 0, 0] : f32 from vector<1x1x1xf32>
    %get3A_28 = arith.constant 0 : index
    %get3A_29 = memref.load %arg4[%get3A_28] : memref<1xf32, #tpu.memory_space<smem>>
    %jit3A = arith.constant 0.000000e+00 : f32
    %select_n3A_30 = arith.select %lt3A_14, %reduce_sum3A_27, %jit3A : f32
    %add3A_31 = arith.addf %get3A_29, %select_n3A_30 : f32
    %swap3A = arith.constant 0 : index
    %swap3A_32 = memref.load %arg4[%swap3A] : memref<1xf32, #tpu.memory_space<smem>>
    memref.store %add3A_31, %arg4[%swap3A] : memref<1xf32, #tpu.memory_space<smem>>
    %get3A_33 = arith.constant 0 : index
    %get3A_34 = memref.load %arg5[%get3A_33] : memref<1xf32, #tpu.memory_space<smem>>
    %jit3A_35 = arith.constant 0.000000e+00 : f32
    %select_n3A_36 = arith.select %lt3A_14, %jit3A_35, %reduce_sum3A_27 : f32
    %add3A_37 = arith.addf %get3A_34, %select_n3A_36 : f32
    %swap3A_38 = arith.constant 0 : index
    %swap3A_39 = memref.load %arg5[%swap3A_38] : memref<1xf32, #tpu.memory_space<smem>>
    memref.store %add3A_37, %arg5[%swap3A_38] : memref<1xf32, #tpu.memory_space<smem>>
    %eq3A_40 = arith.constant 19 : i32
    %eq3A_41 = arith.cmpi eq, %arg0, %eq3A_40 : i32
    %convert_element_type3A_42 = arith.extui %eq3A_41 : i1 to i32
    %cond3A_43 = arith.constant 0 : i32
    %cond3A_44 = arith.cmpi ne, %convert_element_type3A_42, %cond3A_43 : i32
    scf.if %cond3A_44 {
      %get3A_45 = arith.constant 0 : index
      %get3A_46 = memref.load %arg4[%get3A_45] : memref<1xf32, #tpu.memory_space<smem>>
      %mul3A = arith.constant 7.812500e-07 : f32
      %mul3A_47 = arith.mulf %get3A_46, %mul3A : f32
      %neg3A_48 = arith.constant 0.000000e+00 : f32
      %neg3A_49 = arith.subf %neg3A_48, %mul3A_47 : f32
      %get3A_50 = arith.constant 0 : index
      %get3A_51 = memref.load %arg5[%get3A_50] : memref<1xf32, #tpu.memory_space<smem>>
      %mul3A_52 = arith.constant 7.812500e-07 : f32
      %mul3A_53 = arith.mulf %get3A_51, %mul3A_52 : f32
      %sub3A_54 = arith.subf %neg3A_49, %mul3A_53 : f32
      %broadcast_in_dim3A = vector.broadcast %sub3A_54 : f32 to vector<1x1xf32>
      %swap3A_55 = arith.constant 0 : index
      %swap3A_56 = arith.constant 0 : index
      %swap3A_57 = vector.load %arg3[%swap3A_55, %swap3A_56] : memref<1x1xf32, #tpu.memory_space<vmem>>, vector<1x1xf32>
      tpu.vector_store %arg3[%swap3A_55, %swap3A_56], %broadcast_in_dim3A {strides = array<i32>} : memref<1x1xf32, #tpu.memory_space<vmem>>, vector<1x1xf32>,
    } else {
    }
    return
  }
  func.func @transform_0(%arg0: i32) -> (i32, i32) {
    %c0_i32 = arith.constant 0 : i32
    %c0_i32_0 = arith.constant 0 : i32
    return %arg0, %c0_i32 : i32, i32
  }
  func.func @transform_1(%arg0: i32) -> (i32, i32) {
    %c0_i32 = arith.constant 0 : i32
    %c0_i32_0 = arith.constant 0 : i32
    %c0_i32_1 = arith.constant 0 : i32
    return %c0_i32, %c0_i32_0 : i32, i32
  }
  func.func @transform_2(%arg0: i32) -> (i32, i32) {
    %c0_i32 = arith.constant 0 : i32
    %c0_i32_0 = arith.constant 0 : i32
    %c0_i32_1 = arith.constant 0 : i32
    return %c0_i32, %c0_i32_0 : i32, i32
  }
}

</mosaic_0001>

<sc_bundles>
// kernel: kernel.11.cloned.1.call-start
scs
__scs_entry_jumppad:
0x0: {  	(pc) =	sbr.rel $0x88, $3  }
0x1: {  	(tag) =	ssettag $0x0;
	lr =	simm.s32 $0x1  }
0x2: {  	[smem:$0x3F89] =	sst lr;
	_ =	strace $0xD0000000  }
0x3: {  	_ = 	snop  }
0x4: {  	_ = 	snop  }
0x5: {  	_ = 	snop  }
0x6: {  	_ = 	snop  }
0x7: {  	_ = 	snop  }
__scs_overlays_trampoline_lowered:
0x8: {  	[smem:$0x3F98] =	sst s0  }
0x9: {  	[smem:$0x3F99] =	sst s1  }
0xa: {  	[smem:$0x3F9A] =	sst s2  }
0xb: {  	[smem:$0x3F9B] =	sst s3  }
0xc: {  	[smem:$0x3F9C] =	sst s4  }
0xd: {  	[smem:$0x3F9D] =	sst s5  }
0xe: {  	[smem:$0x3F9E] =	sst s6  }
0xf: {  	[smem:$0x3F9F] =	sst s7  }
0x10: {  	[smem:$0x3FA0] =	sst s8  }
0x11: {  	[smem:$0x3FA1] =	sst s9;
	s0 =	simm.s32 @!p0 $0x0  }
0x12: {  	s1 =	sld [smem:$0x3F87];
	s0 =	simm.s32 @p0 $0x1  }
0x13: {  	[smem:$0x3FA2] =	sst s0;
	s0 =	simm.s32 @!p1 $0x0  }
0x14: {  	s2 =	sld [smem:$0x3F86];
	s0 =	simm.s32 @p1 $0x1  }
0x15: {  	[smem:$0x3FA3] =	sst s0;
	s0 =	simm.s32 @!p2 $0x0  }
0x16: {  	s3 =	sld [smem:$0x3FDB];
	s0 =	simm.s32 @p2 $0x1  }
0x17: {  	s4 =	simm.s32 $0x1BF5;
	[smem:$0x3FA5] =	sst s0  }
0x18: {  	s0 =	sld [smem:$0x3F88];
	_ =	swait.ge [sflag:s4], $0x0  }
0x19: {  	s7 =	sld [smem:$0x3F89]  }
0x1a: {  	s8 =	sadd.s32 $0xFFFFE003, lr  }
0x1b: {  	s9 =	sadd.s32 $0xFFFFFEF7, lr;
	s5 =	simm.s32 $0xFFFFFFFF;
	p2 =	slt.u32 s8, $0xFFFFF086  }
0x1c: {  	p1 =	slt.u32 s9, $0xF7A;
	s5 =	simm.s32 @!p2 $0x0  }
0x1d: {  	s5 =	simm.s32 @p1 $0x1;
	p0 =	seq.s32 s7, s2  }
0x1e: {  	s7 =	smul.u32 @!p0 $0xF7A, s2;
	p2 =	seq.s32 @!p0 s5, $0x0  }
0x1f: {  	s9 =	smul.u32 $0xF7A, s1;
	s8 =	simm.s32 @!p0 $0x1BF5;
	p2 =	por !p2, p0  }
0x20: {  	[sflag:s8] =	ssyncset.s32 @!p0 $0xFFFFF086;
	s6 =	sadd.s32 @!p0 s3, s7;
	s7 =	simm.s32 @!p0 $0x108  }
0x21: {  	s3 =	sadd.s32 s3, s9;
	s6 =	sadd.s32 @!p0 $0x88, s6;
	s7 =	simm.s32 @p2 $0x1082  }
0x22: {  	[simem:s7], [sflag:s8] =	dma.local @!p0 [hbm:s6], $0xF7A  }
0x23: {  	s9 =	sor.u32 $0xD0000000, s2;
	s6 =	simm.s32 $0x108;
	_ =	swait.ge @!p0 [sflag:s8], $0x0  }
0x24: {  	s3 =	sadd.s32 $0x88, s3;
	s6 =	simm.s32 @!p1 $0x1082;
	[sflag:s4] =	ssyncset.s32 $0xFFFFF086  }
0x25: {  	[simem:s6], [sflag:s4] =	dma.local [hbm:s3], $0xF7A  }
0x26: {  	[smem:$0x3F89] =	sst s1;
	(tag) =	ssettag s2;
	_ =	strace s9  }
0x27: {  	s1 =	sld [smem:$0x3F99]  }
0x28: {  	s2 =	sld [smem:$0x3F9A]  }
0x29: {  	s4 =	sld [smem:$0x3F9C]  }
0x2a: {  	p0 =	seq.s32 s5, $0x0;
	s5 =	sld [smem:$0x3F9D]  }
0x2b: {  	s6 =	sld [smem:$0x3F9E]  }
0x2c: {  	s7 =	sld [smem:$0x3F9F]  }
0x2d: {  	s3 =	simm.s32 $0x108;
	s8 =	sld [smem:$0x3FA0]  }
0x2e: {  	s3 =	simm.s32 @!p0 $0x1082;
	s9 =	sld [smem:$0x3FA1]  }
0x2f: {  	lr =	sadd.s32 s0, s3;
	s0 =	sld [smem:$0x3F98]  }
0x30: {  	s3 =	sld [smem:$0x3F9B]  }
0x31: {  	[smem:$0x3FA4] =	sst s10  }
0x32: {  	s10 =	sld [smem:$0x3FA2];
	_ =	sdelay $0x3  }
0x33: {  	p0 =	seq.s32 s10, $0x1;
	s10 =	sld [smem:$0x3FA4];
	_ =	sdelay $0x3  }
0x34: {  	[smem:$0x3FA4] =	sst s10  }
0x35: {  	s10 =	sld [smem:$0x3FA3];
	_ =	sdelay $0x3  }
0x36: {  	p1 =	seq.s32 s10, $0x1;
	s10 =	sld [smem:$0x3FA4];
	_ =	sdelay $0x3  }
0x37: {  	[smem:$0x3FA4] =	sst s10  }
0x38: {  	s10 =	sld [smem:$0x3FA5]  }
0x39: {  	_ = 	snop;
	(pc) =	sbr.ind lr, $3  }
0x3a: {  	_ = 	snop  }
0x3b: {  	_ = 	snop  }
0x3c: {  	p2 =	seq.s32 s10, $0x1;
	s10 =	sld [smem:$0x3FA4]  }
0x3d: {  	_ =	shalt  }
0x3e: {  	_ =	shalt  }
0x3f: {  	_ =	shalt  }
0x40: {  	_ =	shalt  }
0x41: {  	_ =	shalt  }
0x42: {  	_ =	shalt  }
0x43: {  	_ =	shalt  }
0x44: {  	_ =	shalt  }
0x45: {  	_ =	shalt  }
0x46: {  	_ =	shalt  }
0x47: {  	_ =	shalt  }
0x48: {  	_ =	shalt  }
0x49: {  	_ =	shalt  }
0x4a: {  	_ =	shalt  }
0x4b: {  	_ =	shalt  }
0x4c: {  	_ =	shalt  }
0x4d: {  	_ =	shalt  }
0x4e: {  	_ =	shalt  }
0x4f: {  	_ =	shalt  }
0x50: {  	_ =	shalt  }
0x51: {  	_ =	shalt  }
0x52: {  	_ =	shalt  }
0x53: {  	_ =	shalt  }
0x54: {  	_ =	shalt  }
0x55: {  	_ =	shalt  }
0x56: {  	_ =	shalt  }
0x57: {  	_ =	shalt  }
0x58: {  	_ =	shalt  }
0x59: {  	_ =	shalt  }
0x5a: {  	_ =	shalt  }
0x5b: {  	_ =	shalt  }
0x5c: {  	_ =	shalt  }
0x5d: {  	_ =	shalt  }
0x5e: {  	_ =	shalt  }
0x5f: {  	_ =	shalt  }
0x60: {  	_ =	shalt  }
0x61: {  	_ =	shalt  }
0x62: {  	_ =	shalt  }
0x63: {  	_ =	shalt  }
0x64: {  	_ =	shalt  }
0x65: {  	_ =	shalt  }
0x66: {  	_ =	shalt  }
0x67: {  	_ =	shalt  }
0x68: {  	_ =	shalt  }
0x69: {  	_ =	shalt  }
0x6a: {  	_ =	shalt  }
0x6b: {  	_ =	shalt  }
0x6c: {  	_ =	shalt  }
0x6d: {  	_ =	shalt  }
0x6e: {  	_ =	shalt  }
0x6f: {  	_ =	shalt  }
0x70: {  	_ =	shalt  }
0x71: {  	_ =	shalt  }
0x72: {  	_ =	shalt  }
0x73: {  	_ =	shalt  }
0x74: {  	_ =	shalt  }
0x75: {  	_ =	shalt  }
0x76: {  	_ =	shalt  }
0x77: {  	_ =	shalt  }
0x78: {  	_ =	shalt  }
0x79: {  	_ =	shalt  }
0x7a: {  	_ =	shalt  }
0x7b: {  	_ =	shalt  }
0x7c: {  	_ =	shalt  }
0x7d: {  	_ =	shalt  }
0x7e: {  	_ =	shalt  }
0x7f: {  	_ =	shalt  }
0x80: {  	_ =	shalt  }
0x81: {  	_ =	shalt  }
0x82: {  	_ =	shalt  }
0x83: {  	_ =	shalt  }
0x84: {  	_ =	shalt  }
0x85: {  	_ =	shalt  }
0x86: {  	_ =	shalt  }
0x87: {  	_ =	shalt  }
.Lfunc_end0:
.L_simem_size_0:
called_computation_lowered:
.L_overlay_start_0:
0x88: {  	s2 =	sld [smem:$0x3FD9]  }
0x89: {  	s3 =	sld [smem:$0x3FFE];
	_ =	sdelay $0x1  }
0x8a: {  	s1 =	srdreg.scid  }
0x8b: {  	s0 =	sand.u32 $0x1, s1  }
0x8c: {  	s16 =	sshll.u32 s0, $0xA;
	s2 =	sadd.s32 s3, s2  }
0x8d: {  	s2 =	sadd.s32 s2, s16  }
0x8e: {  	[smem:$0x3FB0] =	sst s2  }
0x8f: {  	_ = 	snop  }
0x90: {  	(tm) =	ssettm $0x1  }
0x91: {  	s17 =	sld [smem:$0x3FFB];
	_ =	sdelay $0x3  }
0x92: {  	_ =	strace s17  }
0x93: {  	s2 =	sld [smem:$0x3FFC];
	_ =	sdelay $0x3  }
0x94: {  	_ =	strace s2  }
0x95: {  	s2 =	sld [smem:$0x3FFD];
	_ =	sdelay $0x3  }
0x96: {  	_ =	strace s2  }
0x97: {  	_ =	strace $0x8FFFFFFF  }
0x98: {  	s18 =	sld [smem:$0x3FDB];
	_ =	sdelay $0x1  }
0x99: {  	s19 =	simm.s32 $_scs_section_size  }
0x9a: {  	s4 =	simm.s32 $_size__tile_overlayer_lowered;
	s5 =	simm.s32 $_tile_overlayer_lowered  }
0x9b: {  	s22 =	simm.s32 $0x1BFF;
	s21 =	sshll.u32 s5, $0x1;
	s2 =	sadd.s32 s19, s18  }
0x9c: {  	s6 =	simm.s32 $0x0;
	s20 =	sshll.u32 s4, $0x1;
	s4 =	sadd.s32 s21, s2  }
0x9d: {  	[timem:s6], [sflag:s22] =	dma.local [hbm:s4], s20  }
0x9e: {  	_ =	swait.ge [sflag:s22], s20  }
0x9f: {  	s3 =	ssub.s32 $0x0, s20;
	[sflag:s22] =	ssyncset.done $0x0  }
0xa0: {  	[sflag:s22] =	ssyncadd.s32 s3;
	_ =	sdelay $0x1  }
0xa1: {  	s23 =	simm.s32 $0x1B8B  }
0xa2: {  	_ =	swait.ge [sflag:s23], $0x1  }
0xa3: {  	[sflag:s23] =	ssyncset.done $0x0  }
0xa4: {  	s25 =	simm.s32 $0x1B8E;
	s24 =	sld [smem:$0x3FFE];
	[sflag:s23] =	ssyncadd.s32 $0xFFFFFFFF  }
0xa5: {  	s26 =	simm.s32 $execute0_lowered;
	[smem:$0x3FD2] =	sst s25  }
0xa6: {  	s4 =	sshll.u32 s26, $0x1;
	_ =	strace $0x80000046;
	[dreg:$0x1] =	wrdreg $0xFFFFFFFF  }
0xa7: {  	s28 =	simm.s32 $_size_execute0_lowered;
	s2 =	sadd.s32 s2, s4;
	[dreg:$0x0] =	wrdreg $0x0  }
0xa8: {  	s4 =	sshll.u32 s28, $0x1;
	[dreg:$0x2] =	wrdreg s2  }
0xa9: {  	[dreg:$0x3] =	wrdreg s4  }
0xaa: {  	[dreg:$0x4] =	wrdreg $0xC0  }
0xab: {  	_ =	task [dreg:s6], $0x5FFFF  }
0xac: {  	[dreg:$0x1] =	wrdreg $0xFFFFFFFF  }
0xad: {  	[dreg:$0x0] =	wrdreg $0x60  }
0xae: {  	[dreg:$0x2] =	wrdreg s24  }
0xaf: {  	[dreg:$0x3] =	wrdreg $0xC0000  }
0xb0: {  	[dreg:$0x4] =	wrdreg $0x9  }
0xb1: {  	_ =	task.clear_ibuf [dreg:s6], $0x5FFFF;
	_ =	strace $0x90000046  }
0xb2: {  	s29 =	simm.s32 $0x9;
	_ =	strace $0x80000048  }
0xb3: {  	_ =	swait.ge [sflag:s29], $0x1  }
0xb4: {  	[sflag:s29] =	ssyncadd.s32 $0xFFFFFFFF  }
0xb5: {  	_ =	strace $0x90000048  }
0xb6: {  	_ =	sfence  }
0xb7: {  	s30 =	sld [smem:$0x0];
	_ =	sdelay $0x2  }
0xb8: {  	s31 =	sshll.u32 s1, $0xD;
	s1 =	sshrl.u32 s1, $0x2  }
0xb9: {  	s3 =	sand.u32 $0x4000, s31;
	s1 =	sadd.s32 s1, s30  }
0xba: {  	s0 =	sor.u32 s3, s0;
	s1 =	sshll.u32 s1, $0x11  }
0xbb: {  	s0 =	sor.u32 s1, s0  }
0xbc: {  	s0 =	sadd.s32 $0x8F2B, s0  }
0xbd: {  	[sflag:s0] =	ssyncadd.remote.s32 $0x1  }
0xbe: {  	_ =	sfence.sel $0xFFFF  }
0xbf: {  	[dreg:$0x0] =	wrdreg $0xFFFFFFFF;
	(pc) =	sbr.abs _section_cstart, $3  }
0xc0: {  	[dreg:$0x1] =	wrdreg $0xFFFFFFFF  }
0xc1: {  	_ =	task.clear_ibuf [dreg:s6], $0x2FFFF;
	_ =	strace $0x9FFFFFFF  }
0xc2: {  	(tm) =	ssettm $0x7FFFFFFF  }
0xc3: {  	_ =	shalt  }
tec
execute0_lowered:
.L_overlay_start_1:
0x0: {  	(tag) =	ssettag $0x1  }
0x1: {  	s6 =	rddreg [dreg:$0x0]  }
0x2: {  	s1 =	rddreg [dreg:$0x1]  }
0x3: {  	s2 =	simm.s32 $0x0;
	s3 =	srdreg.scid;
	s17 =	simm.s32 $0x100  }
0x4: {  	s18 =	simm.s32 $0x8000;
	s19 =	simm.s32 $0x1;
	s20 =	simm.s32 $0x2  }
0x5: {  	s21 =	simm.s32 $0x180;
	s22 =	simm.s32 $0x3;
	s28 =	simm.s32 $0x1C80  }
0x6: {  	s29 =	simm.s32 $0x0;
	s8 =	sand.u32 $0x1, s3;
	s3 =	stileid.u32  }
0x7: {  	[smem:$0x7FF] =	sst s2;
	s7 =	sadd.s32 $0x5C00, s6;
	s10 =	smul.u32 $0x4F000, s3  }
0x8: {  	s4 =	sadd.s32 $0x2D000, s6;
	s5 =	sadd.s32 $0x7B200, s6;
	s24 =	smul.u32 $0x4E000, s3  }
0x9: {  	s11 =	sadd.s32 $0x7DA00, s6;
	_ =	strace $0x80000047;
	s15 =	smul.u32 $0x27100, s8  }
0xa: {  	s9 =	sshll.u32 s8, $0x4;
	s23 =	ssub.s32 $0x2, s8;
	s16 =	smul.u32 $0x138800, s8  }
0xb: {  	s25 =	sshll.u32 s3, $0x6;
	s26 =	smul.u32 $0x2700, s3;
	p0 =	sne.s32 s3, $0xF  }
0xc: {  	s9 =	sor.u32 s3, s9;
	s13 =	sshrl.u32 s23, $0x1;
	s6 =	sor.u32 $0x1C05, s25  }
0xd: {  	s25 =	sadd.s32 $0x138000, s1;
	s12 =	smul.u32 $0x13A0, s9;
	s10 =	sshrl.u32 s10, $0x2  }
0xe: {  	s9 =	smul.u32 $0x9D00, s9;
	s13 =	ssub.s32 s23, s13;
	s16 =	sshrl.u32 s16, $0x3  }
0xf: {  	s30 =	sadd.s32 s26, s15;
	s15 =	simm.s32 $0x80;
	s23 =	simm.s32 $0x4  }
0x10: {  	s25 =	sshrl.u32 @!p0 s25, $0x3;
	s26 =	simm.s32 $0x1C00;
	s14 =	sadd.s32 s10, s1  }
0x11: {  	s10 =	sshrl.u32 s24, $0x2;
	s31 =	sadd.s32 s11, s16;
	s16 =	simm.s32 $0x4000  }
0x12: {  	s9 =	sshrl.u32 s9, $0x3;
	s24 =	sadd.s32 s10, s1;
	s10 =	sadd.s32 s11, s30  }
0x13: {  	s11 =	sadd.s32 $0x27000, s31;
	s9 =	sadd.s32 s7, s9;
	s7 =	sadd.s32 s7, s12  }
0x14: {  	s12 =	smax.u32 s13, $0x1;
	s13 =	sshrl.u32 s14, $0x3;
	s14 =	simm.s32 $0x5  }
0x15: {  	s24 =	sshrl.u32 s24, $0x3;
	s8 =	sadd.s32 $0x800, s9;
	s9 =	sadd.s32 $0x1000, s9  }
.LBB2_1:
0x16: {  	[spmem:s13], [sflag:s6] =	dma.local [hbm:s5], $0x2780  }
0x17: {  	_ =	swait.ge [sflag:s14], $0x2780  }
0x18: {  	[sflag:s14] =	ssyncset.done $0x0  }
0x19: {  	[sflag:s14] =	ssyncadd.s32 $0xFFFFD880  }
0x1a: {  	[bflag:$0x0] =	sbarrier.arrive $0xFFFF  }
0x1b: {  	[tilespmem:s2], [sflag:$0x5] =	stream.linear.gather [hbm4b:s7+s2], $0x4000, $0x38;
	[tilespmem:$0x1FC00] =	vst v63  }
0x1c: {  	_ =	swait.ge [sflag:s14], $0x4000  }
0x1d: {  	[sflag:s14] =	ssyncset.done $0x0  }
0x1e: {  	[sflag:s14] =	ssyncadd.s32 $0xFFFFC000  }
0x1f: {  	[tilespmem:s16], [sflag:$0x1] =	stream.indirect.gather [hbm4b:s4+s15], $0x80, s2, s15, $0xb8;
	[tilespmem:$0x1FC00] =	vst v63  }
0x20: {  	_ = 	snop  }
0x21: {  	[tilespmem:s18], [sflag:$0x2] =	stream.indirect.gather [hbm4b:s4+s15], $0x80, s17, s15, $0xb8;
	[tilespmem:$0x1FC00] =	vst v63  }
0x22: {  	_ =	swait.ge [sflag:s19], $0x4000  }
0x23: {  	[sflag:s19] =	ssyncset.done $0x0  }
0x24: {  	[sflag:s19] =	ssyncadd.s32 $0xFFFFC000  }
0x25: {  	[spmem:s1] =	stream.indirect.scatter.add.f32 [tilespmem:s16], [sflag:$0x3], $0x80, s15, s15, $0xb8;
	[tilespmem:$0x1FC00] =	vst v63  }
0x26: {  	_ =	swait.ge [sflag:s20], $0x4000  }
0x27: {  	[sflag:s20] =	ssyncset.done $0x0  }
0x28: {  	[sflag:s20] =	ssyncadd.s32 $0xFFFFC000  }
0x29: {  	[spmem:s1] =	stream.indirect.scatter.add.f32 [tilespmem:s18], [sflag:$0x4], $0x80, s21, s15, $0xb8;
	[tilespmem:$0x1FC00] =	vst v63  }
0x2a: {  	_ =	swait.ge [sflag:s22], $0x4000  }
0x2b: {  	[sflag:s22] =	ssyncset.done $0x0  }
0x2c: {  	s30 =	simm.s32 $0x200;
	[sflag:s22] =	ssyncadd.s32 $0xFFFFC000  }
0x2d: {  	[tilespmem:s16], [sflag:$0x1] =	stream.indirect.gather [hbm4b:s4+s15], $0x80, s30, s15, $0xb8;
	[tilespmem:$0x1FC00] =	vst v63  }
0x2e: {  	_ =	swait.ge [sflag:s23], $0x4000  }
0x2f: {  	[sflag:s23] =	ssyncset.done $0x0  }
0x30: {  	s30 =	simm.s32 $0x300;
	[sflag:s23] =	ssyncadd.s32 $0xFFFFC000  }
0x31: {  	[tilespmem:s18], [sflag:$0x2] =	stream.indirect.gather [hbm4b:s4+s15], $0x80, s30, s15, $0xb8;
	[tilespmem:$0x1FC00] =	vst v63  }
0x32: {  	_ =	swait.ge [sflag:s19], $0x4000  }
0x33: {  	[sflag:s19] =	ssyncset.done $0x0  }
0x34: {  	s30 =	simm.s32 $0x280;
	[sflag:s19] =	ssyncadd.s32 $0xFFFFC000  }
0x35: {  	[spmem:s1] =	stream.indirect.scatter.add.f32 [tilespmem:s16], [sflag:$0x3], $0x80, s30, s15, $0xb8;
	[tilespmem:$0x1FC00] =	vst v63  }
0x36: {  	_ =	swait.ge [sflag:s20], $0x4000  }
0x37: {  	[sflag:s20] =	ssyncset.done $0x0  }
0x38: {  	s31 =	simm.s32 $0x380;
	s30 =	simm.s32 $0xFFFF1000;
	[sflag:s20] =	ssyncadd.s32 $0xFFFFC000  }
.LBB2_2:
0x39: {  	[spmem:s1] =	stream.indirect.scatter.add.f32 [tilespmem:s18], [sflag:$0x4], $0x80, s31, s15, $0xb8;
	[tilespmem:$0x1FC00] =	vst v63  }
0x3a: {  	s31 =	smov.u32 s30  }
0x3b: {  	p1 =	sne.s32 s30, $0xFFFFF800;
	s30 =	sadd.s32 $0x800, s30;
	_ =	swait.ge [sflag:s22], $0x4000  }
0x3c: {  	s31 =	sshra.s32 s31, $0x2;
	[sflag:s22] =	ssyncset.done $0x0  }
0x3d: {  	s0 =	sadd.s32 $0x4000, s31;
	[sflag:s22] =	ssyncadd.s32 $0xFFFFC000  }
0x3e: {  	[tilespmem:s16], [sflag:$0x1] =	stream.indirect.gather [hbm4b:s4+s15], $0x80, s0, s15, $0xb8;
	[tilespmem:$0x1FC00] =	vst v63  }
0x3f: {  	_ =	swait.ge [sflag:s23], $0x4000  }
0x40: {  	[sflag:s23] =	ssyncset.done $0x0  }
0x41: {  	s0 =	sadd.s32 $0x4100, s31;
	[sflag:s23] =	ssyncadd.s32 $0xFFFFC000  }
0x42: {  	[tilespmem:s18], [sflag:$0x2] =	stream.indirect.gather [hbm4b:s4+s15], $0x80, s0, s15, $0xb8;
	[tilespmem:$0x1FC00] =	vst v63  }
0x43: {  	_ =	swait.ge [sflag:s19], $0x4000  }
0x44: {  	[sflag:s19] =	ssyncset.done $0x0  }
.Ltmp0:
0x45: {  	s0 =	sadd.s32 $0x4080, s31;
	[sflag:s19] =	ssyncadd.s32 $0xFFFFC000;
	(pc) =	sbr.rel @p1 .LBB2_2-.Ltmp0, $4  }
0x46: {  	[spmem:s1] =	stream.indirect.scatter.add.f32 [tilespmem:s16], [sflag:$0x3], $0x80, s0, s15, $0xb8;
	[tilespmem:$0x1FC00] =	vst v63  }
0x47: {  	_ =	swait.ge [sflag:s20], $0x4000  }
0x48: {  	[sflag:s20] =	ssyncset.done $0x0  }
0x49: {  	s31 =	sadd.s32 $0x4180, s31;
	[sflag:s20] =	ssyncadd.s32 $0xFFFFC000  }
0x4a: {  	[spmem:s1] =	stream.indirect.scatter.add.f32 [tilespmem:s18], [sflag:$0x4], $0x80, s31, s15, $0xb8;
	[tilespmem:$0x1FC00] =	vst v63  }
0x4b: {  	_ =	swait.ge [sflag:s22], $0x4000  }
0x4c: {  	[sflag:s22] =	ssyncset.done $0x0  }
0x4d: {  	[sflag:s22] =	ssyncadd.s32 $0xFFFFC000  }
0x4e: {  	_ =	swait.ge [sflag:s23], $0x4000  }
0x4f: {  	[sflag:s23] =	ssyncset.done $0x0  }
0x50: {  	[sflag:s23] =	ssyncadd.s32 $0xFFFFC000  }
0x51: {  	[tilespmem:s2], [sflag:$0x5] =	stream.linear.gather [hbm4b:s8+s2], $0x4000, $0x38;
	[tilespmem:$0x1FC00] =	vst v63  }
0x52: {  	_ =	swait.ge [sflag:s14], $0x4000  }
0x53: {  	[sflag:s14] =	ssyncset.done $0x0  }
0x54: {  	[sflag:s14] =	ssyncadd.s32 $0xFFFFC000  }
0x55: {  	[tilespmem:s16], [sflag:$0x1] =	stream.indirect.gather [hbm4b:s4+s15], $0x80, s2, s15, $0xb8;
	[tilespmem:$0x1FC00] =	vst v63  }
0x56: {  	_ = 	snop  }
0x57: {  	[tilespmem:s18], [sflag:$0x2] =	stream.indirect.gather [hbm4b:s4+s15], $0x80, s17, s15, $0xb8;
	[tilespmem:$0x1FC00] =	vst v63  }
0x58: {  	_ =	swait.ge [sflag:s19], $0x4000  }
0x59: {  	[sflag:s19] =	ssyncset.done $0x0  }
0x5a: {  	[sflag:s19] =	ssyncadd.s32 $0xFFFFC000  }
0x5b: {  	[spmem:s1] =	stream.indirect.scatter.add.f32 [tilespmem:s16], [sflag:$0x3], $0x80, s15, s15, $0xb8;
	[tilespmem:$0x1FC00] =	vst v63  }
0x5c: {  	_ =	swait.ge [sflag:s20], $0x4000  }
0x5d: {  	[sflag:s20] =	ssyncset.done $0x0  }
0x5e: {  	[sflag:s20] =	ssyncadd.s32 $0xFFFFC000  }
0x5f: {  	[spmem:s1] =	stream.indirect.scatter.add.f32 [tilespmem:s18], [sflag:$0x4], $0x80, s21, s15, $0xb8;
	[tilespmem:$0x1FC00] =	vst v63  }
0x60: {  	_ =	swait.ge [sflag:s22], $0x4000  }
0x61: {  	[sflag:s22] =	ssyncset.done $0x0  }
0x62: {  	s0 =	simm.s32 $0x200;
	[sflag:s22] =	ssyncadd.s32 $0xFFFFC000  }
0x63: {  	[tilespmem:s16], [sflag:$0x1] =	stream.indirect.gather [hbm4b:s4+s15], $0x80, s0, s15, $0xb8;
	[tilespmem:$0x1FC00] =	vst v63  }
0x64: {  	_ =	swait.ge [sflag:s23], $0x4000  }
0x65: {  	[sflag:s23] =	ssyncset.done $0x0  }
0x66: {  	s0 =	simm.s32 $0x300;
	[sflag:s23] =	ssyncadd.s32 $0xFFFFC000  }
0x67: {  	[tilespmem:s18], [sflag:$0x2] =	stream.indirect.gather [hbm4b:s4+s15], $0x80, s0, s15, $0xb8;
	[tilespmem:$0x1FC00] =	vst v63  }
0x68: {  	_ =	swait.ge [sflag:s19], $0x4000  }
0x69: {  	[sflag:s19] =	ssyncset.done $0x0  }
0x6a: {  	s0 =	simm.s32 $0x280;
	[sflag:s19] =	ssyncadd.s32 $0xFFFFC000  }
0x6b: {  	[spmem:s1] =	stream.indirect.scatter.add.f32 [tilespmem:s16], [sflag:$0x3], $0x80, s0, s15, $0xb8;
	[tilespmem:$0x1FC00] =	vst v63  }
0x6c: {  	_ =	swait.ge [sflag:s20], $0x4000  }
0x6d: {  	[sflag:s20] =	ssyncset.done $0x0  }
0x6e: {  	s30 =	simm.s32 $0xFFFF1000;
	s31 =	simm.s32 $0x380;
	[sflag:s20] =	ssyncadd.s32 $0xFFFFC000  }
.LBB2_4:
0x6f: {  	[spmem:s1] =	stream.indirect.scatter.add.f32 [tilespmem:s18], [sflag:$0x4], $0x80, s31, s15, $0xb8;
	[tilespmem:$0x1FC00] =	vst v63  }
0x70: {  	s0 =	smov.u32 s30  }
0x71: {  	p1 =	sne.s32 s30, $0xFFFFF800;
	s30 =	sadd.s32 $0x800, s30;
	_ =	swait.ge [sflag:s22], $0x4000  }
0x72: {  	s0 =	sshra.s32 s0, $0x2;
	[sflag:s22] =	ssyncset.done $0x0  }
0x73: {  	s31 =	sadd.s32 $0x4000, s0;
	[sflag:s22] =	ssyncadd.s32 $0xFFFFC000  }
0x74: {  	[tilespmem:s16], [sflag:$0x1] =	stream.indirect.gather [hbm4b:s4+s15], $0x80, s31, s15, $0xb8;
	[tilespmem:$0x1FC00] =	vst v63  }
0x75: {  	_ =	swait.ge [sflag:s23], $0x4000  }
0x76: {  	[sflag:s23] =	ssyncset.done $0x0  }
0x77: {  	s31 =	sadd.s32 $0x4100, s0;
	[sflag:s23] =	ssyncadd.s32 $0xFFFFC000  }
0x78: {  	[tilespmem:s18], [sflag:$0x2] =	stream.indirect.gather [hbm4b:s4+s15], $0x80, s31, s15, $0xb8;
	[tilespmem:$0x1FC00] =	vst v63  }
0x79: {  	_ =	swait.ge [sflag:s19], $0x4000  }
0x7a: {  	[sflag:s19] =	ssyncset.done $0x0  }
.Ltmp1:
0x7b: {  	s31 =	sadd.s32 $0x4080, s0;
	[sflag:s19] =	ssyncadd.s32 $0xFFFFC000;
	(pc) =	sbr.rel @p1 .LBB2_4-.Ltmp1, $4  }
0x7c: {  	[spmem:s1] =	stream.indirect.scatter.add.f32 [tilespmem:s16], [sflag:$0x3], $0x80, s31, s15, $0xb8;
	[tilespmem:$0x1FC00] =	vst v63  }
0x7d: {  	_ =	swait.ge [sflag:s20], $0x4000  }
0x7e: {  	[sflag:s20] =	ssyncset.done $0x0  }
0x7f: {  	s31 =	sadd.s32 $0x4180, s0;
	[sflag:s20] =	ssyncadd.s32 $0xFFFFC000  }
0x80: {  	[spmem:s1] =	stream.indirect.scatter.add.f32 [tilespmem:s18], [sflag:$0x4], $0x80, s31, s15, $0xb8;
	[tilespmem:$0x1FC00] =	vst v63  }
0x81: {  	_ =	swait.ge [sflag:s22], $0x4000  }
0x82: {  	[sflag:s22] =	ssyncset.done $0x0  }
0x83: {  	[sflag:s22] =	ssyncadd.s32 $0xFFFFC000  }
0x84: {  	_ =	swait.ge [sflag:s23], $0x4000  }
0x85: {  	[sflag:s23] =	ssyncset.done $0x0  }
0x86: {  	[sflag:s23] =	ssyncadd.s32 $0xFFFFC000  }
0x87: {  	[tilespmem:s2], [sflag:$0x5] =	stream.linear.gather [hbm4b:s9+s2], $0x1D00, $0x38;
	[tilespmem:$0x1FC00] =	vst v63  }
0x88: {  	_ =	swait.ge [sflag:s14], $0x1D00  }
0x89: {  	[sflag:s14] =	ssyncset.done $0x0  }
0x8a: {  	[sflag:s14] =	ssyncadd.s32 $0xFFFFE300  }
0x8b: {  	[tilespmem:s16], [sflag:$0x1] =	stream.indirect.gather [hbm4b:s4+s15], $0x80, s2, s15, $0xb8;
	[tilespmem:$0x1FC00] =	vst v63  }
0x8c: {  	_ = 	snop  }
0x8d: {  	[tilespmem:s18], [sflag:$0x2] =	stream.indirect.gather [hbm4b:s4+s15], $0x80, s17, s15, $0xb8;
	[tilespmem:$0x1FC00] =	vst v63  }
0x8e: {  	_ =	swait.ge [sflag:s19], $0x4000  }
0x8f: {  	[sflag:s19] =	ssyncset.done $0x0  }
0x90: {  	[sflag:s19] =	ssyncadd.s32 $0xFFFFC000  }
0x91: {  	[spmem:s1] =	stream.indirect.scatter.add.f32 [tilespmem:s16], [sflag:$0x3], $0x80, s15, s15, $0xb8;
	[tilespmem:$0x1FC00] =	vst v63  }
0x92: {  	_ =	swait.ge [sflag:s20], $0x4000  }
0x93: {  	[sflag:s20] =	ssyncset.done $0x0  }
0x94: {  	[sflag:s20] =	ssyncadd.s32 $0xFFFFC000  }
0x95: {  	[spmem:s1] =	stream.indirect.scatter.add.f32 [tilespmem:s18], [sflag:$0x4], $0x80, s21, s15, $0xb8;
	[tilespmem:$0x1FC00] =	vst v63  }
0x96: {  	_ =	swait.ge [sflag:s22], $0x4000  }
0x97: {  	[sflag:s22] =	ssyncset.done $0x0  }
0x98: {  	s0 =	simm.s32 $0x200;
	[sflag:s22] =	ssyncadd.s32 $0xFFFFC000  }
0x99: {  	[tilespmem:s16], [sflag:$0x1] =	stream.indirect.gather [hbm4b:s4+s15], $0x80, s0, s15, $0xb8;
	[tilespmem:$0x1FC00] =	vst v63  }
0x9a: {  	_ =	swait.ge [sflag:s23], $0x4000  }
0x9b: {  	[sflag:s23] =	ssyncset.done $0x0  }
0x9c: {  	s0 =	simm.s32 $0x300;
	[sflag:s23] =	ssyncadd.s32 $0xFFFFC000  }
0x9d: {  	[tilespmem:s18], [sflag:$0x2] =	stream.indirect.gather [hbm4b:s4+s15], $0x80, s0, s15, $0xb8;
	[tilespmem:$0x1FC00] =	vst v63  }
0x9e: {  	_ =	swait.ge [sflag:s19], $0x4000  }
0x9f: {  	[sflag:s19] =	ssyncset.done $0x0  }
0xa0: {  	s0 =	simm.s32 $0x280;
	[sflag:s19] =	ssyncadd.s32 $0xFFFFC000  }
0xa1: {  	[spmem:s1] =	stream.indirect.scatter.add.f32 [tilespmem:s16], [sflag:$0x3], $0x80, s0, s15, $0xb8;
	[tilespmem:$0x1FC00] =	vst v63  }
0xa2: {  	_ =	swait.ge [sflag:s20], $0x4000  }
0xa3: {  	[sflag:s20] =	ssyncset.done $0x0  }
0xa4: {  	s30 =	simm.s32 $0xFFFFA000;
	s31 =	simm.s32 $0x380;
	[sflag:s20] =	ssyncadd.s32 $0xFFFFC000  }
.LBB2_6:
0xa5: {  	[spmem:s1] =	stream.indirect.scatter.add.f32 [tilespmem:s18], [sflag:$0x4], $0x80, s31, s15, $0xb8;
	[tilespmem:$0x1FC00] =	vst v63  }
0xa6: {  	s0 =	smov.u32 s30  }
0xa7: {  	p1 =	sne.s32 s30, $0xFFFFF800;
	s30 =	sadd.s32 $0x800, s30;
	_ =	swait.ge [sflag:s22], $0x4000  }
0xa8: {  	s0 =	sshra.s32 s0, $0x2;
	[sflag:s22] =	ssyncset.done $0x0  }
0xa9: {  	s31 =	sadd.s32 $0x1C00, s0;
	[sflag:s22] =	ssyncadd.s32 $0xFFFFC000  }
0xaa: {  	[tilespmem:s16], [sflag:$0x1] =	stream.indirect.gather [hbm4b:s4+s15], $0x80, s31, s15, $0xb8;
	[tilespmem:$0x1FC00] =	vst v63  }
0xab: {  	_ =	swait.ge [sflag:s23], $0x4000  }
0xac: {  	[sflag:s23] =	ssyncset.done $0x0  }
0xad: {  	s31 =	sadd.s32 $0x1D00, s0;
	[sflag:s23] =	ssyncadd.s32 $0xFFFFC000  }
0xae: {  	[tilespmem:s18], [sflag:$0x2] =	stream.indirect.gather [hbm4b:s4+s15], $0x80, s31, s15, $0xb8;
	[tilespmem:$0x1FC00] =	vst v63  }
0xaf: {  	_ =	swait.ge [sflag:s19], $0x4000  }
0xb0: {  	[sflag:s19] =	ssyncset.done $0x0  }
.Ltmp2:
0xb1: {  	s31 =	sadd.s32 $0x1C80, s0;
	[sflag:s19] =	ssyncadd.s32 $0xFFFFC000;
	(pc) =	sbr.rel @p1 .LBB2_6-.Ltmp2, $4  }
0xb2: {  	[spmem:s1] =	stream.indirect.scatter.add.f32 [tilespmem:s16], [sflag:$0x3], $0x80, s31, s15, $0xb8;
	[tilespmem:$0x1FC00] =	vst v63  }
0xb3: {  	_ =	swait.ge [sflag:s20], $0x4000  }
0xb4: {  	[sflag:s20] =	ssyncset.done $0x0  }
0xb5: {  	s31 =	sadd.s32 $0x1D80, s0;
	[sflag:s20] =	ssyncadd.s32 $0xFFFFC000  }
0xb6: {  	[spmem:s1] =	stream.indirect.scatter.add.f32 [tilespmem:s18], [sflag:$0x4], $0x80, s31, s15, $0xb8;
	[tilespmem:$0x1FC00] =	vst v63  }
0xb7: {  	_ =	swait.ge [sflag:s22], $0x4000  }
0xb8: {  	[sflag:s22] =	ssyncset.done $0x0  }
0xb9: {  	[sflag:s22] =	ssyncadd.s32 $0xFFFFC000  }
0xba: {  	_ =	swait.ge [sflag:s23], $0x4000  }
0xbb: {  	[sflag:s23] =	ssyncset.done $0x0  }
0xbc: {  	[sflag:s23] =	ssyncadd.s32 $0xFFFFC000  }
0xbd: {  	[tilespmem:s16], [sflag:$0x5] =	stream.indirect.gather [hbm4b:s4+s15], $0x80, s26, s15, $0xb8;
	[tilespmem:$0x1FC00] =	vst v63  }
0xbe: {  	_ =	swait.ge [sflag:s14], $0x4000  }
0xbf: {  	[sflag:s14] =	ssyncset.done $0x0  }
0xc0: {  	[sflag:s14] =	ssyncadd.s32 $0xFFFFC000  }
0xc1: {  	[spmem:s1] =	stream.indirect.scatter.add.f32 [tilespmem:s16], [sflag:$0x5], $0x80, s28, s15, $0xb8;
	[tilespmem:$0x1FC00] =	vst v63  }
0xc2: {  	_ =	swait.ge [sflag:s14], $0x4000  }
0xc3: {  	[sflag:s14] =	ssyncset.done $0x0  }
0xc4: {  	[sflag:s14] =	ssyncadd.s32 $0xFFFFC000  }
0xc5: {  	[bflag:$0x0] =	sbarrier.arrive $0xFFFF  }
0xc6: {  	[hbm:s10], [sflag:s6] =	dma.local [spmem:s24], $0x2700  }
0xc7: {  	s29 =	sadd.s32 $0x1, s29;
	_ =	swait.ge [sflag:s14], $0x2700  }
0xc8: {  	p1 =	sne.s32 s29, s12;
	[sflag:s14] =	ssyncset.done $0x0  }
.Ltmp3:
0xc9: {  	s0 =	simm.s32 @!p0 $0x5;
	[sflag:s14] =	ssyncadd.s32 $0xFFFFD900;
	(pc) =	sbr.rel @p1 .LBB2_1-.Ltmp3, $4  }
0xca: {  	[hbm:s11], [sflag:s6] =	dma.local @!p0 [spmem:s25], $0x100  }
0xcb: {  	_ =	swait.ge @!p0 [sflag:s0], $0x100  }
0xcc: {  	[sflag:s0] =	ssyncset.done @!p0 $0x0  }
0xcd: {  	[sflag:s0] =	ssyncadd.s32 @!p0 $0xFFFFFF00  }
0xce: {  	_ =	sfence.sel $0x180000  }
0xcf: {  	[bflag:$0x0] =	sbarrier.arrive $0xFFFF  }
0xd0: {  	_ =	strace $0x90000047  }
0xd1: {  	[bflag:$0x2] =	sbarrier.arrive $0xFFFF  }
0xd2: {  	p0 =	sne.s32 s3, $0x0;
	s0 =	rddreg [dreg:$0x2]  }
0xd3: {  	s0 =	sadd.s32 @!p0 $0x100000, s0  }
0xd4: {  	[sflag:s0] =	ssyncadd.tile.s32 @!p0 $0x1;
	_ =	shalt  }
.Lfunc_end2:
_tile_overlayer_lowered:
.L_overlay_start_2:
0xd5: {  	(tag) =	ssettag $0x2  }
0xd6: {  	s0 =	rddreg [dreg:$0x0];
	s2 =	stileid.u32  }
0xd7: {  	s1 =	rddreg [dreg:$0x1];
	p0 =	sne.s32 s2, $0x0  }
0xd8: {  	s3 =	rddreg [dreg:$0x2];
	[bflag:$0x3] =	sbarrier.arrive $0xFFFF;
	s2 =	simm.s32 @!p0 $0x1C05  }
0xd9: {  	[timem:s3], [sflag:s2] =	dma.local @!p0 [hbm:s0], s1  }
0xda: {  	s0 =	simm.s32 @!p0 $0x5  }
0xdb: {  	_ =	swait.ge @!p0 [sflag:s0], s1  }
0xdc: {  	s1 =	ssub.s32 @!p0 $0x0, s1;
	[sflag:s0] =	ssyncset.done @!p0 $0x0  }
0xdd: {  	[sflag:s0] =	ssyncadd.s32 @!p0 s1  }
0xde: {  	[bflag:$0x3] =	sbarrier.arrive $0xFFFF  }
0xdf: {  	_ =	shalt  }

// kernel: kernel.14.cloned.1.call-start
scs
__scs_entry_jumppad:
0x0: {  	(pc) =	sbr.rel $0x88, $3  }
0x1: {  	(tag) =	ssettag $0x0;
	lr =	simm.s32 $0x1  }
0x2: {  	[smem:$0x3F89] =	sst lr;
	_ =	strace $0xD0000000  }
0x3: {  	_ = 	snop  }
0x4: {  	_ = 	snop  }
0x5: {  	_ = 	snop  }
0x6: {  	_ = 	snop  }
0x7: {  	_ = 	snop  }
__scs_overlays_trampoline_lowered:
0x8: {  	[smem:$0x3F98] =	sst s0  }
0x9: {  	[smem:$0x3F99] =	sst s1  }
0xa: {  	[smem:$0x3F9A] =	sst s2  }
0xb: {  	[smem:$0x3F9B] =	sst s3  }
0xc: {  	[smem:$0x3F9C] =	sst s4  }
0xd: {  	[smem:$0x3F9D] =	sst s5  }
0xe: {  	[smem:$0x3F9E] =	sst s6  }
0xf: {  	[smem:$0x3F9F] =	sst s7  }
0x10: {  	[smem:$0x3FA0] =	sst s8  }
0x11: {  	[smem:$0x3FA1] =	sst s9;
	s0 =	simm.s32 @!p0 $0x0  }
0x12: {  	s1 =	sld [smem:$0x3F87];
	s0 =	simm.s32 @p0 $0x1  }
0x13: {  	[smem:$0x3FA2] =	sst s0;
	s0 =	simm.s32 @!p1 $0x0  }
0x14: {  	s2 =	sld [smem:$0x3F86];
	s0 =	simm.s32 @p1 $0x1  }
0x15: {  	[smem:$0x3FA3] =	sst s0;
	s0 =	simm.s32 @!p2 $0x0  }
0x16: {  	s3 =	sld [smem:$0x3FDB];
	s0 =	simm.s32 @p2 $0x1  }
0x17: {  	s4 =	simm.s32 $0x1BF5;
	[smem:$0x3FA5] =	sst s0  }
0x18: {  	s0 =	sld [smem:$0x3F88];
	_ =	swait.ge [sflag:s4], $0x0  }
0x19: {  	s7 =	sld [smem:$0x3F89]  }
0x1a: {  	s8 =	sadd.s32 $0xFFFFE003, lr  }
0x1b: {  	s9 =	sadd.s32 $0xFFFFFEF7, lr;
	s5 =	simm.s32 $0xFFFFFFFF;
	p2 =	slt.u32 s8, $0xFFFFF086  }
0x1c: {  	p1 =	slt.u32 s9, $0xF7A;
	s5 =	simm.s32 @!p2 $0x0  }
0x1d: {  	s5 =	simm.s32 @p1 $0x1;
	p0 =	seq.s32 s7, s2  }
0x1e: {  	s7 =	smul.u32 @!p0 $0xF7A, s2;
	p2 =	seq.s32 @!p0 s5, $0x0  }
0x1f: {  	s9 =	smul.u32 $0xF7A, s1;
	s8 =	simm.s32 @!p0 $0x1BF5;
	p2 =	por !p2, p0  }
0x20: {  	[sflag:s8] =	ssyncset.s32 @!p0 $0xFFFFF086;
	s6 =	sadd.s32 @!p0 s3, s7;
	s7 =	simm.s32 @!p0 $0x108  }
0x21: {  	s3 =	sadd.s32 s3, s9;
	s6 =	sadd.s32 @!p0 $0x88, s6;
	s7 =	simm.s32 @p2 $0x1082  }
0x22: {  	[simem:s7], [sflag:s8] =	dma.local @!p0 [hbm:s6], $0xF7A  }
0x23: {  	s9 =	sor.u32 $0xD0000000, s2;
	s6 =	simm.s32 $0x108;
	_ =	swait.ge @!p0 [sflag:s8], $0x0  }
0x24: {  	s3 =	sadd.s32 $0x88, s3;
	s6 =	simm.s32 @!p1 $0x1082;
	[sflag:s4] =	ssyncset.s32 $0xFFFFF086  }
0x25: {  	[simem:s6], [sflag:s4] =	dma.local [hbm:s3], $0xF7A  }
0x26: {  	[smem:$0x3F89] =	sst s1;
	(tag) =	ssettag s2;
	_ =	strace s9  }
0x27: {  	s1 =	sld [smem:$0x3F99]  }
0x28: {  	s2 =	sld [smem:$0x3F9A]  }
0x29: {  	s4 =	sld [smem:$0x3F9C]  }
0x2a: {  	p0 =	seq.s32 s5, $0x0;
	s5 =	sld [smem:$0x3F9D]  }
0x2b: {  	s6 =	sld [smem:$0x3F9E]  }
0x2c: {  	s7 =	sld [smem:$0x3F9F]  }
0x2d: {  	s3 =	simm.s32 $0x108;
	s8 =	sld [smem:$0x3FA0]  }
0x2e: {  	s3 =	simm.s32 @!p0 $0x1082;
	s9 =	sld [smem:$0x3FA1]  }
0x2f: {  	lr =	sadd.s32 s0, s3;
	s0 =	sld [smem:$0x3F98]  }
0x30: {  	s3 =	sld [smem:$0x3F9B]  }
0x31: {  	[smem:$0x3FA4] =	sst s10  }
0x32: {  	s10 =	sld [smem:$0x3FA2];
	_ =	sdelay $0x3  }
0x33: {  	p0 =	seq.s32 s10, $0x1;
	s10 =	sld [smem:$0x3FA4];
	_ =	sdelay $0x3  }
0x34: {  	[smem:$0x3FA4] =	sst s10  }
0x35: {  	s10 =	sld [smem:$0x3FA3];
	_ =	sdelay $0x3  }
0x36: {  	p1 =	seq.s32 s10, $0x1;
	s10 =	sld [smem:$0x3FA4];
	_ =	sdelay $0x3  }
0x37: {  	[smem:$0x3FA4] =	sst s10  }
0x38: {  	s10 =	sld [smem:$0x3FA5]  }
0x39: {  	_ = 	snop;
	(pc) =	sbr.ind lr, $3  }
0x3a: {  	_ = 	snop  }
0x3b: {  	_ = 	snop  }
0x3c: {  	p2 =	seq.s32 s10, $0x1;
	s10 =	sld [smem:$0x3FA4]  }
0x3d: {  	_ =	shalt  }
0x3e: {  	_ =	shalt  }
0x3f: {  	_ =	shalt  }
0x40: {  	_ =	shalt  }
0x41: {  	_ =	shalt  }
0x42: {  	_ =	shalt  }
0x43: {  	_ =	shalt  }
0x44: {  	_ =	shalt  }
0x45: {  	_ =	shalt  }
0x46: {  	_ =	shalt  }
0x47: {  	_ =	shalt  }
0x48: {  	_ =	shalt  }
0x49: {  	_ =	shalt  }
0x4a: {  	_ =	shalt  }
0x4b: {  	_ =	shalt  }
0x4c: {  	_ =	shalt  }
0x4d: {  	_ =	shalt  }
0x4e: {  	_ =	shalt  }
0x4f: {  	_ =	shalt  }
0x50: {  	_ =	shalt  }
0x51: {  	_ =	shalt  }
0x52: {  	_ =	shalt  }
0x53: {  	_ =	shalt  }
0x54: {  	_ =	shalt  }
0x55: {  	_ =	shalt  }
0x56: {  	_ =	shalt  }
0x57: {  	_ =	shalt  }
0x58: {  	_ =	shalt  }
0x59: {  	_ =	shalt  }
0x5a: {  	_ =	shalt  }
0x5b: {  	_ =	shalt  }
0x5c: {  	_ =	shalt  }
0x5d: {  	_ =	shalt  }
0x5e: {  	_ =	shalt  }
0x5f: {  	_ =	shalt  }
0x60: {  	_ =	shalt  }
0x61: {  	_ =	shalt  }
0x62: {  	_ =	shalt  }
0x63: {  	_ =	shalt  }
0x64: {  	_ =	shalt  }
0x65: {  	_ =	shalt  }
0x66: {  	_ =	shalt  }
0x67: {  	_ =	shalt  }
0x68: {  	_ =	shalt  }
0x69: {  	_ =	shalt  }
0x6a: {  	_ =	shalt  }
0x6b: {  	_ =	shalt  }
0x6c: {  	_ =	shalt  }
0x6d: {  	_ =	shalt  }
0x6e: {  	_ =	shalt  }
0x6f: {  	_ =	shalt  }
0x70: {  	_ =	shalt  }
0x71: {  	_ =	shalt  }
0x72: {  	_ =	shalt  }
0x73: {  	_ =	shalt  }
0x74: {  	_ =	shalt  }
0x75: {  	_ =	shalt  }
0x76: {  	_ =	shalt  }
0x77: {  	_ =	shalt  }
0x78: {  	_ =	shalt  }
0x79: {  	_ =	shalt  }
0x7a: {  	_ =	shalt  }
0x7b: {  	_ =	shalt  }
0x7c: {  	_ =	shalt  }
0x7d: {  	_ =	shalt  }
0x7e: {  	_ =	shalt  }
0x7f: {  	_ =	shalt  }
0x80: {  	_ =	shalt  }
0x81: {  	_ =	shalt  }
0x82: {  	_ =	shalt  }
0x83: {  	_ =	shalt  }
0x84: {  	_ =	shalt  }
0x85: {  	_ =	shalt  }
0x86: {  	_ =	shalt  }
0x87: {  	_ =	shalt  }
.Lfunc_end0:
.L_simem_size_0:
called_computation.1_lowered:
.L_overlay_start_0:
0x88: {  	s2 =	sld [smem:$0x3FD9]  }
0x89: {  	s3 =	sld [smem:$0x3FFE];
	_ =	sdelay $0x1  }
0x8a: {  	s1 =	srdreg.scid  }
0x8b: {  	s0 =	sand.u32 $0x1, s1  }
0x8c: {  	s16 =	sshll.u32 s0, $0xA;
	s2 =	sadd.s32 s3, s2  }
0x8d: {  	s2 =	sadd.s32 s2, s16  }
0x8e: {  	[smem:$0x3FB0] =	sst s2  }
0x8f: {  	_ = 	snop  }
0x90: {  	(tm) =	ssettm $0x1  }
0x91: {  	s17 =	sld [smem:$0x3FFB];
	_ =	sdelay $0x3  }
0x92: {  	_ =	strace s17  }
0x93: {  	s2 =	sld [smem:$0x3FFC];
	_ =	sdelay $0x3  }
0x94: {  	_ =	strace s2  }
0x95: {  	s2 =	sld [smem:$0x3FFD];
	_ =	sdelay $0x3  }
0x96: {  	_ =	strace s2  }
0x97: {  	_ =	strace $0x8FFFFFFF  }
0x98: {  	s18 =	sld [smem:$0x3FDB];
	_ =	sdelay $0x1  }
0x99: {  	s19 =	simm.s32 $_scs_section_size  }
0x9a: {  	s4 =	simm.s32 $_size__tile_overlayer_lowered;
	s5 =	simm.s32 $_tile_overlayer_lowered  }
0x9b: {  	s22 =	simm.s32 $0x1BFF;
	s21 =	sshll.u32 s5, $0x1;
	s2 =	sadd.s32 s19, s18  }
0x9c: {  	s6 =	simm.s32 $0x0;
	s20 =	sshll.u32 s4, $0x1;
	s4 =	sadd.s32 s21, s2  }
0x9d: {  	[timem:s6], [sflag:s22] =	dma.local [hbm:s4], s20  }
0x9e: {  	_ =	swait.ge [sflag:s22], s20  }
0x9f: {  	s3 =	ssub.s32 $0x0, s20;
	[sflag:s22] =	ssyncset.done $0x0  }
0xa0: {  	[sflag:s22] =	ssyncadd.s32 s3;
	_ =	sdelay $0x1  }
0xa1: {  	s23 =	simm.s32 $0x1B8B  }
0xa2: {  	_ =	swait.ge [sflag:s23], $0x1  }
0xa3: {  	[sflag:s23] =	ssyncset.done $0x0  }
0xa4: {  	s25 =	simm.s32 $0x1B8E;
	s24 =	sld [smem:$0x3FFE];
	[sflag:s23] =	ssyncadd.s32 $0xFFFFFFFF  }
0xa5: {  	s26 =	simm.s32 $execute0_lowered;
	[smem:$0x3FD2] =	sst s25  }
0xa6: {  	s4 =	sshll.u32 s26, $0x1;
	_ =	strace $0x80000049;
	[dreg:$0x1] =	wrdreg $0xFFFFFFFF  }
0xa7: {  	s28 =	simm.s32 $_size_execute0_lowered;
	s2 =	sadd.s32 s2, s4;
	[dreg:$0x0] =	wrdreg $0x0  }
0xa8: {  	s4 =	sshll.u32 s28, $0x1;
	[dreg:$0x2] =	wrdreg s2  }
0xa9: {  	[dreg:$0x3] =	wrdreg s4  }
0xaa: {  	[dreg:$0x4] =	wrdreg $0xC0  }
0xab: {  	_ =	task [dreg:s6], $0x5FFFF  }
0xac: {  	[dreg:$0x1] =	wrdreg $0xFFFFFFFF  }
0xad: {  	[dreg:$0x0] =	wrdreg $0x60  }
0xae: {  	[dreg:$0x2] =	wrdreg s24  }
0xaf: {  	[dreg:$0x3] =	wrdreg $0xC0000  }
0xb0: {  	[dreg:$0x4] =	wrdreg $0x9  }
0xb1: {  	_ =	task.clear_ibuf [dreg:s6], $0x5FFFF;
	_ =	strace $0x90000049  }
0xb2: {  	s29 =	simm.s32 $0x9;
	_ =	strace $0x8000004B  }
0xb3: {  	_ =	swait.ge [sflag:s29], $0x1  }
0xb4: {  	[sflag:s29] =	ssyncadd.s32 $0xFFFFFFFF  }
0xb5: {  	_ =	strace $0x9000004B  }
0xb6: {  	_ =	sfence  }
0xb7: {  	s30 =	sld [smem:$0x0];
	_ =	sdelay $0x2  }
0xb8: {  	s31 =	sshll.u32 s1, $0xD;
	s1 =	sshrl.u32 s1, $0x2  }
0xb9: {  	s3 =	sand.u32 $0x4000, s31;
	s1 =	sadd.s32 s1, s30  }
0xba: {  	s0 =	sor.u32 s3, s0;
	s1 =	sshll.u32 s1, $0x11  }
0xbb: {  	s0 =	sor.u32 s1, s0  }
0xbc: {  	s0 =	sadd.s32 $0x8F2B, s0  }
0xbd: {  	[sflag:s0] =	ssyncadd.remote.s32 $0x1  }
0xbe: {  	_ =	sfence.sel $0xFFFF  }
0xbf: {  	[dreg:$0x0] =	wrdreg $0xFFFFFFFF;
	(pc) =	sbr.abs _section_cstart, $3  }
0xc0: {  	[dreg:$0x1] =	wrdreg $0xFFFFFFFF  }
0xc1: {  	_ =	task.clear_ibuf [dreg:s6], $0x2FFFF;
	_ =	strace $0x9FFFFFFF  }
0xc2: {  	(tm) =	ssettm $0x7FFFFFFF  }
0xc3: {  	_ =	shalt  }
tec
execute0_lowered:
.L_overlay_start_1:
0x0: {  	(tag) =	ssettag $0x1  }
0x1: {  	s6 =	rddreg [dreg:$0x0]  }
0x2: {  	s1 =	rddreg [dreg:$0x1]  }
0x3: {  	s2 =	simm.s32 $0x0;
	s3 =	srdreg.scid;
	s17 =	simm.s32 $0x100  }
0x4: {  	s18 =	simm.s32 $0x8000;
	s19 =	simm.s32 $0x1;
	s20 =	simm.s32 $0x2  }
0x5: {  	s21 =	simm.s32 $0x180;
	s22 =	simm.s32 $0x3;
	s28 =	simm.s32 $0x1C80  }
0x6: {  	s29 =	simm.s32 $0x0;
	s8 =	sand.u32 $0x1, s3;
	s3 =	stileid.u32  }
0x7: {  	[smem:$0x7FF] =	sst s2;
	s7 =	sadd.s32 $0x5C00, s6;
	s10 =	smul.u32 $0x4F000, s3  }
0x8: {  	s4 =	sadd.s32 $0x2D000, s6;
	s5 =	sadd.s32 $0x7B200, s6;
	s24 =	smul.u32 $0x4E000, s3  }
0x9: {  	s11 =	sadd.s32 $0x7DA00, s6;
	_ =	strace $0x8000004A;
	s15 =	smul.u32 $0x27100, s8  }
0xa: {  	s9 =	sshll.u32 s8, $0x4;
	s23 =	ssub.s32 $0x2, s8;
	s16 =	smul.u32 $0x138800, s8  }
0xb: {  	s25 =	sshll.u32 s3, $0x6;
	s26 =	smul.u32 $0x2700, s3;
	p0 =	sne.s32 s3, $0xF  }
0xc: {  	s9 =	sor.u32 s3, s9;
	s13 =	sshrl.u32 s23, $0x1;
	s6 =	sor.u32 $0x1C05, s25  }
0xd: {  	s25 =	sadd.s32 $0x138000, s1;
	s12 =	smul.u32 $0x13A0, s9;
	s10 =	sshrl.u32 s10, $0x2  }
0xe: {  	s9 =	smul.u32 $0x9D00, s9;
	s13 =	ssub.s32 s23, s13;
	s16 =	sshrl.u32 s16, $0x3  }
0xf: {  	s30 =	sadd.s32 s26, s15;
	s15 =	simm.s32 $0x80;
	s23 =	simm.s32 $0x4  }
0x10: {  	s25 =	sshrl.u32 @!p0 s25, $0x3;
	s26 =	simm.s32 $0x1C00;
	s14 =	sadd.s32 s10, s1  }
0x11: {  	s10 =	sshrl.u32 s24, $0x2;
	s31 =	sadd.s32 s11, s16;
	s16 =	simm.s32 $0x4000  }
0x12: {  	s9 =	sshrl.u32 s9, $0x3;
	s24 =	sadd.s32 s10, s1;
	s10 =	sadd.s32 s11, s30  }
0x13: {  	s11 =	sadd.s32 $0x27000, s31;
	s9 =	sadd.s32 s7, s9;
	s7 =	sadd.s32 s7, s12  }
0x14: {  	s12 =	smax.u32 s13, $0x1;
	s13 =	sshrl.u32 s14, $0x3;
	s14 =	simm.s32 $0x5  }
0x15: {  	s24 =	sshrl.u32 s24, $0x3;
	s8 =	sadd.s32 $0x800, s9;
	s9 =	sadd.s32 $0x1000, s9  }
.LBB2_1:
0x16: {  	[spmem:s13], [sflag:s6] =	dma.local [hbm:s5], $0x2780  }
0x17: {  	_ =	swait.ge [sflag:s14], $0x2780  }
0x18: {  	[sflag:s14] =	ssyncset.done $0x0  }
0x19: {  	[sflag:s14] =	ssyncadd.s32 $0xFFFFD880  }
0x1a: {  	[bflag:$0x0] =	sbarrier.arrive $0xFFFF  }
0x1b: {  	[tilespmem:s2], [sflag:$0x5] =	stream.linear.gather [hbm4b:s7+s2], $0x4000, $0x38;
	[tilespmem:$0x1FC00] =	vst v63  }
0x1c: {  	_ =	swait.ge [sflag:s14], $0x4000  }
0x1d: {  	[sflag:s14] =	ssyncset.done $0x0  }
0x1e: {  	[sflag:s14] =	ssyncadd.s32 $0xFFFFC000  }
0x1f: {  	[tilespmem:s16], [sflag:$0x1] =	stream.indirect.gather [hbm4b:s4+s15], $0x80, s2, s15, $0xb8;
	[tilespmem:$0x1FC00] =	vst v63  }
0x20: {  	_ = 	snop  }
0x21: {  	[tilespmem:s18], [sflag:$0x2] =	stream.indirect.gather [hbm4b:s4+s15], $0x80, s17, s15, $0xb8;
	[tilespmem:$0x1FC00] =	vst v63  }
0x22: {  	_ =	swait.ge [sflag:s19], $0x4000  }
0x23: {  	[sflag:s19] =	ssyncset.done $0x0  }
0x24: {  	[sflag:s19] =	ssyncadd.s32 $0xFFFFC000  }
0x25: {  	[spmem:s1] =	stream.indirect.scatter.add.f32 [tilespmem:s16], [sflag:$0x3], $0x80, s15, s15, $0xb8;
	[tilespmem:$0x1FC00] =	vst v63  }
0x26: {  	_ =	swait.ge [sflag:s20], $0x4000  }
0x27: {  	[sflag:s20] =	ssyncset.done $0x0  }
0x28: {  	[sflag:s20] =	ssyncadd.s32 $0xFFFFC000  }
0x29: {  	[spmem:s1] =	stream.indirect.scatter.add.f32 [tilespmem:s18], [sflag:$0x4], $0x80, s21, s15, $0xb8;
	[tilespmem:$0x1FC00] =	vst v63  }
0x2a: {  	_ =	swait.ge [sflag:s22], $0x4000  }
0x2b: {  	[sflag:s22] =	ssyncset.done $0x0  }
0x2c: {  	s30 =	simm.s32 $0x200;
	[sflag:s22] =	ssyncadd.s32 $0xFFFFC000  }
0x2d: {  	[tilespmem:s16], [sflag:$0x1] =	stream.indirect.gather [hbm4b:s4+s15], $0x80, s30, s15, $0xb8;
	[tilespmem:$0x1FC00] =	vst v63  }
0x2e: {  	_ =	swait.ge [sflag:s23], $0x4000  }
0x2f: {  	[sflag:s23] =	ssyncset.done $0x0  }
0x30: {  	s30 =	simm.s32 $0x300;
	[sflag:s23] =	ssyncadd.s32 $0xFFFFC000  }
0x31: {  	[tilespmem:s18], [sflag:$0x2] =	stream.indirect.gather [hbm4b:s4+s15], $0x80, s30, s15, $0xb8;
	[tilespmem:$0x1FC00] =	vst v63  }
0x32: {  	_ =	swait.ge [sflag:s19], $0x4000  }
0x33: {  	[sflag:s19] =	ssyncset.done $0x0  }
0x34: {  	s30 =	simm.s32 $0x280;
	[sflag:s19] =	ssyncadd.s32 $0xFFFFC000  }
0x35: {  	[spmem:s1] =	stream.indirect.scatter.add.f32 [tilespmem:s16], [sflag:$0x3], $0x80, s30, s15, $0xb8;
	[tilespmem:$0x1FC00] =	vst v63  }
0x36: {  	_ =	swait.ge [sflag:s20], $0x4000  }
0x37: {  	[sflag:s20] =	ssyncset.done $0x0  }
0x38: {  	s31 =	simm.s32 $0x380;
	s30 =	simm.s32 $0xFFFF1000;
	[sflag:s20] =	ssyncadd.s32 $0xFFFFC000  }
.LBB2_2:
0x39: {  	[spmem:s1] =	stream.indirect.scatter.add.f32 [tilespmem:s18], [sflag:$0x4], $0x80, s31, s15, $0xb8;
	[tilespmem:$0x1FC00] =	vst v63  }
0x3a: {  	s31 =	smov.u32 s30  }
0x3b: {  	p1 =	sne.s32 s30, $0xFFFFF800;
	s30 =	sadd.s32 $0x800, s30;
	_ =	swait.ge [sflag:s22], $0x4000  }
0x3c: {  	s31 =	sshra.s32 s31, $0x2;
	[sflag:s22] =	ssyncset.done $0x0  }
0x3d: {  	s0 =	sadd.s32 $0x4000, s31;
	[sflag:s22] =	ssyncadd.s32 $0xFFFFC000  }
0x3e: {  	[tilespmem:s16], [sflag:$0x1] =	stream.indirect.gather [hbm4b:s4+s15], $0x80, s0, s15, $0xb8;
	[tilespmem:$0x1FC00] =	vst v63  }
0x3f: {  	_ =	swait.ge [sflag:s23], $0x4000  }
0x40: {  	[sflag:s23] =	ssyncset.done $0x0  }
0x41: {  	s0 =	sadd.s32 $0x4100, s31;
	[sflag:s23] =	ssyncadd.s32 $0xFFFFC000  }
0x42: {  	[tilespmem:s18], [sflag:$0x2] =	stream.indirect.gather [hbm4b:s4+s15], $0x80, s0, s15, $0xb8;
	[tilespmem:$0x1FC00] =	vst v63  }
0x43: {  	_ =	swait.ge [sflag:s19], $0x4000  }
0x44: {  	[sflag:s19] =	ssyncset.done $0x0  }
.Ltmp0:
0x45: {  	s0 =	sadd.s32 $0x4080, s31;
	[sflag:s19] =	ssyncadd.s32 $0xFFFFC000;
	(pc) =	sbr.rel @p1 .LBB2_2-.Ltmp0, $4  }
0x46: {  	[spmem:s1] =	stream.indirect.scatter.add.f32 [tilespmem:s16], [sflag:$0x3], $0x80, s0, s15, $0xb8;
	[tilespmem:$0x1FC00] =	vst v63  }
0x47: {  	_ =	swait.ge [sflag:s20], $0x4000  }
0x48: {  	[sflag:s20] =	ssyncset.done $0x0  }
0x49: {  	s31 =	sadd.s32 $0x4180, s31;
	[sflag:s20] =	ssyncadd.s32 $0xFFFFC000  }
0x4a: {  	[spmem:s1] =	stream.indirect.scatter.add.f32 [tilespmem:s18], [sflag:$0x4], $0x80, s31, s15, $0xb8;
	[tilespmem:$0x1FC00] =	vst v63  }
0x4b: {  	_ =	swait.ge [sflag:s22], $0x4000  }
0x4c: {  	[sflag:s22] =	ssyncset.done $0x0  }
0x4d: {  	[sflag:s22] =	ssyncadd.s32 $0xFFFFC000  }
0x4e: {  	_ =	swait.ge [sflag:s23], $0x4000  }
0x4f: {  	[sflag:s23] =	ssyncset.done $0x0  }
0x50: {  	[sflag:s23] =	ssyncadd.s32 $0xFFFFC000  }
0x51: {  	[tilespmem:s2], [sflag:$0x5] =	stream.linear.gather [hbm4b:s8+s2], $0x4000, $0x38;
	[tilespmem:$0x1FC00] =	vst v63  }
0x52: {  	_ =	swait.ge [sflag:s14], $0x4000  }
0x53: {  	[sflag:s14] =	ssyncset.done $0x0  }
0x54: {  	[sflag:s14] =	ssyncadd.s32 $0xFFFFC000  }
0x55: {  	[tilespmem:s16], [sflag:$0x1] =	stream.indirect.gather [hbm4b:s4+s15], $0x80, s2, s15, $0xb8;
	[tilespmem:$0x1FC00] =	vst v63  }
0x56: {  	_ = 	snop  }
0x57: {  	[tilespmem:s18], [sflag:$0x2] =	stream.indirect.gather [hbm4b:s4+s15], $0x80, s17, s15, $0xb8;
	[tilespmem:$0x1FC00] =	vst v63  }
0x58: {  	_ =	swait.ge [sflag:s19], $0x4000  }
0x59: {  	[sflag:s19] =	ssyncset.done $0x0  }
0x5a: {  	[sflag:s19] =	ssyncadd.s32 $0xFFFFC000  }
0x5b: {  	[spmem:s1] =	stream.indirect.scatter.add.f32 [tilespmem:s16], [sflag:$0x3], $0x80, s15, s15, $0xb8;
	[tilespmem:$0x1FC00] =	vst v63  }
0x5c: {  	_ =	swait.ge [sflag:s20], $0x4000  }
0x5d: {  	[sflag:s20] =	ssyncset.done $0x0  }
0x5e: {  	[sflag:s20] =	ssyncadd.s32 $0xFFFFC000  }
0x5f: {  	[spmem:s1] =	stream.indirect.scatter.add.f32 [tilespmem:s18], [sflag:$0x4], $0x80, s21, s15, $0xb8;
	[tilespmem:$0x1FC00] =	vst v63  }
0x60: {  	_ =	swait.ge [sflag:s22], $0x4000  }
0x61: {  	[sflag:s22] =	ssyncset.done $0x0  }
0x62: {  	s0 =	simm.s32 $0x200;
	[sflag:s22] =	ssyncadd.s32 $0xFFFFC000  }
0x63: {  	[tilespmem:s16], [sflag:$0x1] =	stream.indirect.gather [hbm4b:s4+s15], $0x80, s0, s15, $0xb8;
	[tilespmem:$0x1FC00] =	vst v63  }
0x64: {  	_ =	swait.ge [sflag:s23], $0x4000  }
0x65: {  	[sflag:s23] =	ssyncset.done $0x0  }
0x66: {  	s0 =	simm.s32 $0x300;
	[sflag:s23] =	ssyncadd.s32 $0xFFFFC000  }
0x67: {  	[tilespmem:s18], [sflag:$0x2] =	stream.indirect.gather [hbm4b:s4+s15], $0x80, s0, s15, $0xb8;
	[tilespmem:$0x1FC00] =	vst v63  }
0x68: {  	_ =	swait.ge [sflag:s19], $0x4000  }
0x69: {  	[sflag:s19] =	ssyncset.done $0x0  }
0x6a: {  	s0 =	simm.s32 $0x280;
	[sflag:s19] =	ssyncadd.s32 $0xFFFFC000  }
0x6b: {  	[spmem:s1] =	stream.indirect.scatter.add.f32 [tilespmem:s16], [sflag:$0x3], $0x80, s0, s15, $0xb8;
	[tilespmem:$0x1FC00] =	vst v63  }
0x6c: {  	_ =	swait.ge [sflag:s20], $0x4000  }
0x6d: {  	[sflag:s20] =	ssyncset.done $0x0  }
0x6e: {  	s30 =	simm.s32 $0xFFFF1000;
	s31 =	simm.s32 $0x380;
	[sflag:s20] =	ssyncadd.s32 $0xFFFFC000  }
.LBB2_4:
0x6f: {  	[spmem:s1] =	stream.indirect.scatter.add.f32 [tilespmem:s18], [sflag:$0x4], $0x80, s31, s15, $0xb8;
	[tilespmem:$0x1FC00] =	vst v63  }
0x70: {  	s0 =	smov.u32 s30  }
0x71: {  	p1 =	sne.s32 s30, $0xFFFFF800;
	s30 =	sadd.s32 $0x800, s30;
	_ =	swait.ge [sflag:s22], $0x4000  }
0x72: {  	s0 =	sshra.s32 s0, $0x2;
	[sflag:s22] =	ssyncset.done $0x0  }
0x73: {  	s31 =	sadd.s32 $0x4000, s0;
	[sflag:s22] =	ssyncadd.s32 $0xFFFFC000  }
0x74: {  	[tilespmem:s16], [sflag:$0x1] =	stream.indirect.gather [hbm4b:s4+s15], $0x80, s31, s15, $0xb8;
	[tilespmem:$0x1FC00] =	vst v63  }
0x75: {  	_ =	swait.ge [sflag:s23], $0x4000  }
0x76: {  	[sflag:s23] =	ssyncset.done $0x0  }
0x77: {  	s31 =	sadd.s32 $0x4100, s0;
	[sflag:s23] =	ssyncadd.s32 $0xFFFFC000  }
0x78: {  	[tilespmem:s18], [sflag:$0x2] =	stream.indirect.gather [hbm4b:s4+s15], $0x80, s31, s15, $0xb8;
	[tilespmem:$0x1FC00] =	vst v63  }
0x79: {  	_ =	swait.ge [sflag:s19], $0x4000  }
0x7a: {  	[sflag:s19] =	ssyncset.done $0x0  }
.Ltmp1:
0x7b: {  	s31 =	sadd.s32 $0x4080, s0;
	[sflag:s19] =	ssyncadd.s32 $0xFFFFC000;
	(pc) =	sbr.rel @p1 .LBB2_4-.Ltmp1, $4  }
0x7c: {  	[spmem:s1] =	stream.indirect.scatter.add.f32 [tilespmem:s16], [sflag:$0x3], $0x80, s31, s15, $0xb8;
	[tilespmem:$0x1FC00] =	vst v63  }
0x7d: {  	_ =	swait.ge [sflag:s20], $0x4000  }
0x7e: {  	[sflag:s20] =	ssyncset.done $0x0  }
0x7f: {  	s31 =	sadd.s32 $0x4180, s0;
	[sflag:s20] =	ssyncadd.s32 $0xFFFFC000  }
0x80: {  	[spmem:s1] =	stream.indirect.scatter.add.f32 [tilespmem:s18], [sflag:$0x4], $0x80, s31, s15, $0xb8;
	[tilespmem:$0x1FC00] =	vst v63  }
0x81: {  	_ =	swait.ge [sflag:s22], $0x4000  }
0x82: {  	[sflag:s22] =	ssyncset.done $0x0  }
0x83: {  	[sflag:s22] =	ssyncadd.s32 $0xFFFFC000  }
0x84: {  	_ =	swait.ge [sflag:s23], $0x4000  }
0x85: {  	[sflag:s23] =	ssyncset.done $0x0  }
0x86: {  	[sflag:s23] =	ssyncadd.s32 $0xFFFFC000  }
0x87: {  	[tilespmem:s2], [sflag:$0x5] =	stream.linear.gather [hbm4b:s9+s2], $0x1D00, $0x38;
	[tilespmem:$0x1FC00] =	vst v63  }
0x88: {  	_ =	swait.ge [sflag:s14], $0x1D00  }
0x89: {  	[sflag:s14] =	ssyncset.done $0x0  }
0x8a: {  	[sflag:s14] =	ssyncadd.s32 $0xFFFFE300  }
0x8b: {  	[tilespmem:s16], [sflag:$0x1] =	stream.indirect.gather [hbm4b:s4+s15], $0x80, s2, s15, $0xb8;
	[tilespmem:$0x1FC00] =	vst v63  }
0x8c: {  	_ = 	snop  }
0x8d: {  	[tilespmem:s18], [sflag:$0x2] =	stream.indirect.gather [hbm4b:s4+s15], $0x80, s17, s15, $0xb8;
	[tilespmem:$0x1FC00] =	vst v63  }
0x8e: {  	_ =	swait.ge [sflag:s19], $0x4000  }
0x8f: {  	[sflag:s19] =	ssyncset.done $0x0  }
0x90: {  	[sflag:s19] =	ssyncadd.s32 $0xFFFFC000  }
0x91: {  	[spmem:s1] =	stream.indirect.scatter.add.f32 [tilespmem:s16], [sflag:$0x3], $0x80, s15, s15, $0xb8;
	[tilespmem:$0x1FC00] =	vst v63  }
0x92: {  	_ =	swait.ge [sflag:s20], $0x4000  }
0x93: {  	[sflag:s20] =	ssyncset.done $0x0  }
0x94: {  	[sflag:s20] =	ssyncadd.s32 $0xFFFFC000  }
0x95: {  	[spmem:s1] =	stream.indirect.scatter.add.f32 [tilespmem:s18], [sflag:$0x4], $0x80, s21, s15, $0xb8;
	[tilespmem:$0x1FC00] =	vst v63  }
0x96: {  	_ =	swait.ge [sflag:s22], $0x4000  }
0x97: {  	[sflag:s22] =	ssyncset.done $0x0  }
0x98: {  	s0 =	simm.s32 $0x200;
	[sflag:s22] =	ssyncadd.s32 $0xFFFFC000  }
0x99: {  	[tilespmem:s16], [sflag:$0x1] =	stream.indirect.gather [hbm4b:s4+s15], $0x80, s0, s15, $0xb8;
	[tilespmem:$0x1FC00] =	vst v63  }
0x9a: {  	_ =	swait.ge [sflag:s23], $0x4000  }
0x9b: {  	[sflag:s23] =	ssyncset.done $0x0  }
0x9c: {  	s0 =	simm.s32 $0x300;
	[sflag:s23] =	ssyncadd.s32 $0xFFFFC000  }
0x9d: {  	[tilespmem:s18], [sflag:$0x2] =	stream.indirect.gather [hbm4b:s4+s15], $0x80, s0, s15, $0xb8;
	[tilespmem:$0x1FC00] =	vst v63  }
0x9e: {  	_ =	swait.ge [sflag:s19], $0x4000  }
0x9f: {  	[sflag:s19] =	ssyncset.done $0x0  }
0xa0: {  	s0 =	simm.s32 $0x280;
	[sflag:s19] =	ssyncadd.s32 $0xFFFFC000  }
0xa1: {  	[spmem:s1] =	stream.indirect.scatter.add.f32 [tilespmem:s16], [sflag:$0x3], $0x80, s0, s15, $0xb8;
	[tilespmem:$0x1FC00] =	vst v63  }
0xa2: {  	_ =	swait.ge [sflag:s20], $0x4000  }
0xa3: {  	[sflag:s20] =	ssyncset.done $0x0  }
0xa4: {  	s30 =	simm.s32 $0xFFFFA000;
	s31 =	simm.s32 $0x380;
	[sflag:s20] =	ssyncadd.s32 $0xFFFFC000  }
.LBB2_6:
0xa5: {  	[spmem:s1] =	stream.indirect.scatter.add.f32 [tilespmem:s18], [sflag:$0x4], $0x80, s31, s15, $0xb8;
	[tilespmem:$0x1FC00] =	vst v63  }
0xa6: {  	s0 =	smov.u32 s30  }
0xa7: {  	p1 =	sne.s32 s30, $0xFFFFF800;
	s30 =	sadd.s32 $0x800, s30;
	_ =	swait.ge [sflag:s22], $0x4000  }
0xa8: {  	s0 =	sshra.s32 s0, $0x2;
	[sflag:s22] =	ssyncset.done $0x0  }
0xa9: {  	s31 =	sadd.s32 $0x1C00, s0;
	[sflag:s22] =	ssyncadd.s32 $0xFFFFC000  }
0xaa: {  	[tilespmem:s16], [sflag:$0x1] =	stream.indirect.gather [hbm4b:s4+s15], $0x80, s31, s15, $0xb8;
	[tilespmem:$0x1FC00] =	vst v63  }
0xab: {  	_ =	swait.ge [sflag:s23], $0x4000  }
0xac: {  	[sflag:s23] =	ssyncset.done $0x0  }
0xad: {  	s31 =	sadd.s32 $0x1D00, s0;
	[sflag:s23] =	ssyncadd.s32 $0xFFFFC000  }
0xae: {  	[tilespmem:s18], [sflag:$0x2] =	stream.indirect.gather [hbm4b:s4+s15], $0x80, s31, s15, $0xb8;
	[tilespmem:$0x1FC00] =	vst v63  }
0xaf: {  	_ =	swait.ge [sflag:s19], $0x4000  }
0xb0: {  	[sflag:s19] =	ssyncset.done $0x0  }
.Ltmp2:
0xb1: {  	s31 =	sadd.s32 $0x1C80, s0;
	[sflag:s19] =	ssyncadd.s32 $0xFFFFC000;
	(pc) =	sbr.rel @p1 .LBB2_6-.Ltmp2, $4  }
0xb2: {  	[spmem:s1] =	stream.indirect.scatter.add.f32 [tilespmem:s16], [sflag:$0x3], $0x80, s31, s15, $0xb8;
	[tilespmem:$0x1FC00] =	vst v63  }
0xb3: {  	_ =	swait.ge [sflag:s20], $0x4000  }
0xb4: {  	[sflag:s20] =	ssyncset.done $0x0  }
0xb5: {  	s31 =	sadd.s32 $0x1D80, s0;
	[sflag:s20] =	ssyncadd.s32 $0xFFFFC000  }
0xb6: {  	[spmem:s1] =	stream.indirect.scatter.add.f32 [tilespmem:s18], [sflag:$0x4], $0x80, s31, s15, $0xb8;
	[tilespmem:$0x1FC00] =	vst v63  }
0xb7: {  	_ =	swait.ge [sflag:s22], $0x4000  }
0xb8: {  	[sflag:s22] =	ssyncset.done $0x0  }
0xb9: {  	[sflag:s22] =	ssyncadd.s32 $0xFFFFC000  }
0xba: {  	_ =	swait.ge [sflag:s23], $0x4000  }
0xbb: {  	[sflag:s23] =	ssyncset.done $0x0  }
0xbc: {  	[sflag:s23] =	ssyncadd.s32 $0xFFFFC000  }
0xbd: {  	[tilespmem:s16], [sflag:$0x5] =	stream.indirect.gather [hbm4b:s4+s15], $0x80, s26, s15, $0xb8;
	[tilespmem:$0x1FC00] =	vst v63  }
0xbe: {  	_ =	swait.ge [sflag:s14], $0x4000  }
0xbf: {  	[sflag:s14] =	ssyncset.done $0x0  }
0xc0: {  	[sflag:s14] =	ssyncadd.s32 $0xFFFFC000  }
0xc1: {  	[spmem:s1] =	stream.indirect.scatter.add.f32 [tilespmem:s16], [sflag:$0x5], $0x80, s28, s15, $0xb8;
	[tilespmem:$0x1FC00] =	vst v63  }
0xc2: {  	_ =	swait.ge [sflag:s14], $0x4000  }
0xc3: {  	[sflag:s14] =	ssyncset.done $0x0  }
0xc4: {  	[sflag:s14] =	ssyncadd.s32 $0xFFFFC000  }
0xc5: {  	[bflag:$0x0] =	sbarrier.arrive $0xFFFF  }
0xc6: {  	[hbm:s10], [sflag:s6] =	dma.local [spmem:s24], $0x2700  }
0xc7: {  	s29 =	sadd.s32 $0x1, s29;
	_ =	swait.ge [sflag:s14], $0x2700  }
0xc8: {  	p1 =	sne.s32 s29, s12;
	[sflag:s14] =	ssyncset.done $0x0  }
.Ltmp3:
0xc9: {  	s0 =	simm.s32 @!p0 $0x5;
	[sflag:s14] =	ssyncadd.s32 $0xFFFFD900;
	(pc) =	sbr.rel @p1 .LBB2_1-.Ltmp3, $4  }
0xca: {  	[hbm:s11], [sflag:s6] =	dma.local @!p0 [spmem:s25], $0x100  }
0xcb: {  	_ =	swait.ge @!p0 [sflag:s0], $0x100  }
0xcc: {  	[sflag:s0] =	ssyncset.done @!p0 $0x0  }
0xcd: {  	[sflag:s0] =	ssyncadd.s32 @!p0 $0xFFFFFF00  }
0xce: {  	_ =	sfence.sel $0x180000  }
0xcf: {  	[bflag:$0x0] =	sbarrier.arrive $0xFFFF  }
0xd0: {  	_ =	strace $0x9000004A  }
0xd1: {  	[bflag:$0x2] =	sbarrier.arrive $0xFFFF  }
0xd2: {  	p0 =	sne.s32 s3, $0x0;
	s0 =	rddreg [dreg:$0x2]  }
0xd3: {  	s0 =	sadd.s32 @!p0 $0x100000, s0  }
0xd4: {  	[sflag:s0] =	ssyncadd.tile.s32 @!p0 $0x1;
	_ =	shalt  }
.Lfunc_end2:
_tile_overlayer_lowered:
.L_overlay_start_2:
0xd5: {  	(tag) =	ssettag $0x2  }
0xd6: {  	s0 =	rddreg [dreg:$0x0];
	s2 =	stileid.u32  }
0xd7: {  	s1 =	rddreg [dreg:$0x1];
	p0 =	sne.s32 s2, $0x0  }
0xd8: {  	s3 =	rddreg [dreg:$0x2];
	[bflag:$0x3] =	sbarrier.arrive $0xFFFF;
	s2 =	simm.s32 @!p0 $0x1C05  }
0xd9: {  	[timem:s3], [sflag:s2] =	dma.local @!p0 [hbm:s0], s1  }
0xda: {  	s0 =	simm.s32 @!p0 $0x5  }
0xdb: {  	_ =	swait.ge @!p0 [sflag:s0], s1  }
0xdc: {  	s1 =	ssub.s32 @!p0 $0x0, s1;
	[sflag:s0] =	ssyncset.done @!p0 $0x0  }
0xdd: {  	[sflag:s0] =	ssyncadd.s32 @!p0 s1  }
0xde: {  	[bflag:$0x3] =	sbarrier.arrive $0xFFFF  }
0xdf: {  	_ =	shalt  }

// kernel: kernel.17.cloned.1.call-start
scs
__scs_entry_jumppad:
0x0: {  	(pc) =	sbr.rel $0x88, $3  }
0x1: {  	(tag) =	ssettag $0x0;
	lr =	simm.s32 $0x1  }
0x2: {  	[smem:$0x3F89] =	sst lr;
	_ =	strace $0xD0000000  }
0x3: {  	_ = 	snop  }
0x4: {  	_ = 	snop  }
0x5: {  	_ = 	snop  }
0x6: {  	_ = 	snop  }
0x7: {  	_ = 	snop  }
__scs_overlays_trampoline_lowered:
0x8: {  	[smem:$0x3F98] =	sst s0  }
0x9: {  	[smem:$0x3F99] =	sst s1  }
0xa: {  	[smem:$0x3F9A] =	sst s2  }
0xb: {  	[smem:$0x3F9B] =	sst s3  }
0xc: {  	[smem:$0x3F9C] =	sst s4  }
0xd: {  	[smem:$0x3F9D] =	sst s5  }
0xe: {  	[smem:$0x3F9E] =	sst s6  }
0xf: {  	[smem:$0x3F9F] =	sst s7  }
0x10: {  	[smem:$0x3FA0] =	sst s8  }
0x11: {  	[smem:$0x3FA1] =	sst s9;
	s0 =	simm.s32 @!p0 $0x0  }
0x12: {  	s1 =	sld [smem:$0x3F87];
	s0 =	simm.s32 @p0 $0x1  }
0x13: {  	[smem:$0x3FA2] =	sst s0;
	s0 =	simm.s32 @!p1 $0x0  }
0x14: {  	s2 =	sld [smem:$0x3F86];
	s0 =	simm.s32 @p1 $0x1  }
0x15: {  	[smem:$0x3FA3] =	sst s0;
	s0 =	simm.s32 @!p2 $0x0  }
0x16: {  	s3 =	sld [smem:$0x3FDB];
	s0 =	simm.s32 @p2 $0x1  }
0x17: {  	s4 =	simm.s32 $0x1BF5;
	[smem:$0x3FA5] =	sst s0  }
0x18: {  	s0 =	sld [smem:$0x3F88];
	_ =	swait.ge [sflag:s4], $0x0  }
0x19: {  	s7 =	sld [smem:$0x3F89]  }
0x1a: {  	s8 =	sadd.s32 $0xFFFFE003, lr  }
0x1b: {  	s9 =	sadd.s32 $0xFFFFFEF7, lr;
	s5 =	simm.s32 $0xFFFFFFFF;
	p2 =	slt.u32 s8, $0xFFFFF086  }
0x1c: {  	p1 =	slt.u32 s9, $0xF7A;
	s5 =	simm.s32 @!p2 $0x0  }
0x1d: {  	s5 =	simm.s32 @p1 $0x1;
	p0 =	seq.s32 s7, s2  }
0x1e: {  	s7 =	smul.u32 @!p0 $0xF7A, s2;
	p2 =	seq.s32 @!p0 s5, $0x0  }
0x1f: {  	s9 =	smul.u32 $0xF7A, s1;
	s8 =	simm.s32 @!p0 $0x1BF5;
	p2 =	por !p2, p0  }
0x20: {  	[sflag:s8] =	ssyncset.s32 @!p0 $0xFFFFF086;
	s6 =	sadd.s32 @!p0 s3, s7;
	s7 =	simm.s32 @!p0 $0x108  }
0x21: {  	s3 =	sadd.s32 s3, s9;
	s6 =	sadd.s32 @!p0 $0x88, s6;
	s7 =	simm.s32 @p2 $0x1082  }
0x22: {  	[simem:s7], [sflag:s8] =	dma.local @!p0 [hbm:s6], $0xF7A  }
0x23: {  	s9 =	sor.u32 $0xD0000000, s2;
	s6 =	simm.s32 $0x108;
	_ =	swait.ge @!p0 [sflag:s8], $0x0  }
0x24: {  	s3 =	sadd.s32 $0x88, s3;
	s6 =	simm.s32 @!p1 $0x1082;
	[sflag:s4] =	ssyncset.s32 $0xFFFFF086  }
0x25: {  	[simem:s6], [sflag:s4] =	dma.local [hbm:s3], $0xF7A  }
0x26: {  	[smem:$0x3F89] =	sst s1;
	(tag) =	ssettag s2;
	_ =	strace s9  }
0x27: {  	s1 =	sld [smem:$0x3F99]  }
0x28: {  	s2 =	sld [smem:$0x3F9A]  }
0x29: {  	s4 =	sld [smem:$0x3F9C]  }
0x2a: {  	p0 =	seq.s32 s5, $0x0;
	s5 =	sld [smem:$0x3F9D]  }
0x2b: {  	s6 =	sld [smem:$0x3F9E]  }
0x2c: {  	s7 =	sld [smem:$0x3F9F]  }
0x2d: {  	s3 =	simm.s32 $0x108;
	s8 =	sld [smem:$0x3FA0]  }
0x2e: {  	s3 =	simm.s32 @!p0 $0x1082;
	s9 =	sld [smem:$0x3FA1]  }
0x2f: {  	lr =	sadd.s32 s0, s3;
	s0 =	sld [smem:$0x3F98]  }
0x30: {  	s3 =	sld [smem:$0x3F9B]  }
0x31: {  	[smem:$0x3FA4] =	sst s10  }
0x32: {  	s10 =	sld [smem:$0x3FA2];
	_ =	sdelay $0x3  }
0x33: {  	p0 =	seq.s32 s10, $0x1;
	s10 =	sld [smem:$0x3FA4];
	_ =	sdelay $0x3  }
0x34: {  	[smem:$0x3FA4] =	sst s10  }
0x35: {  	s10 =	sld [smem:$0x3FA3];
	_ =	sdelay $0x3  }
0x36: {  	p1 =	seq.s32 s10, $0x1;
	s10 =	sld [smem:$0x3FA4];
	_ =	sdelay $0x3  }
0x37: {  	[smem:$0x3FA4] =	sst s10  }
0x38: {  	s10 =	sld [smem:$0x3FA5]  }
0x39: {  	_ = 	snop;
	(pc) =	sbr.ind lr, $3  }
0x3a: {  	_ = 	snop  }
0x3b: {  	_ = 	snop  }
0x3c: {  	p2 =	seq.s32 s10, $0x1;
	s10 =	sld [smem:$0x3FA4]  }
0x3d: {  	_ =	shalt  }
0x3e: {  	_ =	shalt  }
0x3f: {  	_ =	shalt  }
0x40: {  	_ =	shalt  }
0x41: {  	_ =	shalt  }
0x42: {  	_ =	shalt  }
0x43: {  	_ =	shalt  }
0x44: {  	_ =	shalt  }
0x45: {  	_ =	shalt  }
0x46: {  	_ =	shalt  }
0x47: {  	_ =	shalt  }
0x48: {  	_ =	shalt  }
0x49: {  	_ =	shalt  }
0x4a: {  	_ =	shalt  }
0x4b: {  	_ =	shalt  }
0x4c: {  	_ =	shalt  }
0x4d: {  	_ =	shalt  }
0x4e: {  	_ =	shalt  }
0x4f: {  	_ =	shalt  }
0x50: {  	_ =	shalt  }
0x51: {  	_ =	shalt  }
0x52: {  	_ =	shalt  }
0x53: {  	_ =	shalt  }
0x54: {  	_ =	shalt  }
0x55: {  	_ =	shalt  }
0x56: {  	_ =	shalt  }
0x57: {  	_ =	shalt  }
0x58: {  	_ =	shalt  }
0x59: {  	_ =	shalt  }
0x5a: {  	_ =	shalt  }
0x5b: {  	_ =	shalt  }
0x5c: {  	_ =	shalt  }
0x5d: {  	_ =	shalt  }
0x5e: {  	_ =	shalt  }
0x5f: {  	_ =	shalt  }
0x60: {  	_ =	shalt  }
0x61: {  	_ =	shalt  }
0x62: {  	_ =	shalt  }
0x63: {  	_ =	shalt  }
0x64: {  	_ =	shalt  }
0x65: {  	_ =	shalt  }
0x66: {  	_ =	shalt  }
0x67: {  	_ =	shalt  }
0x68: {  	_ =	shalt  }
0x69: {  	_ =	shalt  }
0x6a: {  	_ =	shalt  }
0x6b: {  	_ =	shalt  }
0x6c: {  	_ =	shalt  }
0x6d: {  	_ =	shalt  }
0x6e: {  	_ =	shalt  }
0x6f: {  	_ =	shalt  }
0x70: {  	_ =	shalt  }
0x71: {  	_ =	shalt  }
0x72: {  	_ =	shalt  }
0x73: {  	_ =	shalt  }
0x74: {  	_ =	shalt  }
0x75: {  	_ =	shalt  }
0x76: {  	_ =	shalt  }
0x77: {  	_ =	shalt  }
0x78: {  	_ =	shalt  }
0x79: {  	_ =	shalt  }
0x7a: {  	_ =	shalt  }
0x7b: {  	_ =	shalt  }
0x7c: {  	_ =	shalt  }
0x7d: {  	_ =	shalt  }
0x7e: {  	_ =	shalt  }
0x7f: {  	_ =	shalt  }
0x80: {  	_ =	shalt  }
0x81: {  	_ =	shalt  }
0x82: {  	_ =	shalt  }
0x83: {  	_ =	shalt  }
0x84: {  	_ =	shalt  }
0x85: {  	_ =	shalt  }
0x86: {  	_ =	shalt  }
0x87: {  	_ =	shalt  }
.Lfunc_end0:
.L_simem_size_0:
called_computation.2_lowered:
.L_overlay_start_0:
0x88: {  	s2 =	sld [smem:$0x3FD9]  }
0x89: {  	s3 =	sld [smem:$0x3FFE];
	_ =	sdelay $0x1  }
0x8a: {  	s1 =	srdreg.scid  }
0x8b: {  	s0 =	sand.u32 $0x1, s1  }
0x8c: {  	s16 =	sshll.u32 s0, $0xA;
	s2 =	sadd.s32 s3, s2  }
0x8d: {  	s2 =	sadd.s32 s2, s16  }
0x8e: {  	[smem:$0x3FB0] =	sst s2  }
0x8f: {  	_ = 	snop  }
0x90: {  	(tm) =	ssettm $0x1  }
0x91: {  	s17 =	sld [smem:$0x3FFB];
	_ =	sdelay $0x3  }
0x92: {  	_ =	strace s17  }
0x93: {  	s2 =	sld [smem:$0x3FFC];
	_ =	sdelay $0x3  }
0x94: {  	_ =	strace s2  }
0x95: {  	s2 =	sld [smem:$0x3FFD];
	_ =	sdelay $0x3  }
0x96: {  	_ =	strace s2  }
0x97: {  	_ =	strace $0x8FFFFFFF  }
0x98: {  	s18 =	sld [smem:$0x3FDB];
	_ =	sdelay $0x1  }
0x99: {  	s19 =	simm.s32 $_scs_section_size  }
0x9a: {  	s4 =	simm.s32 $_size__tile_overlayer_lowered;
	s5 =	simm.s32 $_tile_overlayer_lowered  }
0x9b: {  	s22 =	simm.s32 $0x1BFF;
	s21 =	sshll.u32 s5, $0x1;
	s2 =	sadd.s32 s19, s18  }
0x9c: {  	s6 =	simm.s32 $0x0;
	s20 =	sshll.u32 s4, $0x1;
	s4 =	sadd.s32 s21, s2  }
0x9d: {  	[timem:s6], [sflag:s22] =	dma.local [hbm:s4], s20  }
0x9e: {  	_ =	swait.ge [sflag:s22], s20  }
0x9f: {  	s3 =	ssub.s32 $0x0, s20;
	[sflag:s22] =	ssyncset.done $0x0  }
0xa0: {  	[sflag:s22] =	ssyncadd.s32 s3;
	_ =	sdelay $0x1  }
0xa1: {  	s23 =	simm.s32 $0x1B8B  }
0xa2: {  	_ =	swait.ge [sflag:s23], $0x1  }
0xa3: {  	[sflag:s23] =	ssyncset.done $0x0  }
0xa4: {  	s25 =	simm.s32 $0x1B8E;
	s24 =	sld [smem:$0x3FFE];
	[sflag:s23] =	ssyncadd.s32 $0xFFFFFFFF  }
0xa5: {  	s26 =	simm.s32 $execute0_lowered;
	[smem:$0x3FD2] =	sst s25  }
0xa6: {  	s4 =	sshll.u32 s26, $0x1;
	_ =	strace $0x8000004C;
	[dreg:$0x1] =	wrdreg $0xFFFFFFFF  }
0xa7: {  	s28 =	simm.s32 $_size_execute0_lowered;
	s2 =	sadd.s32 s2, s4;
	[dreg:$0x0] =	wrdreg $0x0  }
0xa8: {  	s4 =	sshll.u32 s28, $0x1;
	[dreg:$0x2] =	wrdreg s2  }
0xa9: {  	[dreg:$0x3] =	wrdreg s4  }
0xaa: {  	[dreg:$0x4] =	wrdreg $0xC0  }
0xab: {  	_ =	task [dreg:s6], $0x5FFFF  }
0xac: {  	[dreg:$0x1] =	wrdreg $0xFFFFFFFF  }
0xad: {  	[dreg:$0x0] =	wrdreg $0x60  }
0xae: {  	[dreg:$0x2] =	wrdreg s24  }
0xaf: {  	[dreg:$0x3] =	wrdreg $0xC0000  }
0xb0: {  	[dreg:$0x4] =	wrdreg $0x9  }
0xb1: {  	_ =	task.clear_ibuf [dreg:s6], $0x5FFFF;
	_ =	strace $0x9000004C  }
0xb2: {  	s29 =	simm.s32 $0x9;
	_ =	strace $0x8000004E  }
0xb3: {  	_ =	swait.ge [sflag:s29], $0x1  }
0xb4: {  	[sflag:s29] =	ssyncadd.s32 $0xFFFFFFFF  }
0xb5: {  	_ =	strace $0x9000004E  }
0xb6: {  	_ =	sfence  }
0xb7: {  	s30 =	sld [smem:$0x0];
	_ =	sdelay $0x2  }
0xb8: {  	s31 =	sshll.u32 s1, $0xD;
	s1 =	sshrl.u32 s1, $0x2  }
0xb9: {  	s3 =	sand.u32 $0x4000, s31;
	s1 =	sadd.s32 s1, s30  }
0xba: {  	s0 =	sor.u32 s3, s0;
	s1 =	sshll.u32 s1, $0x11  }
0xbb: {  	s0 =	sor.u32 s1, s0  }
0xbc: {  	s0 =	sadd.s32 $0x8F2B, s0  }
0xbd: {  	[sflag:s0] =	ssyncadd.remote.s32 $0x1  }
0xbe: {  	_ =	sfence.sel $0xFFFF  }
0xbf: {  	[dreg:$0x0] =	wrdreg $0xFFFFFFFF;
	(pc) =	sbr.abs _section_cstart, $3  }
0xc0: {  	[dreg:$0x1] =	wrdreg $0xFFFFFFFF  }
0xc1: {  	_ =	task.clear_ibuf [dreg:s6], $0x2FFFF;
	_ =	strace $0x9FFFFFFF  }
0xc2: {  	(tm) =	ssettm $0x7FFFFFFF  }
0xc3: {  	_ =	shalt  }
tec
execute0_lowered:
.L_overlay_start_1:
0x0: {  	(tag) =	ssettag $0x1  }
0x1: {  	s6 =	rddreg [dreg:$0x0]  }
0x2: {  	s1 =	rddreg [dreg:$0x1]  }
0x3: {  	s2 =	simm.s32 $0x0;
	s3 =	srdreg.scid;
	s17 =	simm.s32 $0x100  }
0x4: {  	s18 =	simm.s32 $0x8000;
	s19 =	simm.s32 $0x1;
	s20 =	simm.s32 $0x2  }
0x5: {  	s21 =	simm.s32 $0x180;
	s22 =	simm.s32 $0x3;
	s28 =	simm.s32 $0x1C80  }
0x6: {  	s29 =	simm.s32 $0x0;
	s8 =	sand.u32 $0x1, s3;
	s3 =	stileid.u32  }
0x7: {  	[smem:$0x7FF] =	sst s2;
	s7 =	sadd.s32 $0x5C00, s6;
	s10 =	smul.u32 $0x4F000, s3  }
0x8: {  	s4 =	sadd.s32 $0x2D000, s6;
	s5 =	sadd.s32 $0x7B200, s6;
	s24 =	smul.u32 $0x4E000, s3  }
0x9: {  	s11 =	sadd.s32 $0xCBC00, s6;
	_ =	strace $0x8000004D;
	s15 =	smul.u32 $0x27100, s8  }
0xa: {  	s9 =	sshll.u32 s8, $0x4;
	s23 =	ssub.s32 $0x2, s8;
	s16 =	smul.u32 $0x138800, s8  }
0xb: {  	s25 =	sshll.u32 s3, $0x6;
	s26 =	smul.u32 $0x2700, s3;
	p0 =	sne.s32 s3, $0xF  }
0xc: {  	s9 =	sor.u32 s3, s9;
	s13 =	sshrl.u32 s23, $0x1;
	s6 =	sor.u32 $0x1C05, s25  }
0xd: {  	s25 =	sadd.s32 $0x138000, s1;
	s12 =	smul.u32 $0x13A0, s9;
	s10 =	sshrl.u32 s10, $0x2  }
0xe: {  	s9 =	smul.u32 $0x9D00, s9;
	s13 =	ssub.s32 s23, s13;
	s16 =	sshrl.u32 s16, $0x3  }
0xf: {  	s30 =	sadd.s32 s26, s15;
	s15 =	simm.s32 $0x80;
	s23 =	simm.s32 $0x4  }
0x10: {  	s25 =	sshrl.u32 @!p0 s25, $0x3;
	s26 =	simm.s32 $0x1C00;
	s14 =	sadd.s32 s10, s1  }
0x11: {  	s10 =	sshrl.u32 s24, $0x2;
	s31 =	sadd.s32 s11, s16;
	s16 =	simm.s32 $0x4000  }
0x12: {  	s9 =	sshrl.u32 s9, $0x3;
	s24 =	sadd.s32 s10, s1;
	s10 =	sadd.s32 s11, s30  }
0x13: {  	s11 =	sadd.s32 $0x27000, s31;
	s9 =	sadd.s32 s7, s9;
	s7 =	sadd.s32 s7, s12  }
0x14: {  	s12 =	smax.u32 s13, $0x1;
	s13 =	sshrl.u32 s14, $0x3;
	s14 =	simm.s32 $0x5  }
0x15: {  	s24 =	sshrl.u32 s24, $0x3;
	s8 =	sadd.s32 $0x800, s9;
	s9 =	sadd.s32 $0x1000, s9  }
.LBB2_1:
0x16: {  	[spmem:s13], [sflag:s6] =	dma.local [hbm:s5], $0x2780  }
0x17: {  	_ =	swait.ge [sflag:s14], $0x2780  }
0x18: {  	[sflag:s14] =	ssyncset.done $0x0  }
0x19: {  	[sflag:s14] =	ssyncadd.s32 $0xFFFFD880  }
0x1a: {  	[bflag:$0x0] =	sbarrier.arrive $0xFFFF  }
0x1b: {  	[tilespmem:s2], [sflag:$0x5] =	stream.linear.gather [hbm4b:s7+s2], $0x4000, $0x38;
	[tilespmem:$0x1FC00] =	vst v63  }
0x1c: {  	_ =	swait.ge [sflag:s14], $0x4000  }
0x1d: {  	[sflag:s14] =	ssyncset.done $0x0  }
0x1e: {  	[sflag:s14] =	ssyncadd.s32 $0xFFFFC000  }
0x1f: {  	[tilespmem:s16], [sflag:$0x1] =	stream.indirect.gather [hbm4b:s4+s15], $0x80, s2, s15, $0xb8;
	[tilespmem:$0x1FC00] =	vst v63  }
0x20: {  	_ = 	snop  }
0x21: {  	[tilespmem:s18], [sflag:$0x2] =	stream.indirect.gather [hbm4b:s4+s15], $0x80, s17, s15, $0xb8;
	[tilespmem:$0x1FC00] =	vst v63  }
0x22: {  	_ =	swait.ge [sflag:s19], $0x4000  }
0x23: {  	[sflag:s19] =	ssyncset.done $0x0  }
0x24: {  	[sflag:s19] =	ssyncadd.s32 $0xFFFFC000  }
0x25: {  	[spmem:s1] =	stream.indirect.scatter.add.f32 [tilespmem:s16], [sflag:$0x3], $0x80, s15, s15, $0xb8;
	[tilespmem:$0x1FC00] =	vst v63  }
0x26: {  	_ =	swait.ge [sflag:s20], $0x4000  }
0x27: {  	[sflag:s20] =	ssyncset.done $0x0  }
0x28: {  	[sflag:s20] =	ssyncadd.s32 $0xFFFFC000  }
0x29: {  	[spmem:s1] =	stream.indirect.scatter.add.f32 [tilespmem:s18], [sflag:$0x4], $0x80, s21, s15, $0xb8;
	[tilespmem:$0x1FC00] =	vst v63  }
0x2a: {  	_ =	swait.ge [sflag:s22], $0x4000  }
0x2b: {  	[sflag:s22] =	ssyncset.done $0x0  }
0x2c: {  	s30 =	simm.s32 $0x200;
	[sflag:s22] =	ssyncadd.s32 $0xFFFFC000  }
0x2d: {  	[tilespmem:s16], [sflag:$0x1] =	stream.indirect.gather [hbm4b:s4+s15], $0x80, s30, s15, $0xb8;
	[tilespmem:$0x1FC00] =	vst v63  }
0x2e: {  	_ =	swait.ge [sflag:s23], $0x4000  }
0x2f: {  	[sflag:s23] =	ssyncset.done $0x0  }
0x30: {  	s30 =	simm.s32 $0x300;
	[sflag:s23] =	ssyncadd.s32 $0xFFFFC000  }
0x31: {  	[tilespmem:s18], [sflag:$0x2] =	stream.indirect.gather [hbm4b:s4+s15], $0x80, s30, s15, $0xb8;
	[tilespmem:$0x1FC00] =	vst v63  }
0x32: {  	_ =	swait.ge [sflag:s19], $0x4000  }
0x33: {  	[sflag:s19] =	ssyncset.done $0x0  }
0x34: {  	s30 =	simm.s32 $0x280;
	[sflag:s19] =	ssyncadd.s32 $0xFFFFC000  }
0x35: {  	[spmem:s1] =	stream.indirect.scatter.add.f32 [tilespmem:s16], [sflag:$0x3], $0x80, s30, s15, $0xb8;
	[tilespmem:$0x1FC00] =	vst v63  }
0x36: {  	_ =	swait.ge [sflag:s20], $0x4000  }
0x37: {  	[sflag:s20] =	ssyncset.done $0x0  }
0x38: {  	s31 =	simm.s32 $0x380;
	s30 =	simm.s32 $0xFFFF1000;
	[sflag:s20] =	ssyncadd.s32 $0xFFFFC000  }
.LBB2_2:
0x39: {  	[spmem:s1] =	stream.indirect.scatter.add.f32 [tilespmem:s18], [sflag:$0x4], $0x80, s31, s15, $0xb8;
	[tilespmem:$0x1FC00] =	vst v63  }
0x3a: {  	s31 =	smov.u32 s30  }
0x3b: {  	p1 =	sne.s32 s30, $0xFFFFF800;
	s30 =	sadd.s32 $0x800, s30;
	_ =	swait.ge [sflag:s22], $0x4000  }
0x3c: {  	s31 =	sshra.s32 s31, $0x2;
	[sflag:s22] =	ssyncset.done $0x0  }
0x3d: {  	s0 =	sadd.s32 $0x4000, s31;
	[sflag:s22] =	ssyncadd.s32 $0xFFFFC000  }
0x3e: {  	[tilespmem:s16], [sflag:$0x1] =	stream.indirect.gather [hbm4b:s4+s15], $0x80, s0, s15, $0xb8;
	[tilespmem:$0x1FC00] =	vst v63  }
0x3f: {  	_ =	swait.ge [sflag:s23], $0x4000  }
0x40: {  	[sflag:s23] =	ssyncset.done $0x0  }
0x41: {  	s0 =	sadd.s32 $0x4100, s31;
	[sflag:s23] =	ssyncadd.s32 $0xFFFFC000  }
0x42: {  	[tilespmem:s18], [sflag:$0x2] =	stream.indirect.gather [hbm4b:s4+s15], $0x80, s0, s15, $0xb8;
	[tilespmem:$0x1FC00] =	vst v63  }
0x43: {  	_ =	swait.ge [sflag:s19], $0x4000  }
0x44: {  	[sflag:s19] =	ssyncset.done $0x0  }
.Ltmp0:
0x45: {  	s0 =	sadd.s32 $0x4080, s31;
	[sflag:s19] =	ssyncadd.s32 $0xFFFFC000;
	(pc) =	sbr.rel @p1 .LBB2_2-.Ltmp0, $4  }
0x46: {  	[spmem:s1] =	stream.indirect.scatter.add.f32 [tilespmem:s16], [sflag:$0x3], $0x80, s0, s15, $0xb8;
	[tilespmem:$0x1FC00] =	vst v63  }
0x47: {  	_ =	swait.ge [sflag:s20], $0x4000  }
0x48: {  	[sflag:s20] =	ssyncset.done $0x0  }
0x49: {  	s31 =	sadd.s32 $0x4180, s31;
	[sflag:s20] =	ssyncadd.s32 $0xFFFFC000  }
0x4a: {  	[spmem:s1] =	stream.indirect.scatter.add.f32 [tilespmem:s18], [sflag:$0x4], $0x80, s31, s15, $0xb8;
	[tilespmem:$0x1FC00] =	vst v63  }
0x4b: {  	_ =	swait.ge [sflag:s22], $0x4000  }
0x4c: {  	[sflag:s22] =	ssyncset.done $0x0  }
0x4d: {  	[sflag:s22] =	ssyncadd.s32 $0xFFFFC000  }
0x4e: {  	_ =	swait.ge [sflag:s23], $0x4000  }
0x4f: {  	[sflag:s23] =	ssyncset.done $0x0  }
0x50: {  	[sflag:s23] =	ssyncadd.s32 $0xFFFFC000  }
0x51: {  	[tilespmem:s2], [sflag:$0x5] =	stream.linear.gather [hbm4b:s8+s2], $0x4000, $0x38;
	[tilespmem:$0x1FC00] =	vst v63  }
0x52: {  	_ =	swait.ge [sflag:s14], $0x4000  }
0x53: {  	[sflag:s14] =	ssyncset.done $0x0  }
0x54: {  	[sflag:s14] =	ssyncadd.s32 $0xFFFFC000  }
0x55: {  	[tilespmem:s16], [sflag:$0x1] =	stream.indirect.gather [hbm4b:s4+s15], $0x80, s2, s15, $0xb8;
	[tilespmem:$0x1FC00] =	vst v63  }
0x56: {  	_ = 	snop  }
0x57: {  	[tilespmem:s18], [sflag:$0x2] =	stream.indirect.gather [hbm4b:s4+s15], $0x80, s17, s15, $0xb8;
	[tilespmem:$0x1FC00] =	vst v63  }
0x58: {  	_ =	swait.ge [sflag:s19], $0x4000  }
0x59: {  	[sflag:s19] =	ssyncset.done $0x0  }
0x5a: {  	[sflag:s19] =	ssyncadd.s32 $0xFFFFC000  }
0x5b: {  	[spmem:s1] =	stream.indirect.scatter.add.f32 [tilespmem:s16], [sflag:$0x3], $0x80, s15, s15, $0xb8;
	[tilespmem:$0x1FC00] =	vst v63  }
0x5c: {  	_ =	swait.ge [sflag:s20], $0x4000  }
0x5d: {  	[sflag:s20] =	ssyncset.done $0x0  }
0x5e: {  	[sflag:s20] =	ssyncadd.s32 $0xFFFFC000  }
0x5f: {  	[spmem:s1] =	stream.indirect.scatter.add.f32 [tilespmem:s18], [sflag:$0x4], $0x80, s21, s15, $0xb8;
	[tilespmem:$0x1FC00] =	vst v63  }
0x60: {  	_ =	swait.ge [sflag:s22], $0x4000  }
0x61: {  	[sflag:s22] =	ssyncset.done $0x0  }
0x62: {  	s0 =	simm.s32 $0x200;
	[sflag:s22] =	ssyncadd.s32 $0xFFFFC000  }
0x63: {  	[tilespmem:s16], [sflag:$0x1] =	stream.indirect.gather [hbm4b:s4+s15], $0x80, s0, s15, $0xb8;
	[tilespmem:$0x1FC00] =	vst v63  }
0x64: {  	_ =	swait.ge [sflag:s23], $0x4000  }
0x65: {  	[sflag:s23] =	ssyncset.done $0x0  }
0x66: {  	s0 =	simm.s32 $0x300;
	[sflag:s23] =	ssyncadd.s32 $0xFFFFC000  }
0x67: {  	[tilespmem:s18], [sflag:$0x2] =	stream.indirect.gather [hbm4b:s4+s15], $0x80, s0, s15, $0xb8;
	[tilespmem:$0x1FC00] =	vst v63  }
0x68: {  	_ =	swait.ge [sflag:s19], $0x4000  }
0x69: {  	[sflag:s19] =	ssyncset.done $0x0  }
0x6a: {  	s0 =	simm.s32 $0x280;
	[sflag:s19] =	ssyncadd.s32 $0xFFFFC000  }
0x6b: {  	[spmem:s1] =	stream.indirect.scatter.add.f32 [tilespmem:s16], [sflag:$0x3], $0x80, s0, s15, $0xb8;
	[tilespmem:$0x1FC00] =	vst v63  }
0x6c: {  	_ =	swait.ge [sflag:s20], $0x4000  }
0x6d: {  	[sflag:s20] =	ssyncset.done $0x0  }
0x6e: {  	s30 =	simm.s32 $0xFFFF1000;
	s31 =	simm.s32 $0x380;
	[sflag:s20] =	ssyncadd.s32 $0xFFFFC000  }
.LBB2_4:
0x6f: {  	[spmem:s1] =	stream.indirect.scatter.add.f32 [tilespmem:s18], [sflag:$0x4], $0x80, s31, s15, $0xb8;
	[tilespmem:$0x1FC00] =	vst v63  }
0x70: {  	s0 =	smov.u32 s30  }
0x71: {  	p1 =	sne.s32 s30, $0xFFFFF800;
	s30 =	sadd.s32 $0x800, s30;
	_ =	swait.ge [sflag:s22], $0x4000  }
0x72: {  	s0 =	sshra.s32 s0, $0x2;
	[sflag:s22] =	ssyncset.done $0x0  }
0x73: {  	s31 =	sadd.s32 $0x4000, s0;
	[sflag:s22] =	ssyncadd.s32 $0xFFFFC000  }
0x74: {  	[tilespmem:s16], [sflag:$0x1] =	stream.indirect.gather [hbm4b:s4+s15], $0x80, s31, s15, $0xb8;
	[tilespmem:$0x1FC00] =	vst v63  }
0x75: {  	_ =	swait.ge [sflag:s23], $0x4000  }
0x76: {  	[sflag:s23] =	ssyncset.done $0x0  }
0x77: {  	s31 =	sadd.s32 $0x4100, s0;
	[sflag:s23] =	ssyncadd.s32 $0xFFFFC000  }
0x78: {  	[tilespmem:s18], [sflag:$0x2] =	stream.indirect.gather [hbm4b:s4+s15], $0x80, s31, s15, $0xb8;
	[tilespmem:$0x1FC00] =	vst v63  }
0x79: {  	_ =	swait.ge [sflag:s19], $0x4000  }
0x7a: {  	[sflag:s19] =	ssyncset.done $0x0  }
.Ltmp1:
0x7b: {  	s31 =	sadd.s32 $0x4080, s0;
	[sflag:s19] =	ssyncadd.s32 $0xFFFFC000;
	(pc) =	sbr.rel @p1 .LBB2_4-.Ltmp1, $4  }
0x7c: {  	[spmem:s1] =	stream.indirect.scatter.add.f32 [tilespmem:s16], [sflag:$0x3], $0x80, s31, s15, $0xb8;
	[tilespmem:$0x1FC00] =	vst v63  }
0x7d: {  	_ =	swait.ge [sflag:s20], $0x4000  }
0x7e: {  	[sflag:s20] =	ssyncset.done $0x0  }
0x7f: {  	s31 =	sadd.s32 $0x4180, s0;
	[sflag:s20] =	ssyncadd.s32 $0xFFFFC000  }
0x80: {  	[spmem:s1] =	stream.indirect.scatter.add.f32 [tilespmem:s18], [sflag:$0x4], $0x80, s31, s15, $0xb8;
	[tilespmem:$0x1FC00] =	vst v63  }
0x81: {  	_ =	swait.ge [sflag:s22], $0x4000  }
0x82: {  	[sflag:s22] =	ssyncset.done $0x0  }
0x83: {  	[sflag:s22] =	ssyncadd.s32 $0xFFFFC000  }
0x84: {  	_ =	swait.ge [sflag:s23], $0x4000  }
0x85: {  	[sflag:s23] =	ssyncset.done $0x0  }
0x86: {  	[sflag:s23] =	ssyncadd.s32 $0xFFFFC000  }
0x87: {  	[tilespmem:s2], [sflag:$0x5] =	stream.linear.gather [hbm4b:s9+s2], $0x1D00, $0x38;
	[tilespmem:$0x1FC00] =	vst v63  }
0x88: {  	_ =	swait.ge [sflag:s14], $0x1D00  }
0x89: {  	[sflag:s14] =	ssyncset.done $0x0  }
0x8a: {  	[sflag:s14] =	ssyncadd.s32 $0xFFFFE300  }
0x8b: {  	[tilespmem:s16], [sflag:$0x1] =	stream.indirect.gather [hbm4b:s4+s15], $0x80, s2, s15, $0xb8;
	[tilespmem:$0x1FC00] =	vst v63  }
0x8c: {  	_ = 	snop  }
0x8d: {  	[tilespmem:s18], [sflag:$0x2] =	stream.indirect.gather [hbm4b:s4+s15], $0x80, s17, s15, $0xb8;
	[tilespmem:$0x1FC00] =	vst v63  }
0x8e: {  	_ =	swait.ge [sflag:s19], $0x4000  }
0x8f: {  	[sflag:s19] =	ssyncset.done $0x0  }
0x90: {  	[sflag:s19] =	ssyncadd.s32 $0xFFFFC000  }
0x91: {  	[spmem:s1] =	stream.indirect.scatter.add.f32 [tilespmem:s16], [sflag:$0x3], $0x80, s15, s15, $0xb8;
	[tilespmem:$0x1FC00] =	vst v63  }
0x92: {  	_ =	swait.ge [sflag:s20], $0x4000  }
0x93: {  	[sflag:s20] =	ssyncset.done $0x0  }
0x94: {  	[sflag:s20] =	ssyncadd.s32 $0xFFFFC000  }
0x95: {  	[spmem:s1] =	stream.indirect.scatter.add.f32 [tilespmem:s18], [sflag:$0x4], $0x80, s21, s15, $0xb8;
	[tilespmem:$0x1FC00] =	vst v63  }
0x96: {  	_ =	swait.ge [sflag:s22], $0x4000  }
0x97: {  	[sflag:s22] =	ssyncset.done $0x0  }
0x98: {  	s0 =	simm.s32 $0x200;
	[sflag:s22] =	ssyncadd.s32 $0xFFFFC000  }
0x99: {  	[tilespmem:s16], [sflag:$0x1] =	stream.indirect.gather [hbm4b:s4+s15], $0x80, s0, s15, $0xb8;
	[tilespmem:$0x1FC00] =	vst v63  }
0x9a: {  	_ =	swait.ge [sflag:s23], $0x4000  }
0x9b: {  	[sflag:s23] =	ssyncset.done $0x0  }
0x9c: {  	s0 =	simm.s32 $0x300;
	[sflag:s23] =	ssyncadd.s32 $0xFFFFC000  }
0x9d: {  	[tilespmem:s18], [sflag:$0x2] =	stream.indirect.gather [hbm4b:s4+s15], $0x80, s0, s15, $0xb8;
	[tilespmem:$0x1FC00] =	vst v63  }
0x9e: {  	_ =	swait.ge [sflag:s19], $0x4000  }
0x9f: {  	[sflag:s19] =	ssyncset.done $0x0  }
0xa0: {  	s0 =	simm.s32 $0x280;
	[sflag:s19] =	ssyncadd.s32 $0xFFFFC000  }
0xa1: {  	[spmem:s1] =	stream.indirect.scatter.add.f32 [tilespmem:s16], [sflag:$0x3], $0x80, s0, s15, $0xb8;
	[tilespmem:$0x1FC00] =	vst v63  }
0xa2: {  	_ =	swait.ge [sflag:s20], $0x4000  }
0xa3: {  	[sflag:s20] =	ssyncset.done $0x0  }
0xa4: {  	s30 =	simm.s32 $0xFFFFA000;
	s31 =	simm.s32 $0x380;
	[sflag:s20] =	ssyncadd.s32 $0xFFFFC000  }
.LBB2_6:
0xa5: {  	[spmem:s1] =	stream.indirect.scatter.add.f32 [tilespmem:s18], [sflag:$0x4], $0x80, s31, s15, $0xb8;
	[tilespmem:$0x1FC00] =	vst v63  }
0xa6: {  	s0 =	smov.u32 s30  }
0xa7: {  	p1 =	sne.s32 s30, $0xFFFFF800;
	s30 =	sadd.s32 $0x800, s30;
	_ =	swait.ge [sflag:s22], $0x4000  }
0xa8: {  	s0 =	sshra.s32 s0, $0x2;
	[sflag:s22] =	ssyncset.done $0x0  }
0xa9: {  	s31 =	sadd.s32 $0x1C00, s0;
	[sflag:s22] =	ssyncadd.s32 $0xFFFFC000  }
0xaa: {  	[tilespmem:s16], [sflag:$0x1] =	stream.indirect.gather [hbm4b:s4+s15], $0x80, s31, s15, $0xb8;
	[tilespmem:$0x1FC00] =	vst v63  }
0xab: {  	_ =	swait.ge [sflag:s23], $0x4000  }
0xac: {  	[sflag:s23] =	ssyncset.done $0x0  }
0xad: {  	s31 =	sadd.s32 $0x1D00, s0;
	[sflag:s23] =	ssyncadd.s32 $0xFFFFC000  }
0xae: {  	[tilespmem:s18], [sflag:$0x2] =	stream.indirect.gather [hbm4b:s4+s15], $0x80, s31, s15, $0xb8;
	[tilespmem:$0x1FC00] =	vst v63  }
0xaf: {  	_ =	swait.ge [sflag:s19], $0x4000  }
0xb0: {  	[sflag:s19] =	ssyncset.done $0x0  }
.Ltmp2:
0xb1: {  	s31 =	sadd.s32 $0x1C80, s0;
	[sflag:s19] =	ssyncadd.s32 $0xFFFFC000;
	(pc) =	sbr.rel @p1 .LBB2_6-.Ltmp2, $4  }
0xb2: {  	[spmem:s1] =	stream.indirect.scatter.add.f32 [tilespmem:s16], [sflag:$0x3], $0x80, s31, s15, $0xb8;
	[tilespmem:$0x1FC00] =	vst v63  }
0xb3: {  	_ =	swait.ge [sflag:s20], $0x4000  }
0xb4: {  	[sflag:s20] =	ssyncset.done $0x0  }
0xb5: {  	s31 =	sadd.s32 $0x1D80, s0;
	[sflag:s20] =	ssyncadd.s32 $0xFFFFC000  }
0xb6: {  	[spmem:s1] =	stream.indirect.scatter.add.f32 [tilespmem:s18], [sflag:$0x4], $0x80, s31, s15, $0xb8;
	[tilespmem:$0x1FC00] =	vst v63  }
0xb7: {  	_ =	swait.ge [sflag:s22], $0x4000  }
0xb8: {  	[sflag:s22] =	ssyncset.done $0x0  }
0xb9: {  	[sflag:s22] =	ssyncadd.s32 $0xFFFFC000  }
0xba: {  	_ =	swait.ge [sflag:s23], $0x4000  }
0xbb: {  	[sflag:s23] =	ssyncset.done $0x0  }
0xbc: {  	[sflag:s23] =	ssyncadd.s32 $0xFFFFC000  }
0xbd: {  	[tilespmem:s16], [sflag:$0x5] =	stream.indirect.gather [hbm4b:s4+s15], $0x80, s26, s15, $0xb8;
	[tilespmem:$0x1FC00] =	vst v63  }
0xbe: {  	_ =	swait.ge [sflag:s14], $0x4000  }
0xbf: {  	[sflag:s14] =	ssyncset.done $0x0  }
0xc0: {  	[sflag:s14] =	ssyncadd.s32 $0xFFFFC000  }
0xc1: {  	[spmem:s1] =	stream.indirect.scatter.add.f32 [tilespmem:s16], [sflag:$0x5], $0x80, s28, s15, $0xb8;
	[tilespmem:$0x1FC00] =	vst v63  }
0xc2: {  	_ =	swait.ge [sflag:s14], $0x4000  }
0xc3: {  	[sflag:s14] =	ssyncset.done $0x0  }
0xc4: {  	[sflag:s14] =	ssyncadd.s32 $0xFFFFC000  }
0xc5: {  	[bflag:$0x0] =	sbarrier.arrive $0xFFFF  }
0xc6: {  	[hbm:s10], [sflag:s6] =	dma.local [spmem:s24], $0x2700  }
0xc7: {  	s29 =	sadd.s32 $0x1, s29;
	_ =	swait.ge [sflag:s14], $0x2700  }
0xc8: {  	p1 =	sne.s32 s29, s12;
	[sflag:s14] =	ssyncset.done $0x0  }
.Ltmp3:
0xc9: {  	s0 =	simm.s32 @!p0 $0x5;
	[sflag:s14] =	ssyncadd.s32 $0xFFFFD900;
	(pc) =	sbr.rel @p1 .LBB2_1-.Ltmp3, $4  }
0xca: {  	[hbm:s11], [sflag:s6] =	dma.local @!p0 [spmem:s25], $0x100  }
0xcb: {  	_ =	swait.ge @!p0 [sflag:s0], $0x100  }
0xcc: {  	[sflag:s0] =	ssyncset.done @!p0 $0x0  }
0xcd: {  	[sflag:s0] =	ssyncadd.s32 @!p0 $0xFFFFFF00  }
0xce: {  	_ =	sfence.sel $0x180000  }
0xcf: {  	[bflag:$0x0] =	sbarrier.arrive $0xFFFF  }
0xd0: {  	_ =	strace $0x9000004D  }
0xd1: {  	[bflag:$0x2] =	sbarrier.arrive $0xFFFF  }
0xd2: {  	p0 =	sne.s32 s3, $0x0;
	s0 =	rddreg [dreg:$0x2]  }
0xd3: {  	s0 =	sadd.s32 @!p0 $0x100000, s0  }
0xd4: {  	[sflag:s0] =	ssyncadd.tile.s32 @!p0 $0x1;
	_ =	shalt  }
.Lfunc_end2:
_tile_overlayer_lowered:
.L_overlay_start_2:
0xd5: {  	(tag) =	ssettag $0x2  }
0xd6: {  	s0 =	rddreg [dreg:$0x0];
	s2 =	stileid.u32  }
0xd7: {  	s1 =	rddreg [dreg:$0x1];
	p0 =	sne.s32 s2, $0x0  }
0xd8: {  	s3 =	rddreg [dreg:$0x2];
	[bflag:$0x3] =	sbarrier.arrive $0xFFFF;
	s2 =	simm.s32 @!p0 $0x1C05  }
0xd9: {  	[timem:s3], [sflag:s2] =	dma.local @!p0 [hbm:s0], s1  }
0xda: {  	s0 =	simm.s32 @!p0 $0x5  }
0xdb: {  	_ =	swait.ge @!p0 [sflag:s0], s1  }
0xdc: {  	s1 =	ssub.s32 @!p0 $0x0, s1;
	[sflag:s0] =	ssyncset.done @!p0 $0x0  }
0xdd: {  	[sflag:s0] =	ssyncadd.s32 @!p0 s1  }
0xde: {  	[bflag:$0x3] =	sbarrier.arrive $0xFFFF  }
0xdf: {  	_ =	shalt  }

// kernel: kernel.20.cloned.1.call-start
scs
__scs_entry_jumppad:
0x0: {  	(pc) =	sbr.rel $0x88, $3  }
0x1: {  	(tag) =	ssettag $0x0;
	lr =	simm.s32 $0x1  }
0x2: {  	[smem:$0x3F89] =	sst lr;
	_ =	strace $0xD0000000  }
0x3: {  	_ = 	snop  }
0x4: {  	_ = 	snop  }
0x5: {  	_ = 	snop  }
0x6: {  	_ = 	snop  }
0x7: {  	_ = 	snop  }
__scs_overlays_trampoline_lowered:
0x8: {  	[smem:$0x3F98] =	sst s0  }
0x9: {  	[smem:$0x3F99] =	sst s1  }
0xa: {  	[smem:$0x3F9A] =	sst s2  }
0xb: {  	[smem:$0x3F9B] =	sst s3  }
0xc: {  	[smem:$0x3F9C] =	sst s4  }
0xd: {  	[smem:$0x3F9D] =	sst s5  }
0xe: {  	[smem:$0x3F9E] =	sst s6  }
0xf: {  	[smem:$0x3F9F] =	sst s7  }
0x10: {  	[smem:$0x3FA0] =	sst s8  }
0x11: {  	[smem:$0x3FA1] =	sst s9;
	s0 =	simm.s32 @!p0 $0x0  }
0x12: {  	s1 =	sld [smem:$0x3F87];
	s0 =	simm.s32 @p0 $0x1  }
0x13: {  	[smem:$0x3FA2] =	sst s0;
	s0 =	simm.s32 @!p1 $0x0  }
0x14: {  	s2 =	sld [smem:$0x3F86];
	s0 =	simm.s32 @p1 $0x1  }
0x15: {  	[smem:$0x3FA3] =	sst s0;
	s0 =	simm.s32 @!p2 $0x0  }
0x16: {  	s3 =	sld [smem:$0x3FDB];
	s0 =	simm.s32 @p2 $0x1  }
0x17: {  	s4 =	simm.s32 $0x1BF5;
	[smem:$0x3FA5] =	sst s0  }
0x18: {  	s0 =	sld [smem:$0x3F88];
	_ =	swait.ge [sflag:s4], $0x0  }
0x19: {  	s7 =	sld [smem:$0x3F89]  }
0x1a: {  	s8 =	sadd.s32 $0xFFFFE003, lr  }
0x1b: {  	s9 =	sadd.s32 $0xFFFFFEF7, lr;
	s5 =	simm.s32 $0xFFFFFFFF;
	p2 =	slt.u32 s8, $0xFFFFF086  }
0x1c: {  	p1 =	slt.u32 s9, $0xF7A;
	s5 =	simm.s32 @!p2 $0x0  }
0x1d: {  	s5 =	simm.s32 @p1 $0x1;
	p0 =	seq.s32 s7, s2  }
0x1e: {  	s7 =	smul.u32 @!p0 $0xF7A, s2;
	p2 =	seq.s32 @!p0 s5, $0x0  }
0x1f: {  	s9 =	smul.u32 $0xF7A, s1;
	s8 =	simm.s32 @!p0 $0x1BF5;
	p2 =	por !p2, p0  }
0x20: {  	[sflag:s8] =	ssyncset.s32 @!p0 $0xFFFFF086;
	s6 =	sadd.s32 @!p0 s3, s7;
	s7 =	simm.s32 @!p0 $0x108  }
0x21: {  	s3 =	sadd.s32 s3, s9;
	s6 =	sadd.s32 @!p0 $0x88, s6;
	s7 =	simm.s32 @p2 $0x1082  }
0x22: {  	[simem:s7], [sflag:s8] =	dma.local @!p0 [hbm:s6], $0xF7A  }
0x23: {  	s9 =	sor.u32 $0xD0000000, s2;
	s6 =	simm.s32 $0x108;
	_ =	swait.ge @!p0 [sflag:s8], $0x0  }
0x24: {  	s3 =	sadd.s32 $0x88, s3;
	s6 =	simm.s32 @!p1 $0x1082;
	[sflag:s4] =	ssyncset.s32 $0xFFFFF086  }
0x25: {  	[simem:s6], [sflag:s4] =	dma.local [hbm:s3], $0xF7A  }
0x26: {  	[smem:$0x3F89] =	sst s1;
	(tag) =	ssettag s2;
	_ =	strace s9  }
0x27: {  	s1 =	sld [smem:$0x3F99]  }
0x28: {  	s2 =	sld [smem:$0x3F9A]  }
0x29: {  	s4 =	sld [smem:$0x3F9C]  }
0x2a: {  	p0 =	seq.s32 s5, $0x0;
	s5 =	sld [smem:$0x3F9D]  }
0x2b: {  	s6 =	sld [smem:$0x3F9E]  }
0x2c: {  	s7 =	sld [smem:$0x3F9F]  }
0x2d: {  	s3 =	simm.s32 $0x108;
	s8 =	sld [smem:$0x3FA0]  }
0x2e: {  	s3 =	simm.s32 @!p0 $0x1082;
	s9 =	sld [smem:$0x3FA1]  }
0x2f: {  	lr =	sadd.s32 s0, s3;
	s0 =	sld [smem:$0x3F98]  }
0x30: {  	s3 =	sld [smem:$0x3F9B]  }
0x31: {  	[smem:$0x3FA4] =	sst s10  }
0x32: {  	s10 =	sld [smem:$0x3FA2];
	_ =	sdelay $0x3  }
0x33: {  	p0 =	seq.s32 s10, $0x1;
	s10 =	sld [smem:$0x3FA4];
	_ =	sdelay $0x3  }
0x34: {  	[smem:$0x3FA4] =	sst s10  }
0x35: {  	s10 =	sld [smem:$0x3FA3];
	_ =	sdelay $0x3  }
0x36: {  	p1 =	seq.s32 s10, $0x1;
	s10 =	sld [smem:$0x3FA4];
	_ =	sdelay $0x3  }
0x37: {  	[smem:$0x3FA4] =	sst s10  }
0x38: {  	s10 =	sld [smem:$0x3FA5]  }
0x39: {  	_ = 	snop;
	(pc) =	sbr.ind lr, $3  }
0x3a: {  	_ = 	snop  }
0x3b: {  	_ = 	snop  }
0x3c: {  	p2 =	seq.s32 s10, $0x1;
	s10 =	sld [smem:$0x3FA4]  }
0x3d: {  	_ =	shalt  }
0x3e: {  	_ =	shalt  }
0x3f: {  	_ =	shalt  }
0x40: {  	_ =	shalt  }
0x41: {  	_ =	shalt  }
0x42: {  	_ =	shalt  }
0x43: {  	_ =	shalt  }
0x44: {  	_ =	shalt  }
0x45: {  	_ =	shalt  }
0x46: {  	_ =	shalt  }
0x47: {  	_ =	shalt  }
0x48: {  	_ =	shalt  }
0x49: {  	_ =	shalt  }
0x4a: {  	_ =	shalt  }
0x4b: {  	_ =	shalt  }
0x4c: {  	_ =	shalt  }
0x4d: {  	_ =	shalt  }
0x4e: {  	_ =	shalt  }
0x4f: {  	_ =	shalt  }
0x50: {  	_ =	shalt  }
0x51: {  	_ =	shalt  }
0x52: {  	_ =	shalt  }
0x53: {  	_ =	shalt  }
0x54: {  	_ =	shalt  }
0x55: {  	_ =	shalt  }
0x56: {  	_ =	shalt  }
0x57: {  	_ =	shalt  }
0x58: {  	_ =	shalt  }
0x59: {  	_ =	shalt  }
0x5a: {  	_ =	shalt  }
0x5b: {  	_ =	shalt  }
0x5c: {  	_ =	shalt  }
0x5d: {  	_ =	shalt  }
0x5e: {  	_ =	shalt  }
0x5f: {  	_ =	shalt  }
0x60: {  	_ =	shalt  }
0x61: {  	_ =	shalt  }
0x62: {  	_ =	shalt  }
0x63: {  	_ =	shalt  }
0x64: {  	_ =	shalt  }
0x65: {  	_ =	shalt  }
0x66: {  	_ =	shalt  }
0x67: {  	_ =	shalt  }
0x68: {  	_ =	shalt  }
0x69: {  	_ =	shalt  }
0x6a: {  	_ =	shalt  }
0x6b: {  	_ =	shalt  }
0x6c: {  	_ =	shalt  }
0x6d: {  	_ =	shalt  }
0x6e: {  	_ =	shalt  }
0x6f: {  	_ =	shalt  }
0x70: {  	_ =	shalt  }
0x71: {  	_ =	shalt  }
0x72: {  	_ =	shalt  }
0x73: {  	_ =	shalt  }
0x74: {  	_ =	shalt  }
0x75: {  	_ =	shalt  }
0x76: {  	_ =	shalt  }
0x77: {  	_ =	shalt  }
0x78: {  	_ =	shalt  }
0x79: {  	_ =	shalt  }
0x7a: {  	_ =	shalt  }
0x7b: {  	_ =	shalt  }
0x7c: {  	_ =	shalt  }
0x7d: {  	_ =	shalt  }
0x7e: {  	_ =	shalt  }
0x7f: {  	_ =	shalt  }
0x80: {  	_ =	shalt  }
0x81: {  	_ =	shalt  }
0x82: {  	_ =	shalt  }
0x83: {  	_ =	shalt  }
0x84: {  	_ =	shalt  }
0x85: {  	_ =	shalt  }
0x86: {  	_ =	shalt  }
0x87: {  	_ =	shalt  }
.Lfunc_end0:
.L_simem_size_0:
called_computation.3_lowered:
.L_overlay_start_0:
0x88: {  	s2 =	sld [smem:$0x3FD9]  }
0x89: {  	s3 =	sld [smem:$0x3FFE];
	_ =	sdelay $0x1  }
0x8a: {  	s1 =	srdreg.scid  }
0x8b: {  	s0 =	sand.u32 $0x1, s1  }
0x8c: {  	s14 =	sshll.u32 s0, $0xA;
	s2 =	sadd.s32 s3, s2  }
0x8d: {  	s2 =	sadd.s32 s2, s14  }
0x8e: {  	[smem:$0x3FB0] =	sst s2  }
0x8f: {  	_ = 	snop  }
0x90: {  	s2 =	sld [smem:$0x3FD0];
	_ =	sdelay $0x2  }
0x91: {  	s15 =	simm.s32 $0xA;
	s4 =	simm.s32 $0x10  }
0x92: {  	[smem:s4], [sflag:s15] =	dma.local [hbm:s2], $0x1  }
0x93: {  	_ =	swait.eq [sflag:s15], $0x1  }
0x94: {  	[sflag:s15] =	ssyncset.done $0x0  }
0x95: {  	[sflag:s15] =	ssyncadd.s32 $0xFFFFFFFF  }
0x96: {  	s16 =	sld [smem:$0x10];
	(tm) =	ssettm $0x1  }
0x97: {  	s17 =	sld [smem:$0x3FFB];
	_ =	sdelay $0x3  }
0x98: {  	_ =	strace s17  }
0x99: {  	s3 =	sld [smem:$0x3FFC];
	_ =	sdelay $0x3  }
0x9a: {  	_ =	strace s3  }
0x9b: {  	s3 =	sld [smem:$0x3FFD];
	_ =	sdelay $0x3  }
0x9c: {  	_ =	strace s3  }
0x9d: {  	_ =	strace $0x8FFFFFFF  }
0x9e: {  	s18 =	sld [smem:$0x3FDB];
	_ =	sdelay $0x1  }
0x9f: {  	s19 =	simm.s32 $_scs_section_size  }
0xa0: {  	s5 =	simm.s32 $_size__tile_overlayer_lowered;
	s6 =	simm.s32 $_tile_overlayer_lowered  }
0xa1: {  	s22 =	simm.s32 $0x1BFF;
	s21 =	sshll.u32 s6, $0x1;
	s3 =	sadd.s32 s19, s18  }
0xa2: {  	s7 =	simm.s32 $0x0;
	s20 =	sshll.u32 s5, $0x1;
	s5 =	sadd.s32 s21, s3  }
0xa3: {  	[timem:s7], [sflag:s22] =	dma.local [hbm:s5], s20  }
0xa4: {  	_ =	swait.ge [sflag:s22], s20  }
0xa5: {  	s4 =	ssub.s32 $0x0, s20;
	[sflag:s22] =	ssyncset.done $0x0  }
0xa6: {  	[sflag:s22] =	ssyncadd.s32 s4;
	_ =	sdelay $0x1  }
0xa7: {  	s23 =	simm.s32 $0x1B8B  }
0xa8: {  	_ =	swait.ge [sflag:s23], $0x1  }
0xa9: {  	[sflag:s23] =	ssyncset.done $0x0  }
0xaa: {  	s25 =	simm.s32 $0x1B8E;
	s24 =	sld [smem:$0x3FFE];
	[sflag:s23] =	ssyncadd.s32 $0xFFFFFFFF  }
0xab: {  	s26 =	simm.s32 $execute0_lowered;
	[smem:$0x3FD2] =	sst s25  }
0xac: {  	s5 =	sshll.u32 s26, $0x1;
	_ =	strace $0x8000004F;
	[dreg:$0x1] =	wrdreg $0xFFFFFFFF  }
0xad: {  	s28 =	simm.s32 $_size_execute0_lowered;
	s3 =	sadd.s32 s3, s5;
	[dreg:$0x0] =	wrdreg $0x0  }
0xae: {  	s5 =	sshll.u32 s28, $0x1;
	[dreg:$0x2] =	wrdreg s3  }
0xaf: {  	[dreg:$0x3] =	wrdreg s5  }
0xb0: {  	[dreg:$0x4] =	wrdreg $0xC0  }
0xb1: {  	_ =	task [dreg:s7], $0x5FFFF  }
0xb2: {  	[dreg:$0x1] =	wrdreg $0xFFFFFFFF  }
0xb3: {  	[dreg:$0x0] =	wrdreg $0x60  }
0xb4: {  	[dreg:$0x2] =	wrdreg s24  }
0xb5: {  	[dreg:$0x3] =	wrdreg s16  }
0xb6: {  	[dreg:$0x4] =	wrdreg $0x50800  }
0xb7: {  	[dreg:$0x5] =	wrdreg $0x55000  }
0xb8: {  	[dreg:$0x6] =	wrdreg $0x9  }
0xb9: {  	_ =	task.clear_ibuf [dreg:s7], $0x7FFFF;
	_ =	strace $0x9000004F  }
0xba: {  	s29 =	simm.s32 $0x9;
	_ =	strace $0x80000051  }
0xbb: {  	_ =	swait.ge [sflag:s29], $0x1  }
0xbc: {  	[sflag:s29] =	ssyncadd.s32 $0xFFFFFFFF  }
0xbd: {  	_ =	strace $0x90000051  }
0xbe: {  	_ =	sfence  }
0xbf: {  	s30 =	sld [smem:$0x0];
	_ =	sdelay $0x2  }
0xc0: {  	s31 =	sshll.u32 s1, $0xD;
	s1 =	sshrl.u32 s1, $0x2  }
0xc1: {  	s3 =	sand.u32 $0x4000, s31;
	s1 =	sadd.s32 s1, s30  }
0xc2: {  	s0 =	sor.u32 s3, s0;
	s1 =	sshll.u32 s1, $0x11  }
0xc3: {  	s0 =	sor.u32 s1, s0  }
0xc4: {  	s0 =	sadd.s32 $0x8F2B, s0  }
0xc5: {  	[sflag:s0] =	ssyncadd.remote.s32 $0x1  }
0xc6: {  	_ =	sfence.sel $0xFFFF  }
0xc7: {  	[dreg:$0x0] =	wrdreg $0xFFFFFFFF;
	(pc) =	sbr.abs _section_cstart, $3  }
0xc8: {  	[dreg:$0x1] =	wrdreg $0xFFFFFFFF  }
0xc9: {  	_ =	task.clear_ibuf [dreg:s7], $0x2FFFF;
	_ =	strace $0x9FFFFFFF  }
0xca: {  	(tm) =	ssettm $0x7FFFFFFF  }
0xcb: {  	_ =	shalt  }
tec
execute0_lowered:
.L_overlay_start_1:
0x0: {  	(tag) =	ssettag $0x1  }
0x1: {  	s22 =	rddreg [dreg:$0x0]  }
0x2: {  	s20 =	rddreg [dreg:$0x1]  }
0x3: {  	s1 =	rddreg [dreg:$0x2]  }
0x4: {  	s2 =	rddreg [dreg:$0x3]  }
0x5: {  	s0 =	rddreg [dreg:$0x4];
	s3 =	simm.s32 $0x0  }
0x6: {  	s11 =	srdreg.scid;
	s23 =	stileid.u32;
	s6 =	simm.s32 $0x2880  }
0x7: {  	s7 =	simm.s32 $0x1;
	[smem:$0x7FF] =	sst s3;
	s4 =	sadd.s32 $0x2DC00, s22  }
0x8: {  	s5 =	sadd.s32 $0x2E200, s22;
	s12 =	sshll.u32 s23, $0xB;
	_ =	strace $0x80000050  }
0x9: {  	[tilespmem:s6], [sflag:$0x1] =	stream.linear.gather [hbm4b:s4+s3], $0x2800, $0x38;
	[tilespmem:$0x5980] =	vst v63  }
0xa: {  	p0 =	sgt.u32 s23, $0x8;
	s8 =	sadd.s32 s12, s1;
	_ =	swait.ge [sflag:s7], $0x2800  }
0xb: {  	s9 =	sshll.u32 @!p0 s23, $0x6;
	s10 =	simm.s32 @!p0 $0x1;
	[sflag:s7] =	ssyncset.done $0x0  }
0xc: {  	s8 =	sshrl.u32 @!p0 s8, $0x3;
	s9 =	sor.u32 @!p0 $0x1C01, s9;
	[sflag:s7] =	ssyncadd.s32 $0xFFFFD800  }
0xd: {  	[spmem:s8], [sflag:s9] =	dma.local @!p0 [hbm:s5], $0x100  }
0xe: {  	s24 =	sand.u32 $0x1, s11;
	_ =	swait.ge @!p0 [sflag:s10], $0x100  }
0xf: {  	s13 =	sshll.u32 s23, $0x2;
	s11 =	sadd.s32 s12, s2;
	[sflag:s10] =	ssyncset.done @!p0 $0x0  }
0x10: {  	s26 =	sshll.u32 s24, $0x6;
	s11 =	sshrl.u32 @!p0 s11, $0x3;
	[sflag:s10] =	ssyncadd.s32 @!p0 $0xFFFFFF00  }
0x11: {  	[spmem:s11], [sflag:s9] =	dma.local @!p0 [hbm:s5], $0x100  }
0x12: {  	s25 =	sor.u32 s13, s26;
	_ =	swait.ge @!p0 [sflag:s10], $0x100  }
0x13: {  	s12 =	smul.u32 $0xA, s25;
	[sflag:s10] =	ssyncset.done @!p0 $0x0  }
0x14: {  	[sflag:s10] =	ssyncadd.s32 @!p0 $0xFFFFFF00  }
0x15: {  	s12 =	sadd.s32 s20, s12;
	[bflag:$0x0] =	sbarrier.arrive $0xFFFF  }
0x16: {  	[tilespmem:s3], [sflag:$0x1] =	stream.linear.gather [hbm4b:s12+s3], $0x50, $0x38;
	[tilespmem:$0x5980] =	vst v63  }
0x17: {  	s13 =	smul.u32 $0x500, s25;
	_ =	swait.ge [sflag:s7], $0x50  }
0x18: {  	s21 =	sadd.s32 $0x5C00, s22;
	[sflag:s7] =	ssyncset.done $0x0  }
0x19: {  	s14 =	simm.s32 $0x80;
	s13 =	sadd.s32 s21, s13;
	[sflag:s7] =	ssyncadd.s32 $0xFFFFFFB0  }
0x1a: {  	[tilespmem:s14], [sflag:$0x1] =	stream.linear.gather [hbm4b:s13+s3], $0x2800, $0x38;
	[tilespmem:$0x5980] =	vst v63  }
0x1b: {  	_ =	swait.ge [sflag:s7], $0x2800  }
0x1c: {  	[sflag:s7] =	ssyncset.done $0x0  }
0x1d: {  	s15 =	simm.s32 $0x50;
	[sflag:s7] =	ssyncadd.s32 $0xFFFFD800  }
0x1e: {  	[spmem:s1] =	stream.indirect.scatter.add.f32 [tilespmem:s14], [sflag:$0x1], $0x80, s3, s15, $0xb8;
	[tilespmem:$0x5980] =	vst v63  }
0x1f: {  	_ =	swait.ge [sflag:s7], $0x2800  }
0x20: {  	[sflag:s7] =	ssyncset.done $0x0  }
0x21: {  	s17 =	sor.u32 $0x1, s25;
	[sflag:s7] =	ssyncadd.s32 $0xFFFFD800  }
0x22: {  	[spmem:s2] =	stream.indirect.scatter.add.f32 [tilespmem:s6], [sflag:$0x1], $0x80, s3, s15, $0xb8;
	[tilespmem:$0x5980] =	vst v63  }
0x23: {  	s16 =	smul.u32 $0xA, s17;
	_ =	swait.ge [sflag:s7], $0x2800  }
0x24: {  	[sflag:s7] =	ssyncset.done $0x0  }
0x25: {  	s16 =	sadd.s32 s20, s16;
	[sflag:s7] =	ssyncadd.s32 $0xFFFFD800  }
0x26: {  	[tilespmem:s3], [sflag:$0x1] =	stream.linear.gather [hbm4b:s16+s3], $0x50, $0x38;
	[tilespmem:$0x5980] =	vst v63  }
0x27: {  	s17 =	smul.u32 $0x500, s17;
	_ =	swait.ge [sflag:s7], $0x50  }
0x28: {  	[sflag:s7] =	ssyncset.done $0x0  }
0x29: {  	s17 =	sadd.s32 s21, s17;
	[sflag:s7] =	ssyncadd.s32 $0xFFFFFFB0  }
0x2a: {  	[tilespmem:s14], [sflag:$0x1] =	stream.linear.gather [hbm4b:s17+s3], $0x2800, $0x38;
	[tilespmem:$0x5980] =	vst v63  }
0x2b: {  	_ =	swait.ge [sflag:s7], $0x2800  }
0x2c: {  	[sflag:s7] =	ssyncset.done $0x0  }
0x2d: {  	[sflag:s7] =	ssyncadd.s32 $0xFFFFD800  }
0x2e: {  	[spmem:s1] =	stream.indirect.scatter.add.f32 [tilespmem:s14], [sflag:$0x1], $0x80, s3, s15, $0xb8;
	[tilespmem:$0x5980] =	vst v63  }
0x2f: {  	_ =	swait.ge [sflag:s7], $0x2800  }
0x30: {  	[sflag:s7] =	ssyncset.done $0x0  }
0x31: {  	s19 =	sor.u32 $0x2, s25;
	[sflag:s7] =	ssyncadd.s32 $0xFFFFD800  }
0x32: {  	[spmem:s2] =	stream.indirect.scatter.add.f32 [tilespmem:s6], [sflag:$0x1], $0x80, s3, s15, $0xb8;
	[tilespmem:$0x5980] =	vst v63  }
0x33: {  	s18 =	smul.u32 $0xA, s19;
	_ =	swait.ge [sflag:s7], $0x2800  }
0x34: {  	[sflag:s7] =	ssyncset.done $0x0  }
0x35: {  	s18 =	sadd.s32 s20, s18;
	[sflag:s7] =	ssyncadd.s32 $0xFFFFD800  }
0x36: {  	[tilespmem:s3], [sflag:$0x1] =	stream.linear.gather [hbm4b:s18+s3], $0x50, $0x38;
	[tilespmem:$0x5980] =	vst v63  }
0x37: {  	s19 =	smul.u32 $0x500, s19;
	_ =	swait.ge [sflag:s7], $0x50  }
0x38: {  	[sflag:s7] =	ssyncset.done $0x0  }
0x39: {  	s19 =	sadd.s32 s21, s19;
	[sflag:s7] =	ssyncadd.s32 $0xFFFFFFB0  }
0x3a: {  	[tilespmem:s14], [sflag:$0x1] =	stream.linear.gather [hbm4b:s19+s3], $0x2800, $0x38;
	[tilespmem:$0x5980] =	vst v63  }
0x3b: {  	_ =	swait.ge [sflag:s7], $0x2800  }
0x3c: {  	[sflag:s7] =	ssyncset.done $0x0  }
0x3d: {  	[sflag:s7] =	ssyncadd.s32 $0xFFFFD800  }
0x3e: {  	[spmem:s1] =	stream.indirect.scatter.add.f32 [tilespmem:s14], [sflag:$0x1], $0x80, s3, s15, $0xb8;
	[tilespmem:$0x5980] =	vst v63  }
0x3f: {  	_ =	swait.ge [sflag:s7], $0x2800  }
0x40: {  	[sflag:s7] =	ssyncset.done $0x0  }
0x41: {  	s25 =	sor.u32 $0x3, s25;
	[sflag:s7] =	ssyncadd.s32 $0xFFFFD800  }
0x42: {  	[spmem:s2] =	stream.indirect.scatter.add.f32 [tilespmem:s6], [sflag:$0x1], $0x80, s3, s15, $0xb8;
	[tilespmem:$0x5980] =	vst v63  }
0x43: {  	s26 =	smul.u32 $0xA, s25;
	_ =	swait.ge [sflag:s7], $0x2800  }
0x44: {  	[sflag:s7] =	ssyncset.done $0x0  }
0x45: {  	s20 =	sadd.s32 s20, s26;
	[sflag:s7] =	ssyncadd.s32 $0xFFFFD800  }
0x46: {  	[tilespmem:s3], [sflag:$0x1] =	stream.linear.gather [hbm4b:s20+s3], $0x50, $0x38;
	[tilespmem:$0x5980] =	vst v63  }
0x47: {  	s25 =	smul.u32 $0x500, s25;
	_ =	swait.ge [sflag:s7], $0x50  }
0x48: {  	[sflag:s7] =	ssyncset.done $0x0  }
0x49: {  	s21 =	sadd.s32 s21, s25;
	[sflag:s7] =	ssyncadd.s32 $0xFFFFFFB0  }
0x4a: {  	[tilespmem:s14], [sflag:$0x1] =	stream.linear.gather [hbm4b:s21+s3], $0x2800, $0x38;
	[tilespmem:$0x5980] =	vst v63  }
0x4b: {  	_ =	swait.ge [sflag:s7], $0x2800  }
0x4c: {  	[sflag:s7] =	ssyncset.done $0x0  }
0x4d: {  	[sflag:s7] =	ssyncadd.s32 $0xFFFFD800  }
0x4e: {  	[spmem:s1] =	stream.indirect.scatter.add.f32 [tilespmem:s14], [sflag:$0x1], $0x80, s3, s15, $0xb8;
	[tilespmem:$0x5980] =	vst v63  }
0x4f: {  	_ =	swait.ge [sflag:s7], $0x2800  }
0x50: {  	p1 =	sne.s32 s23, $0x0;
	s30 =	smul.u32 $0x900, s24;
	[sflag:s7] =	ssyncset.done $0x0  }
0x51: {  	s28 =	ssub.s32 $0x2, s24;
	s24 =	sshrl.u32 @!p1 s1, $0x3;
	[sflag:s7] =	ssyncadd.s32 $0xFFFFD800  }
0x52: {  	[spmem:s2] =	stream.indirect.scatter.add.f32 [tilespmem:s6], [sflag:$0x1], $0x80, s3, s15, $0xb8;
	[tilespmem:$0x5980] =	vst v63  }
0x53: {  	s23 =	simm.s32 @!p1 $0x1;
	s29 =	sshrl.u32 s28, $0x1;
	_ =	swait.ge [sflag:s7], $0x2800  }
0x54: {  	s31 =	sadd.s32 s30, s22;
	s28 =	ssub.s32 s28, s29;
	[sflag:s7] =	ssyncset.done $0x0  }
0x55: {  	s22 =	sadd.s32 $0x2E400, s31;
	s28 =	smax.u32 s28, $0x1;
	[sflag:s7] =	ssyncadd.s32 $0xFFFFD800  }
0x56: {  	s28 =	sadd.s32 $0xFFFFFFFF, s28;
	s25 =	simm.s32 @!p1 $0x1C01;
	[bflag:$0x0] =	sbarrier.arrive $0xFFFF  }
0x57: {  	[hbm:s22], [sflag:s25] =	dma.local @!p1 [spmem:s24], $0x900  }
0x58: {  	p2 =	sne.s32 s28, $0x0;
	_ =	swait.ge @!p1 [sflag:s23], $0x900  }
.Ltmp0:
0x59: {  	[sflag:s23] =	ssyncset.done @!p1 $0x0;
	(pc) =	sbr.rel @!p2 .LBB2_2-.Ltmp0, $4  }
0x5a: {  	s29 =	sshrl.u32 @!p1 s2, $0x3;
	s26 =	sadd.s32 $0x2F600, s31;
	[sflag:s23] =	ssyncadd.s32 @!p1 $0xFFFFF700  }
0x5b: {  	[hbm:s26], [sflag:s25] =	dma.local @!p1 [spmem:s29], $0x900  }
0x5c: {  	_ =	swait.ge @!p1 [sflag:s23], $0x900  }
0x5d: {  	[sflag:s23] =	ssyncset.done @!p1 $0x0  }
.LBB2_1:
0x5e: {  	s28 =	sadd.s32 $0xFFFFFFFF, s28;
	[sflag:s23] =	ssyncadd.s32 @!p1 $0xFFFFF700  }
0x5f: {  	[tilespmem:s6], [sflag:$0x1] =	stream.linear.gather [hbm4b:s4+s3], $0x2800, $0x38;
	[tilespmem:$0x5980] =	vst v63  }
0x60: {  	p2 =	sne.s32 s28, $0x0;
	_ =	swait.ge [sflag:s7], $0x2800  }
0x61: {  	[sflag:s7] =	ssyncset.done $0x0  }
0x62: {  	[sflag:s7] =	ssyncadd.s32 $0xFFFFD800  }
0x63: {  	[spmem:s8], [sflag:s9] =	dma.local @!p0 [hbm:s5], $0x100  }
0x64: {  	_ =	swait.ge @!p0 [sflag:s10], $0x100  }
0x65: {  	[sflag:s10] =	ssyncset.done @!p0 $0x0  }
0x66: {  	[sflag:s10] =	ssyncadd.s32 @!p0 $0xFFFFFF00  }
0x67: {  	[spmem:s11], [sflag:s9] =	dma.local @!p0 [hbm:s5], $0x100  }
0x68: {  	_ =	swait.ge @!p0 [sflag:s10], $0x100  }
0x69: {  	[sflag:s10] =	ssyncset.done @!p0 $0x0  }
0x6a: {  	[sflag:s10] =	ssyncadd.s32 @!p0 $0xFFFFFF00  }
0x6b: {  	[bflag:$0x0] =	sbarrier.arrive $0xFFFF  }
0x6c: {  	[tilespmem:s3], [sflag:$0x1] =	stream.linear.gather [hbm4b:s12+s3], $0x50, $0x38;
	[tilespmem:$0x5980] =	vst v63  }
0x6d: {  	_ =	swait.ge [sflag:s7], $0x50  }
0x6e: {  	[sflag:s7] =	ssyncset.done $0x0  }
0x6f: {  	[sflag:s7] =	ssyncadd.s32 $0xFFFFFFB0  }
0x70: {  	[tilespmem:s14], [sflag:$0x1] =	stream.linear.gather [hbm4b:s13+s3], $0x2800, $0x38;
	[tilespmem:$0x5980] =	vst v63  }
0x71: {  	_ =	swait.ge [sflag:s7], $0x2800  }
0x72: {  	[sflag:s7] =	ssyncset.done $0x0  }
0x73: {  	[sflag:s7] =	ssyncadd.s32 $0xFFFFD800  }
0x74: {  	[spmem:s1] =	stream.indirect.scatter.add.f32 [tilespmem:s14], [sflag:$0x1], $0x80, s3, s15, $0xb8;
	[tilespmem:$0x5980] =	vst v63  }
0x75: {  	_ =	swait.ge [sflag:s7], $0x2800  }
0x76: {  	[sflag:s7] =	ssyncset.done $0x0  }
0x77: {  	[sflag:s7] =	ssyncadd.s32 $0xFFFFD800  }
0x78: {  	[spmem:s2] =	stream.indirect.scatter.add.f32 [tilespmem:s6], [sflag:$0x1], $0x80, s3, s15, $0xb8;
	[tilespmem:$0x5980] =	vst v63  }
0x79: {  	_ =	swait.ge [sflag:s7], $0x2800  }
0x7a: {  	[sflag:s7] =	ssyncset.done $0x0  }
0x7b: {  	[sflag:s7] =	ssyncadd.s32 $0xFFFFD800  }
0x7c: {  	[tilespmem:s3], [sflag:$0x1] =	stream.linear.gather [hbm4b:s16+s3], $0x50, $0x38;
	[tilespmem:$0x5980] =	vst v63  }
0x7d: {  	_ =	swait.ge [sflag:s7], $0x50  }
0x7e: {  	[sflag:s7] =	ssyncset.done $0x0  }
0x7f: {  	[sflag:s7] =	ssyncadd.s32 $0xFFFFFFB0  }
0x80: {  	[tilespmem:s14], [sflag:$0x1] =	stream.linear.gather [hbm4b:s17+s3], $0x2800, $0x38;
	[tilespmem:$0x5980] =	vst v63  }
0x81: {  	_ =	swait.ge [sflag:s7], $0x2800  }
0x82: {  	[sflag:s7] =	ssyncset.done $0x0  }
0x83: {  	[sflag:s7] =	ssyncadd.s32 $0xFFFFD800  }
0x84: {  	[spmem:s1] =	stream.indirect.scatter.add.f32 [tilespmem:s14], [sflag:$0x1], $0x80, s3, s15, $0xb8;
	[tilespmem:$0x5980] =	vst v63  }
0x85: {  	_ =	swait.ge [sflag:s7], $0x2800  }
0x86: {  	[sflag:s7] =	ssyncset.done $0x0  }
0x87: {  	[sflag:s7] =	ssyncadd.s32 $0xFFFFD800  }
0x88: {  	[spmem:s2] =	stream.indirect.scatter.add.f32 [tilespmem:s6], [sflag:$0x1], $0x80, s3, s15, $0xb8;
	[tilespmem:$0x5980] =	vst v63  }
0x89: {  	_ =	swait.ge [sflag:s7], $0x2800  }
0x8a: {  	[sflag:s7] =	ssyncset.done $0x0  }
0x8b: {  	[sflag:s7] =	ssyncadd.s32 $0xFFFFD800  }
0x8c: {  	[tilespmem:s3], [sflag:$0x1] =	stream.linear.gather [hbm4b:s18+s3], $0x50, $0x38;
	[tilespmem:$0x5980] =	vst v63  }
0x8d: {  	_ =	swait.ge [sflag:s7], $0x50  }
0x8e: {  	[sflag:s7] =	ssyncset.done $0x0  }
0x8f: {  	[sflag:s7] =	ssyncadd.s32 $0xFFFFFFB0  }
0x90: {  	[tilespmem:s14], [sflag:$0x1] =	stream.linear.gather [hbm4b:s19+s3], $0x2800, $0x38;
	[tilespmem:$0x5980] =	vst v63  }
0x91: {  	_ =	swait.ge [sflag:s7], $0x2800  }
0x92: {  	[sflag:s7] =	ssyncset.done $0x0  }
0x93: {  	[sflag:s7] =	ssyncadd.s32 $0xFFFFD800  }
0x94: {  	[spmem:s1] =	stream.indirect.scatter.add.f32 [tilespmem:s14], [sflag:$0x1], $0x80, s3, s15, $0xb8;
	[tilespmem:$0x5980] =	vst v63  }
0x95: {  	_ =	swait.ge [sflag:s7], $0x2800  }
0x96: {  	[sflag:s7] =	ssyncset.done $0x0  }
0x97: {  	[sflag:s7] =	ssyncadd.s32 $0xFFFFD800  }
0x98: {  	[spmem:s2] =	stream.indirect.scatter.add.f32 [tilespmem:s6], [sflag:$0x1], $0x80, s3, s15, $0xb8;
	[tilespmem:$0x5980] =	vst v63  }
0x99: {  	_ =	swait.ge [sflag:s7], $0x2800  }
0x9a: {  	[sflag:s7] =	ssyncset.done $0x0  }
0x9b: {  	[sflag:s7] =	ssyncadd.s32 $0xFFFFD800  }
0x9c: {  	[tilespmem:s3], [sflag:$0x1] =	stream.linear.gather [hbm4b:s20+s3], $0x50, $0x38;
	[tilespmem:$0x5980] =	vst v63  }
0x9d: {  	_ =	swait.ge [sflag:s7], $0x50  }
0x9e: {  	[sflag:s7] =	ssyncset.done $0x0  }
0x9f: {  	[sflag:s7] =	ssyncadd.s32 $0xFFFFFFB0  }
0xa0: {  	[tilespmem:s14], [sflag:$0x1] =	stream.linear.gather [hbm4b:s21+s3], $0x2800, $0x38;
	[tilespmem:$0x5980] =	vst v63  }
0xa1: {  	_ =	swait.ge [sflag:s7], $0x2800  }
0xa2: {  	[sflag:s7] =	ssyncset.done $0x0  }
0xa3: {  	[sflag:s7] =	ssyncadd.s32 $0xFFFFD800  }
0xa4: {  	[spmem:s1] =	stream.indirect.scatter.add.f32 [tilespmem:s14], [sflag:$0x1], $0x80, s3, s15, $0xb8;
	[tilespmem:$0x5980] =	vst v63  }
0xa5: {  	_ =	swait.ge [sflag:s7], $0x2800  }
0xa6: {  	[sflag:s7] =	ssyncset.done $0x0  }
0xa7: {  	[sflag:s7] =	ssyncadd.s32 $0xFFFFD800  }
0xa8: {  	[spmem:s2] =	stream.indirect.scatter.add.f32 [tilespmem:s6], [sflag:$0x1], $0x80, s3, s15, $0xb8;
	[tilespmem:$0x5980] =	vst v63  }
0xa9: {  	_ =	swait.ge [sflag:s7], $0x2800  }
0xaa: {  	[sflag:s7] =	ssyncset.done $0x0  }
0xab: {  	[sflag:s7] =	ssyncadd.s32 $0xFFFFD800  }
0xac: {  	[bflag:$0x0] =	sbarrier.arrive $0xFFFF  }
0xad: {  	[hbm:s22], [sflag:s25] =	dma.local @!p1 [spmem:s24], $0x900  }
0xae: {  	_ =	swait.ge @!p1 [sflag:s23], $0x900  }
.Ltmp1:
0xaf: {  	[sflag:s23] =	ssyncset.done @!p1 $0x0;
	(pc) =	sbr.rel @p2 .LBB2_1-.Ltmp1, $4  }
0xb0: {  	[sflag:s23] =	ssyncadd.s32 @!p1 $0xFFFFF700  }
0xb1: {  	[hbm:s26], [sflag:s25] =	dma.local @!p1 [spmem:s29], $0x900  }
0xb2: {  	_ =	swait.ge @!p1 [sflag:s23], $0x900  }
0xb3: {  	[sflag:s23] =	ssyncset.done @!p1 $0x0  }
.LBB2_2:
0xb4: {  	[sflag:s23] =	ssyncadd.s32 @!p1 $0xFFFFF700  }
0xb5: {  	_ =	sfence.sel $0x180000  }
0xb6: {  	[bflag:$0x0] =	sbarrier.arrive $0xFFFF  }
0xb7: {  	_ =	strace $0x90000050  }
0xb8: {  	s0 =	sadd.s32 @!p1 $0x100000, s0;
	[bflag:$0x2] =	sbarrier.arrive $0xFFFF  }
0xb9: {  	[sflag:s0] =	ssyncadd.tile.s32 @!p1 $0x1;
	_ =	shalt  }
.Lfunc_end2:
_tile_overlayer_lowered:
.L_overlay_start_2:
0xba: {  	(tag) =	ssettag $0x2  }
0xbb: {  	s0 =	rddreg [dreg:$0x0];
	s2 =	stileid.u32  }
0xbc: {  	s1 =	rddreg [dreg:$0x1];
	p0 =	sne.s32 s2, $0x0  }
0xbd: {  	s3 =	rddreg [dreg:$0x2];
	[bflag:$0x3] =	sbarrier.arrive $0xFFFF;
	s2 =	simm.s32 @!p0 $0x1C01  }
0xbe: {  	[timem:s3], [sflag:s2] =	dma.local @!p0 [hbm:s0], s1  }
0xbf: {  	s0 =	simm.s32 @!p0 $0x1  }
0xc0: {  	_ =	swait.ge @!p0 [sflag:s0], s1  }
0xc1: {  	s1 =	ssub.s32 @!p0 $0x0, s1;
	[sflag:s0] =	ssyncset.done @!p0 $0x0  }
0xc2: {  	[sflag:s0] =	ssyncadd.s32 @!p0 s1  }
0xc3: {  	[bflag:$0x3] =	sbarrier.arrive $0xFFFF  }
0xc4: {  	_ =	shalt  }

</sc_bundles>
